<compile_context>
chip_gen: v7x
topology: tpu7x:2x2x1
jax: 0.10.2.dev20260603
libtpu: 0.0.44.dev20260713+nightly
codegen_flags: <defaults>
</compile_context>

<pallas_src>
import functools

import jax
import jax.numpy as jnp
from jax import lax
from jax.experimental import pallas as pl
from jax.experimental.pallas import tpu as pltpu
from jax.experimental.pallas import tpu_sc as plsc

POOL = 10
TOPK = 4
B = 128
D = 512
PL = 16
C1 = 56
C2 = 56
LTOT = TOPK * PL
LANES = 16
EPS = 1e-12

ROWS_PER_SUB = B // 16


def _sim_body(x_ref, pk_ref, xn_ref, pn_ref, sim_ref, simpad_ref, colsum_ref,
              xsum_ref):
    x = x_ref[...]
    pk = pk_ref[...]
    xn = x * lax.rsqrt(jnp.maximum(jnp.sum(x * x, axis=1, keepdims=True), EPS))
    pn = pk * lax.rsqrt(jnp.maximum(jnp.sum(pk * pk, axis=1, keepdims=True), EPS))
    xn_ref[...] = xn
    pn_ref[...] = pn
    sim = lax.dot_general(xn, pn, (((1,), (1,)), ((), ())),
                          preferred_element_type=jnp.float32)
    sim_ref[...] = sim
    simpad_ref[...] = jnp.concatenate(
        [sim, jnp.full((B, LANES - POOL), -jnp.inf, jnp.float32)], axis=1)
    cs = jnp.sum(sim, axis=0)
    colsum_ref[...] = jnp.concatenate(
        [cs, jnp.zeros((LANES - POOL,), jnp.float32)])[None, :]
    xsum_ref[...] = jnp.sum(xn, axis=0, keepdims=True)


def _similarity(x_embed, prompt_key):
    return pl.pallas_call(
        _sim_body,
        out_shape=[
            jax.ShapeDtypeStruct((B, D), jnp.float32),
            jax.ShapeDtypeStruct((POOL, D), jnp.float32),
            jax.ShapeDtypeStruct((B, POOL), jnp.float32),
            jax.ShapeDtypeStruct((B, LANES), jnp.float32),
            jax.ShapeDtypeStruct((1, LANES), jnp.float32),
            jax.ShapeDtypeStruct((1, D), jnp.float32),
        ],
    )(x_embed, prompt_key)


def _lanes(val, dtype):
    return jnp.full((LANES,), val, dtype)


_GATHER_DNUMS = lax.GatherDimensionNumbers(
    offset_dims=(), collapsed_slice_dims=(0,), start_index_map=(0,))


def _xgather(v, lane, sh):
    idx = jnp.bitwise_xor(lane, _lanes(sh, jnp.int32))
    return lax.gather(v, idx[:, None], _GATHER_DNUMS, slice_sizes=(1,),
                      mode=lax.GatherScatterMode.PROMISE_IN_BOUNDS)


def _bfly(v, lane, op):
    for sh in (1, 2, 4, 8):
        v = op(v, _xgather(v, lane, sh))
    return v


def _argmax_splat(v, lane):
    mx = _bfly(v, lane, jnp.maximum)
    cand = jnp.where(v == mx, lane, _lanes(LANES, jnp.int32))
    return mx, _bfly(cand, lane, jnp.minimum)


def _router(sim_pad, colsum):
    mesh = plsc.VectorSubcoreMesh(core_axis_name="c", subcore_axis_name="s")

    @functools.partial(
        pl.kernel,
        out_type=[
            jax.ShapeDtypeStruct((16, LANES), jnp.int32),
            jax.ShapeDtypeStruct((LANES,), jnp.int32),
            jax.ShapeDtypeStruct((LANES,), jnp.float32),
        ],
        mesh=mesh,
        scratch_types=[
            pltpu.VMEM((ROWS_PER_SUB, LANES), jnp.float32),
            pltpu.VMEM((LANES,), jnp.int32),
            pltpu.VMEM((16, LANES), jnp.int32),
            pltpu.VMEM((LANES,), jnp.float32),
            pltpu.VMEM((LANES,), jnp.int32),
            pltpu.VMEM((LANES,), jnp.float32),
        ],
    )
    def sc_kernel(sim_hbm, colsum_hbm, per_hbm, ids_hbm, rs_hbm,
                  rows_v, cnt_v, allcnt_v, colsum_v, ids_v, rs_v):
        cid = lax.axis_index("c")
        sid = lax.axis_index("s")
        lane = lax.iota(jnp.int32, LANES)

        @pl.when(cid == 0)
        def _core0():
            pltpu.sync_copy(sim_hbm.at[pl.ds(sid * ROWS_PER_SUB, ROWS_PER_SUB)],
                            rows_v)
            counts = _lanes(0, jnp.int32)
            for r in range(ROWS_PER_SUB):
                row = rows_v[r]
                for _ in range(TOPK):
                    _, idx = _argmax_splat(row, lane)
                    sel = lane == idx
                    counts = counts + jnp.where(sel, _lanes(1, jnp.int32),
                                                _lanes(0, jnp.int32))
                    row = jnp.where(sel, _lanes(-jnp.inf, jnp.float32), row)
            cnt_v[...] = counts
            pltpu.sync_copy(cnt_v, per_hbm.at[sid])
            plsc.subcore_barrier()

            @pl.when(sid == 0)
            def _finalize():
                pltpu.sync_copy(per_hbm, allcnt_v)
                total = _lanes(0, jnp.int32)
                for w in range(16):
                    total = total + allcnt_v[w]
                score = total * 16 + (_lanes(15, jnp.int32) - lane)
                score = jnp.where(lane < _lanes(POOL, jnp.int32),
                                  score, _lanes(-1, jnp.int32))
                ids_vec = _lanes(0, jnp.int32)
                major = lane < _lanes(0, jnp.int32)
                for k in range(TOPK):
                    _, idx = _argmax_splat(score, lane)
                    sel = lane == idx
                    ids_vec = jnp.where(lane == _lanes(k, jnp.int32),
                                        idx, ids_vec)
                    major = jnp.logical_or(major, sel)
                    score = jnp.where(sel, _lanes(-1000, jnp.int32), score)
                ids_v[...] = ids_vec
                pltpu.sync_copy(ids_v, ids_hbm)
                pltpu.sync_copy(colsum_hbm, colsum_v)
                cs = jnp.where(major, colsum_v[...], _lanes(0.0, jnp.float32))
                rs = _bfly(cs, lane, jnp.add) * (1.0 / B)
                rs_v[...] = rs
                pltpu.sync_copy(rs_v, rs_hbm)

    _, ids16, rs16 = sc_kernel(sim_pad, colsum)
    return ids16, rs16


L_BLK = 4


def _apply_body(ids_sm, prompt_ref, pnorm_ref, xsum_ref, data_ref,
                out_ref, selkey_ref, rs_ref, pn_scratch):
    @pl.when(pl.program_id(0) == 0)
    def _prep():
        for k in range(TOPK):
            idk = ids_sm[k]
            pn_scratch[pl.ds(k * PL, PL)] = prompt_ref[idk]
            selkey_ref[pl.ds(k, 1)] = pnorm_ref[pl.ds(idk, 1)]
        p = pn_scratch[...]
        ss = jnp.sum(p * p, axis=0, keepdims=True)
        pn_scratch[...] = p * lax.rsqrt(jnp.maximum(ss, EPS))
        ks = jnp.sum(selkey_ref[...], axis=0, keepdims=True)
        rs = jnp.sum(xsum_ref[...] * ks) * (1.0 / B)
        rs_ref[...] = jnp.full((1, LANES), rs, jnp.float32)

    i = pl.program_id(0)
    for l in range(L_BLK):
        p = jax.lax.squeeze(pn_scratch[pl.ds(i * L_BLK + l, 1)], [0])
        out_ref[l] = lax.dot_general(
            p, data_ref[l], (((1,), (0,)), ((), ())),
            precision=lax.Precision.HIGHEST,
            preferred_element_type=jnp.float32)


def _apply(ids4, prompt, prompt_norm, xsum, data):
    data_t = jnp.transpose(data, (1, 2, 3, 0))
    grid = (LTOT // L_BLK,)
    out_t, sel_key, rs = pl.pallas_call(
        _apply_body,
        grid_spec=pltpu.PrefetchScalarGridSpec(
            num_scalar_prefetch=1,
            grid=grid,
            in_specs=[
                pl.BlockSpec((POOL, PL, C1, C2), lambda i, ids: (0, 0, 0, 0)),
                pl.BlockSpec((POOL, D), lambda i, ids: (0, 0)),
                pl.BlockSpec((1, D), lambda i, ids: (0, 0)),
                pl.BlockSpec((L_BLK, C1, C2, B), lambda i, ids: (i, 0, 0, 0)),
            ],
            out_specs=[
                pl.BlockSpec((L_BLK, C1, C2, B), lambda i, ids: (i, 0, 0, 0)),
                pl.BlockSpec((TOPK, D), lambda i, ids: (0, 0)),
                pl.BlockSpec((1, LANES), lambda i, ids: (0, 0)),
            ],
            scratch_shapes=[pltpu.VMEM((LTOT, C1, C2), jnp.float32)],
        ),
        out_shape=[
            jax.ShapeDtypeStruct((LTOT, C1, C2, B), jnp.float32),
            jax.ShapeDtypeStruct((TOPK, D), jnp.float32),
            jax.ShapeDtypeStruct((1, LANES), jnp.float32),
        ],
    )(ids4, prompt, prompt_norm, xsum, data_t)
    return jnp.transpose(out_t, (3, 0, 1, 2)), sel_key, rs[0, 0]


@jax.jit
def kernel(x_embed, data, prompt, prompt_key):
    xn, pn, sim, sim_pad, colsum, xsum = _similarity(x_embed, prompt_key)
    ids16, _ = _router(sim_pad, colsum.reshape(LANES))
    ids4 = ids16[:TOPK]
    prompted, sel_key, reduce_sim = _apply(ids4, prompt, pn, xsum, data)
    idx = jnp.broadcast_to(ids4[None, :], (B, TOPK))
    out = {
        "prompt_idx": idx,
        "prompt_norm": pn,
        "x_embed_norm": xn,
        "similarity": sim,
        "selected_key": jnp.broadcast_to(sel_key[None], (B, TOPK, D)),
        "reduce_sim": reduce_sim,
        "total_prompt_len": LTOT,
        "prompted_data": prompted,
    }
    return out

# --- scband reference (transcript-rebuilt; emitter-appended) ---
"""Pipeline reference for scband-prompt-43078521979095 (READ-ONLY COPY).

The authoritative reference and input builder live on the scoring server;
editing this copy changes nothing except your own understanding.
"""

import jax, jax.numpy as jnp
import numpy as np

POOL_SIZE = 10
TOP_K = 4


def l2_normalize(x, axis=None, epsilon=1e-12):
    square_sum = jnp.sum(x ** 2, axis=axis, keepdims=True)
    x_inv_norm = jax.lax.rsqrt(jnp.maximum(square_sum, epsilon))
    return x * x_inv_norm


def setup_inputs(seed: int = 0):
    key = jax.random.key(seed)
    k1, k2, k3, k4 = jax.random.split(key, 4)
    x_embed = jax.random.normal(k1, (128, 512), dtype=jnp.float32)
    data = jax.random.normal(k2, (128, 64, 56, 56), dtype=jnp.float32)
    prompt = jax.random.uniform(k3, (POOL_SIZE, 16, 56, 56), minval=-1.0, maxval=1.0, dtype=jnp.float32)
    prompt_key = jax.random.uniform(k4, (POOL_SIZE, 512), minval=-1.0, maxval=1.0, dtype=jnp.float32)
    return {"x_embed": x_embed, "data": data, "prompt": prompt, "prompt_key": prompt_key}


def reference(x_embed, data, prompt, prompt_key):
    out = {}
    prompt_norm = l2_normalize(prompt_key, axis=1)
    x_embed_norm = l2_normalize(x_embed, axis=1)
    similarity = jnp.matmul(x_embed_norm, prompt_norm.T)
    _, idx = jax.lax.top_k(similarity, TOP_K)
    flat = idx.reshape(-1)
    counts = jnp.bincount(flat, length=POOL_SIZE)
    present = counts > 0
    # emulate torch.unique(sorted=True) + padding with min(idx): present ids first (sorted), absent replaced by min
    order = jnp.argsort(jnp.where(present, 0, 1))
    prompt_id = jnp.where(present[order], order, jnp.min(flat))
    id_counts = counts[order]
    _, major_idx = jax.lax.top_k(id_counts, TOP_K)
    major_prompt_id = prompt_id[major_idx]
    idx = jnp.broadcast_to(major_prompt_id[None, :], (x_embed.shape[0], TOP_K))
    batched_prompt_raw = prompt[idx]
    batch_size, top_k, length, c1, c2 = batched_prompt_raw.shape
    batched_prompt = batched_prompt_raw.reshape(batch_size, top_k * length, c1, c2)
    out['prompt_idx'] = idx
    out['prompt_norm'] = prompt_norm
    out['x_embed_norm'] = x_embed_norm
    out['similarity'] = similarity
    batched_key_norm = prompt_norm[idx]
    out['selected_key'] = batched_key_norm
    x_embed_norm_e = x_embed_norm[:, None, :]
    sim = batched_key_norm * x_embed_norm_e
    reduce_sim = jnp.sum(sim) / x_embed.shape[0]
    out['reduce_sim'] = reduce_sim
    out['total_prompt_len'] = batched_prompt.shape[1]
    normalized_prompt = l2_normalize(batched_prompt, axis=1)
    flattened_prompt = normalized_prompt.reshape(-1, c1, c2)
    flattened_data = data.reshape(-1, c1, c2)
    result = jnp.matmul(flattened_prompt, flattened_data)
    out['prompted_data'] = result.reshape(batch_size, top_k * length, c1, c2)
    return out

if __name__ == "__main__":
    import jax
    _d = setup_inputs()
    print(jax.jit(kernel)(*tuple(_d.values())))

</pallas_src>

<mosaic_0001>
#map = affine_map<(d0, d1) -> (0, 0)>
#map1 = affine_map<(d0, d1) -> (0)>
module attributes {stable_mosaic.version = 14 : i64} {
  func.func @sc_kernel(%arg0: i32, %arg1: i32, %arg2: memref<128x16xf32, #tpu.memory_space<hbm>>, %arg3: memref<16xf32, #tpu.memory_space<hbm>>, %arg4: memref<16x16xi32, #tpu.memory_space<hbm>>, %arg5: memref<16xi32, #tpu.memory_space<hbm>>, %arg6: memref<16xf32, #tpu.memory_space<hbm>>, %arg7: memref<8x16xf32, #tpu.memory_space<vmem>>, %arg8: memref<16xi32, #tpu.memory_space<vmem>>, %arg9: memref<16x16xi32, #tpu.memory_space<vmem>>, %arg10: memref<16xf32, #tpu.memory_space<vmem>>, %arg11: memref<16xi32, #tpu.memory_space<vmem>>, %arg12: memref<16xf32, #tpu.memory_space<vmem>>) attributes {dimension_semantics = [#tpu.dimension_semantics<core_parallel>, #tpu.dimension_semantics<subcore_parallel>], iteration_bounds = array<i64: 2, 16>, scalar_prefetch = 0 : i64, scratch_operands = 6 : i64, tpu.core_type = #tpu.core_type<sc_vector_subcore>, window_params = [{transform_indices = #map}, {transform_indices = #map1}, {transform_indices = #map}, {transform_indices = #map1}, {transform_indices = #map1}]} {
    %iota3A = tpu.iota {dimensions = array<i32: 0>} : vector<16xi32>
    %eq3A = arith.constant 0 : i32
    %eq3A_0 = arith.cmpi eq, %arg0, %eq3A : i32
    %convert_element_type3A = arith.extui %eq3A_0 : i1 to i32
    %cond3A = arith.constant 0 : i32
    %cond3A_1 = arith.cmpi ne, %convert_element_type3A, %cond3A : i32
    scf.if %cond3A_1 {
      %mul3A = arith.constant 8 : i32
      %mul3A_2 = arith.muli %arg1, %mul3A : i32
      "tpu.region"() ({
        %run_scoped3A = tpu.sem_alloc : memref<!tpu.dma_semaphore, #tpu.memory_space<semaphore_mem>>
        %dma_start3A = arith.constant 0 : i32
        %dma_start3A_2285 = tpu.memref_slice %arg2[%mul3A_2, %dma_start3A] : memref<128x16xf32, #tpu.memory_space<hbm>> -> memref<8x16xf32, #tpu.memory_space<hbm>>
        %dma_start3A_2286 = arith.constant 0 : i32
        %dma_start3A_2287 = tpu.memref_slice %arg2[%mul3A_2, %dma_start3A_2286] : memref<128x16xf32, #tpu.memory_space<hbm>> -> memref<8x16xf32, #tpu.memory_space<hbm>>
        tpu.enqueue_dma source(%dma_start3A_2287 : memref<8x16xf32, #tpu.memory_space<hbm>>) target(%arg7 : memref<8x16xf32, #tpu.memory_space<vmem>>) target_semaphore(%run_scoped3A : memref<!tpu.dma_semaphore, #tpu.memory_space<semaphore_mem>>)
        %dma_wait3A = arith.constant 0 : i32
        %dma_wait3A_2288 = tpu.memref_slice %arg2[%mul3A_2, %dma_wait3A] : memref<128x16xf32, #tpu.memory_space<hbm>> -> memref<8x16xf32, #tpu.memory_space<hbm>>
        %dma_wait3A_2289 = arith.constant 0 : i32
        %dma_wait3A_2290 = tpu.memref_slice %arg2[%mul3A_2, %dma_wait3A_2289] : memref<128x16xf32, #tpu.memory_space<hbm>> -> memref<8x16xf32, #tpu.memory_space<hbm>>
        tpu.wait_dma2 semaphore(%run_scoped3A : memref<!tpu.dma_semaphore, #tpu.memory_space<semaphore_mem>>) src(%dma_wait3A_2290 : memref<8x16xf32, #tpu.memory_space<hbm>>) dst(%arg7 : memref<8x16xf32, #tpu.memory_space<vmem>>)
        tpu.yield
      }) : () -> ()
      %broadcast_in_dim3A = arith.constant 0 : i32
      %broadcast_in_dim3A_3 = vector.broadcast %broadcast_in_dim3A : i32 to vector<16xi32>
      %get3A = arith.constant 0 : i32
      %get3A_4 = arith.index_cast %get3A : i32 to index
      %get3A_5 = arith.constant 0 : index
      %get3A_6 = tpu.vector_load %arg7[%get3A_4, %get3A_5] {strides = array<i32>} : memref<8x16xf32, #tpu.memory_space<vmem>>, vector<1x16xf32>,
      %get3A_7 = vector.shape_cast %get3A_6 : vector<1x16xf32> to vector<16xf32>
      %broadcast_in_dim3A_8 = arith.constant 1 : i32
      %broadcast_in_dim3A_9 = vector.broadcast %broadcast_in_dim3A_8 : i32 to vector<16xi32>
      %xor3A = arith.xori %iota3A, %broadcast_in_dim3A_9 : vector<16xi32>
      %broadcast_in_dim3A_10 = vector.shape_cast %xor3A : vector<16xi32> to vector<16x1xi32>
      %gather3A = vector.shape_cast %broadcast_in_dim3A_10 : vector<16x1xi32> to vector<16xi32>
      %gather3A_11 = tpu.dynamic_gather %get3A_7[%gather3A] in [0] : vector<16xf32>, vector<16xi32> -> vector<16xf32>
      %max3A = arith.maximumf %get3A_7, %gather3A_11 : vector<16xf32>
      %broadcast_in_dim3A_12 = arith.constant 2 : i32
      %broadcast_in_dim3A_13 = vector.broadcast %broadcast_in_dim3A_12 : i32 to vector<16xi32>
      %xor3A_14 = arith.xori %iota3A, %broadcast_in_dim3A_13 : vector<16xi32>
      %broadcast_in_dim3A_15 = vector.shape_cast %xor3A_14 : vector<16xi32> to vector<16x1xi32>
      %gather3A_16 = vector.shape_cast %broadcast_in_dim3A_15 : vector<16x1xi32> to vector<16xi32>
      %gather3A_17 = tpu.dynamic_gather %max3A[%gather3A_16] in [0] : vector<16xf32>, vector<16xi32> -> vector<16xf32>
      %max3A_18 = arith.maximumf %max3A, %gather3A_17 : vector<16xf32>
      %broadcast_in_dim3A_19 = arith.constant 4 : i32
      %broadcast_in_dim3A_20 = vector.broadcast %broadcast_in_dim3A_19 : i32 to vector<16xi32>
      %xor3A_21 = arith.xori %iota3A, %broadcast_in_dim3A_20 : vector<16xi32>
      %broadcast_in_dim3A_22 = vector.shape_cast %xor3A_21 : vector<16xi32> to vector<16x1xi32>
      %gather3A_23 = vector.shape_cast %broadcast_in_dim3A_22 : vector<16x1xi32> to vector<16xi32>
      %gather3A_24 = tpu.dynamic_gather %max3A_18[%gather3A_23] in [0] : vector<16xf32>, vector<16xi32> -> vector<16xf32>
      %max3A_25 = arith.maximumf %max3A_18, %gather3A_24 : vector<16xf32>
      %broadcast_in_dim3A_26 = arith.constant 8 : i32
      %broadcast_in_dim3A_27 = vector.broadcast %broadcast_in_dim3A_26 : i32 to vector<16xi32>
      %xor3A_28 = arith.xori %iota3A, %broadcast_in_dim3A_27 : vector<16xi32>
      %broadcast_in_dim3A_29 = vector.shape_cast %xor3A_28 : vector<16xi32> to vector<16x1xi32>
      %gather3A_30 = vector.shape_cast %broadcast_in_dim3A_29 : vector<16x1xi32> to vector<16xi32>
      %gather3A_31 = tpu.dynamic_gather %max3A_25[%gather3A_30] in [0] : vector<16xf32>, vector<16xi32> -> vector<16xf32>
      %max3A_32 = arith.maximumf %max3A_25, %gather3A_31 : vector<16xf32>
      %eq3A_33 = arith.cmpf oeq, %get3A_7, %max3A_32 : vector<16xf32>
      %broadcast_in_dim3A_34 = arith.constant 16 : i32
      %broadcast_in_dim3A_35 = vector.broadcast %broadcast_in_dim3A_34 : i32 to vector<16xi32>
      %select_n3A = arith.select %eq3A_33, %iota3A, %broadcast_in_dim3A_35 : vector<16xi1>, vector<16xi32>
      %broadcast_in_dim3A_36 = arith.constant 1 : i32
      %broadcast_in_dim3A_37 = vector.broadcast %broadcast_in_dim3A_36 : i32 to vector<16xi32>
      %xor3A_38 = arith.xori %iota3A, %broadcast_in_dim3A_37 : vector<16xi32>
      %broadcast_in_dim3A_39 = vector.shape_cast %xor3A_38 : vector<16xi32> to vector<16x1xi32>
      %gather3A_40 = vector.shape_cast %broadcast_in_dim3A_39 : vector<16x1xi32> to vector<16xi32>
      %gather3A_41 = tpu.dynamic_gather %select_n3A[%gather3A_40] in [0] : vector<16xi32>, vector<16xi32> -> vector<16xi32>
      %min3A = arith.minsi %select_n3A, %gather3A_41 : vector<16xi32>
      %broadcast_in_dim3A_42 = arith.constant 2 : i32
      %broadcast_in_dim3A_43 = vector.broadcast %broadcast_in_dim3A_42 : i32 to vector<16xi32>
      %xor3A_44 = arith.xori %iota3A, %broadcast_in_dim3A_43 : vector<16xi32>
      %broadcast_in_dim3A_45 = vector.shape_cast %xor3A_44 : vector<16xi32> to vector<16x1xi32>
      %gather3A_46 = vector.shape_cast %broadcast_in_dim3A_45 : vector<16x1xi32> to vector<16xi32>
      %gather3A_47 = tpu.dynamic_gather %min3A[%gather3A_46] in [0] : vector<16xi32>, vector<16xi32> -> vector<16xi32>
      %min3A_48 = arith.minsi %min3A, %gather3A_47 : vector<16xi32>
      %broadcast_in_dim3A_49 = arith.constant 4 : i32
      %broadcast_in_dim3A_50 = vector.broadcast %broadcast_in_dim3A_49 : i32 to vector<16xi32>
      %xor3A_51 = arith.xori %iota3A, %broadcast_in_dim3A_50 : vector<16xi32>
      %broadcast_in_dim3A_52 = vector.shape_cast %xor3A_51 : vector<16xi32> to vector<16x1xi32>
      %gather3A_53 = vector.shape_cast %broadcast_in_dim3A_52 : vector<16x1xi32> to vector<16xi32>
      %gather3A_54 = tpu.dynamic_gather %min3A_48[%gather3A_53] in [0] : vector<16xi32>, vector<16xi32> -> vector<16xi32>
      %min3A_55 = arith.minsi %min3A_48, %gather3A_54 : vector<16xi32>
      %broadcast_in_dim3A_56 = arith.constant 8 : i32
      %broadcast_in_dim3A_57 = vector.broadcast %broadcast_in_dim3A_56 : i32 to vector<16xi32>
      %xor3A_58 = arith.xori %iota3A, %broadcast_in_dim3A_57 : vector<16xi32>
      %broadcast_in_dim3A_59 = vector.shape_cast %xor3A_58 : vector<16xi32> to vector<16x1xi32>
      %gather3A_60 = vector.shape_cast %broadcast_in_dim3A_59 : vector<16x1xi32> to vector<16xi32>
      %gather3A_61 = tpu.dynamic_gather %min3A_55[%gather3A_60] in [0] : vector<16xi32>, vector<16xi32> -> vector<16xi32>
      %min3A_62 = arith.minsi %min3A_55, %gather3A_61 : vector<16xi32>
      %eq3A_63 = arith.cmpi eq, %iota3A, %min3A_62 : vector<16xi32>
      %broadcast_in_dim3A_64 = arith.constant 1 : i32
      %broadcast_in_dim3A_65 = vector.broadcast %broadcast_in_dim3A_64 : i32 to vector<16xi32>
      %broadcast_in_dim3A_66 = arith.constant 0 : i32
      %broadcast_in_dim3A_67 = vector.broadcast %broadcast_in_dim3A_66 : i32 to vector<16xi32>
      %select_n3A_68 = arith.select %eq3A_63, %broadcast_in_dim3A_65, %broadcast_in_dim3A_67 : vector<16xi1>, vector<16xi32>
      %add3A = arith.addi %broadcast_in_dim3A_3, %select_n3A_68 : vector<16xi32>
      %broadcast_in_dim3A_69 = arith.constant 0xFF800000 : f32
      %broadcast_in_dim3A_70 = vector.broadcast %broadcast_in_dim3A_69 : f32 to vector<16xf32>
      %select_n3A_71 = arith.select %eq3A_63, %broadcast_in_dim3A_70, %get3A_7 : vector<16xi1>, vector<16xf32>
      %broadcast_in_dim3A_72 = arith.constant 1 : i32
      %broadcast_in_dim3A_73 = vector.broadcast %broadcast_in_dim3A_72 : i32 to vector<16xi32>
      %xor3A_74 = arith.xori %iota3A, %broadcast_in_dim3A_73 : vector<16xi32>
      %broadcast_in_dim3A_75 = vector.shape_cast %xor3A_74 : vector<16xi32> to vector<16x1xi32>
      %gather3A_76 = vector.shape_cast %broadcast_in_dim3A_75 : vector<16x1xi32> to vector<16xi32>
      %gather3A_77 = tpu.dynamic_gather %select_n3A_71[%gather3A_76] in [0] : vector<16xf32>, vector<16xi32> -> vector<16xf32>
      %max3A_78 = arith.maximumf %select_n3A_71, %gather3A_77 : vector<16xf32>
      %broadcast_in_dim3A_79 = arith.constant 2 : i32
      %broadcast_in_dim3A_80 = vector.broadcast %broadcast_in_dim3A_79 : i32 to vector<16xi32>
      %xor3A_81 = arith.xori %iota3A, %broadcast_in_dim3A_80 : vector<16xi32>
      %broadcast_in_dim3A_82 = vector.shape_cast %xor3A_81 : vector<16xi32> to vector<16x1xi32>
      %gather3A_83 = vector.shape_cast %broadcast_in_dim3A_82 : vector<16x1xi32> to vector<16xi32>
      %gather3A_84 = tpu.dynamic_gather %max3A_78[%gather3A_83] in [0] : vector<16xf32>, vector<16xi32> -> vector<16xf32>
      %max3A_85 = arith.maximumf %max3A_78, %gather3A_84 : vector<16xf32>
      %broadcast_in_dim3A_86 = arith.constant 4 : i32
      %broadcast_in_dim3A_87 = vector.broadcast %broadcast_in_dim3A_86 : i32 to vector<16xi32>
      %xor3A_88 = arith.xori %iota3A, %broadcast_in_dim3A_87 : vector<16xi32>
      %broadcast_in_dim3A_89 = vector.shape_cast %xor3A_88 : vector<16xi32> to vector<16x1xi32>
      %gather3A_90 = vector.shape_cast %broadcast_in_dim3A_89 : vector<16x1xi32> to vector<16xi32>
      %gather3A_91 = tpu.dynamic_gather %max3A_85[%gather3A_90] in [0] : vector<16xf32>, vector<16xi32> -> vector<16xf32>
      %max3A_92 = arith.maximumf %max3A_85, %gather3A_91 : vector<16xf32>
      %broadcast_in_dim3A_93 = arith.constant 8 : i32
      %broadcast_in_dim3A_94 = vector.broadcast %broadcast_in_dim3A_93 : i32 to vector<16xi32>
      %xor3A_95 = arith.xori %iota3A, %broadcast_in_dim3A_94 : vector<16xi32>
      %broadcast_in_dim3A_96 = vector.shape_cast %xor3A_95 : vector<16xi32> to vector<16x1xi32>
      %gather3A_97 = vector.shape_cast %broadcast_in_dim3A_96 : vector<16x1xi32> to vector<16xi32>
      %gather3A_98 = tpu.dynamic_gather %max3A_92[%gather3A_97] in [0] : vector<16xf32>, vector<16xi32> -> vector<16xf32>
      %max3A_99 = arith.maximumf %max3A_92, %gather3A_98 : vector<16xf32>
      %eq3A_100 = arith.cmpf oeq, %select_n3A_71, %max3A_99 : vector<16xf32>
      %broadcast_in_dim3A_101 = arith.constant 16 : i32
      %broadcast_in_dim3A_102 = vector.broadcast %broadcast_in_dim3A_101 : i32 to vector<16xi32>
      %select_n3A_103 = arith.select %eq3A_100, %iota3A, %broadcast_in_dim3A_102 : vector<16xi1>, vector<16xi32>
      %broadcast_in_dim3A_104 = arith.constant 1 : i32
      %broadcast_in_dim3A_105 = vector.broadcast %broadcast_in_dim3A_104 : i32 to vector<16xi32>
      %xor3A_106 = arith.xori %iota3A, %broadcast_in_dim3A_105 : vector<16xi32>
      %broadcast_in_dim3A_107 = vector.shape_cast %xor3A_106 : vector<16xi32> to vector<16x1xi32>
      %gather3A_108 = vector.shape_cast %broadcast_in_dim3A_107 : vector<16x1xi32> to vector<16xi32>
      %gather3A_109 = tpu.dynamic_gather %select_n3A_103[%gather3A_108] in [0] : vector<16xi32>, vector<16xi32> -> vector<16xi32>
      %min3A_110 = arith.minsi %select_n3A_103, %gather3A_109 : vector<16xi32>
      %broadcast_in_dim3A_111 = arith.constant 2 : i32
      %broadcast_in_dim3A_112 = vector.broadcast %broadcast_in_dim3A_111 : i32 to vector<16xi32>
      %xor3A_113 = arith.xori %iota3A, %broadcast_in_dim3A_112 : vector<16xi32>
      %broadcast_in_dim3A_114 = vector.shape_cast %xor3A_113 : vector<16xi32> to vector<16x1xi32>
      %gather3A_115 = vector.shape_cast %broadcast_in_dim3A_114 : vector<16x1xi32> to vector<16xi32>
      %gather3A_116 = tpu.dynamic_gather %min3A_110[%gather3A_115] in [0] : vector<16xi32>, vector<16xi32> -> vector<16xi32>
      %min3A_117 = arith.minsi %min3A_110, %gather3A_116 : vector<16xi32>
      %broadcast_in_dim3A_118 = arith.constant 4 : i32
      %broadcast_in_dim3A_119 = vector.broadcast %broadcast_in_dim3A_118 : i32 to vector<16xi32>
      %xor3A_120 = arith.xori %iota3A, %broadcast_in_dim3A_119 : vector<16xi32>
      %broadcast_in_dim3A_121 = vector.shape_cast %xor3A_120 : vector<16xi32> to vector<16x1xi32>
      %gather3A_122 = vector.shape_cast %broadcast_in_dim3A_121 : vector<16x1xi32> to vector<16xi32>
      %gather3A_123 = tpu.dynamic_gather %min3A_117[%gather3A_122] in [0] : vector<16xi32>, vector<16xi32> -> vector<16xi32>
      %min3A_124 = arith.minsi %min3A_117, %gather3A_123 : vector<16xi32>
      %broadcast_in_dim3A_125 = arith.constant 8 : i32
      %broadcast_in_dim3A_126 = vector.broadcast %broadcast_in_dim3A_125 : i32 to vector<16xi32>
      %xor3A_127 = arith.xori %iota3A, %broadcast_in_dim3A_126 : vector<16xi32>
      %broadcast_in_dim3A_128 = vector.shape_cast %xor3A_127 : vector<16xi32> to vector<16x1xi32>
      %gather3A_129 = vector.shape_cast %broadcast_in_dim3A_128 : vector<16x1xi32> to vector<16xi32>
      %gather3A_130 = tpu.dynamic_gather %min3A_124[%gather3A_129] in [0] : vector<16xi32>, vector<16xi32> -> vector<16xi32>
      %min3A_131 = arith.minsi %min3A_124, %gather3A_130 : vector<16xi32>
      %eq3A_132 = arith.cmpi eq, %iota3A, %min3A_131 : vector<16xi32>
      %broadcast_in_dim3A_133 = arith.constant 1 : i32
      %broadcast_in_dim3A_134 = vector.broadcast %broadcast_in_dim3A_133 : i32 to vector<16xi32>
      %broadcast_in_dim3A_135 = arith.constant 0 : i32
      %broadcast_in_dim3A_136 = vector.broadcast %broadcast_in_dim3A_135 : i32 to vector<16xi32>
      %select_n3A_137 = arith.select %eq3A_132, %broadcast_in_dim3A_134, %broadcast_in_dim3A_136 : vector<16xi1>, vector<16xi32>
      %add3A_138 = arith.addi %add3A, %select_n3A_137 : vector<16xi32>
      %broadcast_in_dim3A_139 = arith.constant 0xFF800000 : f32
      %broadcast_in_dim3A_140 = vector.broadcast %broadcast_in_dim3A_139 : f32 to vector<16xf32>
      %select_n3A_141 = arith.select %eq3A_132, %broadcast_in_dim3A_140, %select_n3A_71 : vector<16xi1>, vector<16xf32>
      %broadcast_in_dim3A_142 = arith.constant 1 : i32
      %broadcast_in_dim3A_143 = vector.broadcast %broadcast_in_dim3A_142 : i32 to vector<16xi32>
      %xor3A_144 = arith.xori %iota3A, %broadcast_in_dim3A_143 : vector<16xi32>
      %broadcast_in_dim3A_145 = vector.shape_cast %xor3A_144 : vector<16xi32> to vector<16x1xi32>
      %gather3A_146 = vector.shape_cast %broadcast_in_dim3A_145 : vector<16x1xi32> to vector<16xi32>
      %gather3A_147 = tpu.dynamic_gather %select_n3A_141[%gather3A_146] in [0] : vector<16xf32>, vector<16xi32> -> vector<16xf32>
      %max3A_148 = arith.maximumf %select_n3A_141, %gather3A_147 : vector<16xf32>
      %broadcast_in_dim3A_149 = arith.constant 2 : i32
      %broadcast_in_dim3A_150 = vector.broadcast %broadcast_in_dim3A_149 : i32 to vector<16xi32>
      %xor3A_151 = arith.xori %iota3A, %broadcast_in_dim3A_150 : vector<16xi32>
      %broadcast_in_dim3A_152 = vector.shape_cast %xor3A_151 : vector<16xi32> to vector<16x1xi32>
      %gather3A_153 = vector.shape_cast %broadcast_in_dim3A_152 : vector<16x1xi32> to vector<16xi32>
      %gather3A_154 = tpu.dynamic_gather %max3A_148[%gather3A_153] in [0] : vector<16xf32>, vector<16xi32> -> vector<16xf32>
      %max3A_155 = arith.maximumf %max3A_148, %gather3A_154 : vector<16xf32>
      %broadcast_in_dim3A_156 = arith.constant 4 : i32
      %broadcast_in_dim3A_157 = vector.broadcast %broadcast_in_dim3A_156 : i32 to vector<16xi32>
      %xor3A_158 = arith.xori %iota3A, %broadcast_in_dim3A_157 : vector<16xi32>
      %broadcast_in_dim3A_159 = vector.shape_cast %xor3A_158 : vector<16xi32> to vector<16x1xi32>
      %gather3A_160 = vector.shape_cast %broadcast_in_dim3A_159 : vector<16x1xi32> to vector<16xi32>
      %gather3A_161 = tpu.dynamic_gather %max3A_155[%gather3A_160] in [0] : vector<16xf32>, vector<16xi32> -> vector<16xf32>
      %max3A_162 = arith.maximumf %max3A_155, %gather3A_161 : vector<16xf32>
      %broadcast_in_dim3A_163 = arith.constant 8 : i32
      %broadcast_in_dim3A_164 = vector.broadcast %broadcast_in_dim3A_163 : i32 to vector<16xi32>
      %xor3A_165 = arith.xori %iota3A, %broadcast_in_dim3A_164 : vector<16xi32>
      %broadcast_in_dim3A_166 = vector.shape_cast %xor3A_165 : vector<16xi32> to vector<16x1xi32>
      %gather3A_167 = vector.shape_cast %broadcast_in_dim3A_166 : vector<16x1xi32> to vector<16xi32>
      %gather3A_168 = tpu.dynamic_gather %max3A_162[%gather3A_167] in [0] : vector<16xf32>, vector<16xi32> -> vector<16xf32>
      %max3A_169 = arith.maximumf %max3A_162, %gather3A_168 : vector<16xf32>
      %eq3A_170 = arith.cmpf oeq, %select_n3A_141, %max3A_169 : vector<16xf32>
      %broadcast_in_dim3A_171 = arith.constant 16 : i32
      %broadcast_in_dim3A_172 = vector.broadcast %broadcast_in_dim3A_171 : i32 to vector<16xi32>
      %select_n3A_173 = arith.select %eq3A_170, %iota3A, %broadcast_in_dim3A_172 : vector<16xi1>, vector<16xi32>
      %broadcast_in_dim3A_174 = arith.constant 1 : i32
      %broadcast_in_dim3A_175 = vector.broadcast %broadcast_in_dim3A_174 : i32 to vector<16xi32>
      %xor3A_176 = arith.xori %iota3A, %broadcast_in_dim3A_175 : vector<16xi32>
      %broadcast_in_dim3A_177 = vector.shape_cast %xor3A_176 : vector<16xi32> to vector<16x1xi32>
      %gather3A_178 = vector.shape_cast %broadcast_in_dim3A_177 : vector<16x1xi32> to vector<16xi32>
      %gather3A_179 = tpu.dynamic_gather %select_n3A_173[%gather3A_178] in [0] : vector<16xi32>, vector<16xi32> -> vector<16xi32>
      %min3A_180 = arith.minsi %select_n3A_173, %gather3A_179 : vector<16xi32>
      %broadcast_in_dim3A_181 = arith.constant 2 : i32
      %broadcast_in_dim3A_182 = vector.broadcast %broadcast_in_dim3A_181 : i32 to vector<16xi32>
      %xor3A_183 = arith.xori %iota3A, %broadcast_in_dim3A_182 : vector<16xi32>
      %broadcast_in_dim3A_184 = vector.shape_cast %xor3A_183 : vector<16xi32> to vector<16x1xi32>
      %gather3A_185 = vector.shape_cast %broadcast_in_dim3A_184 : vector<16x1xi32> to vector<16xi32>
      %gather3A_186 = tpu.dynamic_gather %min3A_180[%gather3A_185] in [0] : vector<16xi32>, vector<16xi32> -> vector<16xi32>
      %min3A_187 = arith.minsi %min3A_180, %gather3A_186 : vector<16xi32>
      %broadcast_in_dim3A_188 = arith.constant 4 : i32
      %broadcast_in_dim3A_189 = vector.broadcast %broadcast_in_dim3A_188 : i32 to vector<16xi32>
      %xor3A_190 = arith.xori %iota3A, %broadcast_in_dim3A_189 : vector<16xi32>
      %broadcast_in_dim3A_191 = vector.shape_cast %xor3A_190 : vector<16xi32> to vector<16x1xi32>
      %gather3A_192 = vector.shape_cast %broadcast_in_dim3A_191 : vector<16x1xi32> to vector<16xi32>
      %gather3A_193 = tpu.dynamic_gather %min3A_187[%gather3A_192] in [0] : vector<16xi32>, vector<16xi32> -> vector<16xi32>
      %min3A_194 = arith.minsi %min3A_187, %gather3A_193 : vector<16xi32>
      %broadcast_in_dim3A_195 = arith.constant 8 : i32
      %broadcast_in_dim3A_196 = vector.broadcast %broadcast_in_dim3A_195 : i32 to vector<16xi32>
      %xor3A_197 = arith.xori %iota3A, %broadcast_in_dim3A_196 : vector<16xi32>
      %broadcast_in_dim3A_198 = vector.shape_cast %xor3A_197 : vector<16xi32> to vector<16x1xi32>
      %gather3A_199 = vector.shape_cast %broadcast_in_dim3A_198 : vector<16x1xi32> to vector<16xi32>
      %gather3A_200 = tpu.dynamic_gather %min3A_194[%gather3A_199] in [0] : vector<16xi32>, vector<16xi32> -> vector<16xi32>
      %min3A_201 = arith.minsi %min3A_194, %gather3A_200 : vector<16xi32>
      %eq3A_202 = arith.cmpi eq, %iota3A, %min3A_201 : vector<16xi32>
      %broadcast_in_dim3A_203 = arith.constant 1 : i32
      %broadcast_in_dim3A_204 = vector.broadcast %broadcast_in_dim3A_203 : i32 to vector<16xi32>
      %broadcast_in_dim3A_205 = arith.constant 0 : i32
      %broadcast_in_dim3A_206 = vector.broadcast %broadcast_in_dim3A_205 : i32 to vector<16xi32>
      %select_n3A_207 = arith.select %eq3A_202, %broadcast_in_dim3A_204, %broadcast_in_dim3A_206 : vector<16xi1>, vector<16xi32>
      %add3A_208 = arith.addi %add3A_138, %select_n3A_207 : vector<16xi32>
      %broadcast_in_dim3A_209 = arith.constant 0xFF800000 : f32
      %broadcast_in_dim3A_210 = vector.broadcast %broadcast_in_dim3A_209 : f32 to vector<16xf32>
      %select_n3A_211 = arith.select %eq3A_202, %broadcast_in_dim3A_210, %select_n3A_141 : vector<16xi1>, vector<16xf32>
      %broadcast_in_dim3A_212 = arith.constant 1 : i32
      %broadcast_in_dim3A_213 = vector.broadcast %broadcast_in_dim3A_212 : i32 to vector<16xi32>
      %xor3A_214 = arith.xori %iota3A, %broadcast_in_dim3A_213 : vector<16xi32>
      %broadcast_in_dim3A_215 = vector.shape_cast %xor3A_214 : vector<16xi32> to vector<16x1xi32>
      %gather3A_216 = vector.shape_cast %broadcast_in_dim3A_215 : vector<16x1xi32> to vector<16xi32>
      %gather3A_217 = tpu.dynamic_gather %select_n3A_211[%gather3A_216] in [0] : vector<16xf32>, vector<16xi32> -> vector<16xf32>
      %max3A_218 = arith.maximumf %select_n3A_211, %gather3A_217 : vector<16xf32>
      %broadcast_in_dim3A_219 = arith.constant 2 : i32
      %broadcast_in_dim3A_220 = vector.broadcast %broadcast_in_dim3A_219 : i32 to vector<16xi32>
      %xor3A_221 = arith.xori %iota3A, %broadcast_in_dim3A_220 : vector<16xi32>
      %broadcast_in_dim3A_222 = vector.shape_cast %xor3A_221 : vector<16xi32> to vector<16x1xi32>
      %gather3A_223 = vector.shape_cast %broadcast_in_dim3A_222 : vector<16x1xi32> to vector<16xi32>
      %gather3A_224 = tpu.dynamic_gather %max3A_218[%gather3A_223] in [0] : vector<16xf32>, vector<16xi32> -> vector<16xf32>
      %max3A_225 = arith.maximumf %max3A_218, %gather3A_224 : vector<16xf32>
      %broadcast_in_dim3A_226 = arith.constant 4 : i32
      %broadcast_in_dim3A_227 = vector.broadcast %broadcast_in_dim3A_226 : i32 to vector<16xi32>
      %xor3A_228 = arith.xori %iota3A, %broadcast_in_dim3A_227 : vector<16xi32>
      %broadcast_in_dim3A_229 = vector.shape_cast %xor3A_228 : vector<16xi32> to vector<16x1xi32>
      %gather3A_230 = vector.shape_cast %broadcast_in_dim3A_229 : vector<16x1xi32> to vector<16xi32>
      %gather3A_231 = tpu.dynamic_gather %max3A_225[%gather3A_230] in [0] : vector<16xf32>, vector<16xi32> -> vector<16xf32>
      %max3A_232 = arith.maximumf %max3A_225, %gather3A_231 : vector<16xf32>
      %broadcast_in_dim3A_233 = arith.constant 8 : i32
      %broadcast_in_dim3A_234 = vector.broadcast %broadcast_in_dim3A_233 : i32 to vector<16xi32>
      %xor3A_235 = arith.xori %iota3A, %broadcast_in_dim3A_234 : vector<16xi32>
      %broadcast_in_dim3A_236 = vector.shape_cast %xor3A_235 : vector<16xi32> to vector<16x1xi32>
      %gather3A_237 = vector.shape_cast %broadcast_in_dim3A_236 : vector<16x1xi32> to vector<16xi32>
      %gather3A_238 = tpu.dynamic_gather %max3A_232[%gather3A_237] in [0] : vector<16xf32>, vector<16xi32> -> vector<16xf32>
      %max3A_239 = arith.maximumf %max3A_232, %gather3A_238 : vector<16xf32>
      %eq3A_240 = arith.cmpf oeq, %select_n3A_211, %max3A_239 : vector<16xf32>
      %broadcast_in_dim3A_241 = arith.constant 16 : i32
      %broadcast_in_dim3A_242 = vector.broadcast %broadcast_in_dim3A_241 : i32 to vector<16xi32>
      %select_n3A_243 = arith.select %eq3A_240, %iota3A, %broadcast_in_dim3A_242 : vector<16xi1>, vector<16xi32>
      %broadcast_in_dim3A_244 = arith.constant 1 : i32
      %broadcast_in_dim3A_245 = vector.broadcast %broadcast_in_dim3A_244 : i32 to vector<16xi32>
      %xor3A_246 = arith.xori %iota3A, %broadcast_in_dim3A_245 : vector<16xi32>
      %broadcast_in_dim3A_247 = vector.shape_cast %xor3A_246 : vector<16xi32> to vector<16x1xi32>
      %gather3A_248 = vector.shape_cast %broadcast_in_dim3A_247 : vector<16x1xi32> to vector<16xi32>
      %gather3A_249 = tpu.dynamic_gather %select_n3A_243[%gather3A_248] in [0] : vector<16xi32>, vector<16xi32> -> vector<16xi32>
      %min3A_250 = arith.minsi %select_n3A_243, %gather3A_249 : vector<16xi32>
      %broadcast_in_dim3A_251 = arith.constant 2 : i32
      %broadcast_in_dim3A_252 = vector.broadcast %broadcast_in_dim3A_251 : i32 to vector<16xi32>
      %xor3A_253 = arith.xori %iota3A, %broadcast_in_dim3A_252 : vector<16xi32>
      %broadcast_in_dim3A_254 = vector.shape_cast %xor3A_253 : vector<16xi32> to vector<16x1xi32>
      %gather3A_255 = vector.shape_cast %broadcast_in_dim3A_254 : vector<16x1xi32> to vector<16xi32>
      %gather3A_256 = tpu.dynamic_gather %min3A_250[%gather3A_255] in [0] : vector<16xi32>, vector<16xi32> -> vector<16xi32>
      %min3A_257 = arith.minsi %min3A_250, %gather3A_256 : vector<16xi32>
      %broadcast_in_dim3A_258 = arith.constant 4 : i32
      %broadcast_in_dim3A_259 = vector.broadcast %broadcast_in_dim3A_258 : i32 to vector<16xi32>
      %xor3A_260 = arith.xori %iota3A, %broadcast_in_dim3A_259 : vector<16xi32>
      %broadcast_in_dim3A_261 = vector.shape_cast %xor3A_260 : vector<16xi32> to vector<16x1xi32>
      %gather3A_262 = vector.shape_cast %broadcast_in_dim3A_261 : vector<16x1xi32> to vector<16xi32>
      %gather3A_263 = tpu.dynamic_gather %min3A_257[%gather3A_262] in [0] : vector<16xi32>, vector<16xi32> -> vector<16xi32>
      %min3A_264 = arith.minsi %min3A_257, %gather3A_263 : vector<16xi32>
      %broadcast_in_dim3A_265 = arith.constant 8 : i32
      %broadcast_in_dim3A_266 = vector.broadcast %broadcast_in_dim3A_265 : i32 to vector<16xi32>
      %xor3A_267 = arith.xori %iota3A, %broadcast_in_dim3A_266 : vector<16xi32>
      %broadcast_in_dim3A_268 = vector.shape_cast %xor3A_267 : vector<16xi32> to vector<16x1xi32>
      %gather3A_269 = vector.shape_cast %broadcast_in_dim3A_268 : vector<16x1xi32> to vector<16xi32>
      %gather3A_270 = tpu.dynamic_gather %min3A_264[%gather3A_269] in [0] : vector<16xi32>, vector<16xi32> -> vector<16xi32>
      %min3A_271 = arith.minsi %min3A_264, %gather3A_270 : vector<16xi32>
      %eq3A_272 = arith.cmpi eq, %iota3A, %min3A_271 : vector<16xi32>
      %broadcast_in_dim3A_273 = arith.constant 1 : i32
      %broadcast_in_dim3A_274 = vector.broadcast %broadcast_in_dim3A_273 : i32 to vector<16xi32>
      %broadcast_in_dim3A_275 = arith.constant 0 : i32
      %broadcast_in_dim3A_276 = vector.broadcast %broadcast_in_dim3A_275 : i32 to vector<16xi32>
      %select_n3A_277 = arith.select %eq3A_272, %broadcast_in_dim3A_274, %broadcast_in_dim3A_276 : vector<16xi1>, vector<16xi32>
      %add3A_278 = arith.addi %add3A_208, %select_n3A_277 : vector<16xi32>
      %broadcast_in_dim3A_279 = arith.constant 0xFF800000 : f32
      %broadcast_in_dim3A_280 = vector.broadcast %broadcast_in_dim3A_279 : f32 to vector<16xf32>
      %select_n3A_281 = arith.select %eq3A_272, %broadcast_in_dim3A_280, %select_n3A_211 : vector<16xi1>, vector<16xf32>
      %get3A_282 = arith.constant 1 : i32
      %get3A_283 = arith.index_cast %get3A_282 : i32 to index
      %get3A_284 = arith.constant 0 : index
      %get3A_285 = tpu.vector_load %arg7[%get3A_283, %get3A_284] {strides = array<i32>} : memref<8x16xf32, #tpu.memory_space<vmem>>, vector<1x16xf32>,
      %get3A_286 = vector.shape_cast %get3A_285 : vector<1x16xf32> to vector<16xf32>
      %broadcast_in_dim3A_287 = arith.constant 1 : i32
      %broadcast_in_dim3A_288 = vector.broadcast %broadcast_in_dim3A_287 : i32 to vector<16xi32>
      %xor3A_289 = arith.xori %iota3A, %broadcast_in_dim3A_288 : vector<16xi32>
      %broadcast_in_dim3A_290 = vector.shape_cast %xor3A_289 : vector<16xi32> to vector<16x1xi32>
      %gather3A_291 = vector.shape_cast %broadcast_in_dim3A_290 : vector<16x1xi32> to vector<16xi32>
      %gather3A_292 = tpu.dynamic_gather %get3A_286[%gather3A_291] in [0] : vector<16xf32>, vector<16xi32> -> vector<16xf32>
      %max3A_293 = arith.maximumf %get3A_286, %gather3A_292 : vector<16xf32>
      %broadcast_in_dim3A_294 = arith.constant 2 : i32
      %broadcast_in_dim3A_295 = vector.broadcast %broadcast_in_dim3A_294 : i32 to vector<16xi32>
      %xor3A_296 = arith.xori %iota3A, %broadcast_in_dim3A_295 : vector<16xi32>
      %broadcast_in_dim3A_297 = vector.shape_cast %xor3A_296 : vector<16xi32> to vector<16x1xi32>
      %gather3A_298 = vector.shape_cast %broadcast_in_dim3A_297 : vector<16x1xi32> to vector<16xi32>
      %gather3A_299 = tpu.dynamic_gather %max3A_293[%gather3A_298] in [0] : vector<16xf32>, vector<16xi32> -> vector<16xf32>
      %max3A_300 = arith.maximumf %max3A_293, %gather3A_299 : vector<16xf32>
      %broadcast_in_dim3A_301 = arith.constant 4 : i32
      %broadcast_in_dim3A_302 = vector.broadcast %broadcast_in_dim3A_301 : i32 to vector<16xi32>
      %xor3A_303 = arith.xori %iota3A, %broadcast_in_dim3A_302 : vector<16xi32>
      %broadcast_in_dim3A_304 = vector.shape_cast %xor3A_303 : vector<16xi32> to vector<16x1xi32>
      %gather3A_305 = vector.shape_cast %broadcast_in_dim3A_304 : vector<16x1xi32> to vector<16xi32>
      %gather3A_306 = tpu.dynamic_gather %max3A_300[%gather3A_305] in [0] : vector<16xf32>, vector<16xi32> -> vector<16xf32>
      %max3A_307 = arith.maximumf %max3A_300, %gather3A_306 : vector<16xf32>
      %broadcast_in_dim3A_308 = arith.constant 8 : i32
      %broadcast_in_dim3A_309 = vector.broadcast %broadcast_in_dim3A_308 : i32 to vector<16xi32>
      %xor3A_310 = arith.xori %iota3A, %broadcast_in_dim3A_309 : vector<16xi32>
      %broadcast_in_dim3A_311 = vector.shape_cast %xor3A_310 : vector<16xi32> to vector<16x1xi32>
      %gather3A_312 = vector.shape_cast %broadcast_in_dim3A_311 : vector<16x1xi32> to vector<16xi32>
      %gather3A_313 = tpu.dynamic_gather %max3A_307[%gather3A_312] in [0] : vector<16xf32>, vector<16xi32> -> vector<16xf32>
      %max3A_314 = arith.maximumf %max3A_307, %gather3A_313 : vector<16xf32>
      %eq3A_315 = arith.cmpf oeq, %get3A_286, %max3A_314 : vector<16xf32>
      %broadcast_in_dim3A_316 = arith.constant 16 : i32
      %broadcast_in_dim3A_317 = vector.broadcast %broadcast_in_dim3A_316 : i32 to vector<16xi32>
      %select_n3A_318 = arith.select %eq3A_315, %iota3A, %broadcast_in_dim3A_317 : vector<16xi1>, vector<16xi32>
      %broadcast_in_dim3A_319 = arith.constant 1 : i32
      %broadcast_in_dim3A_320 = vector.broadcast %broadcast_in_dim3A_319 : i32 to vector<16xi32>
      %xor3A_321 = arith.xori %iota3A, %broadcast_in_dim3A_320 : vector<16xi32>
      %broadcast_in_dim3A_322 = vector.shape_cast %xor3A_321 : vector<16xi32> to vector<16x1xi32>
      %gather3A_323 = vector.shape_cast %broadcast_in_dim3A_322 : vector<16x1xi32> to vector<16xi32>
      %gather3A_324 = tpu.dynamic_gather %select_n3A_318[%gather3A_323] in [0] : vector<16xi32>, vector<16xi32> -> vector<16xi32>
      %min3A_325 = arith.minsi %select_n3A_318, %gather3A_324 : vector<16xi32>
      %broadcast_in_dim3A_326 = arith.constant 2 : i32
      %broadcast_in_dim3A_327 = vector.broadcast %broadcast_in_dim3A_326 : i32 to vector<16xi32>
      %xor3A_328 = arith.xori %iota3A, %broadcast_in_dim3A_327 : vector<16xi32>
      %broadcast_in_dim3A_329 = vector.shape_cast %xor3A_328 : vector<16xi32> to vector<16x1xi32>
      %gather3A_330 = vector.shape_cast %broadcast_in_dim3A_329 : vector<16x1xi32> to vector<16xi32>
      %gather3A_331 = tpu.dynamic_gather %min3A_325[%gather3A_330] in [0] : vector<16xi32>, vector<16xi32> -> vector<16xi32>
      %min3A_332 = arith.minsi %min3A_325, %gather3A_331 : vector<16xi32>
      %broadcast_in_dim3A_333 = arith.constant 4 : i32
      %broadcast_in_dim3A_334 = vector.broadcast %broadcast_in_dim3A_333 : i32 to vector<16xi32>
      %xor3A_335 = arith.xori %iota3A, %broadcast_in_dim3A_334 : vector<16xi32>
      %broadcast_in_dim3A_336 = vector.shape_cast %xor3A_335 : vector<16xi32> to vector<16x1xi32>
      %gather3A_337 = vector.shape_cast %broadcast_in_dim3A_336 : vector<16x1xi32> to vector<16xi32>
      %gather3A_338 = tpu.dynamic_gather %min3A_332[%gather3A_337] in [0] : vector<16xi32>, vector<16xi32> -> vector<16xi32>
      %min3A_339 = arith.minsi %min3A_332, %gather3A_338 : vector<16xi32>
      %broadcast_in_dim3A_340 = arith.constant 8 : i32
      %broadcast_in_dim3A_341 = vector.broadcast %broadcast_in_dim3A_340 : i32 to vector<16xi32>
      %xor3A_342 = arith.xori %iota3A, %broadcast_in_dim3A_341 : vector<16xi32>
      %broadcast_in_dim3A_343 = vector.shape_cast %xor3A_342 : vector<16xi32> to vector<16x1xi32>
      %gather3A_344 = vector.shape_cast %broadcast_in_dim3A_343 : vector<16x1xi32> to vector<16xi32>
      %gather3A_345 = tpu.dynamic_gather %min3A_339[%gather3A_344] in [0] : vector<16xi32>, vector<16xi32> -> vector<16xi32>
      %min3A_346 = arith.minsi %min3A_339, %gather3A_345 : vector<16xi32>
      %eq3A_347 = arith.cmpi eq, %iota3A, %min3A_346 : vector<16xi32>
      %broadcast_in_dim3A_348 = arith.constant 1 : i32
      %broadcast_in_dim3A_349 = vector.broadcast %broadcast_in_dim3A_348 : i32 to vector<16xi32>
      %broadcast_in_dim3A_350 = arith.constant 0 : i32
      %broadcast_in_dim3A_351 = vector.broadcast %broadcast_in_dim3A_350 : i32 to vector<16xi32>
      %select_n3A_352 = arith.select %eq3A_347, %broadcast_in_dim3A_349, %broadcast_in_dim3A_351 : vector<16xi1>, vector<16xi32>
      %add3A_353 = arith.addi %add3A_278, %select_n3A_352 : vector<16xi32>
      %broadcast_in_dim3A_354 = arith.constant 0xFF800000 : f32
      %broadcast_in_dim3A_355 = vector.broadcast %broadcast_in_dim3A_354 : f32 to vector<16xf32>
      %select_n3A_356 = arith.select %eq3A_347, %broadcast_in_dim3A_355, %get3A_286 : vector<16xi1>, vector<16xf32>
      %broadcast_in_dim3A_357 = arith.constant 1 : i32
      %broadcast_in_dim3A_358 = vector.broadcast %broadcast_in_dim3A_357 : i32 to vector<16xi32>
      %xor3A_359 = arith.xori %iota3A, %broadcast_in_dim3A_358 : vector<16xi32>
      %broadcast_in_dim3A_360 = vector.shape_cast %xor3A_359 : vector<16xi32> to vector<16x1xi32>
      %gather3A_361 = vector.shape_cast %broadcast_in_dim3A_360 : vector<16x1xi32> to vector<16xi32>
      %gather3A_362 = tpu.dynamic_gather %select_n3A_356[%gather3A_361] in [0] : vector<16xf32>, vector<16xi32> -> vector<16xf32>
      %max3A_363 = arith.maximumf %select_n3A_356, %gather3A_362 : vector<16xf32>
      %broadcast_in_dim3A_364 = arith.constant 2 : i32
      %broadcast_in_dim3A_365 = vector.broadcast %broadcast_in_dim3A_364 : i32 to vector<16xi32>
      %xor3A_366 = arith.xori %iota3A, %broadcast_in_dim3A_365 : vector<16xi32>
      %broadcast_in_dim3A_367 = vector.shape_cast %xor3A_366 : vector<16xi32> to vector<16x1xi32>
      %gather3A_368 = vector.shape_cast %broadcast_in_dim3A_367 : vector<16x1xi32> to vector<16xi32>
      %gather3A_369 = tpu.dynamic_gather %max3A_363[%gather3A_368] in [0] : vector<16xf32>, vector<16xi32> -> vector<16xf32>
      %max3A_370 = arith.maximumf %max3A_363, %gather3A_369 : vector<16xf32>
      %broadcast_in_dim3A_371 = arith.constant 4 : i32
      %broadcast_in_dim3A_372 = vector.broadcast %broadcast_in_dim3A_371 : i32 to vector<16xi32>
      %xor3A_373 = arith.xori %iota3A, %broadcast_in_dim3A_372 : vector<16xi32>
      %broadcast_in_dim3A_374 = vector.shape_cast %xor3A_373 : vector<16xi32> to vector<16x1xi32>
      %gather3A_375 = vector.shape_cast %broadcast_in_dim3A_374 : vector<16x1xi32> to vector<16xi32>
      %gather3A_376 = tpu.dynamic_gather %max3A_370[%gather3A_375] in [0] : vector<16xf32>, vector<16xi32> -> vector<16xf32>
      %max3A_377 = arith.maximumf %max3A_370, %gather3A_376 : vector<16xf32>
      %broadcast_in_dim3A_378 = arith.constant 8 : i32
      %broadcast_in_dim3A_379 = vector.broadcast %broadcast_in_dim3A_378 : i32 to vector<16xi32>
      %xor3A_380 = arith.xori %iota3A, %broadcast_in_dim3A_379 : vector<16xi32>
      %broadcast_in_dim3A_381 = vector.shape_cast %xor3A_380 : vector<16xi32> to vector<16x1xi32>
      %gather3A_382 = vector.shape_cast %broadcast_in_dim3A_381 : vector<16x1xi32> to vector<16xi32>
      %gather3A_383 = tpu.dynamic_gather %max3A_377[%gather3A_382] in [0] : vector<16xf32>, vector<16xi32> -> vector<16xf32>
      %max3A_384 = arith.maximumf %max3A_377, %gather3A_383 : vector<16xf32>
      %eq3A_385 = arith.cmpf oeq, %select_n3A_356, %max3A_384 : vector<16xf32>
      %broadcast_in_dim3A_386 = arith.constant 16 : i32
      %broadcast_in_dim3A_387 = vector.broadcast %broadcast_in_dim3A_386 : i32 to vector<16xi32>
      %select_n3A_388 = arith.select %eq3A_385, %iota3A, %broadcast_in_dim3A_387 : vector<16xi1>, vector<16xi32>
      %broadcast_in_dim3A_389 = arith.constant 1 : i32
      %broadcast_in_dim3A_390 = vector.broadcast %broadcast_in_dim3A_389 : i32 to vector<16xi32>
      %xor3A_391 = arith.xori %iota3A, %broadcast_in_dim3A_390 : vector<16xi32>
      %broadcast_in_dim3A_392 = vector.shape_cast %xor3A_391 : vector<16xi32> to vector<16x1xi32>
      %gather3A_393 = vector.shape_cast %broadcast_in_dim3A_392 : vector<16x1xi32> to vector<16xi32>
      %gather3A_394 = tpu.dynamic_gather %select_n3A_388[%gather3A_393] in [0] : vector<16xi32>, vector<16xi32> -> vector<16xi32>
      %min3A_395 = arith.minsi %select_n3A_388, %gather3A_394 : vector<16xi32>
      %broadcast_in_dim3A_396 = arith.constant 2 : i32
      %broadcast_in_dim3A_397 = vector.broadcast %broadcast_in_dim3A_396 : i32 to vector<16xi32>
      %xor3A_398 = arith.xori %iota3A, %broadcast_in_dim3A_397 : vector<16xi32>
      %broadcast_in_dim3A_399 = vector.shape_cast %xor3A_398 : vector<16xi32> to vector<16x1xi32>
      %gather3A_400 = vector.shape_cast %broadcast_in_dim3A_399 : vector<16x1xi32> to vector<16xi32>
      %gather3A_401 = tpu.dynamic_gather %min3A_395[%gather3A_400] in [0] : vector<16xi32>, vector<16xi32> -> vector<16xi32>
      %min3A_402 = arith.minsi %min3A_395, %gather3A_401 : vector<16xi32>
      %broadcast_in_dim3A_403 = arith.constant 4 : i32
      %broadcast_in_dim3A_404 = vector.broadcast %broadcast_in_dim3A_403 : i32 to vector<16xi32>
      %xor3A_405 = arith.xori %iota3A, %broadcast_in_dim3A_404 : vector<16xi32>
      %broadcast_in_dim3A_406 = vector.shape_cast %xor3A_405 : vector<16xi32> to vector<16x1xi32>
      %gather3A_407 = vector.shape_cast %broadcast_in_dim3A_406 : vector<16x1xi32> to vector<16xi32>
      %gather3A_408 = tpu.dynamic_gather %min3A_402[%gather3A_407] in [0] : vector<16xi32>, vector<16xi32> -> vector<16xi32>
      %min3A_409 = arith.minsi %min3A_402, %gather3A_408 : vector<16xi32>
      %broadcast_in_dim3A_410 = arith.constant 8 : i32
      %broadcast_in_dim3A_411 = vector.broadcast %broadcast_in_dim3A_410 : i32 to vector<16xi32>
      %xor3A_412 = arith.xori %iota3A, %broadcast_in_dim3A_411 : vector<16xi32>
      %broadcast_in_dim3A_413 = vector.shape_cast %xor3A_412 : vector<16xi32> to vector<16x1xi32>
      %gather3A_414 = vector.shape_cast %broadcast_in_dim3A_413 : vector<16x1xi32> to vector<16xi32>
      %gather3A_415 = tpu.dynamic_gather %min3A_409[%gather3A_414] in [0] : vector<16xi32>, vector<16xi32> -> vector<16xi32>
      %min3A_416 = arith.minsi %min3A_409, %gather3A_415 : vector<16xi32>
      %eq3A_417 = arith.cmpi eq, %iota3A, %min3A_416 : vector<16xi32>
      %broadcast_in_dim3A_418 = arith.constant 1 : i32
      %broadcast_in_dim3A_419 = vector.broadcast %broadcast_in_dim3A_418 : i32 to vector<16xi32>
      %broadcast_in_dim3A_420 = arith.constant 0 : i32
      %broadcast_in_dim3A_421 = vector.broadcast %broadcast_in_dim3A_420 : i32 to vector<16xi32>
      %select_n3A_422 = arith.select %eq3A_417, %broadcast_in_dim3A_419, %broadcast_in_dim3A_421 : vector<16xi1>, vector<16xi32>
      %add3A_423 = arith.addi %add3A_353, %select_n3A_422 : vector<16xi32>
      %broadcast_in_dim3A_424 = arith.constant 0xFF800000 : f32
      %broadcast_in_dim3A_425 = vector.broadcast %broadcast_in_dim3A_424 : f32 to vector<16xf32>
      %select_n3A_426 = arith.select %eq3A_417, %broadcast_in_dim3A_425, %select_n3A_356 : vector<16xi1>, vector<16xf32>
      %broadcast_in_dim3A_427 = arith.constant 1 : i32
      %broadcast_in_dim3A_428 = vector.broadcast %broadcast_in_dim3A_427 : i32 to vector<16xi32>
      %xor3A_429 = arith.xori %iota3A, %broadcast_in_dim3A_428 : vector<16xi32>
      %broadcast_in_dim3A_430 = vector.shape_cast %xor3A_429 : vector<16xi32> to vector<16x1xi32>
      %gather3A_431 = vector.shape_cast %broadcast_in_dim3A_430 : vector<16x1xi32> to vector<16xi32>
      %gather3A_432 = tpu.dynamic_gather %select_n3A_426[%gather3A_431] in [0] : vector<16xf32>, vector<16xi32> -> vector<16xf32>
      %max3A_433 = arith.maximumf %select_n3A_426, %gather3A_432 : vector<16xf32>
      %broadcast_in_dim3A_434 = arith.constant 2 : i32
      %broadcast_in_dim3A_435 = vector.broadcast %broadcast_in_dim3A_434 : i32 to vector<16xi32>
      %xor3A_436 = arith.xori %iota3A, %broadcast_in_dim3A_435 : vector<16xi32>
      %broadcast_in_dim3A_437 = vector.shape_cast %xor3A_436 : vector<16xi32> to vector<16x1xi32>
      %gather3A_438 = vector.shape_cast %broadcast_in_dim3A_437 : vector<16x1xi32> to vector<16xi32>
      %gather3A_439 = tpu.dynamic_gather %max3A_433[%gather3A_438] in [0] : vector<16xf32>, vector<16xi32> -> vector<16xf32>
      %max3A_440 = arith.maximumf %max3A_433, %gather3A_439 : vector<16xf32>
      %broadcast_in_dim3A_441 = arith.constant 4 : i32
      %broadcast_in_dim3A_442 = vector.broadcast %broadcast_in_dim3A_441 : i32 to vector<16xi32>
      %xor3A_443 = arith.xori %iota3A, %broadcast_in_dim3A_442 : vector<16xi32>
      %broadcast_in_dim3A_444 = vector.shape_cast %xor3A_443 : vector<16xi32> to vector<16x1xi32>
      %gather3A_445 = vector.shape_cast %broadcast_in_dim3A_444 : vector<16x1xi32> to vector<16xi32>
      %gather3A_446 = tpu.dynamic_gather %max3A_440[%gather3A_445] in [0] : vector<16xf32>, vector<16xi32> -> vector<16xf32>
      %max3A_447 = arith.maximumf %max3A_440, %gather3A_446 : vector<16xf32>
      %broadcast_in_dim3A_448 = arith.constant 8 : i32
      %broadcast_in_dim3A_449 = vector.broadcast %broadcast_in_dim3A_448 : i32 to vector<16xi32>
      %xor3A_450 = arith.xori %iota3A, %broadcast_in_dim3A_449 : vector<16xi32>
      %broadcast_in_dim3A_451 = vector.shape_cast %xor3A_450 : vector<16xi32> to vector<16x1xi32>
      %gather3A_452 = vector.shape_cast %broadcast_in_dim3A_451 : vector<16x1xi32> to vector<16xi32>
      %gather3A_453 = tpu.dynamic_gather %max3A_447[%gather3A_452] in [0] : vector<16xf32>, vector<16xi32> -> vector<16xf32>
      %max3A_454 = arith.maximumf %max3A_447, %gather3A_453 : vector<16xf32>
      %eq3A_455 = arith.cmpf oeq, %select_n3A_426, %max3A_454 : vector<16xf32>
      %broadcast_in_dim3A_456 = arith.constant 16 : i32
      %broadcast_in_dim3A_457 = vector.broadcast %broadcast_in_dim3A_456 : i32 to vector<16xi32>
      %select_n3A_458 = arith.select %eq3A_455, %iota3A, %broadcast_in_dim3A_457 : vector<16xi1>, vector<16xi32>
      %broadcast_in_dim3A_459 = arith.constant 1 : i32
      %broadcast_in_dim3A_460 = vector.broadcast %broadcast_in_dim3A_459 : i32 to vector<16xi32>
      %xor3A_461 = arith.xori %iota3A, %broadcast_in_dim3A_460 : vector<16xi32>
      %broadcast_in_dim3A_462 = vector.shape_cast %xor3A_461 : vector<16xi32> to vector<16x1xi32>
      %gather3A_463 = vector.shape_cast %broadcast_in_dim3A_462 : vector<16x1xi32> to vector<16xi32>
      %gather3A_464 = tpu.dynamic_gather %select_n3A_458[%gather3A_463] in [0] : vector<16xi32>, vector<16xi32> -> vector<16xi32>
      %min3A_465 = arith.minsi %select_n3A_458, %gather3A_464 : vector<16xi32>
      %broadcast_in_dim3A_466 = arith.constant 2 : i32
      %broadcast_in_dim3A_467 = vector.broadcast %broadcast_in_dim3A_466 : i32 to vector<16xi32>
      %xor3A_468 = arith.xori %iota3A, %broadcast_in_dim3A_467 : vector<16xi32>
      %broadcast_in_dim3A_469 = vector.shape_cast %xor3A_468 : vector<16xi32> to vector<16x1xi32>
      %gather3A_470 = vector.shape_cast %broadcast_in_dim3A_469 : vector<16x1xi32> to vector<16xi32>
      %gather3A_471 = tpu.dynamic_gather %min3A_465[%gather3A_470] in [0] : vector<16xi32>, vector<16xi32> -> vector<16xi32>
      %min3A_472 = arith.minsi %min3A_465, %gather3A_471 : vector<16xi32>
      %broadcast_in_dim3A_473 = arith.constant 4 : i32
      %broadcast_in_dim3A_474 = vector.broadcast %broadcast_in_dim3A_473 : i32 to vector<16xi32>
      %xor3A_475 = arith.xori %iota3A, %broadcast_in_dim3A_474 : vector<16xi32>
      %broadcast_in_dim3A_476 = vector.shape_cast %xor3A_475 : vector<16xi32> to vector<16x1xi32>
      %gather3A_477 = vector.shape_cast %broadcast_in_dim3A_476 : vector<16x1xi32> to vector<16xi32>
      %gather3A_478 = tpu.dynamic_gather %min3A_472[%gather3A_477] in [0] : vector<16xi32>, vector<16xi32> -> vector<16xi32>
      %min3A_479 = arith.minsi %min3A_472, %gather3A_478 : vector<16xi32>
      %broadcast_in_dim3A_480 = arith.constant 8 : i32
      %broadcast_in_dim3A_481 = vector.broadcast %broadcast_in_dim3A_480 : i32 to vector<16xi32>
      %xor3A_482 = arith.xori %iota3A, %broadcast_in_dim3A_481 : vector<16xi32>
      %broadcast_in_dim3A_483 = vector.shape_cast %xor3A_482 : vector<16xi32> to vector<16x1xi32>
      %gather3A_484 = vector.shape_cast %broadcast_in_dim3A_483 : vector<16x1xi32> to vector<16xi32>
      %gather3A_485 = tpu.dynamic_gather %min3A_479[%gather3A_484] in [0] : vector<16xi32>, vector<16xi32> -> vector<16xi32>
      %min3A_486 = arith.minsi %min3A_479, %gather3A_485 : vector<16xi32>
      %eq3A_487 = arith.cmpi eq, %iota3A, %min3A_486 : vector<16xi32>
      %broadcast_in_dim3A_488 = arith.constant 1 : i32
      %broadcast_in_dim3A_489 = vector.broadcast %broadcast_in_dim3A_488 : i32 to vector<16xi32>
      %broadcast_in_dim3A_490 = arith.constant 0 : i32
      %broadcast_in_dim3A_491 = vector.broadcast %broadcast_in_dim3A_490 : i32 to vector<16xi32>
      %select_n3A_492 = arith.select %eq3A_487, %broadcast_in_dim3A_489, %broadcast_in_dim3A_491 : vector<16xi1>, vector<16xi32>
      %add3A_493 = arith.addi %add3A_423, %select_n3A_492 : vector<16xi32>
      %broadcast_in_dim3A_494 = arith.constant 0xFF800000 : f32
      %broadcast_in_dim3A_495 = vector.broadcast %broadcast_in_dim3A_494 : f32 to vector<16xf32>
      %select_n3A_496 = arith.select %eq3A_487, %broadcast_in_dim3A_495, %select_n3A_426 : vector<16xi1>, vector<16xf32>
      %broadcast_in_dim3A_497 = arith.constant 1 : i32
      %broadcast_in_dim3A_498 = vector.broadcast %broadcast_in_dim3A_497 : i32 to vector<16xi32>
      %xor3A_499 = arith.xori %iota3A, %broadcast_in_dim3A_498 : vector<16xi32>
      %broadcast_in_dim3A_500 = vector.shape_cast %xor3A_499 : vector<16xi32> to vector<16x1xi32>
      %gather3A_501 = vector.shape_cast %broadcast_in_dim3A_500 : vector<16x1xi32> to vector<16xi32>
      %gather3A_502 = tpu.dynamic_gather %select_n3A_496[%gather3A_501] in [0] : vector<16xf32>, vector<16xi32> -> vector<16xf32>
      %max3A_503 = arith.maximumf %select_n3A_496, %gather3A_502 : vector<16xf32>
      %broadcast_in_dim3A_504 = arith.constant 2 : i32
      %broadcast_in_dim3A_505 = vector.broadcast %broadcast_in_dim3A_504 : i32 to vector<16xi32>
      %xor3A_506 = arith.xori %iota3A, %broadcast_in_dim3A_505 : vector<16xi32>
      %broadcast_in_dim3A_507 = vector.shape_cast %xor3A_506 : vector<16xi32> to vector<16x1xi32>
      %gather3A_508 = vector.shape_cast %broadcast_in_dim3A_507 : vector<16x1xi32> to vector<16xi32>
      %gather3A_509 = tpu.dynamic_gather %max3A_503[%gather3A_508] in [0] : vector<16xf32>, vector<16xi32> -> vector<16xf32>
      %max3A_510 = arith.maximumf %max3A_503, %gather3A_509 : vector<16xf32>
      %broadcast_in_dim3A_511 = arith.constant 4 : i32
      %broadcast_in_dim3A_512 = vector.broadcast %broadcast_in_dim3A_511 : i32 to vector<16xi32>
      %xor3A_513 = arith.xori %iota3A, %broadcast_in_dim3A_512 : vector<16xi32>
      %broadcast_in_dim3A_514 = vector.shape_cast %xor3A_513 : vector<16xi32> to vector<16x1xi32>
      %gather3A_515 = vector.shape_cast %broadcast_in_dim3A_514 : vector<16x1xi32> to vector<16xi32>
      %gather3A_516 = tpu.dynamic_gather %max3A_510[%gather3A_515] in [0] : vector<16xf32>, vector<16xi32> -> vector<16xf32>
      %max3A_517 = arith.maximumf %max3A_510, %gather3A_516 : vector<16xf32>
      %broadcast_in_dim3A_518 = arith.constant 8 : i32
      %broadcast_in_dim3A_519 = vector.broadcast %broadcast_in_dim3A_518 : i32 to vector<16xi32>
      %xor3A_520 = arith.xori %iota3A, %broadcast_in_dim3A_519 : vector<16xi32>
      %broadcast_in_dim3A_521 = vector.shape_cast %xor3A_520 : vector<16xi32> to vector<16x1xi32>
      %gather3A_522 = vector.shape_cast %broadcast_in_dim3A_521 : vector<16x1xi32> to vector<16xi32>
      %gather3A_523 = tpu.dynamic_gather %max3A_517[%gather3A_522] in [0] : vector<16xf32>, vector<16xi32> -> vector<16xf32>
      %max3A_524 = arith.maximumf %max3A_517, %gather3A_523 : vector<16xf32>
      %eq3A_525 = arith.cmpf oeq, %select_n3A_496, %max3A_524 : vector<16xf32>
      %broadcast_in_dim3A_526 = arith.constant 16 : i32
      %broadcast_in_dim3A_527 = vector.broadcast %broadcast_in_dim3A_526 : i32 to vector<16xi32>
      %select_n3A_528 = arith.select %eq3A_525, %iota3A, %broadcast_in_dim3A_527 : vector<16xi1>, vector<16xi32>
      %broadcast_in_dim3A_529 = arith.constant 1 : i32
      %broadcast_in_dim3A_530 = vector.broadcast %broadcast_in_dim3A_529 : i32 to vector<16xi32>
      %xor3A_531 = arith.xori %iota3A, %broadcast_in_dim3A_530 : vector<16xi32>
      %broadcast_in_dim3A_532 = vector.shape_cast %xor3A_531 : vector<16xi32> to vector<16x1xi32>
      %gather3A_533 = vector.shape_cast %broadcast_in_dim3A_532 : vector<16x1xi32> to vector<16xi32>
      %gather3A_534 = tpu.dynamic_gather %select_n3A_528[%gather3A_533] in [0] : vector<16xi32>, vector<16xi32> -> vector<16xi32>
      %min3A_535 = arith.minsi %select_n3A_528, %gather3A_534 : vector<16xi32>
      %broadcast_in_dim3A_536 = arith.constant 2 : i32
      %broadcast_in_dim3A_537 = vector.broadcast %broadcast_in_dim3A_536 : i32 to vector<16xi32>
      %xor3A_538 = arith.xori %iota3A, %broadcast_in_dim3A_537 : vector<16xi32>
      %broadcast_in_dim3A_539 = vector.shape_cast %xor3A_538 : vector<16xi32> to vector<16x1xi32>
      %gather3A_540 = vector.shape_cast %broadcast_in_dim3A_539 : vector<16x1xi32> to vector<16xi32>
      %gather3A_541 = tpu.dynamic_gather %min3A_535[%gather3A_540] in [0] : vector<16xi32>, vector<16xi32> -> vector<16xi32>
      %min3A_542 = arith.minsi %min3A_535, %gather3A_541 : vector<16xi32>
      %broadcast_in_dim3A_543 = arith.constant 4 : i32
      %broadcast_in_dim3A_544 = vector.broadcast %broadcast_in_dim3A_543 : i32 to vector<16xi32>
      %xor3A_545 = arith.xori %iota3A, %broadcast_in_dim3A_544 : vector<16xi32>
      %broadcast_in_dim3A_546 = vector.shape_cast %xor3A_545 : vector<16xi32> to vector<16x1xi32>
      %gather3A_547 = vector.shape_cast %broadcast_in_dim3A_546 : vector<16x1xi32> to vector<16xi32>
      %gather3A_548 = tpu.dynamic_gather %min3A_542[%gather3A_547] in [0] : vector<16xi32>, vector<16xi32> -> vector<16xi32>
      %min3A_549 = arith.minsi %min3A_542, %gather3A_548 : vector<16xi32>
      %broadcast_in_dim3A_550 = arith.constant 8 : i32
      %broadcast_in_dim3A_551 = vector.broadcast %broadcast_in_dim3A_550 : i32 to vector<16xi32>
      %xor3A_552 = arith.xori %iota3A, %broadcast_in_dim3A_551 : vector<16xi32>
      %broadcast_in_dim3A_553 = vector.shape_cast %xor3A_552 : vector<16xi32> to vector<16x1xi32>
      %gather3A_554 = vector.shape_cast %broadcast_in_dim3A_553 : vector<16x1xi32> to vector<16xi32>
      %gather3A_555 = tpu.dynamic_gather %min3A_549[%gather3A_554] in [0] : vector<16xi32>, vector<16xi32> -> vector<16xi32>
      %min3A_556 = arith.minsi %min3A_549, %gather3A_555 : vector<16xi32>
      %eq3A_557 = arith.cmpi eq, %iota3A, %min3A_556 : vector<16xi32>
      %broadcast_in_dim3A_558 = arith.constant 1 : i32
      %broadcast_in_dim3A_559 = vector.broadcast %broadcast_in_dim3A_558 : i32 to vector<16xi32>
      %broadcast_in_dim3A_560 = arith.constant 0 : i32
      %broadcast_in_dim3A_561 = vector.broadcast %broadcast_in_dim3A_560 : i32 to vector<16xi32>
      %select_n3A_562 = arith.select %eq3A_557, %broadcast_in_dim3A_559, %broadcast_in_dim3A_561 : vector<16xi1>, vector<16xi32>
      %add3A_563 = arith.addi %add3A_493, %select_n3A_562 : vector<16xi32>
      %broadcast_in_dim3A_564 = arith.constant 0xFF800000 : f32
      %broadcast_in_dim3A_565 = vector.broadcast %broadcast_in_dim3A_564 : f32 to vector<16xf32>
      %select_n3A_566 = arith.select %eq3A_557, %broadcast_in_dim3A_565, %select_n3A_496 : vector<16xi1>, vector<16xf32>
      %get3A_567 = arith.constant 2 : i32
      %get3A_568 = arith.index_cast %get3A_567 : i32 to index
      %get3A_569 = arith.constant 0 : index
      %get3A_570 = tpu.vector_load %arg7[%get3A_568, %get3A_569] {strides = array<i32>} : memref<8x16xf32, #tpu.memory_space<vmem>>, vector<1x16xf32>,
      %get3A_571 = vector.shape_cast %get3A_570 : vector<1x16xf32> to vector<16xf32>
      %broadcast_in_dim3A_572 = arith.constant 1 : i32
      %broadcast_in_dim3A_573 = vector.broadcast %broadcast_in_dim3A_572 : i32 to vector<16xi32>
      %xor3A_574 = arith.xori %iota3A, %broadcast_in_dim3A_573 : vector<16xi32>
      %broadcast_in_dim3A_575 = vector.shape_cast %xor3A_574 : vector<16xi32> to vector<16x1xi32>
      %gather3A_576 = vector.shape_cast %broadcast_in_dim3A_575 : vector<16x1xi32> to vector<16xi32>
      %gather3A_577 = tpu.dynamic_gather %get3A_571[%gather3A_576] in [0] : vector<16xf32>, vector<16xi32> -> vector<16xf32>
      %max3A_578 = arith.maximumf %get3A_571, %gather3A_577 : vector<16xf32>
      %broadcast_in_dim3A_579 = arith.constant 2 : i32
      %broadcast_in_dim3A_580 = vector.broadcast %broadcast_in_dim3A_579 : i32 to vector<16xi32>
      %xor3A_581 = arith.xori %iota3A, %broadcast_in_dim3A_580 : vector<16xi32>
      %broadcast_in_dim3A_582 = vector.shape_cast %xor3A_581 : vector<16xi32> to vector<16x1xi32>
      %gather3A_583 = vector.shape_cast %broadcast_in_dim3A_582 : vector<16x1xi32> to vector<16xi32>
      %gather3A_584 = tpu.dynamic_gather %max3A_578[%gather3A_583] in [0] : vector<16xf32>, vector<16xi32> -> vector<16xf32>
      %max3A_585 = arith.maximumf %max3A_578, %gather3A_584 : vector<16xf32>
      %broadcast_in_dim3A_586 = arith.constant 4 : i32
      %broadcast_in_dim3A_587 = vector.broadcast %broadcast_in_dim3A_586 : i32 to vector<16xi32>
      %xor3A_588 = arith.xori %iota3A, %broadcast_in_dim3A_587 : vector<16xi32>
      %broadcast_in_dim3A_589 = vector.shape_cast %xor3A_588 : vector<16xi32> to vector<16x1xi32>
      %gather3A_590 = vector.shape_cast %broadcast_in_dim3A_589 : vector<16x1xi32> to vector<16xi32>
      %gather3A_591 = tpu.dynamic_gather %max3A_585[%gather3A_590] in [0] : vector<16xf32>, vector<16xi32> -> vector<16xf32>
      %max3A_592 = arith.maximumf %max3A_585, %gather3A_591 : vector<16xf32>
      %broadcast_in_dim3A_593 = arith.constant 8 : i32
      %broadcast_in_dim3A_594 = vector.broadcast %broadcast_in_dim3A_593 : i32 to vector<16xi32>
      %xor3A_595 = arith.xori %iota3A, %broadcast_in_dim3A_594 : vector<16xi32>
      %broadcast_in_dim3A_596 = vector.shape_cast %xor3A_595 : vector<16xi32> to vector<16x1xi32>
      %gather3A_597 = vector.shape_cast %broadcast_in_dim3A_596 : vector<16x1xi32> to vector<16xi32>
      %gather3A_598 = tpu.dynamic_gather %max3A_592[%gather3A_597] in [0] : vector<16xf32>, vector<16xi32> -> vector<16xf32>
      %max3A_599 = arith.maximumf %max3A_592, %gather3A_598 : vector<16xf32>
      %eq3A_600 = arith.cmpf oeq, %get3A_571, %max3A_599 : vector<16xf32>
      %broadcast_in_dim3A_601 = arith.constant 16 : i32
      %broadcast_in_dim3A_602 = vector.broadcast %broadcast_in_dim3A_601 : i32 to vector<16xi32>
      %select_n3A_603 = arith.select %eq3A_600, %iota3A, %broadcast_in_dim3A_602 : vector<16xi1>, vector<16xi32>
      %broadcast_in_dim3A_604 = arith.constant 1 : i32
      %broadcast_in_dim3A_605 = vector.broadcast %broadcast_in_dim3A_604 : i32 to vector<16xi32>
      %xor3A_606 = arith.xori %iota3A, %broadcast_in_dim3A_605 : vector<16xi32>
      %broadcast_in_dim3A_607 = vector.shape_cast %xor3A_606 : vector<16xi32> to vector<16x1xi32>
      %gather3A_608 = vector.shape_cast %broadcast_in_dim3A_607 : vector<16x1xi32> to vector<16xi32>
      %gather3A_609 = tpu.dynamic_gather %select_n3A_603[%gather3A_608] in [0] : vector<16xi32>, vector<16xi32> -> vector<16xi32>
      %min3A_610 = arith.minsi %select_n3A_603, %gather3A_609 : vector<16xi32>
      %broadcast_in_dim3A_611 = arith.constant 2 : i32
      %broadcast_in_dim3A_612 = vector.broadcast %broadcast_in_dim3A_611 : i32 to vector<16xi32>
      %xor3A_613 = arith.xori %iota3A, %broadcast_in_dim3A_612 : vector<16xi32>
      %broadcast_in_dim3A_614 = vector.shape_cast %xor3A_613 : vector<16xi32> to vector<16x1xi32>
      %gather3A_615 = vector.shape_cast %broadcast_in_dim3A_614 : vector<16x1xi32> to vector<16xi32>
      %gather3A_616 = tpu.dynamic_gather %min3A_610[%gather3A_615] in [0] : vector<16xi32>, vector<16xi32> -> vector<16xi32>
      %min3A_617 = arith.minsi %min3A_610, %gather3A_616 : vector<16xi32>
      %broadcast_in_dim3A_618 = arith.constant 4 : i32
      %broadcast_in_dim3A_619 = vector.broadcast %broadcast_in_dim3A_618 : i32 to vector<16xi32>
      %xor3A_620 = arith.xori %iota3A, %broadcast_in_dim3A_619 : vector<16xi32>
      %broadcast_in_dim3A_621 = vector.shape_cast %xor3A_620 : vector<16xi32> to vector<16x1xi32>
      %gather3A_622 = vector.shape_cast %broadcast_in_dim3A_621 : vector<16x1xi32> to vector<16xi32>
      %gather3A_623 = tpu.dynamic_gather %min3A_617[%gather3A_622] in [0] : vector<16xi32>, vector<16xi32> -> vector<16xi32>
      %min3A_624 = arith.minsi %min3A_617, %gather3A_623 : vector<16xi32>
      %broadcast_in_dim3A_625 = arith.constant 8 : i32
      %broadcast_in_dim3A_626 = vector.broadcast %broadcast_in_dim3A_625 : i32 to vector<16xi32>
      %xor3A_627 = arith.xori %iota3A, %broadcast_in_dim3A_626 : vector<16xi32>
      %broadcast_in_dim3A_628 = vector.shape_cast %xor3A_627 : vector<16xi32> to vector<16x1xi32>
      %gather3A_629 = vector.shape_cast %broadcast_in_dim3A_628 : vector<16x1xi32> to vector<16xi32>
      %gather3A_630 = tpu.dynamic_gather %min3A_624[%gather3A_629] in [0] : vector<16xi32>, vector<16xi32> -> vector<16xi32>
      %min3A_631 = arith.minsi %min3A_624, %gather3A_630 : vector<16xi32>
      %eq3A_632 = arith.cmpi eq, %iota3A, %min3A_631 : vector<16xi32>
      %broadcast_in_dim3A_633 = arith.constant 1 : i32
      %broadcast_in_dim3A_634 = vector.broadcast %broadcast_in_dim3A_633 : i32 to vector<16xi32>
      %broadcast_in_dim3A_635 = arith.constant 0 : i32
      %broadcast_in_dim3A_636 = vector.broadcast %broadcast_in_dim3A_635 : i32 to vector<16xi32>
      %select_n3A_637 = arith.select %eq3A_632, %broadcast_in_dim3A_634, %broadcast_in_dim3A_636 : vector<16xi1>, vector<16xi32>
      %add3A_638 = arith.addi %add3A_563, %select_n3A_637 : vector<16xi32>
      %broadcast_in_dim3A_639 = arith.constant 0xFF800000 : f32
      %broadcast_in_dim3A_640 = vector.broadcast %broadcast_in_dim3A_639 : f32 to vector<16xf32>
      %select_n3A_641 = arith.select %eq3A_632, %broadcast_in_dim3A_640, %get3A_571 : vector<16xi1>, vector<16xf32>
      %broadcast_in_dim3A_642 = arith.constant 1 : i32
      %broadcast_in_dim3A_643 = vector.broadcast %broadcast_in_dim3A_642 : i32 to vector<16xi32>
      %xor3A_644 = arith.xori %iota3A, %broadcast_in_dim3A_643 : vector<16xi32>
      %broadcast_in_dim3A_645 = vector.shape_cast %xor3A_644 : vector<16xi32> to vector<16x1xi32>
      %gather3A_646 = vector.shape_cast %broadcast_in_dim3A_645 : vector<16x1xi32> to vector<16xi32>
      %gather3A_647 = tpu.dynamic_gather %select_n3A_641[%gather3A_646] in [0] : vector<16xf32>, vector<16xi32> -> vector<16xf32>
      %max3A_648 = arith.maximumf %select_n3A_641, %gather3A_647 : vector<16xf32>
      %broadcast_in_dim3A_649 = arith.constant 2 : i32
      %broadcast_in_dim3A_650 = vector.broadcast %broadcast_in_dim3A_649 : i32 to vector<16xi32>
      %xor3A_651 = arith.xori %iota3A, %broadcast_in_dim3A_650 : vector<16xi32>
      %broadcast_in_dim3A_652 = vector.shape_cast %xor3A_651 : vector<16xi32> to vector<16x1xi32>
      %gather3A_653 = vector.shape_cast %broadcast_in_dim3A_652 : vector<16x1xi32> to vector<16xi32>
      %gather3A_654 = tpu.dynamic_gather %max3A_648[%gather3A_653] in [0] : vector<16xf32>, vector<16xi32> -> vector<16xf32>
      %max3A_655 = arith.maximumf %max3A_648, %gather3A_654 : vector<16xf32>
      %broadcast_in_dim3A_656 = arith.constant 4 : i32
      %broadcast_in_dim3A_657 = vector.broadcast %broadcast_in_dim3A_656 : i32 to vector<16xi32>
      %xor3A_658 = arith.xori %iota3A, %broadcast_in_dim3A_657 : vector<16xi32>
      %broadcast_in_dim3A_659 = vector.shape_cast %xor3A_658 : vector<16xi32> to vector<16x1xi32>
      %gather3A_660 = vector.shape_cast %broadcast_in_dim3A_659 : vector<16x1xi32> to vector<16xi32>
      %gather3A_661 = tpu.dynamic_gather %max3A_655[%gather3A_660] in [0] : vector<16xf32>, vector<16xi32> -> vector<16xf32>
      %max3A_662 = arith.maximumf %max3A_655, %gather3A_661 : vector<16xf32>
      %broadcast_in_dim3A_663 = arith.constant 8 : i32
      %broadcast_in_dim3A_664 = vector.broadcast %broadcast_in_dim3A_663 : i32 to vector<16xi32>
      %xor3A_665 = arith.xori %iota3A, %broadcast_in_dim3A_664 : vector<16xi32>
      %broadcast_in_dim3A_666 = vector.shape_cast %xor3A_665 : vector<16xi32> to vector<16x1xi32>
      %gather3A_667 = vector.shape_cast %broadcast_in_dim3A_666 : vector<16x1xi32> to vector<16xi32>
      %gather3A_668 = tpu.dynamic_gather %max3A_662[%gather3A_667] in [0] : vector<16xf32>, vector<16xi32> -> vector<16xf32>
      %max3A_669 = arith.maximumf %max3A_662, %gather3A_668 : vector<16xf32>
      %eq3A_670 = arith.cmpf oeq, %select_n3A_641, %max3A_669 : vector<16xf32>
      %broadcast_in_dim3A_671 = arith.constant 16 : i32
      %broadcast_in_dim3A_672 = vector.broadcast %broadcast_in_dim3A_671 : i32 to vector<16xi32>
      %select_n3A_673 = arith.select %eq3A_670, %iota3A, %broadcast_in_dim3A_672 : vector<16xi1>, vector<16xi32>
      %broadcast_in_dim3A_674 = arith.constant 1 : i32
      %broadcast_in_dim3A_675 = vector.broadcast %broadcast_in_dim3A_674 : i32 to vector<16xi32>
      %xor3A_676 = arith.xori %iota3A, %broadcast_in_dim3A_675 : vector<16xi32>
      %broadcast_in_dim3A_677 = vector.shape_cast %xor3A_676 : vector<16xi32> to vector<16x1xi32>
      %gather3A_678 = vector.shape_cast %broadcast_in_dim3A_677 : vector<16x1xi32> to vector<16xi32>
      %gather3A_679 = tpu.dynamic_gather %select_n3A_673[%gather3A_678] in [0] : vector<16xi32>, vector<16xi32> -> vector<16xi32>
      %min3A_680 = arith.minsi %select_n3A_673, %gather3A_679 : vector<16xi32>
      %broadcast_in_dim3A_681 = arith.constant 2 : i32
      %broadcast_in_dim3A_682 = vector.broadcast %broadcast_in_dim3A_681 : i32 to vector<16xi32>
      %xor3A_683 = arith.xori %iota3A, %broadcast_in_dim3A_682 : vector<16xi32>
      %broadcast_in_dim3A_684 = vector.shape_cast %xor3A_683 : vector<16xi32> to vector<16x1xi32>
      %gather3A_685 = vector.shape_cast %broadcast_in_dim3A_684 : vector<16x1xi32> to vector<16xi32>
      %gather3A_686 = tpu.dynamic_gather %min3A_680[%gather3A_685] in [0] : vector<16xi32>, vector<16xi32> -> vector<16xi32>
      %min3A_687 = arith.minsi %min3A_680, %gather3A_686 : vector<16xi32>
      %broadcast_in_dim3A_688 = arith.constant 4 : i32
      %broadcast_in_dim3A_689 = vector.broadcast %broadcast_in_dim3A_688 : i32 to vector<16xi32>
      %xor3A_690 = arith.xori %iota3A, %broadcast_in_dim3A_689 : vector<16xi32>
      %broadcast_in_dim3A_691 = vector.shape_cast %xor3A_690 : vector<16xi32> to vector<16x1xi32>
      %gather3A_692 = vector.shape_cast %broadcast_in_dim3A_691 : vector<16x1xi32> to vector<16xi32>
      %gather3A_693 = tpu.dynamic_gather %min3A_687[%gather3A_692] in [0] : vector<16xi32>, vector<16xi32> -> vector<16xi32>
      %min3A_694 = arith.minsi %min3A_687, %gather3A_693 : vector<16xi32>
      %broadcast_in_dim3A_695 = arith.constant 8 : i32
      %broadcast_in_dim3A_696 = vector.broadcast %broadcast_in_dim3A_695 : i32 to vector<16xi32>
      %xor3A_697 = arith.xori %iota3A, %broadcast_in_dim3A_696 : vector<16xi32>
      %broadcast_in_dim3A_698 = vector.shape_cast %xor3A_697 : vector<16xi32> to vector<16x1xi32>
      %gather3A_699 = vector.shape_cast %broadcast_in_dim3A_698 : vector<16x1xi32> to vector<16xi32>
      %gather3A_700 = tpu.dynamic_gather %min3A_694[%gather3A_699] in [0] : vector<16xi32>, vector<16xi32> -> vector<16xi32>
      %min3A_701 = arith.minsi %min3A_694, %gather3A_700 : vector<16xi32>
      %eq3A_702 = arith.cmpi eq, %iota3A, %min3A_701 : vector<16xi32>
      %broadcast_in_dim3A_703 = arith.constant 1 : i32
      %broadcast_in_dim3A_704 = vector.broadcast %broadcast_in_dim3A_703 : i32 to vector<16xi32>
      %broadcast_in_dim3A_705 = arith.constant 0 : i32
      %broadcast_in_dim3A_706 = vector.broadcast %broadcast_in_dim3A_705 : i32 to vector<16xi32>
      %select_n3A_707 = arith.select %eq3A_702, %broadcast_in_dim3A_704, %broadcast_in_dim3A_706 : vector<16xi1>, vector<16xi32>
      %add3A_708 = arith.addi %add3A_638, %select_n3A_707 : vector<16xi32>
      %broadcast_in_dim3A_709 = arith.constant 0xFF800000 : f32
      %broadcast_in_dim3A_710 = vector.broadcast %broadcast_in_dim3A_709 : f32 to vector<16xf32>
      %select_n3A_711 = arith.select %eq3A_702, %broadcast_in_dim3A_710, %select_n3A_641 : vector<16xi1>, vector<16xf32>
      %broadcast_in_dim3A_712 = arith.constant 1 : i32
      %broadcast_in_dim3A_713 = vector.broadcast %broadcast_in_dim3A_712 : i32 to vector<16xi32>
      %xor3A_714 = arith.xori %iota3A, %broadcast_in_dim3A_713 : vector<16xi32>
      %broadcast_in_dim3A_715 = vector.shape_cast %xor3A_714 : vector<16xi32> to vector<16x1xi32>
      %gather3A_716 = vector.shape_cast %broadcast_in_dim3A_715 : vector<16x1xi32> to vector<16xi32>
      %gather3A_717 = tpu.dynamic_gather %select_n3A_711[%gather3A_716] in [0] : vector<16xf32>, vector<16xi32> -> vector<16xf32>
      %max3A_718 = arith.maximumf %select_n3A_711, %gather3A_717 : vector<16xf32>
      %broadcast_in_dim3A_719 = arith.constant 2 : i32
      %broadcast_in_dim3A_720 = vector.broadcast %broadcast_in_dim3A_719 : i32 to vector<16xi32>
      %xor3A_721 = arith.xori %iota3A, %broadcast_in_dim3A_720 : vector<16xi32>
      %broadcast_in_dim3A_722 = vector.shape_cast %xor3A_721 : vector<16xi32> to vector<16x1xi32>
      %gather3A_723 = vector.shape_cast %broadcast_in_dim3A_722 : vector<16x1xi32> to vector<16xi32>
      %gather3A_724 = tpu.dynamic_gather %max3A_718[%gather3A_723] in [0] : vector<16xf32>, vector<16xi32> -> vector<16xf32>
      %max3A_725 = arith.maximumf %max3A_718, %gather3A_724 : vector<16xf32>
      %broadcast_in_dim3A_726 = arith.constant 4 : i32
      %broadcast_in_dim3A_727 = vector.broadcast %broadcast_in_dim3A_726 : i32 to vector<16xi32>
      %xor3A_728 = arith.xori %iota3A, %broadcast_in_dim3A_727 : vector<16xi32>
      %broadcast_in_dim3A_729 = vector.shape_cast %xor3A_728 : vector<16xi32> to vector<16x1xi32>
      %gather3A_730 = vector.shape_cast %broadcast_in_dim3A_729 : vector<16x1xi32> to vector<16xi32>
      %gather3A_731 = tpu.dynamic_gather %max3A_725[%gather3A_730] in [0] : vector<16xf32>, vector<16xi32> -> vector<16xf32>
      %max3A_732 = arith.maximumf %max3A_725, %gather3A_731 : vector<16xf32>
      %broadcast_in_dim3A_733 = arith.constant 8 : i32
      %broadcast_in_dim3A_734 = vector.broadcast %broadcast_in_dim3A_733 : i32 to vector<16xi32>
      %xor3A_735 = arith.xori %iota3A, %broadcast_in_dim3A_734 : vector<16xi32>
      %broadcast_in_dim3A_736 = vector.shape_cast %xor3A_735 : vector<16xi32> to vector<16x1xi32>
      %gather3A_737 = vector.shape_cast %broadcast_in_dim3A_736 : vector<16x1xi32> to vector<16xi32>
      %gather3A_738 = tpu.dynamic_gather %max3A_732[%gather3A_737] in [0] : vector<16xf32>, vector<16xi32> -> vector<16xf32>
      %max3A_739 = arith.maximumf %max3A_732, %gather3A_738 : vector<16xf32>
      %eq3A_740 = arith.cmpf oeq, %select_n3A_711, %max3A_739 : vector<16xf32>
      %broadcast_in_dim3A_741 = arith.constant 16 : i32
      %broadcast_in_dim3A_742 = vector.broadcast %broadcast_in_dim3A_741 : i32 to vector<16xi32>
      %select_n3A_743 = arith.select %eq3A_740, %iota3A, %broadcast_in_dim3A_742 : vector<16xi1>, vector<16xi32>
      %broadcast_in_dim3A_744 = arith.constant 1 : i32
      %broadcast_in_dim3A_745 = vector.broadcast %broadcast_in_dim3A_744 : i32 to vector<16xi32>
      %xor3A_746 = arith.xori %iota3A, %broadcast_in_dim3A_745 : vector<16xi32>
      %broadcast_in_dim3A_747 = vector.shape_cast %xor3A_746 : vector<16xi32> to vector<16x1xi32>
      %gather3A_748 = vector.shape_cast %broadcast_in_dim3A_747 : vector<16x1xi32> to vector<16xi32>
      %gather3A_749 = tpu.dynamic_gather %select_n3A_743[%gather3A_748] in [0] : vector<16xi32>, vector<16xi32> -> vector<16xi32>
      %min3A_750 = arith.minsi %select_n3A_743, %gather3A_749 : vector<16xi32>
      %broadcast_in_dim3A_751 = arith.constant 2 : i32
      %broadcast_in_dim3A_752 = vector.broadcast %broadcast_in_dim3A_751 : i32 to vector<16xi32>
      %xor3A_753 = arith.xori %iota3A, %broadcast_in_dim3A_752 : vector<16xi32>
      %broadcast_in_dim3A_754 = vector.shape_cast %xor3A_753 : vector<16xi32> to vector<16x1xi32>
      %gather3A_755 = vector.shape_cast %broadcast_in_dim3A_754 : vector<16x1xi32> to vector<16xi32>
      %gather3A_756 = tpu.dynamic_gather %min3A_750[%gather3A_755] in [0] : vector<16xi32>, vector<16xi32> -> vector<16xi32>
      %min3A_757 = arith.minsi %min3A_750, %gather3A_756 : vector<16xi32>
      %broadcast_in_dim3A_758 = arith.constant 4 : i32
      %broadcast_in_dim3A_759 = vector.broadcast %broadcast_in_dim3A_758 : i32 to vector<16xi32>
      %xor3A_760 = arith.xori %iota3A, %broadcast_in_dim3A_759 : vector<16xi32>
      %broadcast_in_dim3A_761 = vector.shape_cast %xor3A_760 : vector<16xi32> to vector<16x1xi32>
      %gather3A_762 = vector.shape_cast %broadcast_in_dim3A_761 : vector<16x1xi32> to vector<16xi32>
      %gather3A_763 = tpu.dynamic_gather %min3A_757[%gather3A_762] in [0] : vector<16xi32>, vector<16xi32> -> vector<16xi32>
      %min3A_764 = arith.minsi %min3A_757, %gather3A_763 : vector<16xi32>
      %broadcast_in_dim3A_765 = arith.constant 8 : i32
      %broadcast_in_dim3A_766 = vector.broadcast %broadcast_in_dim3A_765 : i32 to vector<16xi32>
      %xor3A_767 = arith.xori %iota3A, %broadcast_in_dim3A_766 : vector<16xi32>
      %broadcast_in_dim3A_768 = vector.shape_cast %xor3A_767 : vector<16xi32> to vector<16x1xi32>
      %gather3A_769 = vector.shape_cast %broadcast_in_dim3A_768 : vector<16x1xi32> to vector<16xi32>
      %gather3A_770 = tpu.dynamic_gather %min3A_764[%gather3A_769] in [0] : vector<16xi32>, vector<16xi32> -> vector<16xi32>
      %min3A_771 = arith.minsi %min3A_764, %gather3A_770 : vector<16xi32>
      %eq3A_772 = arith.cmpi eq, %iota3A, %min3A_771 : vector<16xi32>
      %broadcast_in_dim3A_773 = arith.constant 1 : i32
      %broadcast_in_dim3A_774 = vector.broadcast %broadcast_in_dim3A_773 : i32 to vector<16xi32>
      %broadcast_in_dim3A_775 = arith.constant 0 : i32
      %broadcast_in_dim3A_776 = vector.broadcast %broadcast_in_dim3A_775 : i32 to vector<16xi32>
      %select_n3A_777 = arith.select %eq3A_772, %broadcast_in_dim3A_774, %broadcast_in_dim3A_776 : vector<16xi1>, vector<16xi32>
      %add3A_778 = arith.addi %add3A_708, %select_n3A_777 : vector<16xi32>
      %broadcast_in_dim3A_779 = arith.constant 0xFF800000 : f32
      %broadcast_in_dim3A_780 = vector.broadcast %broadcast_in_dim3A_779 : f32 to vector<16xf32>
      %select_n3A_781 = arith.select %eq3A_772, %broadcast_in_dim3A_780, %select_n3A_711 : vector<16xi1>, vector<16xf32>
      %broadcast_in_dim3A_782 = arith.constant 1 : i32
      %broadcast_in_dim3A_783 = vector.broadcast %broadcast_in_dim3A_782 : i32 to vector<16xi32>
      %xor3A_784 = arith.xori %iota3A, %broadcast_in_dim3A_783 : vector<16xi32>
      %broadcast_in_dim3A_785 = vector.shape_cast %xor3A_784 : vector<16xi32> to vector<16x1xi32>
      %gather3A_786 = vector.shape_cast %broadcast_in_dim3A_785 : vector<16x1xi32> to vector<16xi32>
      %gather3A_787 = tpu.dynamic_gather %select_n3A_781[%gather3A_786] in [0] : vector<16xf32>, vector<16xi32> -> vector<16xf32>
      %max3A_788 = arith.maximumf %select_n3A_781, %gather3A_787 : vector<16xf32>
      %broadcast_in_dim3A_789 = arith.constant 2 : i32
      %broadcast_in_dim3A_790 = vector.broadcast %broadcast_in_dim3A_789 : i32 to vector<16xi32>
      %xor3A_791 = arith.xori %iota3A, %broadcast_in_dim3A_790 : vector<16xi32>
      %broadcast_in_dim3A_792 = vector.shape_cast %xor3A_791 : vector<16xi32> to vector<16x1xi32>
      %gather3A_793 = vector.shape_cast %broadcast_in_dim3A_792 : vector<16x1xi32> to vector<16xi32>
      %gather3A_794 = tpu.dynamic_gather %max3A_788[%gather3A_793] in [0] : vector<16xf32>, vector<16xi32> -> vector<16xf32>
      %max3A_795 = arith.maximumf %max3A_788, %gather3A_794 : vector<16xf32>
      %broadcast_in_dim3A_796 = arith.constant 4 : i32
      %broadcast_in_dim3A_797 = vector.broadcast %broadcast_in_dim3A_796 : i32 to vector<16xi32>
      %xor3A_798 = arith.xori %iota3A, %broadcast_in_dim3A_797 : vector<16xi32>
      %broadcast_in_dim3A_799 = vector.shape_cast %xor3A_798 : vector<16xi32> to vector<16x1xi32>
      %gather3A_800 = vector.shape_cast %broadcast_in_dim3A_799 : vector<16x1xi32> to vector<16xi32>
      %gather3A_801 = tpu.dynamic_gather %max3A_795[%gather3A_800] in [0] : vector<16xf32>, vector<16xi32> -> vector<16xf32>
      %max3A_802 = arith.maximumf %max3A_795, %gather3A_801 : vector<16xf32>
      %broadcast_in_dim3A_803 = arith.constant 8 : i32
      %broadcast_in_dim3A_804 = vector.broadcast %broadcast_in_dim3A_803 : i32 to vector<16xi32>
      %xor3A_805 = arith.xori %iota3A, %broadcast_in_dim3A_804 : vector<16xi32>
      %broadcast_in_dim3A_806 = vector.shape_cast %xor3A_805 : vector<16xi32> to vector<16x1xi32>
      %gather3A_807 = vector.shape_cast %broadcast_in_dim3A_806 : vector<16x1xi32> to vector<16xi32>
      %gather3A_808 = tpu.dynamic_gather %max3A_802[%gather3A_807] in [0] : vector<16xf32>, vector<16xi32> -> vector<16xf32>
      %max3A_809 = arith.maximumf %max3A_802, %gather3A_808 : vector<16xf32>
      %eq3A_810 = arith.cmpf oeq, %select_n3A_781, %max3A_809 : vector<16xf32>
      %broadcast_in_dim3A_811 = arith.constant 16 : i32
      %broadcast_in_dim3A_812 = vector.broadcast %broadcast_in_dim3A_811 : i32 to vector<16xi32>
      %select_n3A_813 = arith.select %eq3A_810, %iota3A, %broadcast_in_dim3A_812 : vector<16xi1>, vector<16xi32>
      %broadcast_in_dim3A_814 = arith.constant 1 : i32
      %broadcast_in_dim3A_815 = vector.broadcast %broadcast_in_dim3A_814 : i32 to vector<16xi32>
      %xor3A_816 = arith.xori %iota3A, %broadcast_in_dim3A_815 : vector<16xi32>
      %broadcast_in_dim3A_817 = vector.shape_cast %xor3A_816 : vector<16xi32> to vector<16x1xi32>
      %gather3A_818 = vector.shape_cast %broadcast_in_dim3A_817 : vector<16x1xi32> to vector<16xi32>
      %gather3A_819 = tpu.dynamic_gather %select_n3A_813[%gather3A_818] in [0] : vector<16xi32>, vector<16xi32> -> vector<16xi32>
      %min3A_820 = arith.minsi %select_n3A_813, %gather3A_819 : vector<16xi32>
      %broadcast_in_dim3A_821 = arith.constant 2 : i32
      %broadcast_in_dim3A_822 = vector.broadcast %broadcast_in_dim3A_821 : i32 to vector<16xi32>
      %xor3A_823 = arith.xori %iota3A, %broadcast_in_dim3A_822 : vector<16xi32>
      %broadcast_in_dim3A_824 = vector.shape_cast %xor3A_823 : vector<16xi32> to vector<16x1xi32>
      %gather3A_825 = vector.shape_cast %broadcast_in_dim3A_824 : vector<16x1xi32> to vector<16xi32>
      %gather3A_826 = tpu.dynamic_gather %min3A_820[%gather3A_825] in [0] : vector<16xi32>, vector<16xi32> -> vector<16xi32>
      %min3A_827 = arith.minsi %min3A_820, %gather3A_826 : vector<16xi32>
      %broadcast_in_dim3A_828 = arith.constant 4 : i32
      %broadcast_in_dim3A_829 = vector.broadcast %broadcast_in_dim3A_828 : i32 to vector<16xi32>
      %xor3A_830 = arith.xori %iota3A, %broadcast_in_dim3A_829 : vector<16xi32>
      %broadcast_in_dim3A_831 = vector.shape_cast %xor3A_830 : vector<16xi32> to vector<16x1xi32>
      %gather3A_832 = vector.shape_cast %broadcast_in_dim3A_831 : vector<16x1xi32> to vector<16xi32>
      %gather3A_833 = tpu.dynamic_gather %min3A_827[%gather3A_832] in [0] : vector<16xi32>, vector<16xi32> -> vector<16xi32>
      %min3A_834 = arith.minsi %min3A_827, %gather3A_833 : vector<16xi32>
      %broadcast_in_dim3A_835 = arith.constant 8 : i32
      %broadcast_in_dim3A_836 = vector.broadcast %broadcast_in_dim3A_835 : i32 to vector<16xi32>
      %xor3A_837 = arith.xori %iota3A, %broadcast_in_dim3A_836 : vector<16xi32>
      %broadcast_in_dim3A_838 = vector.shape_cast %xor3A_837 : vector<16xi32> to vector<16x1xi32>
      %gather3A_839 = vector.shape_cast %broadcast_in_dim3A_838 : vector<16x1xi32> to vector<16xi32>
      %gather3A_840 = tpu.dynamic_gather %min3A_834[%gather3A_839] in [0] : vector<16xi32>, vector<16xi32> -> vector<16xi32>
      %min3A_841 = arith.minsi %min3A_834, %gather3A_840 : vector<16xi32>
      %eq3A_842 = arith.cmpi eq, %iota3A, %min3A_841 : vector<16xi32>
      %broadcast_in_dim3A_843 = arith.constant 1 : i32
      %broadcast_in_dim3A_844 = vector.broadcast %broadcast_in_dim3A_843 : i32 to vector<16xi32>
      %broadcast_in_dim3A_845 = arith.constant 0 : i32
      %broadcast_in_dim3A_846 = vector.broadcast %broadcast_in_dim3A_845 : i32 to vector<16xi32>
      %select_n3A_847 = arith.select %eq3A_842, %broadcast_in_dim3A_844, %broadcast_in_dim3A_846 : vector<16xi1>, vector<16xi32>
      %add3A_848 = arith.addi %add3A_778, %select_n3A_847 : vector<16xi32>
      %broadcast_in_dim3A_849 = arith.constant 0xFF800000 : f32
      %broadcast_in_dim3A_850 = vector.broadcast %broadcast_in_dim3A_849 : f32 to vector<16xf32>
      %select_n3A_851 = arith.select %eq3A_842, %broadcast_in_dim3A_850, %select_n3A_781 : vector<16xi1>, vector<16xf32>
      %get3A_852 = arith.constant 3 : i32
      %get3A_853 = arith.index_cast %get3A_852 : i32 to index
      %get3A_854 = arith.constant 0 : index
      %get3A_855 = tpu.vector_load %arg7[%get3A_853, %get3A_854] {strides = array<i32>} : memref<8x16xf32, #tpu.memory_space<vmem>>, vector<1x16xf32>,
      %get3A_856 = vector.shape_cast %get3A_855 : vector<1x16xf32> to vector<16xf32>
      %broadcast_in_dim3A_857 = arith.constant 1 : i32
      %broadcast_in_dim3A_858 = vector.broadcast %broadcast_in_dim3A_857 : i32 to vector<16xi32>
      %xor3A_859 = arith.xori %iota3A, %broadcast_in_dim3A_858 : vector<16xi32>
      %broadcast_in_dim3A_860 = vector.shape_cast %xor3A_859 : vector<16xi32> to vector<16x1xi32>
      %gather3A_861 = vector.shape_cast %broadcast_in_dim3A_860 : vector<16x1xi32> to vector<16xi32>
      %gather3A_862 = tpu.dynamic_gather %get3A_856[%gather3A_861] in [0] : vector<16xf32>, vector<16xi32> -> vector<16xf32>
      %max3A_863 = arith.maximumf %get3A_856, %gather3A_862 : vector<16xf32>
      %broadcast_in_dim3A_864 = arith.constant 2 : i32
      %broadcast_in_dim3A_865 = vector.broadcast %broadcast_in_dim3A_864 : i32 to vector<16xi32>
      %xor3A_866 = arith.xori %iota3A, %broadcast_in_dim3A_865 : vector<16xi32>
      %broadcast_in_dim3A_867 = vector.shape_cast %xor3A_866 : vector<16xi32> to vector<16x1xi32>
      %gather3A_868 = vector.shape_cast %broadcast_in_dim3A_867 : vector<16x1xi32> to vector<16xi32>
      %gather3A_869 = tpu.dynamic_gather %max3A_863[%gather3A_868] in [0] : vector<16xf32>, vector<16xi32> -> vector<16xf32>
      %max3A_870 = arith.maximumf %max3A_863, %gather3A_869 : vector<16xf32>
      %broadcast_in_dim3A_871 = arith.constant 4 : i32
      %broadcast_in_dim3A_872 = vector.broadcast %broadcast_in_dim3A_871 : i32 to vector<16xi32>
      %xor3A_873 = arith.xori %iota3A, %broadcast_in_dim3A_872 : vector<16xi32>
      %broadcast_in_dim3A_874 = vector.shape_cast %xor3A_873 : vector<16xi32> to vector<16x1xi32>
      %gather3A_875 = vector.shape_cast %broadcast_in_dim3A_874 : vector<16x1xi32> to vector<16xi32>
      %gather3A_876 = tpu.dynamic_gather %max3A_870[%gather3A_875] in [0] : vector<16xf32>, vector<16xi32> -> vector<16xf32>
      %max3A_877 = arith.maximumf %max3A_870, %gather3A_876 : vector<16xf32>
      %broadcast_in_dim3A_878 = arith.constant 8 : i32
      %broadcast_in_dim3A_879 = vector.broadcast %broadcast_in_dim3A_878 : i32 to vector<16xi32>
      %xor3A_880 = arith.xori %iota3A, %broadcast_in_dim3A_879 : vector<16xi32>
      %broadcast_in_dim3A_881 = vector.shape_cast %xor3A_880 : vector<16xi32> to vector<16x1xi32>
      %gather3A_882 = vector.shape_cast %broadcast_in_dim3A_881 : vector<16x1xi32> to vector<16xi32>
      %gather3A_883 = tpu.dynamic_gather %max3A_877[%gather3A_882] in [0] : vector<16xf32>, vector<16xi32> -> vector<16xf32>
      %max3A_884 = arith.maximumf %max3A_877, %gather3A_883 : vector<16xf32>
      %eq3A_885 = arith.cmpf oeq, %get3A_856, %max3A_884 : vector<16xf32>
      %broadcast_in_dim3A_886 = arith.constant 16 : i32
      %broadcast_in_dim3A_887 = vector.broadcast %broadcast_in_dim3A_886 : i32 to vector<16xi32>
      %select_n3A_888 = arith.select %eq3A_885, %iota3A, %broadcast_in_dim3A_887 : vector<16xi1>, vector<16xi32>
      %broadcast_in_dim3A_889 = arith.constant 1 : i32
      %broadcast_in_dim3A_890 = vector.broadcast %broadcast_in_dim3A_889 : i32 to vector<16xi32>
      %xor3A_891 = arith.xori %iota3A, %broadcast_in_dim3A_890 : vector<16xi32>
      %broadcast_in_dim3A_892 = vector.shape_cast %xor3A_891 : vector<16xi32> to vector<16x1xi32>
      %gather3A_893 = vector.shape_cast %broadcast_in_dim3A_892 : vector<16x1xi32> to vector<16xi32>
      %gather3A_894 = tpu.dynamic_gather %select_n3A_888[%gather3A_893] in [0] : vector<16xi32>, vector<16xi32> -> vector<16xi32>
      %min3A_895 = arith.minsi %select_n3A_888, %gather3A_894 : vector<16xi32>
      %broadcast_in_dim3A_896 = arith.constant 2 : i32
      %broadcast_in_dim3A_897 = vector.broadcast %broadcast_in_dim3A_896 : i32 to vector<16xi32>
      %xor3A_898 = arith.xori %iota3A, %broadcast_in_dim3A_897 : vector<16xi32>
      %broadcast_in_dim3A_899 = vector.shape_cast %xor3A_898 : vector<16xi32> to vector<16x1xi32>
      %gather3A_900 = vector.shape_cast %broadcast_in_dim3A_899 : vector<16x1xi32> to vector<16xi32>
      %gather3A_901 = tpu.dynamic_gather %min3A_895[%gather3A_900] in [0] : vector<16xi32>, vector<16xi32> -> vector<16xi32>
      %min3A_902 = arith.minsi %min3A_895, %gather3A_901 : vector<16xi32>
      %broadcast_in_dim3A_903 = arith.constant 4 : i32
      %broadcast_in_dim3A_904 = vector.broadcast %broadcast_in_dim3A_903 : i32 to vector<16xi32>
      %xor3A_905 = arith.xori %iota3A, %broadcast_in_dim3A_904 : vector<16xi32>
      %broadcast_in_dim3A_906 = vector.shape_cast %xor3A_905 : vector<16xi32> to vector<16x1xi32>
      %gather3A_907 = vector.shape_cast %broadcast_in_dim3A_906 : vector<16x1xi32> to vector<16xi32>
      %gather3A_908 = tpu.dynamic_gather %min3A_902[%gather3A_907] in [0] : vector<16xi32>, vector<16xi32> -> vector<16xi32>
      %min3A_909 = arith.minsi %min3A_902, %gather3A_908 : vector<16xi32>
      %broadcast_in_dim3A_910 = arith.constant 8 : i32
      %broadcast_in_dim3A_911 = vector.broadcast %broadcast_in_dim3A_910 : i32 to vector<16xi32>
      %xor3A_912 = arith.xori %iota3A, %broadcast_in_dim3A_911 : vector<16xi32>
      %broadcast_in_dim3A_913 = vector.shape_cast %xor3A_912 : vector<16xi32> to vector<16x1xi32>
      %gather3A_914 = vector.shape_cast %broadcast_in_dim3A_913 : vector<16x1xi32> to vector<16xi32>
      %gather3A_915 = tpu.dynamic_gather %min3A_909[%gather3A_914] in [0] : vector<16xi32>, vector<16xi32> -> vector<16xi32>
      %min3A_916 = arith.minsi %min3A_909, %gather3A_915 : vector<16xi32>
      %eq3A_917 = arith.cmpi eq, %iota3A, %min3A_916 : vector<16xi32>
      %broadcast_in_dim3A_918 = arith.constant 1 : i32
      %broadcast_in_dim3A_919 = vector.broadcast %broadcast_in_dim3A_918 : i32 to vector<16xi32>
      %broadcast_in_dim3A_920 = arith.constant 0 : i32
      %broadcast_in_dim3A_921 = vector.broadcast %broadcast_in_dim3A_920 : i32 to vector<16xi32>
      %select_n3A_922 = arith.select %eq3A_917, %broadcast_in_dim3A_919, %broadcast_in_dim3A_921 : vector<16xi1>, vector<16xi32>
      %add3A_923 = arith.addi %add3A_848, %select_n3A_922 : vector<16xi32>
      %broadcast_in_dim3A_924 = arith.constant 0xFF800000 : f32
      %broadcast_in_dim3A_925 = vector.broadcast %broadcast_in_dim3A_924 : f32 to vector<16xf32>
      %select_n3A_926 = arith.select %eq3A_917, %broadcast_in_dim3A_925, %get3A_856 : vector<16xi1>, vector<16xf32>
      %broadcast_in_dim3A_927 = arith.constant 1 : i32
      %broadcast_in_dim3A_928 = vector.broadcast %broadcast_in_dim3A_927 : i32 to vector<16xi32>
      %xor3A_929 = arith.xori %iota3A, %broadcast_in_dim3A_928 : vector<16xi32>
      %broadcast_in_dim3A_930 = vector.shape_cast %xor3A_929 : vector<16xi32> to vector<16x1xi32>
      %gather3A_931 = vector.shape_cast %broadcast_in_dim3A_930 : vector<16x1xi32> to vector<16xi32>
      %gather3A_932 = tpu.dynamic_gather %select_n3A_926[%gather3A_931] in [0] : vector<16xf32>, vector<16xi32> -> vector<16xf32>
      %max3A_933 = arith.maximumf %select_n3A_926, %gather3A_932 : vector<16xf32>
      %broadcast_in_dim3A_934 = arith.constant 2 : i32
      %broadcast_in_dim3A_935 = vector.broadcast %broadcast_in_dim3A_934 : i32 to vector<16xi32>
      %xor3A_936 = arith.xori %iota3A, %broadcast_in_dim3A_935 : vector<16xi32>
      %broadcast_in_dim3A_937 = vector.shape_cast %xor3A_936 : vector<16xi32> to vector<16x1xi32>
      %gather3A_938 = vector.shape_cast %broadcast_in_dim3A_937 : vector<16x1xi32> to vector<16xi32>
      %gather3A_939 = tpu.dynamic_gather %max3A_933[%gather3A_938] in [0] : vector<16xf32>, vector<16xi32> -> vector<16xf32>
      %max3A_940 = arith.maximumf %max3A_933, %gather3A_939 : vector<16xf32>
      %broadcast_in_dim3A_941 = arith.constant 4 : i32
      %broadcast_in_dim3A_942 = vector.broadcast %broadcast_in_dim3A_941 : i32 to vector<16xi32>
      %xor3A_943 = arith.xori %iota3A, %broadcast_in_dim3A_942 : vector<16xi32>
      %broadcast_in_dim3A_944 = vector.shape_cast %xor3A_943 : vector<16xi32> to vector<16x1xi32>
      %gather3A_945 = vector.shape_cast %broadcast_in_dim3A_944 : vector<16x1xi32> to vector<16xi32>
      %gather3A_946 = tpu.dynamic_gather %max3A_940[%gather3A_945] in [0] : vector<16xf32>, vector<16xi32> -> vector<16xf32>
      %max3A_947 = arith.maximumf %max3A_940, %gather3A_946 : vector<16xf32>
      %broadcast_in_dim3A_948 = arith.constant 8 : i32
      %broadcast_in_dim3A_949 = vector.broadcast %broadcast_in_dim3A_948 : i32 to vector<16xi32>
      %xor3A_950 = arith.xori %iota3A, %broadcast_in_dim3A_949 : vector<16xi32>
      %broadcast_in_dim3A_951 = vector.shape_cast %xor3A_950 : vector<16xi32> to vector<16x1xi32>
      %gather3A_952 = vector.shape_cast %broadcast_in_dim3A_951 : vector<16x1xi32> to vector<16xi32>
      %gather3A_953 = tpu.dynamic_gather %max3A_947[%gather3A_952] in [0] : vector<16xf32>, vector<16xi32> -> vector<16xf32>
      %max3A_954 = arith.maximumf %max3A_947, %gather3A_953 : vector<16xf32>
      %eq3A_955 = arith.cmpf oeq, %select_n3A_926, %max3A_954 : vector<16xf32>
      %broadcast_in_dim3A_956 = arith.constant 16 : i32
      %broadcast_in_dim3A_957 = vector.broadcast %broadcast_in_dim3A_956 : i32 to vector<16xi32>
      %select_n3A_958 = arith.select %eq3A_955, %iota3A, %broadcast_in_dim3A_957 : vector<16xi1>, vector<16xi32>
      %broadcast_in_dim3A_959 = arith.constant 1 : i32
      %broadcast_in_dim3A_960 = vector.broadcast %broadcast_in_dim3A_959 : i32 to vector<16xi32>
      %xor3A_961 = arith.xori %iota3A, %broadcast_in_dim3A_960 : vector<16xi32>
      %broadcast_in_dim3A_962 = vector.shape_cast %xor3A_961 : vector<16xi32> to vector<16x1xi32>
      %gather3A_963 = vector.shape_cast %broadcast_in_dim3A_962 : vector<16x1xi32> to vector<16xi32>
      %gather3A_964 = tpu.dynamic_gather %select_n3A_958[%gather3A_963] in [0] : vector<16xi32>, vector<16xi32> -> vector<16xi32>
      %min3A_965 = arith.minsi %select_n3A_958, %gather3A_964 : vector<16xi32>
      %broadcast_in_dim3A_966 = arith.constant 2 : i32
      %broadcast_in_dim3A_967 = vector.broadcast %broadcast_in_dim3A_966 : i32 to vector<16xi32>
      %xor3A_968 = arith.xori %iota3A, %broadcast_in_dim3A_967 : vector<16xi32>
      %broadcast_in_dim3A_969 = vector.shape_cast %xor3A_968 : vector<16xi32> to vector<16x1xi32>
      %gather3A_970 = vector.shape_cast %broadcast_in_dim3A_969 : vector<16x1xi32> to vector<16xi32>
      %gather3A_971 = tpu.dynamic_gather %min3A_965[%gather3A_970] in [0] : vector<16xi32>, vector<16xi32> -> vector<16xi32>
      %min3A_972 = arith.minsi %min3A_965, %gather3A_971 : vector<16xi32>
      %broadcast_in_dim3A_973 = arith.constant 4 : i32
      %broadcast_in_dim3A_974 = vector.broadcast %broadcast_in_dim3A_973 : i32 to vector<16xi32>
      %xor3A_975 = arith.xori %iota3A, %broadcast_in_dim3A_974 : vector<16xi32>
      %broadcast_in_dim3A_976 = vector.shape_cast %xor3A_975 : vector<16xi32> to vector<16x1xi32>
      %gather3A_977 = vector.shape_cast %broadcast_in_dim3A_976 : vector<16x1xi32> to vector<16xi32>
      %gather3A_978 = tpu.dynamic_gather %min3A_972[%gather3A_977] in [0] : vector<16xi32>, vector<16xi32> -> vector<16xi32>
      %min3A_979 = arith.minsi %min3A_972, %gather3A_978 : vector<16xi32>
      %broadcast_in_dim3A_980 = arith.constant 8 : i32
      %broadcast_in_dim3A_981 = vector.broadcast %broadcast_in_dim3A_980 : i32 to vector<16xi32>
      %xor3A_982 = arith.xori %iota3A, %broadcast_in_dim3A_981 : vector<16xi32>
      %broadcast_in_dim3A_983 = vector.shape_cast %xor3A_982 : vector<16xi32> to vector<16x1xi32>
      %gather3A_984 = vector.shape_cast %broadcast_in_dim3A_983 : vector<16x1xi32> to vector<16xi32>
      %gather3A_985 = tpu.dynamic_gather %min3A_979[%gather3A_984] in [0] : vector<16xi32>, vector<16xi32> -> vector<16xi32>
      %min3A_986 = arith.minsi %min3A_979, %gather3A_985 : vector<16xi32>
      %eq3A_987 = arith.cmpi eq, %iota3A, %min3A_986 : vector<16xi32>
      %broadcast_in_dim3A_988 = arith.constant 1 : i32
      %broadcast_in_dim3A_989 = vector.broadcast %broadcast_in_dim3A_988 : i32 to vector<16xi32>
      %broadcast_in_dim3A_990 = arith.constant 0 : i32
      %broadcast_in_dim3A_991 = vector.broadcast %broadcast_in_dim3A_990 : i32 to vector<16xi32>
      %select_n3A_992 = arith.select %eq3A_987, %broadcast_in_dim3A_989, %broadcast_in_dim3A_991 : vector<16xi1>, vector<16xi32>
      %add3A_993 = arith.addi %add3A_923, %select_n3A_992 : vector<16xi32>
      %broadcast_in_dim3A_994 = arith.constant 0xFF800000 : f32
      %broadcast_in_dim3A_995 = vector.broadcast %broadcast_in_dim3A_994 : f32 to vector<16xf32>
      %select_n3A_996 = arith.select %eq3A_987, %broadcast_in_dim3A_995, %select_n3A_926 : vector<16xi1>, vector<16xf32>
      %broadcast_in_dim3A_997 = arith.constant 1 : i32
      %broadcast_in_dim3A_998 = vector.broadcast %broadcast_in_dim3A_997 : i32 to vector<16xi32>
      %xor3A_999 = arith.xori %iota3A, %broadcast_in_dim3A_998 : vector<16xi32>
      %broadcast_in_dim3A_1000 = vector.shape_cast %xor3A_999 : vector<16xi32> to vector<16x1xi32>
      %gather3A_1001 = vector.shape_cast %broadcast_in_dim3A_1000 : vector<16x1xi32> to vector<16xi32>
      %gather3A_1002 = tpu.dynamic_gather %select_n3A_996[%gather3A_1001] in [0] : vector<16xf32>, vector<16xi32> -> vector<16xf32>
      %max3A_1003 = arith.maximumf %select_n3A_996, %gather3A_1002 : vector<16xf32>
      %broadcast_in_dim3A_1004 = arith.constant 2 : i32
      %broadcast_in_dim3A_1005 = vector.broadcast %broadcast_in_dim3A_1004 : i32 to vector<16xi32>
      %xor3A_1006 = arith.xori %iota3A, %broadcast_in_dim3A_1005 : vector<16xi32>
      %broadcast_in_dim3A_1007 = vector.shape_cast %xor3A_1006 : vector<16xi32> to vector<16x1xi32>
      %gather3A_1008 = vector.shape_cast %broadcast_in_dim3A_1007 : vector<16x1xi32> to vector<16xi32>
      %gather3A_1009 = tpu.dynamic_gather %max3A_1003[%gather3A_1008] in [0] : vector<16xf32>, vector<16xi32> -> vector<16xf32>
      %max3A_1010 = arith.maximumf %max3A_1003, %gather3A_1009 : vector<16xf32>
      %broadcast_in_dim3A_1011 = arith.constant 4 : i32
      %broadcast_in_dim3A_1012 = vector.broadcast %broadcast_in_dim3A_1011 : i32 to vector<16xi32>
      %xor3A_1013 = arith.xori %iota3A, %broadcast_in_dim3A_1012 : vector<16xi32>
      %broadcast_in_dim3A_1014 = vector.shape_cast %xor3A_1013 : vector<16xi32> to vector<16x1xi32>
      %gather3A_1015 = vector.shape_cast %broadcast_in_dim3A_1014 : vector<16x1xi32> to vector<16xi32>
      %gather3A_1016 = tpu.dynamic_gather %max3A_1010[%gather3A_1015] in [0] : vector<16xf32>, vector<16xi32> -> vector<16xf32>
      %max3A_1017 = arith.maximumf %max3A_1010, %gather3A_1016 : vector<16xf32>
      %broadcast_in_dim3A_1018 = arith.constant 8 : i32
      %broadcast_in_dim3A_1019 = vector.broadcast %broadcast_in_dim3A_1018 : i32 to vector<16xi32>
      %xor3A_1020 = arith.xori %iota3A, %broadcast_in_dim3A_1019 : vector<16xi32>
      %broadcast_in_dim3A_1021 = vector.shape_cast %xor3A_1020 : vector<16xi32> to vector<16x1xi32>
      %gather3A_1022 = vector.shape_cast %broadcast_in_dim3A_1021 : vector<16x1xi32> to vector<16xi32>
      %gather3A_1023 = tpu.dynamic_gather %max3A_1017[%gather3A_1022] in [0] : vector<16xf32>, vector<16xi32> -> vector<16xf32>
      %max3A_1024 = arith.maximumf %max3A_1017, %gather3A_1023 : vector<16xf32>
      %eq3A_1025 = arith.cmpf oeq, %select_n3A_996, %max3A_1024 : vector<16xf32>
      %broadcast_in_dim3A_1026 = arith.constant 16 : i32
      %broadcast_in_dim3A_1027 = vector.broadcast %broadcast_in_dim3A_1026 : i32 to vector<16xi32>
      %select_n3A_1028 = arith.select %eq3A_1025, %iota3A, %broadcast_in_dim3A_1027 : vector<16xi1>, vector<16xi32>
      %broadcast_in_dim3A_1029 = arith.constant 1 : i32
      %broadcast_in_dim3A_1030 = vector.broadcast %broadcast_in_dim3A_1029 : i32 to vector<16xi32>
      %xor3A_1031 = arith.xori %iota3A, %broadcast_in_dim3A_1030 : vector<16xi32>
      %broadcast_in_dim3A_1032 = vector.shape_cast %xor3A_1031 : vector<16xi32> to vector<16x1xi32>
      %gather3A_1033 = vector.shape_cast %broadcast_in_dim3A_1032 : vector<16x1xi32> to vector<16xi32>
      %gather3A_1034 = tpu.dynamic_gather %select_n3A_1028[%gather3A_1033] in [0] : vector<16xi32>, vector<16xi32> -> vector<16xi32>
      %min3A_1035 = arith.minsi %select_n3A_1028, %gather3A_1034 : vector<16xi32>
      %broadcast_in_dim3A_1036 = arith.constant 2 : i32
      %broadcast_in_dim3A_1037 = vector.broadcast %broadcast_in_dim3A_1036 : i32 to vector<16xi32>
      %xor3A_1038 = arith.xori %iota3A, %broadcast_in_dim3A_1037 : vector<16xi32>
      %broadcast_in_dim3A_1039 = vector.shape_cast %xor3A_1038 : vector<16xi32> to vector<16x1xi32>
      %gather3A_1040 = vector.shape_cast %broadcast_in_dim3A_1039 : vector<16x1xi32> to vector<16xi32>
      %gather3A_1041 = tpu.dynamic_gather %min3A_1035[%gather3A_1040] in [0] : vector<16xi32>, vector<16xi32> -> vector<16xi32>
      %min3A_1042 = arith.minsi %min3A_1035, %gather3A_1041 : vector<16xi32>
      %broadcast_in_dim3A_1043 = arith.constant 4 : i32
      %broadcast_in_dim3A_1044 = vector.broadcast %broadcast_in_dim3A_1043 : i32 to vector<16xi32>
      %xor3A_1045 = arith.xori %iota3A, %broadcast_in_dim3A_1044 : vector<16xi32>
      %broadcast_in_dim3A_1046 = vector.shape_cast %xor3A_1045 : vector<16xi32> to vector<16x1xi32>
      %gather3A_1047 = vector.shape_cast %broadcast_in_dim3A_1046 : vector<16x1xi32> to vector<16xi32>
      %gather3A_1048 = tpu.dynamic_gather %min3A_1042[%gather3A_1047] in [0] : vector<16xi32>, vector<16xi32> -> vector<16xi32>
      %min3A_1049 = arith.minsi %min3A_1042, %gather3A_1048 : vector<16xi32>
      %broadcast_in_dim3A_1050 = arith.constant 8 : i32
      %broadcast_in_dim3A_1051 = vector.broadcast %broadcast_in_dim3A_1050 : i32 to vector<16xi32>
      %xor3A_1052 = arith.xori %iota3A, %broadcast_in_dim3A_1051 : vector<16xi32>
      %broadcast_in_dim3A_1053 = vector.shape_cast %xor3A_1052 : vector<16xi32> to vector<16x1xi32>
      %gather3A_1054 = vector.shape_cast %broadcast_in_dim3A_1053 : vector<16x1xi32> to vector<16xi32>
      %gather3A_1055 = tpu.dynamic_gather %min3A_1049[%gather3A_1054] in [0] : vector<16xi32>, vector<16xi32> -> vector<16xi32>
      %min3A_1056 = arith.minsi %min3A_1049, %gather3A_1055 : vector<16xi32>
      %eq3A_1057 = arith.cmpi eq, %iota3A, %min3A_1056 : vector<16xi32>
      %broadcast_in_dim3A_1058 = arith.constant 1 : i32
      %broadcast_in_dim3A_1059 = vector.broadcast %broadcast_in_dim3A_1058 : i32 to vector<16xi32>
      %broadcast_in_dim3A_1060 = arith.constant 0 : i32
      %broadcast_in_dim3A_1061 = vector.broadcast %broadcast_in_dim3A_1060 : i32 to vector<16xi32>
      %select_n3A_1062 = arith.select %eq3A_1057, %broadcast_in_dim3A_1059, %broadcast_in_dim3A_1061 : vector<16xi1>, vector<16xi32>
      %add3A_1063 = arith.addi %add3A_993, %select_n3A_1062 : vector<16xi32>
      %broadcast_in_dim3A_1064 = arith.constant 0xFF800000 : f32
      %broadcast_in_dim3A_1065 = vector.broadcast %broadcast_in_dim3A_1064 : f32 to vector<16xf32>
      %select_n3A_1066 = arith.select %eq3A_1057, %broadcast_in_dim3A_1065, %select_n3A_996 : vector<16xi1>, vector<16xf32>
      %broadcast_in_dim3A_1067 = arith.constant 1 : i32
      %broadcast_in_dim3A_1068 = vector.broadcast %broadcast_in_dim3A_1067 : i32 to vector<16xi32>
      %xor3A_1069 = arith.xori %iota3A, %broadcast_in_dim3A_1068 : vector<16xi32>
      %broadcast_in_dim3A_1070 = vector.shape_cast %xor3A_1069 : vector<16xi32> to vector<16x1xi32>
      %gather3A_1071 = vector.shape_cast %broadcast_in_dim3A_1070 : vector<16x1xi32> to vector<16xi32>
      %gather3A_1072 = tpu.dynamic_gather %select_n3A_1066[%gather3A_1071] in [0] : vector<16xf32>, vector<16xi32> -> vector<16xf32>
      %max3A_1073 = arith.maximumf %select_n3A_1066, %gather3A_1072 : vector<16xf32>
      %broadcast_in_dim3A_1074 = arith.constant 2 : i32
      %broadcast_in_dim3A_1075 = vector.broadcast %broadcast_in_dim3A_1074 : i32 to vector<16xi32>
      %xor3A_1076 = arith.xori %iota3A, %broadcast_in_dim3A_1075 : vector<16xi32>
      %broadcast_in_dim3A_1077 = vector.shape_cast %xor3A_1076 : vector<16xi32> to vector<16x1xi32>
      %gather3A_1078 = vector.shape_cast %broadcast_in_dim3A_1077 : vector<16x1xi32> to vector<16xi32>
      %gather3A_1079 = tpu.dynamic_gather %max3A_1073[%gather3A_1078] in [0] : vector<16xf32>, vector<16xi32> -> vector<16xf32>
      %max3A_1080 = arith.maximumf %max3A_1073, %gather3A_1079 : vector<16xf32>
      %broadcast_in_dim3A_1081 = arith.constant 4 : i32
      %broadcast_in_dim3A_1082 = vector.broadcast %broadcast_in_dim3A_1081 : i32 to vector<16xi32>
      %xor3A_1083 = arith.xori %iota3A, %broadcast_in_dim3A_1082 : vector<16xi32>
      %broadcast_in_dim3A_1084 = vector.shape_cast %xor3A_1083 : vector<16xi32> to vector<16x1xi32>
      %gather3A_1085 = vector.shape_cast %broadcast_in_dim3A_1084 : vector<16x1xi32> to vector<16xi32>
      %gather3A_1086 = tpu.dynamic_gather %max3A_1080[%gather3A_1085] in [0] : vector<16xf32>, vector<16xi32> -> vector<16xf32>
      %max3A_1087 = arith.maximumf %max3A_1080, %gather3A_1086 : vector<16xf32>
      %broadcast_in_dim3A_1088 = arith.constant 8 : i32
      %broadcast_in_dim3A_1089 = vector.broadcast %broadcast_in_dim3A_1088 : i32 to vector<16xi32>
      %xor3A_1090 = arith.xori %iota3A, %broadcast_in_dim3A_1089 : vector<16xi32>
      %broadcast_in_dim3A_1091 = vector.shape_cast %xor3A_1090 : vector<16xi32> to vector<16x1xi32>
      %gather3A_1092 = vector.shape_cast %broadcast_in_dim3A_1091 : vector<16x1xi32> to vector<16xi32>
      %gather3A_1093 = tpu.dynamic_gather %max3A_1087[%gather3A_1092] in [0] : vector<16xf32>, vector<16xi32> -> vector<16xf32>
      %max3A_1094 = arith.maximumf %max3A_1087, %gather3A_1093 : vector<16xf32>
      %eq3A_1095 = arith.cmpf oeq, %select_n3A_1066, %max3A_1094 : vector<16xf32>
      %broadcast_in_dim3A_1096 = arith.constant 16 : i32
      %broadcast_in_dim3A_1097 = vector.broadcast %broadcast_in_dim3A_1096 : i32 to vector<16xi32>
      %select_n3A_1098 = arith.select %eq3A_1095, %iota3A, %broadcast_in_dim3A_1097 : vector<16xi1>, vector<16xi32>
      %broadcast_in_dim3A_1099 = arith.constant 1 : i32
      %broadcast_in_dim3A_1100 = vector.broadcast %broadcast_in_dim3A_1099 : i32 to vector<16xi32>
      %xor3A_1101 = arith.xori %iota3A, %broadcast_in_dim3A_1100 : vector<16xi32>
      %broadcast_in_dim3A_1102 = vector.shape_cast %xor3A_1101 : vector<16xi32> to vector<16x1xi32>
      %gather3A_1103 = vector.shape_cast %broadcast_in_dim3A_1102 : vector<16x1xi32> to vector<16xi32>
      %gather3A_1104 = tpu.dynamic_gather %select_n3A_1098[%gather3A_1103] in [0] : vector<16xi32>, vector<16xi32> -> vector<16xi32>
      %min3A_1105 = arith.minsi %select_n3A_1098, %gather3A_1104 : vector<16xi32>
      %broadcast_in_dim3A_1106 = arith.constant 2 : i32
      %broadcast_in_dim3A_1107 = vector.broadcast %broadcast_in_dim3A_1106 : i32 to vector<16xi32>
      %xor3A_1108 = arith.xori %iota3A, %broadcast_in_dim3A_1107 : vector<16xi32>
      %broadcast_in_dim3A_1109 = vector.shape_cast %xor3A_1108 : vector<16xi32> to vector<16x1xi32>
      %gather3A_1110 = vector.shape_cast %broadcast_in_dim3A_1109 : vector<16x1xi32> to vector<16xi32>
      %gather3A_1111 = tpu.dynamic_gather %min3A_1105[%gather3A_1110] in [0] : vector<16xi32>, vector<16xi32> -> vector<16xi32>
      %min3A_1112 = arith.minsi %min3A_1105, %gather3A_1111 : vector<16xi32>
      %broadcast_in_dim3A_1113 = arith.constant 4 : i32
      %broadcast_in_dim3A_1114 = vector.broadcast %broadcast_in_dim3A_1113 : i32 to vector<16xi32>
      %xor3A_1115 = arith.xori %iota3A, %broadcast_in_dim3A_1114 : vector<16xi32>
      %broadcast_in_dim3A_1116 = vector.shape_cast %xor3A_1115 : vector<16xi32> to vector<16x1xi32>
      %gather3A_1117 = vector.shape_cast %broadcast_in_dim3A_1116 : vector<16x1xi32> to vector<16xi32>
      %gather3A_1118 = tpu.dynamic_gather %min3A_1112[%gather3A_1117] in [0] : vector<16xi32>, vector<16xi32> -> vector<16xi32>
      %min3A_1119 = arith.minsi %min3A_1112, %gather3A_1118 : vector<16xi32>
      %broadcast_in_dim3A_1120 = arith.constant 8 : i32
      %broadcast_in_dim3A_1121 = vector.broadcast %broadcast_in_dim3A_1120 : i32 to vector<16xi32>
      %xor3A_1122 = arith.xori %iota3A, %broadcast_in_dim3A_1121 : vector<16xi32>
      %broadcast_in_dim3A_1123 = vector.shape_cast %xor3A_1122 : vector<16xi32> to vector<16x1xi32>
      %gather3A_1124 = vector.shape_cast %broadcast_in_dim3A_1123 : vector<16x1xi32> to vector<16xi32>
      %gather3A_1125 = tpu.dynamic_gather %min3A_1119[%gather3A_1124] in [0] : vector<16xi32>, vector<16xi32> -> vector<16xi32>
      %min3A_1126 = arith.minsi %min3A_1119, %gather3A_1125 : vector<16xi32>
      %eq3A_1127 = arith.cmpi eq, %iota3A, %min3A_1126 : vector<16xi32>
      %broadcast_in_dim3A_1128 = arith.constant 1 : i32
      %broadcast_in_dim3A_1129 = vector.broadcast %broadcast_in_dim3A_1128 : i32 to vector<16xi32>
      %broadcast_in_dim3A_1130 = arith.constant 0 : i32
      %broadcast_in_dim3A_1131 = vector.broadcast %broadcast_in_dim3A_1130 : i32 to vector<16xi32>
      %select_n3A_1132 = arith.select %eq3A_1127, %broadcast_in_dim3A_1129, %broadcast_in_dim3A_1131 : vector<16xi1>, vector<16xi32>
      %add3A_1133 = arith.addi %add3A_1063, %select_n3A_1132 : vector<16xi32>
      %broadcast_in_dim3A_1134 = arith.constant 0xFF800000 : f32
      %broadcast_in_dim3A_1135 = vector.broadcast %broadcast_in_dim3A_1134 : f32 to vector<16xf32>
      %select_n3A_1136 = arith.select %eq3A_1127, %broadcast_in_dim3A_1135, %select_n3A_1066 : vector<16xi1>, vector<16xf32>
      %get3A_1137 = arith.constant 4 : i32
      %get3A_1138 = arith.index_cast %get3A_1137 : i32 to index
      %get3A_1139 = arith.constant 0 : index
      %get3A_1140 = tpu.vector_load %arg7[%get3A_1138, %get3A_1139] {strides = array<i32>} : memref<8x16xf32, #tpu.memory_space<vmem>>, vector<1x16xf32>,
      %get3A_1141 = vector.shape_cast %get3A_1140 : vector<1x16xf32> to vector<16xf32>
      %broadcast_in_dim3A_1142 = arith.constant 1 : i32
      %broadcast_in_dim3A_1143 = vector.broadcast %broadcast_in_dim3A_1142 : i32 to vector<16xi32>
      %xor3A_1144 = arith.xori %iota3A, %broadcast_in_dim3A_1143 : vector<16xi32>
      %broadcast_in_dim3A_1145 = vector.shape_cast %xor3A_1144 : vector<16xi32> to vector<16x1xi32>
      %gather3A_1146 = vector.shape_cast %broadcast_in_dim3A_1145 : vector<16x1xi32> to vector<16xi32>
      %gather3A_1147 = tpu.dynamic_gather %get3A_1141[%gather3A_1146] in [0] : vector<16xf32>, vector<16xi32> -> vector<16xf32>
      %max3A_1148 = arith.maximumf %get3A_1141, %gather3A_1147 : vector<16xf32>
      %broadcast_in_dim3A_1149 = arith.constant 2 : i32
      %broadcast_in_dim3A_1150 = vector.broadcast %broadcast_in_dim3A_1149 : i32 to vector<16xi32>
      %xor3A_1151 = arith.xori %iota3A, %broadcast_in_dim3A_1150 : vector<16xi32>
      %broadcast_in_dim3A_1152 = vector.shape_cast %xor3A_1151 : vector<16xi32> to vector<16x1xi32>
      %gather3A_1153 = vector.shape_cast %broadcast_in_dim3A_1152 : vector<16x1xi32> to vector<16xi32>
      %gather3A_1154 = tpu.dynamic_gather %max3A_1148[%gather3A_1153] in [0] : vector<16xf32>, vector<16xi32> -> vector<16xf32>
      %max3A_1155 = arith.maximumf %max3A_1148, %gather3A_1154 : vector<16xf32>
      %broadcast_in_dim3A_1156 = arith.constant 4 : i32
      %broadcast_in_dim3A_1157 = vector.broadcast %broadcast_in_dim3A_1156 : i32 to vector<16xi32>
      %xor3A_1158 = arith.xori %iota3A, %broadcast_in_dim3A_1157 : vector<16xi32>
      %broadcast_in_dim3A_1159 = vector.shape_cast %xor3A_1158 : vector<16xi32> to vector<16x1xi32>
      %gather3A_1160 = vector.shape_cast %broadcast_in_dim3A_1159 : vector<16x1xi32> to vector<16xi32>
      %gather3A_1161 = tpu.dynamic_gather %max3A_1155[%gather3A_1160] in [0] : vector<16xf32>, vector<16xi32> -> vector<16xf32>
      %max3A_1162 = arith.maximumf %max3A_1155, %gather3A_1161 : vector<16xf32>
      %broadcast_in_dim3A_1163 = arith.constant 8 : i32
      %broadcast_in_dim3A_1164 = vector.broadcast %broadcast_in_dim3A_1163 : i32 to vector<16xi32>
      %xor3A_1165 = arith.xori %iota3A, %broadcast_in_dim3A_1164 : vector<16xi32>
      %broadcast_in_dim3A_1166 = vector.shape_cast %xor3A_1165 : vector<16xi32> to vector<16x1xi32>
      %gather3A_1167 = vector.shape_cast %broadcast_in_dim3A_1166 : vector<16x1xi32> to vector<16xi32>
      %gather3A_1168 = tpu.dynamic_gather %max3A_1162[%gather3A_1167] in [0] : vector<16xf32>, vector<16xi32> -> vector<16xf32>
      %max3A_1169 = arith.maximumf %max3A_1162, %gather3A_1168 : vector<16xf32>
      %eq3A_1170 = arith.cmpf oeq, %get3A_1141, %max3A_1169 : vector<16xf32>
      %broadcast_in_dim3A_1171 = arith.constant 16 : i32
      %broadcast_in_dim3A_1172 = vector.broadcast %broadcast_in_dim3A_1171 : i32 to vector<16xi32>
      %select_n3A_1173 = arith.select %eq3A_1170, %iota3A, %broadcast_in_dim3A_1172 : vector<16xi1>, vector<16xi32>
      %broadcast_in_dim3A_1174 = arith.constant 1 : i32
      %broadcast_in_dim3A_1175 = vector.broadcast %broadcast_in_dim3A_1174 : i32 to vector<16xi32>
      %xor3A_1176 = arith.xori %iota3A, %broadcast_in_dim3A_1175 : vector<16xi32>
      %broadcast_in_dim3A_1177 = vector.shape_cast %xor3A_1176 : vector<16xi32> to vector<16x1xi32>
      %gather3A_1178 = vector.shape_cast %broadcast_in_dim3A_1177 : vector<16x1xi32> to vector<16xi32>
      %gather3A_1179 = tpu.dynamic_gather %select_n3A_1173[%gather3A_1178] in [0] : vector<16xi32>, vector<16xi32> -> vector<16xi32>
      %min3A_1180 = arith.minsi %select_n3A_1173, %gather3A_1179 : vector<16xi32>
      %broadcast_in_dim3A_1181 = arith.constant 2 : i32
      %broadcast_in_dim3A_1182 = vector.broadcast %broadcast_in_dim3A_1181 : i32 to vector<16xi32>
      %xor3A_1183 = arith.xori %iota3A, %broadcast_in_dim3A_1182 : vector<16xi32>
      %broadcast_in_dim3A_1184 = vector.shape_cast %xor3A_1183 : vector<16xi32> to vector<16x1xi32>
      %gather3A_1185 = vector.shape_cast %broadcast_in_dim3A_1184 : vector<16x1xi32> to vector<16xi32>
      %gather3A_1186 = tpu.dynamic_gather %min3A_1180[%gather3A_1185] in [0] : vector<16xi32>, vector<16xi32> -> vector<16xi32>
      %min3A_1187 = arith.minsi %min3A_1180, %gather3A_1186 : vector<16xi32>
      %broadcast_in_dim3A_1188 = arith.constant 4 : i32
      %broadcast_in_dim3A_1189 = vector.broadcast %broadcast_in_dim3A_1188 : i32 to vector<16xi32>
      %xor3A_1190 = arith.xori %iota3A, %broadcast_in_dim3A_1189 : vector<16xi32>
      %broadcast_in_dim3A_1191 = vector.shape_cast %xor3A_1190 : vector<16xi32> to vector<16x1xi32>
      %gather3A_1192 = vector.shape_cast %broadcast_in_dim3A_1191 : vector<16x1xi32> to vector<16xi32>
      %gather3A_1193 = tpu.dynamic_gather %min3A_1187[%gather3A_1192] in [0] : vector<16xi32>, vector<16xi32> -> vector<16xi32>
      %min3A_1194 = arith.minsi %min3A_1187, %gather3A_1193 : vector<16xi32>
      %broadcast_in_dim3A_1195 = arith.constant 8 : i32
      %broadcast_in_dim3A_1196 = vector.broadcast %broadcast_in_dim3A_1195 : i32 to vector<16xi32>
      %xor3A_1197 = arith.xori %iota3A, %broadcast_in_dim3A_1196 : vector<16xi32>
      %broadcast_in_dim3A_1198 = vector.shape_cast %xor3A_1197 : vector<16xi32> to vector<16x1xi32>
      %gather3A_1199 = vector.shape_cast %broadcast_in_dim3A_1198 : vector<16x1xi32> to vector<16xi32>
      %gather3A_1200 = tpu.dynamic_gather %min3A_1194[%gather3A_1199] in [0] : vector<16xi32>, vector<16xi32> -> vector<16xi32>
      %min3A_1201 = arith.minsi %min3A_1194, %gather3A_1200 : vector<16xi32>
      %eq3A_1202 = arith.cmpi eq, %iota3A, %min3A_1201 : vector<16xi32>
      %broadcast_in_dim3A_1203 = arith.constant 1 : i32
      %broadcast_in_dim3A_1204 = vector.broadcast %broadcast_in_dim3A_1203 : i32 to vector<16xi32>
      %broadcast_in_dim3A_1205 = arith.constant 0 : i32
      %broadcast_in_dim3A_1206 = vector.broadcast %broadcast_in_dim3A_1205 : i32 to vector<16xi32>
      %select_n3A_1207 = arith.select %eq3A_1202, %broadcast_in_dim3A_1204, %broadcast_in_dim3A_1206 : vector<16xi1>, vector<16xi32>
      %add3A_1208 = arith.addi %add3A_1133, %select_n3A_1207 : vector<16xi32>
      %broadcast_in_dim3A_1209 = arith.constant 0xFF800000 : f32
      %broadcast_in_dim3A_1210 = vector.broadcast %broadcast_in_dim3A_1209 : f32 to vector<16xf32>
      %select_n3A_1211 = arith.select %eq3A_1202, %broadcast_in_dim3A_1210, %get3A_1141 : vector<16xi1>, vector<16xf32>
      %broadcast_in_dim3A_1212 = arith.constant 1 : i32
      %broadcast_in_dim3A_1213 = vector.broadcast %broadcast_in_dim3A_1212 : i32 to vector<16xi32>
      %xor3A_1214 = arith.xori %iota3A, %broadcast_in_dim3A_1213 : vector<16xi32>
      %broadcast_in_dim3A_1215 = vector.shape_cast %xor3A_1214 : vector<16xi32> to vector<16x1xi32>
      %gather3A_1216 = vector.shape_cast %broadcast_in_dim3A_1215 : vector<16x1xi32> to vector<16xi32>
      %gather3A_1217 = tpu.dynamic_gather %select_n3A_1211[%gather3A_1216] in [0] : vector<16xf32>, vector<16xi32> -> vector<16xf32>
      %max3A_1218 = arith.maximumf %select_n3A_1211, %gather3A_1217 : vector<16xf32>
      %broadcast_in_dim3A_1219 = arith.constant 2 : i32
      %broadcast_in_dim3A_1220 = vector.broadcast %broadcast_in_dim3A_1219 : i32 to vector<16xi32>
      %xor3A_1221 = arith.xori %iota3A, %broadcast_in_dim3A_1220 : vector<16xi32>
      %broadcast_in_dim3A_1222 = vector.shape_cast %xor3A_1221 : vector<16xi32> to vector<16x1xi32>
      %gather3A_1223 = vector.shape_cast %broadcast_in_dim3A_1222 : vector<16x1xi32> to vector<16xi32>
      %gather3A_1224 = tpu.dynamic_gather %max3A_1218[%gather3A_1223] in [0] : vector<16xf32>, vector<16xi32> -> vector<16xf32>
      %max3A_1225 = arith.maximumf %max3A_1218, %gather3A_1224 : vector<16xf32>
      %broadcast_in_dim3A_1226 = arith.constant 4 : i32
      %broadcast_in_dim3A_1227 = vector.broadcast %broadcast_in_dim3A_1226 : i32 to vector<16xi32>
      %xor3A_1228 = arith.xori %iota3A, %broadcast_in_dim3A_1227 : vector<16xi32>
      %broadcast_in_dim3A_1229 = vector.shape_cast %xor3A_1228 : vector<16xi32> to vector<16x1xi32>
      %gather3A_1230 = vector.shape_cast %broadcast_in_dim3A_1229 : vector<16x1xi32> to vector<16xi32>
      %gather3A_1231 = tpu.dynamic_gather %max3A_1225[%gather3A_1230] in [0] : vector<16xf32>, vector<16xi32> -> vector<16xf32>
      %max3A_1232 = arith.maximumf %max3A_1225, %gather3A_1231 : vector<16xf32>
      %broadcast_in_dim3A_1233 = arith.constant 8 : i32
      %broadcast_in_dim3A_1234 = vector.broadcast %broadcast_in_dim3A_1233 : i32 to vector<16xi32>
      %xor3A_1235 = arith.xori %iota3A, %broadcast_in_dim3A_1234 : vector<16xi32>
      %broadcast_in_dim3A_1236 = vector.shape_cast %xor3A_1235 : vector<16xi32> to vector<16x1xi32>
      %gather3A_1237 = vector.shape_cast %broadcast_in_dim3A_1236 : vector<16x1xi32> to vector<16xi32>
      %gather3A_1238 = tpu.dynamic_gather %max3A_1232[%gather3A_1237] in [0] : vector<16xf32>, vector<16xi32> -> vector<16xf32>
      %max3A_1239 = arith.maximumf %max3A_1232, %gather3A_1238 : vector<16xf32>
      %eq3A_1240 = arith.cmpf oeq, %select_n3A_1211, %max3A_1239 : vector<16xf32>
      %broadcast_in_dim3A_1241 = arith.constant 16 : i32
      %broadcast_in_dim3A_1242 = vector.broadcast %broadcast_in_dim3A_1241 : i32 to vector<16xi32>
      %select_n3A_1243 = arith.select %eq3A_1240, %iota3A, %broadcast_in_dim3A_1242 : vector<16xi1>, vector<16xi32>
      %broadcast_in_dim3A_1244 = arith.constant 1 : i32
      %broadcast_in_dim3A_1245 = vector.broadcast %broadcast_in_dim3A_1244 : i32 to vector<16xi32>
      %xor3A_1246 = arith.xori %iota3A, %broadcast_in_dim3A_1245 : vector<16xi32>
      %broadcast_in_dim3A_1247 = vector.shape_cast %xor3A_1246 : vector<16xi32> to vector<16x1xi32>
      %gather3A_1248 = vector.shape_cast %broadcast_in_dim3A_1247 : vector<16x1xi32> to vector<16xi32>
      %gather3A_1249 = tpu.dynamic_gather %select_n3A_1243[%gather3A_1248] in [0] : vector<16xi32>, vector<16xi32> -> vector<16xi32>
      %min3A_1250 = arith.minsi %select_n3A_1243, %gather3A_1249 : vector<16xi32>
      %broadcast_in_dim3A_1251 = arith.constant 2 : i32
      %broadcast_in_dim3A_1252 = vector.broadcast %broadcast_in_dim3A_1251 : i32 to vector<16xi32>
      %xor3A_1253 = arith.xori %iota3A, %broadcast_in_dim3A_1252 : vector<16xi32>
      %broadcast_in_dim3A_1254 = vector.shape_cast %xor3A_1253 : vector<16xi32> to vector<16x1xi32>
      %gather3A_1255 = vector.shape_cast %broadcast_in_dim3A_1254 : vector<16x1xi32> to vector<16xi32>
      %gather3A_1256 = tpu.dynamic_gather %min3A_1250[%gather3A_1255] in [0] : vector<16xi32>, vector<16xi32> -> vector<16xi32>
      %min3A_1257 = arith.minsi %min3A_1250, %gather3A_1256 : vector<16xi32>
      %broadcast_in_dim3A_1258 = arith.constant 4 : i32
      %broadcast_in_dim3A_1259 = vector.broadcast %broadcast_in_dim3A_1258 : i32 to vector<16xi32>
      %xor3A_1260 = arith.xori %iota3A, %broadcast_in_dim3A_1259 : vector<16xi32>
      %broadcast_in_dim3A_1261 = vector.shape_cast %xor3A_1260 : vector<16xi32> to vector<16x1xi32>
      %gather3A_1262 = vector.shape_cast %broadcast_in_dim3A_1261 : vector<16x1xi32> to vector<16xi32>
      %gather3A_1263 = tpu.dynamic_gather %min3A_1257[%gather3A_1262] in [0] : vector<16xi32>, vector<16xi32> -> vector<16xi32>
      %min3A_1264 = arith.minsi %min3A_1257, %gather3A_1263 : vector<16xi32>
      %broadcast_in_dim3A_1265 = arith.constant 8 : i32
      %broadcast_in_dim3A_1266 = vector.broadcast %broadcast_in_dim3A_1265 : i32 to vector<16xi32>
      %xor3A_1267 = arith.xori %iota3A, %broadcast_in_dim3A_1266 : vector<16xi32>
      %broadcast_in_dim3A_1268 = vector.shape_cast %xor3A_1267 : vector<16xi32> to vector<16x1xi32>
      %gather3A_1269 = vector.shape_cast %broadcast_in_dim3A_1268 : vector<16x1xi32> to vector<16xi32>
      %gather3A_1270 = tpu.dynamic_gather %min3A_1264[%gather3A_1269] in [0] : vector<16xi32>, vector<16xi32> -> vector<16xi32>
      %min3A_1271 = arith.minsi %min3A_1264, %gather3A_1270 : vector<16xi32>
      %eq3A_1272 = arith.cmpi eq, %iota3A, %min3A_1271 : vector<16xi32>
      %broadcast_in_dim3A_1273 = arith.constant 1 : i32
      %broadcast_in_dim3A_1274 = vector.broadcast %broadcast_in_dim3A_1273 : i32 to vector<16xi32>
      %broadcast_in_dim3A_1275 = arith.constant 0 : i32
      %broadcast_in_dim3A_1276 = vector.broadcast %broadcast_in_dim3A_1275 : i32 to vector<16xi32>
      %select_n3A_1277 = arith.select %eq3A_1272, %broadcast_in_dim3A_1274, %broadcast_in_dim3A_1276 : vector<16xi1>, vector<16xi32>
      %add3A_1278 = arith.addi %add3A_1208, %select_n3A_1277 : vector<16xi32>
      %broadcast_in_dim3A_1279 = arith.constant 0xFF800000 : f32
      %broadcast_in_dim3A_1280 = vector.broadcast %broadcast_in_dim3A_1279 : f32 to vector<16xf32>
      %select_n3A_1281 = arith.select %eq3A_1272, %broadcast_in_dim3A_1280, %select_n3A_1211 : vector<16xi1>, vector<16xf32>
      %broadcast_in_dim3A_1282 = arith.constant 1 : i32
      %broadcast_in_dim3A_1283 = vector.broadcast %broadcast_in_dim3A_1282 : i32 to vector<16xi32>
      %xor3A_1284 = arith.xori %iota3A, %broadcast_in_dim3A_1283 : vector<16xi32>
      %broadcast_in_dim3A_1285 = vector.shape_cast %xor3A_1284 : vector<16xi32> to vector<16x1xi32>
      %gather3A_1286 = vector.shape_cast %broadcast_in_dim3A_1285 : vector<16x1xi32> to vector<16xi32>
      %gather3A_1287 = tpu.dynamic_gather %select_n3A_1281[%gather3A_1286] in [0] : vector<16xf32>, vector<16xi32> -> vector<16xf32>
      %max3A_1288 = arith.maximumf %select_n3A_1281, %gather3A_1287 : vector<16xf32>
      %broadcast_in_dim3A_1289 = arith.constant 2 : i32
      %broadcast_in_dim3A_1290 = vector.broadcast %broadcast_in_dim3A_1289 : i32 to vector<16xi32>
      %xor3A_1291 = arith.xori %iota3A, %broadcast_in_dim3A_1290 : vector<16xi32>
      %broadcast_in_dim3A_1292 = vector.shape_cast %xor3A_1291 : vector<16xi32> to vector<16x1xi32>
      %gather3A_1293 = vector.shape_cast %broadcast_in_dim3A_1292 : vector<16x1xi32> to vector<16xi32>
      %gather3A_1294 = tpu.dynamic_gather %max3A_1288[%gather3A_1293] in [0] : vector<16xf32>, vector<16xi32> -> vector<16xf32>
      %max3A_1295 = arith.maximumf %max3A_1288, %gather3A_1294 : vector<16xf32>
      %broadcast_in_dim3A_1296 = arith.constant 4 : i32
      %broadcast_in_dim3A_1297 = vector.broadcast %broadcast_in_dim3A_1296 : i32 to vector<16xi32>
      %xor3A_1298 = arith.xori %iota3A, %broadcast_in_dim3A_1297 : vector<16xi32>
      %broadcast_in_dim3A_1299 = vector.shape_cast %xor3A_1298 : vector<16xi32> to vector<16x1xi32>
      %gather3A_1300 = vector.shape_cast %broadcast_in_dim3A_1299 : vector<16x1xi32> to vector<16xi32>
      %gather3A_1301 = tpu.dynamic_gather %max3A_1295[%gather3A_1300] in [0] : vector<16xf32>, vector<16xi32> -> vector<16xf32>
      %max3A_1302 = arith.maximumf %max3A_1295, %gather3A_1301 : vector<16xf32>
      %broadcast_in_dim3A_1303 = arith.constant 8 : i32
      %broadcast_in_dim3A_1304 = vector.broadcast %broadcast_in_dim3A_1303 : i32 to vector<16xi32>
      %xor3A_1305 = arith.xori %iota3A, %broadcast_in_dim3A_1304 : vector<16xi32>
      %broadcast_in_dim3A_1306 = vector.shape_cast %xor3A_1305 : vector<16xi32> to vector<16x1xi32>
      %gather3A_1307 = vector.shape_cast %broadcast_in_dim3A_1306 : vector<16x1xi32> to vector<16xi32>
      %gather3A_1308 = tpu.dynamic_gather %max3A_1302[%gather3A_1307] in [0] : vector<16xf32>, vector<16xi32> -> vector<16xf32>
      %max3A_1309 = arith.maximumf %max3A_1302, %gather3A_1308 : vector<16xf32>
      %eq3A_1310 = arith.cmpf oeq, %select_n3A_1281, %max3A_1309 : vector<16xf32>
      %broadcast_in_dim3A_1311 = arith.constant 16 : i32
      %broadcast_in_dim3A_1312 = vector.broadcast %broadcast_in_dim3A_1311 : i32 to vector<16xi32>
      %select_n3A_1313 = arith.select %eq3A_1310, %iota3A, %broadcast_in_dim3A_1312 : vector<16xi1>, vector<16xi32>
      %broadcast_in_dim3A_1314 = arith.constant 1 : i32
      %broadcast_in_dim3A_1315 = vector.broadcast %broadcast_in_dim3A_1314 : i32 to vector<16xi32>
      %xor3A_1316 = arith.xori %iota3A, %broadcast_in_dim3A_1315 : vector<16xi32>
      %broadcast_in_dim3A_1317 = vector.shape_cast %xor3A_1316 : vector<16xi32> to vector<16x1xi32>
      %gather3A_1318 = vector.shape_cast %broadcast_in_dim3A_1317 : vector<16x1xi32> to vector<16xi32>
      %gather3A_1319 = tpu.dynamic_gather %select_n3A_1313[%gather3A_1318] in [0] : vector<16xi32>, vector<16xi32> -> vector<16xi32>
      %min3A_1320 = arith.minsi %select_n3A_1313, %gather3A_1319 : vector<16xi32>
      %broadcast_in_dim3A_1321 = arith.constant 2 : i32
      %broadcast_in_dim3A_1322 = vector.broadcast %broadcast_in_dim3A_1321 : i32 to vector<16xi32>
      %xor3A_1323 = arith.xori %iota3A, %broadcast_in_dim3A_1322 : vector<16xi32>
      %broadcast_in_dim3A_1324 = vector.shape_cast %xor3A_1323 : vector<16xi32> to vector<16x1xi32>
      %gather3A_1325 = vector.shape_cast %broadcast_in_dim3A_1324 : vector<16x1xi32> to vector<16xi32>
      %gather3A_1326 = tpu.dynamic_gather %min3A_1320[%gather3A_1325] in [0] : vector<16xi32>, vector<16xi32> -> vector<16xi32>
      %min3A_1327 = arith.minsi %min3A_1320, %gather3A_1326 : vector<16xi32>
      %broadcast_in_dim3A_1328 = arith.constant 4 : i32
      %broadcast_in_dim3A_1329 = vector.broadcast %broadcast_in_dim3A_1328 : i32 to vector<16xi32>
      %xor3A_1330 = arith.xori %iota3A, %broadcast_in_dim3A_1329 : vector<16xi32>
      %broadcast_in_dim3A_1331 = vector.shape_cast %xor3A_1330 : vector<16xi32> to vector<16x1xi32>
      %gather3A_1332 = vector.shape_cast %broadcast_in_dim3A_1331 : vector<16x1xi32> to vector<16xi32>
      %gather3A_1333 = tpu.dynamic_gather %min3A_1327[%gather3A_1332] in [0] : vector<16xi32>, vector<16xi32> -> vector<16xi32>
      %min3A_1334 = arith.minsi %min3A_1327, %gather3A_1333 : vector<16xi32>
      %broadcast_in_dim3A_1335 = arith.constant 8 : i32
      %broadcast_in_dim3A_1336 = vector.broadcast %broadcast_in_dim3A_1335 : i32 to vector<16xi32>
      %xor3A_1337 = arith.xori %iota3A, %broadcast_in_dim3A_1336 : vector<16xi32>
      %broadcast_in_dim3A_1338 = vector.shape_cast %xor3A_1337 : vector<16xi32> to vector<16x1xi32>
      %gather3A_1339 = vector.shape_cast %broadcast_in_dim3A_1338 : vector<16x1xi32> to vector<16xi32>
      %gather3A_1340 = tpu.dynamic_gather %min3A_1334[%gather3A_1339] in [0] : vector<16xi32>, vector<16xi32> -> vector<16xi32>
      %min3A_1341 = arith.minsi %min3A_1334, %gather3A_1340 : vector<16xi32>
      %eq3A_1342 = arith.cmpi eq, %iota3A, %min3A_1341 : vector<16xi32>
      %broadcast_in_dim3A_1343 = arith.constant 1 : i32
      %broadcast_in_dim3A_1344 = vector.broadcast %broadcast_in_dim3A_1343 : i32 to vector<16xi32>
      %broadcast_in_dim3A_1345 = arith.constant 0 : i32
      %broadcast_in_dim3A_1346 = vector.broadcast %broadcast_in_dim3A_1345 : i32 to vector<16xi32>
      %select_n3A_1347 = arith.select %eq3A_1342, %broadcast_in_dim3A_1344, %broadcast_in_dim3A_1346 : vector<16xi1>, vector<16xi32>
      %add3A_1348 = arith.addi %add3A_1278, %select_n3A_1347 : vector<16xi32>
      %broadcast_in_dim3A_1349 = arith.constant 0xFF800000 : f32
      %broadcast_in_dim3A_1350 = vector.broadcast %broadcast_in_dim3A_1349 : f32 to vector<16xf32>
      %select_n3A_1351 = arith.select %eq3A_1342, %broadcast_in_dim3A_1350, %select_n3A_1281 : vector<16xi1>, vector<16xf32>
      %broadcast_in_dim3A_1352 = arith.constant 1 : i32
      %broadcast_in_dim3A_1353 = vector.broadcast %broadcast_in_dim3A_1352 : i32 to vector<16xi32>
      %xor3A_1354 = arith.xori %iota3A, %broadcast_in_dim3A_1353 : vector<16xi32>
      %broadcast_in_dim3A_1355 = vector.shape_cast %xor3A_1354 : vector<16xi32> to vector<16x1xi32>
      %gather3A_1356 = vector.shape_cast %broadcast_in_dim3A_1355 : vector<16x1xi32> to vector<16xi32>
      %gather3A_1357 = tpu.dynamic_gather %select_n3A_1351[%gather3A_1356] in [0] : vector<16xf32>, vector<16xi32> -> vector<16xf32>
      %max3A_1358 = arith.maximumf %select_n3A_1351, %gather3A_1357 : vector<16xf32>
      %broadcast_in_dim3A_1359 = arith.constant 2 : i32
      %broadcast_in_dim3A_1360 = vector.broadcast %broadcast_in_dim3A_1359 : i32 to vector<16xi32>
      %xor3A_1361 = arith.xori %iota3A, %broadcast_in_dim3A_1360 : vector<16xi32>
      %broadcast_in_dim3A_1362 = vector.shape_cast %xor3A_1361 : vector<16xi32> to vector<16x1xi32>
      %gather3A_1363 = vector.shape_cast %broadcast_in_dim3A_1362 : vector<16x1xi32> to vector<16xi32>
      %gather3A_1364 = tpu.dynamic_gather %max3A_1358[%gather3A_1363] in [0] : vector<16xf32>, vector<16xi32> -> vector<16xf32>
      %max3A_1365 = arith.maximumf %max3A_1358, %gather3A_1364 : vector<16xf32>
      %broadcast_in_dim3A_1366 = arith.constant 4 : i32
      %broadcast_in_dim3A_1367 = vector.broadcast %broadcast_in_dim3A_1366 : i32 to vector<16xi32>
      %xor3A_1368 = arith.xori %iota3A, %broadcast_in_dim3A_1367 : vector<16xi32>
      %broadcast_in_dim3A_1369 = vector.shape_cast %xor3A_1368 : vector<16xi32> to vector<16x1xi32>
      %gather3A_1370 = vector.shape_cast %broadcast_in_dim3A_1369 : vector<16x1xi32> to vector<16xi32>
      %gather3A_1371 = tpu.dynamic_gather %max3A_1365[%gather3A_1370] in [0] : vector<16xf32>, vector<16xi32> -> vector<16xf32>
      %max3A_1372 = arith.maximumf %max3A_1365, %gather3A_1371 : vector<16xf32>
      %broadcast_in_dim3A_1373 = arith.constant 8 : i32
      %broadcast_in_dim3A_1374 = vector.broadcast %broadcast_in_dim3A_1373 : i32 to vector<16xi32>
      %xor3A_1375 = arith.xori %iota3A, %broadcast_in_dim3A_1374 : vector<16xi32>
      %broadcast_in_dim3A_1376 = vector.shape_cast %xor3A_1375 : vector<16xi32> to vector<16x1xi32>
      %gather3A_1377 = vector.shape_cast %broadcast_in_dim3A_1376 : vector<16x1xi32> to vector<16xi32>
      %gather3A_1378 = tpu.dynamic_gather %max3A_1372[%gather3A_1377] in [0] : vector<16xf32>, vector<16xi32> -> vector<16xf32>
      %max3A_1379 = arith.maximumf %max3A_1372, %gather3A_1378 : vector<16xf32>
      %eq3A_1380 = arith.cmpf oeq, %select_n3A_1351, %max3A_1379 : vector<16xf32>
      %broadcast_in_dim3A_1381 = arith.constant 16 : i32
      %broadcast_in_dim3A_1382 = vector.broadcast %broadcast_in_dim3A_1381 : i32 to vector<16xi32>
      %select_n3A_1383 = arith.select %eq3A_1380, %iota3A, %broadcast_in_dim3A_1382 : vector<16xi1>, vector<16xi32>
      %broadcast_in_dim3A_1384 = arith.constant 1 : i32
      %broadcast_in_dim3A_1385 = vector.broadcast %broadcast_in_dim3A_1384 : i32 to vector<16xi32>
      %xor3A_1386 = arith.xori %iota3A, %broadcast_in_dim3A_1385 : vector<16xi32>
      %broadcast_in_dim3A_1387 = vector.shape_cast %xor3A_1386 : vector<16xi32> to vector<16x1xi32>
      %gather3A_1388 = vector.shape_cast %broadcast_in_dim3A_1387 : vector<16x1xi32> to vector<16xi32>
      %gather3A_1389 = tpu.dynamic_gather %select_n3A_1383[%gather3A_1388] in [0] : vector<16xi32>, vector<16xi32> -> vector<16xi32>
      %min3A_1390 = arith.minsi %select_n3A_1383, %gather3A_1389 : vector<16xi32>
      %broadcast_in_dim3A_1391 = arith.constant 2 : i32
      %broadcast_in_dim3A_1392 = vector.broadcast %broadcast_in_dim3A_1391 : i32 to vector<16xi32>
      %xor3A_1393 = arith.xori %iota3A, %broadcast_in_dim3A_1392 : vector<16xi32>
      %broadcast_in_dim3A_1394 = vector.shape_cast %xor3A_1393 : vector<16xi32> to vector<16x1xi32>
      %gather3A_1395 = vector.shape_cast %broadcast_in_dim3A_1394 : vector<16x1xi32> to vector<16xi32>
      %gather3A_1396 = tpu.dynamic_gather %min3A_1390[%gather3A_1395] in [0] : vector<16xi32>, vector<16xi32> -> vector<16xi32>
      %min3A_1397 = arith.minsi %min3A_1390, %gather3A_1396 : vector<16xi32>
      %broadcast_in_dim3A_1398 = arith.constant 4 : i32
      %broadcast_in_dim3A_1399 = vector.broadcast %broadcast_in_dim3A_1398 : i32 to vector<16xi32>
      %xor3A_1400 = arith.xori %iota3A, %broadcast_in_dim3A_1399 : vector<16xi32>
      %broadcast_in_dim3A_1401 = vector.shape_cast %xor3A_1400 : vector<16xi32> to vector<16x1xi32>
      %gather3A_1402 = vector.shape_cast %broadcast_in_dim3A_1401 : vector<16x1xi32> to vector<16xi32>
      %gather3A_1403 = tpu.dynamic_gather %min3A_1397[%gather3A_1402] in [0] : vector<16xi32>, vector<16xi32> -> vector<16xi32>
      %min3A_1404 = arith.minsi %min3A_1397, %gather3A_1403 : vector<16xi32>
      %broadcast_in_dim3A_1405 = arith.constant 8 : i32
      %broadcast_in_dim3A_1406 = vector.broadcast %broadcast_in_dim3A_1405 : i32 to vector<16xi32>
      %xor3A_1407 = arith.xori %iota3A, %broadcast_in_dim3A_1406 : vector<16xi32>
      %broadcast_in_dim3A_1408 = vector.shape_cast %xor3A_1407 : vector<16xi32> to vector<16x1xi32>
      %gather3A_1409 = vector.shape_cast %broadcast_in_dim3A_1408 : vector<16x1xi32> to vector<16xi32>
      %gather3A_1410 = tpu.dynamic_gather %min3A_1404[%gather3A_1409] in [0] : vector<16xi32>, vector<16xi32> -> vector<16xi32>
      %min3A_1411 = arith.minsi %min3A_1404, %gather3A_1410 : vector<16xi32>
      %eq3A_1412 = arith.cmpi eq, %iota3A, %min3A_1411 : vector<16xi32>
      %broadcast_in_dim3A_1413 = arith.constant 1 : i32
      %broadcast_in_dim3A_1414 = vector.broadcast %broadcast_in_dim3A_1413 : i32 to vector<16xi32>
      %broadcast_in_dim3A_1415 = arith.constant 0 : i32
      %broadcast_in_dim3A_1416 = vector.broadcast %broadcast_in_dim3A_1415 : i32 to vector<16xi32>
      %select_n3A_1417 = arith.select %eq3A_1412, %broadcast_in_dim3A_1414, %broadcast_in_dim3A_1416 : vector<16xi1>, vector<16xi32>
      %add3A_1418 = arith.addi %add3A_1348, %select_n3A_1417 : vector<16xi32>
      %broadcast_in_dim3A_1419 = arith.constant 0xFF800000 : f32
      %broadcast_in_dim3A_1420 = vector.broadcast %broadcast_in_dim3A_1419 : f32 to vector<16xf32>
      %select_n3A_1421 = arith.select %eq3A_1412, %broadcast_in_dim3A_1420, %select_n3A_1351 : vector<16xi1>, vector<16xf32>
      %get3A_1422 = arith.constant 5 : i32
      %get3A_1423 = arith.index_cast %get3A_1422 : i32 to index
      %get3A_1424 = arith.constant 0 : index
      %get3A_1425 = tpu.vector_load %arg7[%get3A_1423, %get3A_1424] {strides = array<i32>} : memref<8x16xf32, #tpu.memory_space<vmem>>, vector<1x16xf32>,
      %get3A_1426 = vector.shape_cast %get3A_1425 : vector<1x16xf32> to vector<16xf32>
      %broadcast_in_dim3A_1427 = arith.constant 1 : i32
      %broadcast_in_dim3A_1428 = vector.broadcast %broadcast_in_dim3A_1427 : i32 to vector<16xi32>
      %xor3A_1429 = arith.xori %iota3A, %broadcast_in_dim3A_1428 : vector<16xi32>
      %broadcast_in_dim3A_1430 = vector.shape_cast %xor3A_1429 : vector<16xi32> to vector<16x1xi32>
      %gather3A_1431 = vector.shape_cast %broadcast_in_dim3A_1430 : vector<16x1xi32> to vector<16xi32>
      %gather3A_1432 = tpu.dynamic_gather %get3A_1426[%gather3A_1431] in [0] : vector<16xf32>, vector<16xi32> -> vector<16xf32>
      %max3A_1433 = arith.maximumf %get3A_1426, %gather3A_1432 : vector<16xf32>
      %broadcast_in_dim3A_1434 = arith.constant 2 : i32
      %broadcast_in_dim3A_1435 = vector.broadcast %broadcast_in_dim3A_1434 : i32 to vector<16xi32>
      %xor3A_1436 = arith.xori %iota3A, %broadcast_in_dim3A_1435 : vector<16xi32>
      %broadcast_in_dim3A_1437 = vector.shape_cast %xor3A_1436 : vector<16xi32> to vector<16x1xi32>
      %gather3A_1438 = vector.shape_cast %broadcast_in_dim3A_1437 : vector<16x1xi32> to vector<16xi32>
      %gather3A_1439 = tpu.dynamic_gather %max3A_1433[%gather3A_1438] in [0] : vector<16xf32>, vector<16xi32> -> vector<16xf32>
      %max3A_1440 = arith.maximumf %max3A_1433, %gather3A_1439 : vector<16xf32>
      %broadcast_in_dim3A_1441 = arith.constant 4 : i32
      %broadcast_in_dim3A_1442 = vector.broadcast %broadcast_in_dim3A_1441 : i32 to vector<16xi32>
      %xor3A_1443 = arith.xori %iota3A, %broadcast_in_dim3A_1442 : vector<16xi32>
      %broadcast_in_dim3A_1444 = vector.shape_cast %xor3A_1443 : vector<16xi32> to vector<16x1xi32>
      %gather3A_1445 = vector.shape_cast %broadcast_in_dim3A_1444 : vector<16x1xi32> to vector<16xi32>
      %gather3A_1446 = tpu.dynamic_gather %max3A_1440[%gather3A_1445] in [0] : vector<16xf32>, vector<16xi32> -> vector<16xf32>
      %max3A_1447 = arith.maximumf %max3A_1440, %gather3A_1446 : vector<16xf32>
      %broadcast_in_dim3A_1448 = arith.constant 8 : i32
      %broadcast_in_dim3A_1449 = vector.broadcast %broadcast_in_dim3A_1448 : i32 to vector<16xi32>
      %xor3A_1450 = arith.xori %iota3A, %broadcast_in_dim3A_1449 : vector<16xi32>
      %broadcast_in_dim3A_1451 = vector.shape_cast %xor3A_1450 : vector<16xi32> to vector<16x1xi32>
      %gather3A_1452 = vector.shape_cast %broadcast_in_dim3A_1451 : vector<16x1xi32> to vector<16xi32>
      %gather3A_1453 = tpu.dynamic_gather %max3A_1447[%gather3A_1452] in [0] : vector<16xf32>, vector<16xi32> -> vector<16xf32>
      %max3A_1454 = arith.maximumf %max3A_1447, %gather3A_1453 : vector<16xf32>
      %eq3A_1455 = arith.cmpf oeq, %get3A_1426, %max3A_1454 : vector<16xf32>
      %broadcast_in_dim3A_1456 = arith.constant 16 : i32
      %broadcast_in_dim3A_1457 = vector.broadcast %broadcast_in_dim3A_1456 : i32 to vector<16xi32>
      %select_n3A_1458 = arith.select %eq3A_1455, %iota3A, %broadcast_in_dim3A_1457 : vector<16xi1>, vector<16xi32>
      %broadcast_in_dim3A_1459 = arith.constant 1 : i32
      %broadcast_in_dim3A_1460 = vector.broadcast %broadcast_in_dim3A_1459 : i32 to vector<16xi32>
      %xor3A_1461 = arith.xori %iota3A, %broadcast_in_dim3A_1460 : vector<16xi32>
      %broadcast_in_dim3A_1462 = vector.shape_cast %xor3A_1461 : vector<16xi32> to vector<16x1xi32>
      %gather3A_1463 = vector.shape_cast %broadcast_in_dim3A_1462 : vector<16x1xi32> to vector<16xi32>
      %gather3A_1464 = tpu.dynamic_gather %select_n3A_1458[%gather3A_1463] in [0] : vector<16xi32>, vector<16xi32> -> vector<16xi32>
      %min3A_1465 = arith.minsi %select_n3A_1458, %gather3A_1464 : vector<16xi32>
      %broadcast_in_dim3A_1466 = arith.constant 2 : i32
      %broadcast_in_dim3A_1467 = vector.broadcast %broadcast_in_dim3A_1466 : i32 to vector<16xi32>
      %xor3A_1468 = arith.xori %iota3A, %broadcast_in_dim3A_1467 : vector<16xi32>
      %broadcast_in_dim3A_1469 = vector.shape_cast %xor3A_1468 : vector<16xi32> to vector<16x1xi32>
      %gather3A_1470 = vector.shape_cast %broadcast_in_dim3A_1469 : vector<16x1xi32> to vector<16xi32>
      %gather3A_1471 = tpu.dynamic_gather %min3A_1465[%gather3A_1470] in [0] : vector<16xi32>, vector<16xi32> -> vector<16xi32>
      %min3A_1472 = arith.minsi %min3A_1465, %gather3A_1471 : vector<16xi32>
      %broadcast_in_dim3A_1473 = arith.constant 4 : i32
      %broadcast_in_dim3A_1474 = vector.broadcast %broadcast_in_dim3A_1473 : i32 to vector<16xi32>
      %xor3A_1475 = arith.xori %iota3A, %broadcast_in_dim3A_1474 : vector<16xi32>
      %broadcast_in_dim3A_1476 = vector.shape_cast %xor3A_1475 : vector<16xi32> to vector<16x1xi32>
      %gather3A_1477 = vector.shape_cast %broadcast_in_dim3A_1476 : vector<16x1xi32> to vector<16xi32>
      %gather3A_1478 = tpu.dynamic_gather %min3A_1472[%gather3A_1477] in [0] : vector<16xi32>, vector<16xi32> -> vector<16xi32>
      %min3A_1479 = arith.minsi %min3A_1472, %gather3A_1478 : vector<16xi32>
      %broadcast_in_dim3A_1480 = arith.constant 8 : i32
      %broadcast_in_dim3A_1481 = vector.broadcast %broadcast_in_dim3A_1480 : i32 to vector<16xi32>
      %xor3A_1482 = arith.xori %iota3A, %broadcast_in_dim3A_1481 : vector<16xi32>
      %broadcast_in_dim3A_1483 = vector.shape_cast %xor3A_1482 : vector<16xi32> to vector<16x1xi32>
      %gather3A_1484 = vector.shape_cast %broadcast_in_dim3A_1483 : vector<16x1xi32> to vector<16xi32>
      %gather3A_1485 = tpu.dynamic_gather %min3A_1479[%gather3A_1484] in [0] : vector<16xi32>, vector<16xi32> -> vector<16xi32>
      %min3A_1486 = arith.minsi %min3A_1479, %gather3A_1485 : vector<16xi32>
      %eq3A_1487 = arith.cmpi eq, %iota3A, %min3A_1486 : vector<16xi32>
      %broadcast_in_dim3A_1488 = arith.constant 1 : i32
      %broadcast_in_dim3A_1489 = vector.broadcast %broadcast_in_dim3A_1488 : i32 to vector<16xi32>
      %broadcast_in_dim3A_1490 = arith.constant 0 : i32
      %broadcast_in_dim3A_1491 = vector.broadcast %broadcast_in_dim3A_1490 : i32 to vector<16xi32>
      %select_n3A_1492 = arith.select %eq3A_1487, %broadcast_in_dim3A_1489, %broadcast_in_dim3A_1491 : vector<16xi1>, vector<16xi32>
      %add3A_1493 = arith.addi %add3A_1418, %select_n3A_1492 : vector<16xi32>
      %broadcast_in_dim3A_1494 = arith.constant 0xFF800000 : f32
      %broadcast_in_dim3A_1495 = vector.broadcast %broadcast_in_dim3A_1494 : f32 to vector<16xf32>
      %select_n3A_1496 = arith.select %eq3A_1487, %broadcast_in_dim3A_1495, %get3A_1426 : vector<16xi1>, vector<16xf32>
      %broadcast_in_dim3A_1497 = arith.constant 1 : i32
      %broadcast_in_dim3A_1498 = vector.broadcast %broadcast_in_dim3A_1497 : i32 to vector<16xi32>
      %xor3A_1499 = arith.xori %iota3A, %broadcast_in_dim3A_1498 : vector<16xi32>
      %broadcast_in_dim3A_1500 = vector.shape_cast %xor3A_1499 : vector<16xi32> to vector<16x1xi32>
      %gather3A_1501 = vector.shape_cast %broadcast_in_dim3A_1500 : vector<16x1xi32> to vector<16xi32>
      %gather3A_1502 = tpu.dynamic_gather %select_n3A_1496[%gather3A_1501] in [0] : vector<16xf32>, vector<16xi32> -> vector<16xf32>
      %max3A_1503 = arith.maximumf %select_n3A_1496, %gather3A_1502 : vector<16xf32>
      %broadcast_in_dim3A_1504 = arith.constant 2 : i32
      %broadcast_in_dim3A_1505 = vector.broadcast %broadcast_in_dim3A_1504 : i32 to vector<16xi32>
      %xor3A_1506 = arith.xori %iota3A, %broadcast_in_dim3A_1505 : vector<16xi32>
      %broadcast_in_dim3A_1507 = vector.shape_cast %xor3A_1506 : vector<16xi32> to vector<16x1xi32>
      %gather3A_1508 = vector.shape_cast %broadcast_in_dim3A_1507 : vector<16x1xi32> to vector<16xi32>
      %gather3A_1509 = tpu.dynamic_gather %max3A_1503[%gather3A_1508] in [0] : vector<16xf32>, vector<16xi32> -> vector<16xf32>
      %max3A_1510 = arith.maximumf %max3A_1503, %gather3A_1509 : vector<16xf32>
      %broadcast_in_dim3A_1511 = arith.constant 4 : i32
      %broadcast_in_dim3A_1512 = vector.broadcast %broadcast_in_dim3A_1511 : i32 to vector<16xi32>
      %xor3A_1513 = arith.xori %iota3A, %broadcast_in_dim3A_1512 : vector<16xi32>
      %broadcast_in_dim3A_1514 = vector.shape_cast %xor3A_1513 : vector<16xi32> to vector<16x1xi32>
      %gather3A_1515 = vector.shape_cast %broadcast_in_dim3A_1514 : vector<16x1xi32> to vector<16xi32>
      %gather3A_1516 = tpu.dynamic_gather %max3A_1510[%gather3A_1515] in [0] : vector<16xf32>, vector<16xi32> -> vector<16xf32>
      %max3A_1517 = arith.maximumf %max3A_1510, %gather3A_1516 : vector<16xf32>
      %broadcast_in_dim3A_1518 = arith.constant 8 : i32
      %broadcast_in_dim3A_1519 = vector.broadcast %broadcast_in_dim3A_1518 : i32 to vector<16xi32>
      %xor3A_1520 = arith.xori %iota3A, %broadcast_in_dim3A_1519 : vector<16xi32>
      %broadcast_in_dim3A_1521 = vector.shape_cast %xor3A_1520 : vector<16xi32> to vector<16x1xi32>
      %gather3A_1522 = vector.shape_cast %broadcast_in_dim3A_1521 : vector<16x1xi32> to vector<16xi32>
      %gather3A_1523 = tpu.dynamic_gather %max3A_1517[%gather3A_1522] in [0] : vector<16xf32>, vector<16xi32> -> vector<16xf32>
      %max3A_1524 = arith.maximumf %max3A_1517, %gather3A_1523 : vector<16xf32>
      %eq3A_1525 = arith.cmpf oeq, %select_n3A_1496, %max3A_1524 : vector<16xf32>
      %broadcast_in_dim3A_1526 = arith.constant 16 : i32
      %broadcast_in_dim3A_1527 = vector.broadcast %broadcast_in_dim3A_1526 : i32 to vector<16xi32>
      %select_n3A_1528 = arith.select %eq3A_1525, %iota3A, %broadcast_in_dim3A_1527 : vector<16xi1>, vector<16xi32>
      %broadcast_in_dim3A_1529 = arith.constant 1 : i32
      %broadcast_in_dim3A_1530 = vector.broadcast %broadcast_in_dim3A_1529 : i32 to vector<16xi32>
      %xor3A_1531 = arith.xori %iota3A, %broadcast_in_dim3A_1530 : vector<16xi32>
      %broadcast_in_dim3A_1532 = vector.shape_cast %xor3A_1531 : vector<16xi32> to vector<16x1xi32>
      %gather3A_1533 = vector.shape_cast %broadcast_in_dim3A_1532 : vector<16x1xi32> to vector<16xi32>
      %gather3A_1534 = tpu.dynamic_gather %select_n3A_1528[%gather3A_1533] in [0] : vector<16xi32>, vector<16xi32> -> vector<16xi32>
      %min3A_1535 = arith.minsi %select_n3A_1528, %gather3A_1534 : vector<16xi32>
      %broadcast_in_dim3A_1536 = arith.constant 2 : i32
      %broadcast_in_dim3A_1537 = vector.broadcast %broadcast_in_dim3A_1536 : i32 to vector<16xi32>
      %xor3A_1538 = arith.xori %iota3A, %broadcast_in_dim3A_1537 : vector<16xi32>
      %broadcast_in_dim3A_1539 = vector.shape_cast %xor3A_1538 : vector<16xi32> to vector<16x1xi32>
      %gather3A_1540 = vector.shape_cast %broadcast_in_dim3A_1539 : vector<16x1xi32> to vector<16xi32>
      %gather3A_1541 = tpu.dynamic_gather %min3A_1535[%gather3A_1540] in [0] : vector<16xi32>, vector<16xi32> -> vector<16xi32>
      %min3A_1542 = arith.minsi %min3A_1535, %gather3A_1541 : vector<16xi32>
      %broadcast_in_dim3A_1543 = arith.constant 4 : i32
      %broadcast_in_dim3A_1544 = vector.broadcast %broadcast_in_dim3A_1543 : i32 to vector<16xi32>
      %xor3A_1545 = arith.xori %iota3A, %broadcast_in_dim3A_1544 : vector<16xi32>
      %broadcast_in_dim3A_1546 = vector.shape_cast %xor3A_1545 : vector<16xi32> to vector<16x1xi32>
      %gather3A_1547 = vector.shape_cast %broadcast_in_dim3A_1546 : vector<16x1xi32> to vector<16xi32>
      %gather3A_1548 = tpu.dynamic_gather %min3A_1542[%gather3A_1547] in [0] : vector<16xi32>, vector<16xi32> -> vector<16xi32>
      %min3A_1549 = arith.minsi %min3A_1542, %gather3A_1548 : vector<16xi32>
      %broadcast_in_dim3A_1550 = arith.constant 8 : i32
      %broadcast_in_dim3A_1551 = vector.broadcast %broadcast_in_dim3A_1550 : i32 to vector<16xi32>
      %xor3A_1552 = arith.xori %iota3A, %broadcast_in_dim3A_1551 : vector<16xi32>
      %broadcast_in_dim3A_1553 = vector.shape_cast %xor3A_1552 : vector<16xi32> to vector<16x1xi32>
      %gather3A_1554 = vector.shape_cast %broadcast_in_dim3A_1553 : vector<16x1xi32> to vector<16xi32>
      %gather3A_1555 = tpu.dynamic_gather %min3A_1549[%gather3A_1554] in [0] : vector<16xi32>, vector<16xi32> -> vector<16xi32>
      %min3A_1556 = arith.minsi %min3A_1549, %gather3A_1555 : vector<16xi32>
      %eq3A_1557 = arith.cmpi eq, %iota3A, %min3A_1556 : vector<16xi32>
      %broadcast_in_dim3A_1558 = arith.constant 1 : i32
      %broadcast_in_dim3A_1559 = vector.broadcast %broadcast_in_dim3A_1558 : i32 to vector<16xi32>
      %broadcast_in_dim3A_1560 = arith.constant 0 : i32
      %broadcast_in_dim3A_1561 = vector.broadcast %broadcast_in_dim3A_1560 : i32 to vector<16xi32>
      %select_n3A_1562 = arith.select %eq3A_1557, %broadcast_in_dim3A_1559, %broadcast_in_dim3A_1561 : vector<16xi1>, vector<16xi32>
      %add3A_1563 = arith.addi %add3A_1493, %select_n3A_1562 : vector<16xi32>
      %broadcast_in_dim3A_1564 = arith.constant 0xFF800000 : f32
      %broadcast_in_dim3A_1565 = vector.broadcast %broadcast_in_dim3A_1564 : f32 to vector<16xf32>
      %select_n3A_1566 = arith.select %eq3A_1557, %broadcast_in_dim3A_1565, %select_n3A_1496 : vector<16xi1>, vector<16xf32>
      %broadcast_in_dim3A_1567 = arith.constant 1 : i32
      %broadcast_in_dim3A_1568 = vector.broadcast %broadcast_in_dim3A_1567 : i32 to vector<16xi32>
      %xor3A_1569 = arith.xori %iota3A, %broadcast_in_dim3A_1568 : vector<16xi32>
      %broadcast_in_dim3A_1570 = vector.shape_cast %xor3A_1569 : vector<16xi32> to vector<16x1xi32>
      %gather3A_1571 = vector.shape_cast %broadcast_in_dim3A_1570 : vector<16x1xi32> to vector<16xi32>
      %gather3A_1572 = tpu.dynamic_gather %select_n3A_1566[%gather3A_1571] in [0] : vector<16xf32>, vector<16xi32> -> vector<16xf32>
      %max3A_1573 = arith.maximumf %select_n3A_1566, %gather3A_1572 : vector<16xf32>
      %broadcast_in_dim3A_1574 = arith.constant 2 : i32
      %broadcast_in_dim3A_1575 = vector.broadcast %broadcast_in_dim3A_1574 : i32 to vector<16xi32>
      %xor3A_1576 = arith.xori %iota3A, %broadcast_in_dim3A_1575 : vector<16xi32>
      %broadcast_in_dim3A_1577 = vector.shape_cast %xor3A_1576 : vector<16xi32> to vector<16x1xi32>
      %gather3A_1578 = vector.shape_cast %broadcast_in_dim3A_1577 : vector<16x1xi32> to vector<16xi32>
      %gather3A_1579 = tpu.dynamic_gather %max3A_1573[%gather3A_1578] in [0] : vector<16xf32>, vector<16xi32> -> vector<16xf32>
      %max3A_1580 = arith.maximumf %max3A_1573, %gather3A_1579 : vector<16xf32>
      %broadcast_in_dim3A_1581 = arith.constant 4 : i32
      %broadcast_in_dim3A_1582 = vector.broadcast %broadcast_in_dim3A_1581 : i32 to vector<16xi32>
      %xor3A_1583 = arith.xori %iota3A, %broadcast_in_dim3A_1582 : vector<16xi32>
      %broadcast_in_dim3A_1584 = vector.shape_cast %xor3A_1583 : vector<16xi32> to vector<16x1xi32>
      %gather3A_1585 = vector.shape_cast %broadcast_in_dim3A_1584 : vector<16x1xi32> to vector<16xi32>
      %gather3A_1586 = tpu.dynamic_gather %max3A_1580[%gather3A_1585] in [0] : vector<16xf32>, vector<16xi32> -> vector<16xf32>
      %max3A_1587 = arith.maximumf %max3A_1580, %gather3A_1586 : vector<16xf32>
      %broadcast_in_dim3A_1588 = arith.constant 8 : i32
      %broadcast_in_dim3A_1589 = vector.broadcast %broadcast_in_dim3A_1588 : i32 to vector<16xi32>
      %xor3A_1590 = arith.xori %iota3A, %broadcast_in_dim3A_1589 : vector<16xi32>
      %broadcast_in_dim3A_1591 = vector.shape_cast %xor3A_1590 : vector<16xi32> to vector<16x1xi32>
      %gather3A_1592 = vector.shape_cast %broadcast_in_dim3A_1591 : vector<16x1xi32> to vector<16xi32>
      %gather3A_1593 = tpu.dynamic_gather %max3A_1587[%gather3A_1592] in [0] : vector<16xf32>, vector<16xi32> -> vector<16xf32>
      %max3A_1594 = arith.maximumf %max3A_1587, %gather3A_1593 : vector<16xf32>
      %eq3A_1595 = arith.cmpf oeq, %select_n3A_1566, %max3A_1594 : vector<16xf32>
      %broadcast_in_dim3A_1596 = arith.constant 16 : i32
      %broadcast_in_dim3A_1597 = vector.broadcast %broadcast_in_dim3A_1596 : i32 to vector<16xi32>
      %select_n3A_1598 = arith.select %eq3A_1595, %iota3A, %broadcast_in_dim3A_1597 : vector<16xi1>, vector<16xi32>
      %broadcast_in_dim3A_1599 = arith.constant 1 : i32
      %broadcast_in_dim3A_1600 = vector.broadcast %broadcast_in_dim3A_1599 : i32 to vector<16xi32>
      %xor3A_1601 = arith.xori %iota3A, %broadcast_in_dim3A_1600 : vector<16xi32>
      %broadcast_in_dim3A_1602 = vector.shape_cast %xor3A_1601 : vector<16xi32> to vector<16x1xi32>
      %gather3A_1603 = vector.shape_cast %broadcast_in_dim3A_1602 : vector<16x1xi32> to vector<16xi32>
      %gather3A_1604 = tpu.dynamic_gather %select_n3A_1598[%gather3A_1603] in [0] : vector<16xi32>, vector<16xi32> -> vector<16xi32>
      %min3A_1605 = arith.minsi %select_n3A_1598, %gather3A_1604 : vector<16xi32>
      %broadcast_in_dim3A_1606 = arith.constant 2 : i32
      %broadcast_in_dim3A_1607 = vector.broadcast %broadcast_in_dim3A_1606 : i32 to vector<16xi32>
      %xor3A_1608 = arith.xori %iota3A, %broadcast_in_dim3A_1607 : vector<16xi32>
      %broadcast_in_dim3A_1609 = vector.shape_cast %xor3A_1608 : vector<16xi32> to vector<16x1xi32>
      %gather3A_1610 = vector.shape_cast %broadcast_in_dim3A_1609 : vector<16x1xi32> to vector<16xi32>
      %gather3A_1611 = tpu.dynamic_gather %min3A_1605[%gather3A_1610] in [0] : vector<16xi32>, vector<16xi32> -> vector<16xi32>
      %min3A_1612 = arith.minsi %min3A_1605, %gather3A_1611 : vector<16xi32>
      %broadcast_in_dim3A_1613 = arith.constant 4 : i32
      %broadcast_in_dim3A_1614 = vector.broadcast %broadcast_in_dim3A_1613 : i32 to vector<16xi32>
      %xor3A_1615 = arith.xori %iota3A, %broadcast_in_dim3A_1614 : vector<16xi32>
      %broadcast_in_dim3A_1616 = vector.shape_cast %xor3A_1615 : vector<16xi32> to vector<16x1xi32>
      %gather3A_1617 = vector.shape_cast %broadcast_in_dim3A_1616 : vector<16x1xi32> to vector<16xi32>
      %gather3A_1618 = tpu.dynamic_gather %min3A_1612[%gather3A_1617] in [0] : vector<16xi32>, vector<16xi32> -> vector<16xi32>
      %min3A_1619 = arith.minsi %min3A_1612, %gather3A_1618 : vector<16xi32>
      %broadcast_in_dim3A_1620 = arith.constant 8 : i32
      %broadcast_in_dim3A_1621 = vector.broadcast %broadcast_in_dim3A_1620 : i32 to vector<16xi32>
      %xor3A_1622 = arith.xori %iota3A, %broadcast_in_dim3A_1621 : vector<16xi32>
      %broadcast_in_dim3A_1623 = vector.shape_cast %xor3A_1622 : vector<16xi32> to vector<16x1xi32>
      %gather3A_1624 = vector.shape_cast %broadcast_in_dim3A_1623 : vector<16x1xi32> to vector<16xi32>
      %gather3A_1625 = tpu.dynamic_gather %min3A_1619[%gather3A_1624] in [0] : vector<16xi32>, vector<16xi32> -> vector<16xi32>
      %min3A_1626 = arith.minsi %min3A_1619, %gather3A_1625 : vector<16xi32>
      %eq3A_1627 = arith.cmpi eq, %iota3A, %min3A_1626 : vector<16xi32>
      %broadcast_in_dim3A_1628 = arith.constant 1 : i32
      %broadcast_in_dim3A_1629 = vector.broadcast %broadcast_in_dim3A_1628 : i32 to vector<16xi32>
      %broadcast_in_dim3A_1630 = arith.constant 0 : i32
      %broadcast_in_dim3A_1631 = vector.broadcast %broadcast_in_dim3A_1630 : i32 to vector<16xi32>
      %select_n3A_1632 = arith.select %eq3A_1627, %broadcast_in_dim3A_1629, %broadcast_in_dim3A_1631 : vector<16xi1>, vector<16xi32>
      %add3A_1633 = arith.addi %add3A_1563, %select_n3A_1632 : vector<16xi32>
      %broadcast_in_dim3A_1634 = arith.constant 0xFF800000 : f32
      %broadcast_in_dim3A_1635 = vector.broadcast %broadcast_in_dim3A_1634 : f32 to vector<16xf32>
      %select_n3A_1636 = arith.select %eq3A_1627, %broadcast_in_dim3A_1635, %select_n3A_1566 : vector<16xi1>, vector<16xf32>
      %broadcast_in_dim3A_1637 = arith.constant 1 : i32
      %broadcast_in_dim3A_1638 = vector.broadcast %broadcast_in_dim3A_1637 : i32 to vector<16xi32>
      %xor3A_1639 = arith.xori %iota3A, %broadcast_in_dim3A_1638 : vector<16xi32>
      %broadcast_in_dim3A_1640 = vector.shape_cast %xor3A_1639 : vector<16xi32> to vector<16x1xi32>
      %gather3A_1641 = vector.shape_cast %broadcast_in_dim3A_1640 : vector<16x1xi32> to vector<16xi32>
      %gather3A_1642 = tpu.dynamic_gather %select_n3A_1636[%gather3A_1641] in [0] : vector<16xf32>, vector<16xi32> -> vector<16xf32>
      %max3A_1643 = arith.maximumf %select_n3A_1636, %gather3A_1642 : vector<16xf32>
      %broadcast_in_dim3A_1644 = arith.constant 2 : i32
      %broadcast_in_dim3A_1645 = vector.broadcast %broadcast_in_dim3A_1644 : i32 to vector<16xi32>
      %xor3A_1646 = arith.xori %iota3A, %broadcast_in_dim3A_1645 : vector<16xi32>
      %broadcast_in_dim3A_1647 = vector.shape_cast %xor3A_1646 : vector<16xi32> to vector<16x1xi32>
      %gather3A_1648 = vector.shape_cast %broadcast_in_dim3A_1647 : vector<16x1xi32> to vector<16xi32>
      %gather3A_1649 = tpu.dynamic_gather %max3A_1643[%gather3A_1648] in [0] : vector<16xf32>, vector<16xi32> -> vector<16xf32>
      %max3A_1650 = arith.maximumf %max3A_1643, %gather3A_1649 : vector<16xf32>
      %broadcast_in_dim3A_1651 = arith.constant 4 : i32
      %broadcast_in_dim3A_1652 = vector.broadcast %broadcast_in_dim3A_1651 : i32 to vector<16xi32>
      %xor3A_1653 = arith.xori %iota3A, %broadcast_in_dim3A_1652 : vector<16xi32>
      %broadcast_in_dim3A_1654 = vector.shape_cast %xor3A_1653 : vector<16xi32> to vector<16x1xi32>
      %gather3A_1655 = vector.shape_cast %broadcast_in_dim3A_1654 : vector<16x1xi32> to vector<16xi32>
      %gather3A_1656 = tpu.dynamic_gather %max3A_1650[%gather3A_1655] in [0] : vector<16xf32>, vector<16xi32> -> vector<16xf32>
      %max3A_1657 = arith.maximumf %max3A_1650, %gather3A_1656 : vector<16xf32>
      %broadcast_in_dim3A_1658 = arith.constant 8 : i32
      %broadcast_in_dim3A_1659 = vector.broadcast %broadcast_in_dim3A_1658 : i32 to vector<16xi32>
      %xor3A_1660 = arith.xori %iota3A, %broadcast_in_dim3A_1659 : vector<16xi32>
      %broadcast_in_dim3A_1661 = vector.shape_cast %xor3A_1660 : vector<16xi32> to vector<16x1xi32>
      %gather3A_1662 = vector.shape_cast %broadcast_in_dim3A_1661 : vector<16x1xi32> to vector<16xi32>
      %gather3A_1663 = tpu.dynamic_gather %max3A_1657[%gather3A_1662] in [0] : vector<16xf32>, vector<16xi32> -> vector<16xf32>
      %max3A_1664 = arith.maximumf %max3A_1657, %gather3A_1663 : vector<16xf32>
      %eq3A_1665 = arith.cmpf oeq, %select_n3A_1636, %max3A_1664 : vector<16xf32>
      %broadcast_in_dim3A_1666 = arith.constant 16 : i32
      %broadcast_in_dim3A_1667 = vector.broadcast %broadcast_in_dim3A_1666 : i32 to vector<16xi32>
      %select_n3A_1668 = arith.select %eq3A_1665, %iota3A, %broadcast_in_dim3A_1667 : vector<16xi1>, vector<16xi32>
      %broadcast_in_dim3A_1669 = arith.constant 1 : i32
      %broadcast_in_dim3A_1670 = vector.broadcast %broadcast_in_dim3A_1669 : i32 to vector<16xi32>
      %xor3A_1671 = arith.xori %iota3A, %broadcast_in_dim3A_1670 : vector<16xi32>
      %broadcast_in_dim3A_1672 = vector.shape_cast %xor3A_1671 : vector<16xi32> to vector<16x1xi32>
      %gather3A_1673 = vector.shape_cast %broadcast_in_dim3A_1672 : vector<16x1xi32> to vector<16xi32>
      %gather3A_1674 = tpu.dynamic_gather %select_n3A_1668[%gather3A_1673] in [0] : vector<16xi32>, vector<16xi32> -> vector<16xi32>
      %min3A_1675 = arith.minsi %select_n3A_1668, %gather3A_1674 : vector<16xi32>
      %broadcast_in_dim3A_1676 = arith.constant 2 : i32
      %broadcast_in_dim3A_1677 = vector.broadcast %broadcast_in_dim3A_1676 : i32 to vector<16xi32>
      %xor3A_1678 = arith.xori %iota3A, %broadcast_in_dim3A_1677 : vector<16xi32>
      %broadcast_in_dim3A_1679 = vector.shape_cast %xor3A_1678 : vector<16xi32> to vector<16x1xi32>
      %gather3A_1680 = vector.shape_cast %broadcast_in_dim3A_1679 : vector<16x1xi32> to vector<16xi32>
      %gather3A_1681 = tpu.dynamic_gather %min3A_1675[%gather3A_1680] in [0] : vector<16xi32>, vector<16xi32> -> vector<16xi32>
      %min3A_1682 = arith.minsi %min3A_1675, %gather3A_1681 : vector<16xi32>
      %broadcast_in_dim3A_1683 = arith.constant 4 : i32
      %broadcast_in_dim3A_1684 = vector.broadcast %broadcast_in_dim3A_1683 : i32 to vector<16xi32>
      %xor3A_1685 = arith.xori %iota3A, %broadcast_in_dim3A_1684 : vector<16xi32>
      %broadcast_in_dim3A_1686 = vector.shape_cast %xor3A_1685 : vector<16xi32> to vector<16x1xi32>
      %gather3A_1687 = vector.shape_cast %broadcast_in_dim3A_1686 : vector<16x1xi32> to vector<16xi32>
      %gather3A_1688 = tpu.dynamic_gather %min3A_1682[%gather3A_1687] in [0] : vector<16xi32>, vector<16xi32> -> vector<16xi32>
      %min3A_1689 = arith.minsi %min3A_1682, %gather3A_1688 : vector<16xi32>
      %broadcast_in_dim3A_1690 = arith.constant 8 : i32
      %broadcast_in_dim3A_1691 = vector.broadcast %broadcast_in_dim3A_1690 : i32 to vector<16xi32>
      %xor3A_1692 = arith.xori %iota3A, %broadcast_in_dim3A_1691 : vector<16xi32>
      %broadcast_in_dim3A_1693 = vector.shape_cast %xor3A_1692 : vector<16xi32> to vector<16x1xi32>
      %gather3A_1694 = vector.shape_cast %broadcast_in_dim3A_1693 : vector<16x1xi32> to vector<16xi32>
      %gather3A_1695 = tpu.dynamic_gather %min3A_1689[%gather3A_1694] in [0] : vector<16xi32>, vector<16xi32> -> vector<16xi32>
      %min3A_1696 = arith.minsi %min3A_1689, %gather3A_1695 : vector<16xi32>
      %eq3A_1697 = arith.cmpi eq, %iota3A, %min3A_1696 : vector<16xi32>
      %broadcast_in_dim3A_1698 = arith.constant 1 : i32
      %broadcast_in_dim3A_1699 = vector.broadcast %broadcast_in_dim3A_1698 : i32 to vector<16xi32>
      %broadcast_in_dim3A_1700 = arith.constant 0 : i32
      %broadcast_in_dim3A_1701 = vector.broadcast %broadcast_in_dim3A_1700 : i32 to vector<16xi32>
      %select_n3A_1702 = arith.select %eq3A_1697, %broadcast_in_dim3A_1699, %broadcast_in_dim3A_1701 : vector<16xi1>, vector<16xi32>
      %add3A_1703 = arith.addi %add3A_1633, %select_n3A_1702 : vector<16xi32>
      %broadcast_in_dim3A_1704 = arith.constant 0xFF800000 : f32
      %broadcast_in_dim3A_1705 = vector.broadcast %broadcast_in_dim3A_1704 : f32 to vector<16xf32>
      %select_n3A_1706 = arith.select %eq3A_1697, %broadcast_in_dim3A_1705, %select_n3A_1636 : vector<16xi1>, vector<16xf32>
      %get3A_1707 = arith.constant 6 : i32
      %get3A_1708 = arith.index_cast %get3A_1707 : i32 to index
      %get3A_1709 = arith.constant 0 : index
      %get3A_1710 = tpu.vector_load %arg7[%get3A_1708, %get3A_1709] {strides = array<i32>} : memref<8x16xf32, #tpu.memory_space<vmem>>, vector<1x16xf32>,
      %get3A_1711 = vector.shape_cast %get3A_1710 : vector<1x16xf32> to vector<16xf32>
      %broadcast_in_dim3A_1712 = arith.constant 1 : i32
      %broadcast_in_dim3A_1713 = vector.broadcast %broadcast_in_dim3A_1712 : i32 to vector<16xi32>
      %xor3A_1714 = arith.xori %iota3A, %broadcast_in_dim3A_1713 : vector<16xi32>
      %broadcast_in_dim3A_1715 = vector.shape_cast %xor3A_1714 : vector<16xi32> to vector<16x1xi32>
      %gather3A_1716 = vector.shape_cast %broadcast_in_dim3A_1715 : vector<16x1xi32> to vector<16xi32>
      %gather3A_1717 = tpu.dynamic_gather %get3A_1711[%gather3A_1716] in [0] : vector<16xf32>, vector<16xi32> -> vector<16xf32>
      %max3A_1718 = arith.maximumf %get3A_1711, %gather3A_1717 : vector<16xf32>
      %broadcast_in_dim3A_1719 = arith.constant 2 : i32
      %broadcast_in_dim3A_1720 = vector.broadcast %broadcast_in_dim3A_1719 : i32 to vector<16xi32>
      %xor3A_1721 = arith.xori %iota3A, %broadcast_in_dim3A_1720 : vector<16xi32>
      %broadcast_in_dim3A_1722 = vector.shape_cast %xor3A_1721 : vector<16xi32> to vector<16x1xi32>
      %gather3A_1723 = vector.shape_cast %broadcast_in_dim3A_1722 : vector<16x1xi32> to vector<16xi32>
      %gather3A_1724 = tpu.dynamic_gather %max3A_1718[%gather3A_1723] in [0] : vector<16xf32>, vector<16xi32> -> vector<16xf32>
      %max3A_1725 = arith.maximumf %max3A_1718, %gather3A_1724 : vector<16xf32>
      %broadcast_in_dim3A_1726 = arith.constant 4 : i32
      %broadcast_in_dim3A_1727 = vector.broadcast %broadcast_in_dim3A_1726 : i32 to vector<16xi32>
      %xor3A_1728 = arith.xori %iota3A, %broadcast_in_dim3A_1727 : vector<16xi32>
      %broadcast_in_dim3A_1729 = vector.shape_cast %xor3A_1728 : vector<16xi32> to vector<16x1xi32>
      %gather3A_1730 = vector.shape_cast %broadcast_in_dim3A_1729 : vector<16x1xi32> to vector<16xi32>
      %gather3A_1731 = tpu.dynamic_gather %max3A_1725[%gather3A_1730] in [0] : vector<16xf32>, vector<16xi32> -> vector<16xf32>
      %max3A_1732 = arith.maximumf %max3A_1725, %gather3A_1731 : vector<16xf32>
      %broadcast_in_dim3A_1733 = arith.constant 8 : i32
      %broadcast_in_dim3A_1734 = vector.broadcast %broadcast_in_dim3A_1733 : i32 to vector<16xi32>
      %xor3A_1735 = arith.xori %iota3A, %broadcast_in_dim3A_1734 : vector<16xi32>
      %broadcast_in_dim3A_1736 = vector.shape_cast %xor3A_1735 : vector<16xi32> to vector<16x1xi32>
      %gather3A_1737 = vector.shape_cast %broadcast_in_dim3A_1736 : vector<16x1xi32> to vector<16xi32>
      %gather3A_1738 = tpu.dynamic_gather %max3A_1732[%gather3A_1737] in [0] : vector<16xf32>, vector<16xi32> -> vector<16xf32>
      %max3A_1739 = arith.maximumf %max3A_1732, %gather3A_1738 : vector<16xf32>
      %eq3A_1740 = arith.cmpf oeq, %get3A_1711, %max3A_1739 : vector<16xf32>
      %broadcast_in_dim3A_1741 = arith.constant 16 : i32
      %broadcast_in_dim3A_1742 = vector.broadcast %broadcast_in_dim3A_1741 : i32 to vector<16xi32>
      %select_n3A_1743 = arith.select %eq3A_1740, %iota3A, %broadcast_in_dim3A_1742 : vector<16xi1>, vector<16xi32>
      %broadcast_in_dim3A_1744 = arith.constant 1 : i32
      %broadcast_in_dim3A_1745 = vector.broadcast %broadcast_in_dim3A_1744 : i32 to vector<16xi32>
      %xor3A_1746 = arith.xori %iota3A, %broadcast_in_dim3A_1745 : vector<16xi32>
      %broadcast_in_dim3A_1747 = vector.shape_cast %xor3A_1746 : vector<16xi32> to vector<16x1xi32>
      %gather3A_1748 = vector.shape_cast %broadcast_in_dim3A_1747 : vector<16x1xi32> to vector<16xi32>
      %gather3A_1749 = tpu.dynamic_gather %select_n3A_1743[%gather3A_1748] in [0] : vector<16xi32>, vector<16xi32> -> vector<16xi32>
      %min3A_1750 = arith.minsi %select_n3A_1743, %gather3A_1749 : vector<16xi32>
      %broadcast_in_dim3A_1751 = arith.constant 2 : i32
      %broadcast_in_dim3A_1752 = vector.broadcast %broadcast_in_dim3A_1751 : i32 to vector<16xi32>
      %xor3A_1753 = arith.xori %iota3A, %broadcast_in_dim3A_1752 : vector<16xi32>
      %broadcast_in_dim3A_1754 = vector.shape_cast %xor3A_1753 : vector<16xi32> to vector<16x1xi32>
      %gather3A_1755 = vector.shape_cast %broadcast_in_dim3A_1754 : vector<16x1xi32> to vector<16xi32>
      %gather3A_1756 = tpu.dynamic_gather %min3A_1750[%gather3A_1755] in [0] : vector<16xi32>, vector<16xi32> -> vector<16xi32>
      %min3A_1757 = arith.minsi %min3A_1750, %gather3A_1756 : vector<16xi32>
      %broadcast_in_dim3A_1758 = arith.constant 4 : i32
      %broadcast_in_dim3A_1759 = vector.broadcast %broadcast_in_dim3A_1758 : i32 to vector<16xi32>
      %xor3A_1760 = arith.xori %iota3A, %broadcast_in_dim3A_1759 : vector<16xi32>
      %broadcast_in_dim3A_1761 = vector.shape_cast %xor3A_1760 : vector<16xi32> to vector<16x1xi32>
      %gather3A_1762 = vector.shape_cast %broadcast_in_dim3A_1761 : vector<16x1xi32> to vector<16xi32>
      %gather3A_1763 = tpu.dynamic_gather %min3A_1757[%gather3A_1762] in [0] : vector<16xi32>, vector<16xi32> -> vector<16xi32>
      %min3A_1764 = arith.minsi %min3A_1757, %gather3A_1763 : vector<16xi32>
      %broadcast_in_dim3A_1765 = arith.constant 8 : i32
      %broadcast_in_dim3A_1766 = vector.broadcast %broadcast_in_dim3A_1765 : i32 to vector<16xi32>
      %xor3A_1767 = arith.xori %iota3A, %broadcast_in_dim3A_1766 : vector<16xi32>
      %broadcast_in_dim3A_1768 = vector.shape_cast %xor3A_1767 : vector<16xi32> to vector<16x1xi32>
      %gather3A_1769 = vector.shape_cast %broadcast_in_dim3A_1768 : vector<16x1xi32> to vector<16xi32>
      %gather3A_1770 = tpu.dynamic_gather %min3A_1764[%gather3A_1769] in [0] : vector<16xi32>, vector<16xi32> -> vector<16xi32>
      %min3A_1771 = arith.minsi %min3A_1764, %gather3A_1770 : vector<16xi32>
      %eq3A_1772 = arith.cmpi eq, %iota3A, %min3A_1771 : vector<16xi32>
      %broadcast_in_dim3A_1773 = arith.constant 1 : i32
      %broadcast_in_dim3A_1774 = vector.broadcast %broadcast_in_dim3A_1773 : i32 to vector<16xi32>
      %broadcast_in_dim3A_1775 = arith.constant 0 : i32
      %broadcast_in_dim3A_1776 = vector.broadcast %broadcast_in_dim3A_1775 : i32 to vector<16xi32>
      %select_n3A_1777 = arith.select %eq3A_1772, %broadcast_in_dim3A_1774, %broadcast_in_dim3A_1776 : vector<16xi1>, vector<16xi32>
      %add3A_1778 = arith.addi %add3A_1703, %select_n3A_1777 : vector<16xi32>
      %broadcast_in_dim3A_1779 = arith.constant 0xFF800000 : f32
      %broadcast_in_dim3A_1780 = vector.broadcast %broadcast_in_dim3A_1779 : f32 to vector<16xf32>
      %select_n3A_1781 = arith.select %eq3A_1772, %broadcast_in_dim3A_1780, %get3A_1711 : vector<16xi1>, vector<16xf32>
      %broadcast_in_dim3A_1782 = arith.constant 1 : i32
      %broadcast_in_dim3A_1783 = vector.broadcast %broadcast_in_dim3A_1782 : i32 to vector<16xi32>
      %xor3A_1784 = arith.xori %iota3A, %broadcast_in_dim3A_1783 : vector<16xi32>
      %broadcast_in_dim3A_1785 = vector.shape_cast %xor3A_1784 : vector<16xi32> to vector<16x1xi32>
      %gather3A_1786 = vector.shape_cast %broadcast_in_dim3A_1785 : vector<16x1xi32> to vector<16xi32>
      %gather3A_1787 = tpu.dynamic_gather %select_n3A_1781[%gather3A_1786] in [0] : vector<16xf32>, vector<16xi32> -> vector<16xf32>
      %max3A_1788 = arith.maximumf %select_n3A_1781, %gather3A_1787 : vector<16xf32>
      %broadcast_in_dim3A_1789 = arith.constant 2 : i32
      %broadcast_in_dim3A_1790 = vector.broadcast %broadcast_in_dim3A_1789 : i32 to vector<16xi32>
      %xor3A_1791 = arith.xori %iota3A, %broadcast_in_dim3A_1790 : vector<16xi32>
      %broadcast_in_dim3A_1792 = vector.shape_cast %xor3A_1791 : vector<16xi32> to vector<16x1xi32>
      %gather3A_1793 = vector.shape_cast %broadcast_in_dim3A_1792 : vector<16x1xi32> to vector<16xi32>
      %gather3A_1794 = tpu.dynamic_gather %max3A_1788[%gather3A_1793] in [0] : vector<16xf32>, vector<16xi32> -> vector<16xf32>
      %max3A_1795 = arith.maximumf %max3A_1788, %gather3A_1794 : vector<16xf32>
      %broadcast_in_dim3A_1796 = arith.constant 4 : i32
      %broadcast_in_dim3A_1797 = vector.broadcast %broadcast_in_dim3A_1796 : i32 to vector<16xi32>
      %xor3A_1798 = arith.xori %iota3A, %broadcast_in_dim3A_1797 : vector<16xi32>
      %broadcast_in_dim3A_1799 = vector.shape_cast %xor3A_1798 : vector<16xi32> to vector<16x1xi32>
      %gather3A_1800 = vector.shape_cast %broadcast_in_dim3A_1799 : vector<16x1xi32> to vector<16xi32>
      %gather3A_1801 = tpu.dynamic_gather %max3A_1795[%gather3A_1800] in [0] : vector<16xf32>, vector<16xi32> -> vector<16xf32>
      %max3A_1802 = arith.maximumf %max3A_1795, %gather3A_1801 : vector<16xf32>
      %broadcast_in_dim3A_1803 = arith.constant 8 : i32
      %broadcast_in_dim3A_1804 = vector.broadcast %broadcast_in_dim3A_1803 : i32 to vector<16xi32>
      %xor3A_1805 = arith.xori %iota3A, %broadcast_in_dim3A_1804 : vector<16xi32>
      %broadcast_in_dim3A_1806 = vector.shape_cast %xor3A_1805 : vector<16xi32> to vector<16x1xi32>
      %gather3A_1807 = vector.shape_cast %broadcast_in_dim3A_1806 : vector<16x1xi32> to vector<16xi32>
      %gather3A_1808 = tpu.dynamic_gather %max3A_1802[%gather3A_1807] in [0] : vector<16xf32>, vector<16xi32> -> vector<16xf32>
      %max3A_1809 = arith.maximumf %max3A_1802, %gather3A_1808 : vector<16xf32>
      %eq3A_1810 = arith.cmpf oeq, %select_n3A_1781, %max3A_1809 : vector<16xf32>
      %broadcast_in_dim3A_1811 = arith.constant 16 : i32
      %broadcast_in_dim3A_1812 = vector.broadcast %broadcast_in_dim3A_1811 : i32 to vector<16xi32>
      %select_n3A_1813 = arith.select %eq3A_1810, %iota3A, %broadcast_in_dim3A_1812 : vector<16xi1>, vector<16xi32>
      %broadcast_in_dim3A_1814 = arith.constant 1 : i32
      %broadcast_in_dim3A_1815 = vector.broadcast %broadcast_in_dim3A_1814 : i32 to vector<16xi32>
      %xor3A_1816 = arith.xori %iota3A, %broadcast_in_dim3A_1815 : vector<16xi32>
      %broadcast_in_dim3A_1817 = vector.shape_cast %xor3A_1816 : vector<16xi32> to vector<16x1xi32>
      %gather3A_1818 = vector.shape_cast %broadcast_in_dim3A_1817 : vector<16x1xi32> to vector<16xi32>
      %gather3A_1819 = tpu.dynamic_gather %select_n3A_1813[%gather3A_1818] in [0] : vector<16xi32>, vector<16xi32> -> vector<16xi32>
      %min3A_1820 = arith.minsi %select_n3A_1813, %gather3A_1819 : vector<16xi32>
      %broadcast_in_dim3A_1821 = arith.constant 2 : i32
      %broadcast_in_dim3A_1822 = vector.broadcast %broadcast_in_dim3A_1821 : i32 to vector<16xi32>
      %xor3A_1823 = arith.xori %iota3A, %broadcast_in_dim3A_1822 : vector<16xi32>
      %broadcast_in_dim3A_1824 = vector.shape_cast %xor3A_1823 : vector<16xi32> to vector<16x1xi32>
      %gather3A_1825 = vector.shape_cast %broadcast_in_dim3A_1824 : vector<16x1xi32> to vector<16xi32>
      %gather3A_1826 = tpu.dynamic_gather %min3A_1820[%gather3A_1825] in [0] : vector<16xi32>, vector<16xi32> -> vector<16xi32>
      %min3A_1827 = arith.minsi %min3A_1820, %gather3A_1826 : vector<16xi32>
      %broadcast_in_dim3A_1828 = arith.constant 4 : i32
      %broadcast_in_dim3A_1829 = vector.broadcast %broadcast_in_dim3A_1828 : i32 to vector<16xi32>
      %xor3A_1830 = arith.xori %iota3A, %broadcast_in_dim3A_1829 : vector<16xi32>
      %broadcast_in_dim3A_1831 = vector.shape_cast %xor3A_1830 : vector<16xi32> to vector<16x1xi32>
      %gather3A_1832 = vector.shape_cast %broadcast_in_dim3A_1831 : vector<16x1xi32> to vector<16xi32>
      %gather3A_1833 = tpu.dynamic_gather %min3A_1827[%gather3A_1832] in [0] : vector<16xi32>, vector<16xi32> -> vector<16xi32>
      %min3A_1834 = arith.minsi %min3A_1827, %gather3A_1833 : vector<16xi32>
      %broadcast_in_dim3A_1835 = arith.constant 8 : i32
      %broadcast_in_dim3A_1836 = vector.broadcast %broadcast_in_dim3A_1835 : i32 to vector<16xi32>
      %xor3A_1837 = arith.xori %iota3A, %broadcast_in_dim3A_1836 : vector<16xi32>
      %broadcast_in_dim3A_1838 = vector.shape_cast %xor3A_1837 : vector<16xi32> to vector<16x1xi32>
      %gather3A_1839 = vector.shape_cast %broadcast_in_dim3A_1838 : vector<16x1xi32> to vector<16xi32>
      %gather3A_1840 = tpu.dynamic_gather %min3A_1834[%gather3A_1839] in [0] : vector<16xi32>, vector<16xi32> -> vector<16xi32>
      %min3A_1841 = arith.minsi %min3A_1834, %gather3A_1840 : vector<16xi32>
      %eq3A_1842 = arith.cmpi eq, %iota3A, %min3A_1841 : vector<16xi32>
      %broadcast_in_dim3A_1843 = arith.constant 1 : i32
      %broadcast_in_dim3A_1844 = vector.broadcast %broadcast_in_dim3A_1843 : i32 to vector<16xi32>
      %broadcast_in_dim3A_1845 = arith.constant 0 : i32
      %broadcast_in_dim3A_1846 = vector.broadcast %broadcast_in_dim3A_1845 : i32 to vector<16xi32>
      %select_n3A_1847 = arith.select %eq3A_1842, %broadcast_in_dim3A_1844, %broadcast_in_dim3A_1846 : vector<16xi1>, vector<16xi32>
      %add3A_1848 = arith.addi %add3A_1778, %select_n3A_1847 : vector<16xi32>
      %broadcast_in_dim3A_1849 = arith.constant 0xFF800000 : f32
      %broadcast_in_dim3A_1850 = vector.broadcast %broadcast_in_dim3A_1849 : f32 to vector<16xf32>
      %select_n3A_1851 = arith.select %eq3A_1842, %broadcast_in_dim3A_1850, %select_n3A_1781 : vector<16xi1>, vector<16xf32>
      %broadcast_in_dim3A_1852 = arith.constant 1 : i32
      %broadcast_in_dim3A_1853 = vector.broadcast %broadcast_in_dim3A_1852 : i32 to vector<16xi32>
      %xor3A_1854 = arith.xori %iota3A, %broadcast_in_dim3A_1853 : vector<16xi32>
      %broadcast_in_dim3A_1855 = vector.shape_cast %xor3A_1854 : vector<16xi32> to vector<16x1xi32>
      %gather3A_1856 = vector.shape_cast %broadcast_in_dim3A_1855 : vector<16x1xi32> to vector<16xi32>
      %gather3A_1857 = tpu.dynamic_gather %select_n3A_1851[%gather3A_1856] in [0] : vector<16xf32>, vector<16xi32> -> vector<16xf32>
      %max3A_1858 = arith.maximumf %select_n3A_1851, %gather3A_1857 : vector<16xf32>
      %broadcast_in_dim3A_1859 = arith.constant 2 : i32
      %broadcast_in_dim3A_1860 = vector.broadcast %broadcast_in_dim3A_1859 : i32 to vector<16xi32>
      %xor3A_1861 = arith.xori %iota3A, %broadcast_in_dim3A_1860 : vector<16xi32>
      %broadcast_in_dim3A_1862 = vector.shape_cast %xor3A_1861 : vector<16xi32> to vector<16x1xi32>
      %gather3A_1863 = vector.shape_cast %broadcast_in_dim3A_1862 : vector<16x1xi32> to vector<16xi32>
      %gather3A_1864 = tpu.dynamic_gather %max3A_1858[%gather3A_1863] in [0] : vector<16xf32>, vector<16xi32> -> vector<16xf32>
      %max3A_1865 = arith.maximumf %max3A_1858, %gather3A_1864 : vector<16xf32>
      %broadcast_in_dim3A_1866 = arith.constant 4 : i32
      %broadcast_in_dim3A_1867 = vector.broadcast %broadcast_in_dim3A_1866 : i32 to vector<16xi32>
      %xor3A_1868 = arith.xori %iota3A, %broadcast_in_dim3A_1867 : vector<16xi32>
      %broadcast_in_dim3A_1869 = vector.shape_cast %xor3A_1868 : vector<16xi32> to vector<16x1xi32>
      %gather3A_1870 = vector.shape_cast %broadcast_in_dim3A_1869 : vector<16x1xi32> to vector<16xi32>
      %gather3A_1871 = tpu.dynamic_gather %max3A_1865[%gather3A_1870] in [0] : vector<16xf32>, vector<16xi32> -> vector<16xf32>
      %max3A_1872 = arith.maximumf %max3A_1865, %gather3A_1871 : vector<16xf32>
      %broadcast_in_dim3A_1873 = arith.constant 8 : i32
      %broadcast_in_dim3A_1874 = vector.broadcast %broadcast_in_dim3A_1873 : i32 to vector<16xi32>
      %xor3A_1875 = arith.xori %iota3A, %broadcast_in_dim3A_1874 : vector<16xi32>
      %broadcast_in_dim3A_1876 = vector.shape_cast %xor3A_1875 : vector<16xi32> to vector<16x1xi32>
      %gather3A_1877 = vector.shape_cast %broadcast_in_dim3A_1876 : vector<16x1xi32> to vector<16xi32>
      %gather3A_1878 = tpu.dynamic_gather %max3A_1872[%gather3A_1877] in [0] : vector<16xf32>, vector<16xi32> -> vector<16xf32>
      %max3A_1879 = arith.maximumf %max3A_1872, %gather3A_1878 : vector<16xf32>
      %eq3A_1880 = arith.cmpf oeq, %select_n3A_1851, %max3A_1879 : vector<16xf32>
      %broadcast_in_dim3A_1881 = arith.constant 16 : i32
      %broadcast_in_dim3A_1882 = vector.broadcast %broadcast_in_dim3A_1881 : i32 to vector<16xi32>
      %select_n3A_1883 = arith.select %eq3A_1880, %iota3A, %broadcast_in_dim3A_1882 : vector<16xi1>, vector<16xi32>
      %broadcast_in_dim3A_1884 = arith.constant 1 : i32
      %broadcast_in_dim3A_1885 = vector.broadcast %broadcast_in_dim3A_1884 : i32 to vector<16xi32>
      %xor3A_1886 = arith.xori %iota3A, %broadcast_in_dim3A_1885 : vector<16xi32>
      %broadcast_in_dim3A_1887 = vector.shape_cast %xor3A_1886 : vector<16xi32> to vector<16x1xi32>
      %gather3A_1888 = vector.shape_cast %broadcast_in_dim3A_1887 : vector<16x1xi32> to vector<16xi32>
      %gather3A_1889 = tpu.dynamic_gather %select_n3A_1883[%gather3A_1888] in [0] : vector<16xi32>, vector<16xi32> -> vector<16xi32>
      %min3A_1890 = arith.minsi %select_n3A_1883, %gather3A_1889 : vector<16xi32>
      %broadcast_in_dim3A_1891 = arith.constant 2 : i32
      %broadcast_in_dim3A_1892 = vector.broadcast %broadcast_in_dim3A_1891 : i32 to vector<16xi32>
      %xor3A_1893 = arith.xori %iota3A, %broadcast_in_dim3A_1892 : vector<16xi32>
      %broadcast_in_dim3A_1894 = vector.shape_cast %xor3A_1893 : vector<16xi32> to vector<16x1xi32>
      %gather3A_1895 = vector.shape_cast %broadcast_in_dim3A_1894 : vector<16x1xi32> to vector<16xi32>
      %gather3A_1896 = tpu.dynamic_gather %min3A_1890[%gather3A_1895] in [0] : vector<16xi32>, vector<16xi32> -> vector<16xi32>
      %min3A_1897 = arith.minsi %min3A_1890, %gather3A_1896 : vector<16xi32>
      %broadcast_in_dim3A_1898 = arith.constant 4 : i32
      %broadcast_in_dim3A_1899 = vector.broadcast %broadcast_in_dim3A_1898 : i32 to vector<16xi32>
      %xor3A_1900 = arith.xori %iota3A, %broadcast_in_dim3A_1899 : vector<16xi32>
      %broadcast_in_dim3A_1901 = vector.shape_cast %xor3A_1900 : vector<16xi32> to vector<16x1xi32>
      %gather3A_1902 = vector.shape_cast %broadcast_in_dim3A_1901 : vector<16x1xi32> to vector<16xi32>
      %gather3A_1903 = tpu.dynamic_gather %min3A_1897[%gather3A_1902] in [0] : vector<16xi32>, vector<16xi32> -> vector<16xi32>
      %min3A_1904 = arith.minsi %min3A_1897, %gather3A_1903 : vector<16xi32>
      %broadcast_in_dim3A_1905 = arith.constant 8 : i32
      %broadcast_in_dim3A_1906 = vector.broadcast %broadcast_in_dim3A_1905 : i32 to vector<16xi32>
      %xor3A_1907 = arith.xori %iota3A, %broadcast_in_dim3A_1906 : vector<16xi32>
      %broadcast_in_dim3A_1908 = vector.shape_cast %xor3A_1907 : vector<16xi32> to vector<16x1xi32>
      %gather3A_1909 = vector.shape_cast %broadcast_in_dim3A_1908 : vector<16x1xi32> to vector<16xi32>
      %gather3A_1910 = tpu.dynamic_gather %min3A_1904[%gather3A_1909] in [0] : vector<16xi32>, vector<16xi32> -> vector<16xi32>
      %min3A_1911 = arith.minsi %min3A_1904, %gather3A_1910 : vector<16xi32>
      %eq3A_1912 = arith.cmpi eq, %iota3A, %min3A_1911 : vector<16xi32>
      %broadcast_in_dim3A_1913 = arith.constant 1 : i32
      %broadcast_in_dim3A_1914 = vector.broadcast %broadcast_in_dim3A_1913 : i32 to vector<16xi32>
      %broadcast_in_dim3A_1915 = arith.constant 0 : i32
      %broadcast_in_dim3A_1916 = vector.broadcast %broadcast_in_dim3A_1915 : i32 to vector<16xi32>
      %select_n3A_1917 = arith.select %eq3A_1912, %broadcast_in_dim3A_1914, %broadcast_in_dim3A_1916 : vector<16xi1>, vector<16xi32>
      %add3A_1918 = arith.addi %add3A_1848, %select_n3A_1917 : vector<16xi32>
      %broadcast_in_dim3A_1919 = arith.constant 0xFF800000 : f32
      %broadcast_in_dim3A_1920 = vector.broadcast %broadcast_in_dim3A_1919 : f32 to vector<16xf32>
      %select_n3A_1921 = arith.select %eq3A_1912, %broadcast_in_dim3A_1920, %select_n3A_1851 : vector<16xi1>, vector<16xf32>
      %broadcast_in_dim3A_1922 = arith.constant 1 : i32
      %broadcast_in_dim3A_1923 = vector.broadcast %broadcast_in_dim3A_1922 : i32 to vector<16xi32>
      %xor3A_1924 = arith.xori %iota3A, %broadcast_in_dim3A_1923 : vector<16xi32>
      %broadcast_in_dim3A_1925 = vector.shape_cast %xor3A_1924 : vector<16xi32> to vector<16x1xi32>
      %gather3A_1926 = vector.shape_cast %broadcast_in_dim3A_1925 : vector<16x1xi32> to vector<16xi32>
      %gather3A_1927 = tpu.dynamic_gather %select_n3A_1921[%gather3A_1926] in [0] : vector<16xf32>, vector<16xi32> -> vector<16xf32>
      %max3A_1928 = arith.maximumf %select_n3A_1921, %gather3A_1927 : vector<16xf32>
      %broadcast_in_dim3A_1929 = arith.constant 2 : i32
      %broadcast_in_dim3A_1930 = vector.broadcast %broadcast_in_dim3A_1929 : i32 to vector<16xi32>
      %xor3A_1931 = arith.xori %iota3A, %broadcast_in_dim3A_1930 : vector<16xi32>
      %broadcast_in_dim3A_1932 = vector.shape_cast %xor3A_1931 : vector<16xi32> to vector<16x1xi32>
      %gather3A_1933 = vector.shape_cast %broadcast_in_dim3A_1932 : vector<16x1xi32> to vector<16xi32>
      %gather3A_1934 = tpu.dynamic_gather %max3A_1928[%gather3A_1933] in [0] : vector<16xf32>, vector<16xi32> -> vector<16xf32>
      %max3A_1935 = arith.maximumf %max3A_1928, %gather3A_1934 : vector<16xf32>
      %broadcast_in_dim3A_1936 = arith.constant 4 : i32
      %broadcast_in_dim3A_1937 = vector.broadcast %broadcast_in_dim3A_1936 : i32 to vector<16xi32>
      %xor3A_1938 = arith.xori %iota3A, %broadcast_in_dim3A_1937 : vector<16xi32>
      %broadcast_in_dim3A_1939 = vector.shape_cast %xor3A_1938 : vector<16xi32> to vector<16x1xi32>
      %gather3A_1940 = vector.shape_cast %broadcast_in_dim3A_1939 : vector<16x1xi32> to vector<16xi32>
      %gather3A_1941 = tpu.dynamic_gather %max3A_1935[%gather3A_1940] in [0] : vector<16xf32>, vector<16xi32> -> vector<16xf32>
      %max3A_1942 = arith.maximumf %max3A_1935, %gather3A_1941 : vector<16xf32>
      %broadcast_in_dim3A_1943 = arith.constant 8 : i32
      %broadcast_in_dim3A_1944 = vector.broadcast %broadcast_in_dim3A_1943 : i32 to vector<16xi32>
      %xor3A_1945 = arith.xori %iota3A, %broadcast_in_dim3A_1944 : vector<16xi32>
      %broadcast_in_dim3A_1946 = vector.shape_cast %xor3A_1945 : vector<16xi32> to vector<16x1xi32>
      %gather3A_1947 = vector.shape_cast %broadcast_in_dim3A_1946 : vector<16x1xi32> to vector<16xi32>
      %gather3A_1948 = tpu.dynamic_gather %max3A_1942[%gather3A_1947] in [0] : vector<16xf32>, vector<16xi32> -> vector<16xf32>
      %max3A_1949 = arith.maximumf %max3A_1942, %gather3A_1948 : vector<16xf32>
      %eq3A_1950 = arith.cmpf oeq, %select_n3A_1921, %max3A_1949 : vector<16xf32>
      %broadcast_in_dim3A_1951 = arith.constant 16 : i32
      %broadcast_in_dim3A_1952 = vector.broadcast %broadcast_in_dim3A_1951 : i32 to vector<16xi32>
      %select_n3A_1953 = arith.select %eq3A_1950, %iota3A, %broadcast_in_dim3A_1952 : vector<16xi1>, vector<16xi32>
      %broadcast_in_dim3A_1954 = arith.constant 1 : i32
      %broadcast_in_dim3A_1955 = vector.broadcast %broadcast_in_dim3A_1954 : i32 to vector<16xi32>
      %xor3A_1956 = arith.xori %iota3A, %broadcast_in_dim3A_1955 : vector<16xi32>
      %broadcast_in_dim3A_1957 = vector.shape_cast %xor3A_1956 : vector<16xi32> to vector<16x1xi32>
      %gather3A_1958 = vector.shape_cast %broadcast_in_dim3A_1957 : vector<16x1xi32> to vector<16xi32>
      %gather3A_1959 = tpu.dynamic_gather %select_n3A_1953[%gather3A_1958] in [0] : vector<16xi32>, vector<16xi32> -> vector<16xi32>
      %min3A_1960 = arith.minsi %select_n3A_1953, %gather3A_1959 : vector<16xi32>
      %broadcast_in_dim3A_1961 = arith.constant 2 : i32
      %broadcast_in_dim3A_1962 = vector.broadcast %broadcast_in_dim3A_1961 : i32 to vector<16xi32>
      %xor3A_1963 = arith.xori %iota3A, %broadcast_in_dim3A_1962 : vector<16xi32>
      %broadcast_in_dim3A_1964 = vector.shape_cast %xor3A_1963 : vector<16xi32> to vector<16x1xi32>
      %gather3A_1965 = vector.shape_cast %broadcast_in_dim3A_1964 : vector<16x1xi32> to vector<16xi32>
      %gather3A_1966 = tpu.dynamic_gather %min3A_1960[%gather3A_1965] in [0] : vector<16xi32>, vector<16xi32> -> vector<16xi32>
      %min3A_1967 = arith.minsi %min3A_1960, %gather3A_1966 : vector<16xi32>
      %broadcast_in_dim3A_1968 = arith.constant 4 : i32
      %broadcast_in_dim3A_1969 = vector.broadcast %broadcast_in_dim3A_1968 : i32 to vector<16xi32>
      %xor3A_1970 = arith.xori %iota3A, %broadcast_in_dim3A_1969 : vector<16xi32>
      %broadcast_in_dim3A_1971 = vector.shape_cast %xor3A_1970 : vector<16xi32> to vector<16x1xi32>
      %gather3A_1972 = vector.shape_cast %broadcast_in_dim3A_1971 : vector<16x1xi32> to vector<16xi32>
      %gather3A_1973 = tpu.dynamic_gather %min3A_1967[%gather3A_1972] in [0] : vector<16xi32>, vector<16xi32> -> vector<16xi32>
      %min3A_1974 = arith.minsi %min3A_1967, %gather3A_1973 : vector<16xi32>
      %broadcast_in_dim3A_1975 = arith.constant 8 : i32
      %broadcast_in_dim3A_1976 = vector.broadcast %broadcast_in_dim3A_1975 : i32 to vector<16xi32>
      %xor3A_1977 = arith.xori %iota3A, %broadcast_in_dim3A_1976 : vector<16xi32>
      %broadcast_in_dim3A_1978 = vector.shape_cast %xor3A_1977 : vector<16xi32> to vector<16x1xi32>
      %gather3A_1979 = vector.shape_cast %broadcast_in_dim3A_1978 : vector<16x1xi32> to vector<16xi32>
      %gather3A_1980 = tpu.dynamic_gather %min3A_1974[%gather3A_1979] in [0] : vector<16xi32>, vector<16xi32> -> vector<16xi32>
      %min3A_1981 = arith.minsi %min3A_1974, %gather3A_1980 : vector<16xi32>
      %eq3A_1982 = arith.cmpi eq, %iota3A, %min3A_1981 : vector<16xi32>
      %broadcast_in_dim3A_1983 = arith.constant 1 : i32
      %broadcast_in_dim3A_1984 = vector.broadcast %broadcast_in_dim3A_1983 : i32 to vector<16xi32>
      %broadcast_in_dim3A_1985 = arith.constant 0 : i32
      %broadcast_in_dim3A_1986 = vector.broadcast %broadcast_in_dim3A_1985 : i32 to vector<16xi32>
      %select_n3A_1987 = arith.select %eq3A_1982, %broadcast_in_dim3A_1984, %broadcast_in_dim3A_1986 : vector<16xi1>, vector<16xi32>
      %add3A_1988 = arith.addi %add3A_1918, %select_n3A_1987 : vector<16xi32>
      %broadcast_in_dim3A_1989 = arith.constant 0xFF800000 : f32
      %broadcast_in_dim3A_1990 = vector.broadcast %broadcast_in_dim3A_1989 : f32 to vector<16xf32>
      %select_n3A_1991 = arith.select %eq3A_1982, %broadcast_in_dim3A_1990, %select_n3A_1921 : vector<16xi1>, vector<16xf32>
      %get3A_1992 = arith.constant 7 : i32
      %get3A_1993 = arith.index_cast %get3A_1992 : i32 to index
      %get3A_1994 = arith.constant 0 : index
      %get3A_1995 = tpu.vector_load %arg7[%get3A_1993, %get3A_1994] {strides = array<i32>} : memref<8x16xf32, #tpu.memory_space<vmem>>, vector<1x16xf32>,
      %get3A_1996 = vector.shape_cast %get3A_1995 : vector<1x16xf32> to vector<16xf32>
      %broadcast_in_dim3A_1997 = arith.constant 1 : i32
      %broadcast_in_dim3A_1998 = vector.broadcast %broadcast_in_dim3A_1997 : i32 to vector<16xi32>
      %xor3A_1999 = arith.xori %iota3A, %broadcast_in_dim3A_1998 : vector<16xi32>
      %broadcast_in_dim3A_2000 = vector.shape_cast %xor3A_1999 : vector<16xi32> to vector<16x1xi32>
      %gather3A_2001 = vector.shape_cast %broadcast_in_dim3A_2000 : vector<16x1xi32> to vector<16xi32>
      %gather3A_2002 = tpu.dynamic_gather %get3A_1996[%gather3A_2001] in [0] : vector<16xf32>, vector<16xi32> -> vector<16xf32>
      %max3A_2003 = arith.maximumf %get3A_1996, %gather3A_2002 : vector<16xf32>
      %broadcast_in_dim3A_2004 = arith.constant 2 : i32
      %broadcast_in_dim3A_2005 = vector.broadcast %broadcast_in_dim3A_2004 : i32 to vector<16xi32>
      %xor3A_2006 = arith.xori %iota3A, %broadcast_in_dim3A_2005 : vector<16xi32>
      %broadcast_in_dim3A_2007 = vector.shape_cast %xor3A_2006 : vector<16xi32> to vector<16x1xi32>
      %gather3A_2008 = vector.shape_cast %broadcast_in_dim3A_2007 : vector<16x1xi32> to vector<16xi32>
      %gather3A_2009 = tpu.dynamic_gather %max3A_2003[%gather3A_2008] in [0] : vector<16xf32>, vector<16xi32> -> vector<16xf32>
      %max3A_2010 = arith.maximumf %max3A_2003, %gather3A_2009 : vector<16xf32>
      %broadcast_in_dim3A_2011 = arith.constant 4 : i32
      %broadcast_in_dim3A_2012 = vector.broadcast %broadcast_in_dim3A_2011 : i32 to vector<16xi32>
      %xor3A_2013 = arith.xori %iota3A, %broadcast_in_dim3A_2012 : vector<16xi32>
      %broadcast_in_dim3A_2014 = vector.shape_cast %xor3A_2013 : vector<16xi32> to vector<16x1xi32>
      %gather3A_2015 = vector.shape_cast %broadcast_in_dim3A_2014 : vector<16x1xi32> to vector<16xi32>
      %gather3A_2016 = tpu.dynamic_gather %max3A_2010[%gather3A_2015] in [0] : vector<16xf32>, vector<16xi32> -> vector<16xf32>
      %max3A_2017 = arith.maximumf %max3A_2010, %gather3A_2016 : vector<16xf32>
      %broadcast_in_dim3A_2018 = arith.constant 8 : i32
      %broadcast_in_dim3A_2019 = vector.broadcast %broadcast_in_dim3A_2018 : i32 to vector<16xi32>
      %xor3A_2020 = arith.xori %iota3A, %broadcast_in_dim3A_2019 : vector<16xi32>
      %broadcast_in_dim3A_2021 = vector.shape_cast %xor3A_2020 : vector<16xi32> to vector<16x1xi32>
      %gather3A_2022 = vector.shape_cast %broadcast_in_dim3A_2021 : vector<16x1xi32> to vector<16xi32>
      %gather3A_2023 = tpu.dynamic_gather %max3A_2017[%gather3A_2022] in [0] : vector<16xf32>, vector<16xi32> -> vector<16xf32>
      %max3A_2024 = arith.maximumf %max3A_2017, %gather3A_2023 : vector<16xf32>
      %eq3A_2025 = arith.cmpf oeq, %get3A_1996, %max3A_2024 : vector<16xf32>
      %broadcast_in_dim3A_2026 = arith.constant 16 : i32
      %broadcast_in_dim3A_2027 = vector.broadcast %broadcast_in_dim3A_2026 : i32 to vector<16xi32>
      %select_n3A_2028 = arith.select %eq3A_2025, %iota3A, %broadcast_in_dim3A_2027 : vector<16xi1>, vector<16xi32>
      %broadcast_in_dim3A_2029 = arith.constant 1 : i32
      %broadcast_in_dim3A_2030 = vector.broadcast %broadcast_in_dim3A_2029 : i32 to vector<16xi32>
      %xor3A_2031 = arith.xori %iota3A, %broadcast_in_dim3A_2030 : vector<16xi32>
      %broadcast_in_dim3A_2032 = vector.shape_cast %xor3A_2031 : vector<16xi32> to vector<16x1xi32>
      %gather3A_2033 = vector.shape_cast %broadcast_in_dim3A_2032 : vector<16x1xi32> to vector<16xi32>
      %gather3A_2034 = tpu.dynamic_gather %select_n3A_2028[%gather3A_2033] in [0] : vector<16xi32>, vector<16xi32> -> vector<16xi32>
      %min3A_2035 = arith.minsi %select_n3A_2028, %gather3A_2034 : vector<16xi32>
      %broadcast_in_dim3A_2036 = arith.constant 2 : i32
      %broadcast_in_dim3A_2037 = vector.broadcast %broadcast_in_dim3A_2036 : i32 to vector<16xi32>
      %xor3A_2038 = arith.xori %iota3A, %broadcast_in_dim3A_2037 : vector<16xi32>
      %broadcast_in_dim3A_2039 = vector.shape_cast %xor3A_2038 : vector<16xi32> to vector<16x1xi32>
      %gather3A_2040 = vector.shape_cast %broadcast_in_dim3A_2039 : vector<16x1xi32> to vector<16xi32>
      %gather3A_2041 = tpu.dynamic_gather %min3A_2035[%gather3A_2040] in [0] : vector<16xi32>, vector<16xi32> -> vector<16xi32>
      %min3A_2042 = arith.minsi %min3A_2035, %gather3A_2041 : vector<16xi32>
      %broadcast_in_dim3A_2043 = arith.constant 4 : i32
      %broadcast_in_dim3A_2044 = vector.broadcast %broadcast_in_dim3A_2043 : i32 to vector<16xi32>
      %xor3A_2045 = arith.xori %iota3A, %broadcast_in_dim3A_2044 : vector<16xi32>
      %broadcast_in_dim3A_2046 = vector.shape_cast %xor3A_2045 : vector<16xi32> to vector<16x1xi32>
      %gather3A_2047 = vector.shape_cast %broadcast_in_dim3A_2046 : vector<16x1xi32> to vector<16xi32>
      %gather3A_2048 = tpu.dynamic_gather %min3A_2042[%gather3A_2047] in [0] : vector<16xi32>, vector<16xi32> -> vector<16xi32>
      %min3A_2049 = arith.minsi %min3A_2042, %gather3A_2048 : vector<16xi32>
      %broadcast_in_dim3A_2050 = arith.constant 8 : i32
      %broadcast_in_dim3A_2051 = vector.broadcast %broadcast_in_dim3A_2050 : i32 to vector<16xi32>
      %xor3A_2052 = arith.xori %iota3A, %broadcast_in_dim3A_2051 : vector<16xi32>
      %broadcast_in_dim3A_2053 = vector.shape_cast %xor3A_2052 : vector<16xi32> to vector<16x1xi32>
      %gather3A_2054 = vector.shape_cast %broadcast_in_dim3A_2053 : vector<16x1xi32> to vector<16xi32>
      %gather3A_2055 = tpu.dynamic_gather %min3A_2049[%gather3A_2054] in [0] : vector<16xi32>, vector<16xi32> -> vector<16xi32>
      %min3A_2056 = arith.minsi %min3A_2049, %gather3A_2055 : vector<16xi32>
      %eq3A_2057 = arith.cmpi eq, %iota3A, %min3A_2056 : vector<16xi32>
      %broadcast_in_dim3A_2058 = arith.constant 1 : i32
      %broadcast_in_dim3A_2059 = vector.broadcast %broadcast_in_dim3A_2058 : i32 to vector<16xi32>
      %broadcast_in_dim3A_2060 = arith.constant 0 : i32
      %broadcast_in_dim3A_2061 = vector.broadcast %broadcast_in_dim3A_2060 : i32 to vector<16xi32>
      %select_n3A_2062 = arith.select %eq3A_2057, %broadcast_in_dim3A_2059, %broadcast_in_dim3A_2061 : vector<16xi1>, vector<16xi32>
      %add3A_2063 = arith.addi %add3A_1988, %select_n3A_2062 : vector<16xi32>
      %broadcast_in_dim3A_2064 = arith.constant 0xFF800000 : f32
      %broadcast_in_dim3A_2065 = vector.broadcast %broadcast_in_dim3A_2064 : f32 to vector<16xf32>
      %select_n3A_2066 = arith.select %eq3A_2057, %broadcast_in_dim3A_2065, %get3A_1996 : vector<16xi1>, vector<16xf32>
      %broadcast_in_dim3A_2067 = arith.constant 1 : i32
      %broadcast_in_dim3A_2068 = vector.broadcast %broadcast_in_dim3A_2067 : i32 to vector<16xi32>
      %xor3A_2069 = arith.xori %iota3A, %broadcast_in_dim3A_2068 : vector<16xi32>
      %broadcast_in_dim3A_2070 = vector.shape_cast %xor3A_2069 : vector<16xi32> to vector<16x1xi32>
      %gather3A_2071 = vector.shape_cast %broadcast_in_dim3A_2070 : vector<16x1xi32> to vector<16xi32>
      %gather3A_2072 = tpu.dynamic_gather %select_n3A_2066[%gather3A_2071] in [0] : vector<16xf32>, vector<16xi32> -> vector<16xf32>
      %max3A_2073 = arith.maximumf %select_n3A_2066, %gather3A_2072 : vector<16xf32>
      %broadcast_in_dim3A_2074 = arith.constant 2 : i32
      %broadcast_in_dim3A_2075 = vector.broadcast %broadcast_in_dim3A_2074 : i32 to vector<16xi32>
      %xor3A_2076 = arith.xori %iota3A, %broadcast_in_dim3A_2075 : vector<16xi32>
      %broadcast_in_dim3A_2077 = vector.shape_cast %xor3A_2076 : vector<16xi32> to vector<16x1xi32>
      %gather3A_2078 = vector.shape_cast %broadcast_in_dim3A_2077 : vector<16x1xi32> to vector<16xi32>
      %gather3A_2079 = tpu.dynamic_gather %max3A_2073[%gather3A_2078] in [0] : vector<16xf32>, vector<16xi32> -> vector<16xf32>
      %max3A_2080 = arith.maximumf %max3A_2073, %gather3A_2079 : vector<16xf32>
      %broadcast_in_dim3A_2081 = arith.constant 4 : i32
      %broadcast_in_dim3A_2082 = vector.broadcast %broadcast_in_dim3A_2081 : i32 to vector<16xi32>
      %xor3A_2083 = arith.xori %iota3A, %broadcast_in_dim3A_2082 : vector<16xi32>
      %broadcast_in_dim3A_2084 = vector.shape_cast %xor3A_2083 : vector<16xi32> to vector<16x1xi32>
      %gather3A_2085 = vector.shape_cast %broadcast_in_dim3A_2084 : vector<16x1xi32> to vector<16xi32>
      %gather3A_2086 = tpu.dynamic_gather %max3A_2080[%gather3A_2085] in [0] : vector<16xf32>, vector<16xi32> -> vector<16xf32>
      %max3A_2087 = arith.maximumf %max3A_2080, %gather3A_2086 : vector<16xf32>
      %broadcast_in_dim3A_2088 = arith.constant 8 : i32
      %broadcast_in_dim3A_2089 = vector.broadcast %broadcast_in_dim3A_2088 : i32 to vector<16xi32>
      %xor3A_2090 = arith.xori %iota3A, %broadcast_in_dim3A_2089 : vector<16xi32>
      %broadcast_in_dim3A_2091 = vector.shape_cast %xor3A_2090 : vector<16xi32> to vector<16x1xi32>
      %gather3A_2092 = vector.shape_cast %broadcast_in_dim3A_2091 : vector<16x1xi32> to vector<16xi32>
      %gather3A_2093 = tpu.dynamic_gather %max3A_2087[%gather3A_2092] in [0] : vector<16xf32>, vector<16xi32> -> vector<16xf32>
      %max3A_2094 = arith.maximumf %max3A_2087, %gather3A_2093 : vector<16xf32>
      %eq3A_2095 = arith.cmpf oeq, %select_n3A_2066, %max3A_2094 : vector<16xf32>
      %broadcast_in_dim3A_2096 = arith.constant 16 : i32
      %broadcast_in_dim3A_2097 = vector.broadcast %broadcast_in_dim3A_2096 : i32 to vector<16xi32>
      %select_n3A_2098 = arith.select %eq3A_2095, %iota3A, %broadcast_in_dim3A_2097 : vector<16xi1>, vector<16xi32>
      %broadcast_in_dim3A_2099 = arith.constant 1 : i32
      %broadcast_in_dim3A_2100 = vector.broadcast %broadcast_in_dim3A_2099 : i32 to vector<16xi32>
      %xor3A_2101 = arith.xori %iota3A, %broadcast_in_dim3A_2100 : vector<16xi32>
      %broadcast_in_dim3A_2102 = vector.shape_cast %xor3A_2101 : vector<16xi32> to vector<16x1xi32>
      %gather3A_2103 = vector.shape_cast %broadcast_in_dim3A_2102 : vector<16x1xi32> to vector<16xi32>
      %gather3A_2104 = tpu.dynamic_gather %select_n3A_2098[%gather3A_2103] in [0] : vector<16xi32>, vector<16xi32> -> vector<16xi32>
      %min3A_2105 = arith.minsi %select_n3A_2098, %gather3A_2104 : vector<16xi32>
      %broadcast_in_dim3A_2106 = arith.constant 2 : i32
      %broadcast_in_dim3A_2107 = vector.broadcast %broadcast_in_dim3A_2106 : i32 to vector<16xi32>
      %xor3A_2108 = arith.xori %iota3A, %broadcast_in_dim3A_2107 : vector<16xi32>
      %broadcast_in_dim3A_2109 = vector.shape_cast %xor3A_2108 : vector<16xi32> to vector<16x1xi32>
      %gather3A_2110 = vector.shape_cast %broadcast_in_dim3A_2109 : vector<16x1xi32> to vector<16xi32>
      %gather3A_2111 = tpu.dynamic_gather %min3A_2105[%gather3A_2110] in [0] : vector<16xi32>, vector<16xi32> -> vector<16xi32>
      %min3A_2112 = arith.minsi %min3A_2105, %gather3A_2111 : vector<16xi32>
      %broadcast_in_dim3A_2113 = arith.constant 4 : i32
      %broadcast_in_dim3A_2114 = vector.broadcast %broadcast_in_dim3A_2113 : i32 to vector<16xi32>
      %xor3A_2115 = arith.xori %iota3A, %broadcast_in_dim3A_2114 : vector<16xi32>
      %broadcast_in_dim3A_2116 = vector.shape_cast %xor3A_2115 : vector<16xi32> to vector<16x1xi32>
      %gather3A_2117 = vector.shape_cast %broadcast_in_dim3A_2116 : vector<16x1xi32> to vector<16xi32>
      %gather3A_2118 = tpu.dynamic_gather %min3A_2112[%gather3A_2117] in [0] : vector<16xi32>, vector<16xi32> -> vector<16xi32>
      %min3A_2119 = arith.minsi %min3A_2112, %gather3A_2118 : vector<16xi32>
      %broadcast_in_dim3A_2120 = arith.constant 8 : i32
      %broadcast_in_dim3A_2121 = vector.broadcast %broadcast_in_dim3A_2120 : i32 to vector<16xi32>
      %xor3A_2122 = arith.xori %iota3A, %broadcast_in_dim3A_2121 : vector<16xi32>
      %broadcast_in_dim3A_2123 = vector.shape_cast %xor3A_2122 : vector<16xi32> to vector<16x1xi32>
      %gather3A_2124 = vector.shape_cast %broadcast_in_dim3A_2123 : vector<16x1xi32> to vector<16xi32>
      %gather3A_2125 = tpu.dynamic_gather %min3A_2119[%gather3A_2124] in [0] : vector<16xi32>, vector<16xi32> -> vector<16xi32>
      %min3A_2126 = arith.minsi %min3A_2119, %gather3A_2125 : vector<16xi32>
      %eq3A_2127 = arith.cmpi eq, %iota3A, %min3A_2126 : vector<16xi32>
      %broadcast_in_dim3A_2128 = arith.constant 1 : i32
      %broadcast_in_dim3A_2129 = vector.broadcast %broadcast_in_dim3A_2128 : i32 to vector<16xi32>
      %broadcast_in_dim3A_2130 = arith.constant 0 : i32
      %broadcast_in_dim3A_2131 = vector.broadcast %broadcast_in_dim3A_2130 : i32 to vector<16xi32>
      %select_n3A_2132 = arith.select %eq3A_2127, %broadcast_in_dim3A_2129, %broadcast_in_dim3A_2131 : vector<16xi1>, vector<16xi32>
      %add3A_2133 = arith.addi %add3A_2063, %select_n3A_2132 : vector<16xi32>
      %broadcast_in_dim3A_2134 = arith.constant 0xFF800000 : f32
      %broadcast_in_dim3A_2135 = vector.broadcast %broadcast_in_dim3A_2134 : f32 to vector<16xf32>
      %select_n3A_2136 = arith.select %eq3A_2127, %broadcast_in_dim3A_2135, %select_n3A_2066 : vector<16xi1>, vector<16xf32>
      %broadcast_in_dim3A_2137 = arith.constant 1 : i32
      %broadcast_in_dim3A_2138 = vector.broadcast %broadcast_in_dim3A_2137 : i32 to vector<16xi32>
      %xor3A_2139 = arith.xori %iota3A, %broadcast_in_dim3A_2138 : vector<16xi32>
      %broadcast_in_dim3A_2140 = vector.shape_cast %xor3A_2139 : vector<16xi32> to vector<16x1xi32>
      %gather3A_2141 = vector.shape_cast %broadcast_in_dim3A_2140 : vector<16x1xi32> to vector<16xi32>
      %gather3A_2142 = tpu.dynamic_gather %select_n3A_2136[%gather3A_2141] in [0] : vector<16xf32>, vector<16xi32> -> vector<16xf32>
      %max3A_2143 = arith.maximumf %select_n3A_2136, %gather3A_2142 : vector<16xf32>
      %broadcast_in_dim3A_2144 = arith.constant 2 : i32
      %broadcast_in_dim3A_2145 = vector.broadcast %broadcast_in_dim3A_2144 : i32 to vector<16xi32>
      %xor3A_2146 = arith.xori %iota3A, %broadcast_in_dim3A_2145 : vector<16xi32>
      %broadcast_in_dim3A_2147 = vector.shape_cast %xor3A_2146 : vector<16xi32> to vector<16x1xi32>
      %gather3A_2148 = vector.shape_cast %broadcast_in_dim3A_2147 : vector<16x1xi32> to vector<16xi32>
      %gather3A_2149 = tpu.dynamic_gather %max3A_2143[%gather3A_2148] in [0] : vector<16xf32>, vector<16xi32> -> vector<16xf32>
      %max3A_2150 = arith.maximumf %max3A_2143, %gather3A_2149 : vector<16xf32>
      %broadcast_in_dim3A_2151 = arith.constant 4 : i32
      %broadcast_in_dim3A_2152 = vector.broadcast %broadcast_in_dim3A_2151 : i32 to vector<16xi32>
      %xor3A_2153 = arith.xori %iota3A, %broadcast_in_dim3A_2152 : vector<16xi32>
      %broadcast_in_dim3A_2154 = vector.shape_cast %xor3A_2153 : vector<16xi32> to vector<16x1xi32>
      %gather3A_2155 = vector.shape_cast %broadcast_in_dim3A_2154 : vector<16x1xi32> to vector<16xi32>
      %gather3A_2156 = tpu.dynamic_gather %max3A_2150[%gather3A_2155] in [0] : vector<16xf32>, vector<16xi32> -> vector<16xf32>
      %max3A_2157 = arith.maximumf %max3A_2150, %gather3A_2156 : vector<16xf32>
      %broadcast_in_dim3A_2158 = arith.constant 8 : i32
      %broadcast_in_dim3A_2159 = vector.broadcast %broadcast_in_dim3A_2158 : i32 to vector<16xi32>
      %xor3A_2160 = arith.xori %iota3A, %broadcast_in_dim3A_2159 : vector<16xi32>
      %broadcast_in_dim3A_2161 = vector.shape_cast %xor3A_2160 : vector<16xi32> to vector<16x1xi32>
      %gather3A_2162 = vector.shape_cast %broadcast_in_dim3A_2161 : vector<16x1xi32> to vector<16xi32>
      %gather3A_2163 = tpu.dynamic_gather %max3A_2157[%gather3A_2162] in [0] : vector<16xf32>, vector<16xi32> -> vector<16xf32>
      %max3A_2164 = arith.maximumf %max3A_2157, %gather3A_2163 : vector<16xf32>
      %eq3A_2165 = arith.cmpf oeq, %select_n3A_2136, %max3A_2164 : vector<16xf32>
      %broadcast_in_dim3A_2166 = arith.constant 16 : i32
      %broadcast_in_dim3A_2167 = vector.broadcast %broadcast_in_dim3A_2166 : i32 to vector<16xi32>
      %select_n3A_2168 = arith.select %eq3A_2165, %iota3A, %broadcast_in_dim3A_2167 : vector<16xi1>, vector<16xi32>
      %broadcast_in_dim3A_2169 = arith.constant 1 : i32
      %broadcast_in_dim3A_2170 = vector.broadcast %broadcast_in_dim3A_2169 : i32 to vector<16xi32>
      %xor3A_2171 = arith.xori %iota3A, %broadcast_in_dim3A_2170 : vector<16xi32>
      %broadcast_in_dim3A_2172 = vector.shape_cast %xor3A_2171 : vector<16xi32> to vector<16x1xi32>
      %gather3A_2173 = vector.shape_cast %broadcast_in_dim3A_2172 : vector<16x1xi32> to vector<16xi32>
      %gather3A_2174 = tpu.dynamic_gather %select_n3A_2168[%gather3A_2173] in [0] : vector<16xi32>, vector<16xi32> -> vector<16xi32>
      %min3A_2175 = arith.minsi %select_n3A_2168, %gather3A_2174 : vector<16xi32>
      %broadcast_in_dim3A_2176 = arith.constant 2 : i32
      %broadcast_in_dim3A_2177 = vector.broadcast %broadcast_in_dim3A_2176 : i32 to vector<16xi32>
      %xor3A_2178 = arith.xori %iota3A, %broadcast_in_dim3A_2177 : vector<16xi32>
      %broadcast_in_dim3A_2179 = vector.shape_cast %xor3A_2178 : vector<16xi32> to vector<16x1xi32>
      %gather3A_2180 = vector.shape_cast %broadcast_in_dim3A_2179 : vector<16x1xi32> to vector<16xi32>
      %gather3A_2181 = tpu.dynamic_gather %min3A_2175[%gather3A_2180] in [0] : vector<16xi32>, vector<16xi32> -> vector<16xi32>
      %min3A_2182 = arith.minsi %min3A_2175, %gather3A_2181 : vector<16xi32>
      %broadcast_in_dim3A_2183 = arith.constant 4 : i32
      %broadcast_in_dim3A_2184 = vector.broadcast %broadcast_in_dim3A_2183 : i32 to vector<16xi32>
      %xor3A_2185 = arith.xori %iota3A, %broadcast_in_dim3A_2184 : vector<16xi32>
      %broadcast_in_dim3A_2186 = vector.shape_cast %xor3A_2185 : vector<16xi32> to vector<16x1xi32>
      %gather3A_2187 = vector.shape_cast %broadcast_in_dim3A_2186 : vector<16x1xi32> to vector<16xi32>
      %gather3A_2188 = tpu.dynamic_gather %min3A_2182[%gather3A_2187] in [0] : vector<16xi32>, vector<16xi32> -> vector<16xi32>
      %min3A_2189 = arith.minsi %min3A_2182, %gather3A_2188 : vector<16xi32>
      %broadcast_in_dim3A_2190 = arith.constant 8 : i32
      %broadcast_in_dim3A_2191 = vector.broadcast %broadcast_in_dim3A_2190 : i32 to vector<16xi32>
      %xor3A_2192 = arith.xori %iota3A, %broadcast_in_dim3A_2191 : vector<16xi32>
      %broadcast_in_dim3A_2193 = vector.shape_cast %xor3A_2192 : vector<16xi32> to vector<16x1xi32>
      %gather3A_2194 = vector.shape_cast %broadcast_in_dim3A_2193 : vector<16x1xi32> to vector<16xi32>
      %gather3A_2195 = tpu.dynamic_gather %min3A_2189[%gather3A_2194] in [0] : vector<16xi32>, vector<16xi32> -> vector<16xi32>
      %min3A_2196 = arith.minsi %min3A_2189, %gather3A_2195 : vector<16xi32>
      %eq3A_2197 = arith.cmpi eq, %iota3A, %min3A_2196 : vector<16xi32>
      %broadcast_in_dim3A_2198 = arith.constant 1 : i32
      %broadcast_in_dim3A_2199 = vector.broadcast %broadcast_in_dim3A_2198 : i32 to vector<16xi32>
      %broadcast_in_dim3A_2200 = arith.constant 0 : i32
      %broadcast_in_dim3A_2201 = vector.broadcast %broadcast_in_dim3A_2200 : i32 to vector<16xi32>
      %select_n3A_2202 = arith.select %eq3A_2197, %broadcast_in_dim3A_2199, %broadcast_in_dim3A_2201 : vector<16xi1>, vector<16xi32>
      %add3A_2203 = arith.addi %add3A_2133, %select_n3A_2202 : vector<16xi32>
      %broadcast_in_dim3A_2204 = arith.constant 0xFF800000 : f32
      %broadcast_in_dim3A_2205 = vector.broadcast %broadcast_in_dim3A_2204 : f32 to vector<16xf32>
      %select_n3A_2206 = arith.select %eq3A_2197, %broadcast_in_dim3A_2205, %select_n3A_2136 : vector<16xi1>, vector<16xf32>
      %broadcast_in_dim3A_2207 = arith.constant 1 : i32
      %broadcast_in_dim3A_2208 = vector.broadcast %broadcast_in_dim3A_2207 : i32 to vector<16xi32>
      %xor3A_2209 = arith.xori %iota3A, %broadcast_in_dim3A_2208 : vector<16xi32>
      %broadcast_in_dim3A_2210 = vector.shape_cast %xor3A_2209 : vector<16xi32> to vector<16x1xi32>
      %gather3A_2211 = vector.shape_cast %broadcast_in_dim3A_2210 : vector<16x1xi32> to vector<16xi32>
      %gather3A_2212 = tpu.dynamic_gather %select_n3A_2206[%gather3A_2211] in [0] : vector<16xf32>, vector<16xi32> -> vector<16xf32>
      %max3A_2213 = arith.maximumf %select_n3A_2206, %gather3A_2212 : vector<16xf32>
      %broadcast_in_dim3A_2214 = arith.constant 2 : i32
      %broadcast_in_dim3A_2215 = vector.broadcast %broadcast_in_dim3A_2214 : i32 to vector<16xi32>
      %xor3A_2216 = arith.xori %iota3A, %broadcast_in_dim3A_2215 : vector<16xi32>
      %broadcast_in_dim3A_2217 = vector.shape_cast %xor3A_2216 : vector<16xi32> to vector<16x1xi32>
      %gather3A_2218 = vector.shape_cast %broadcast_in_dim3A_2217 : vector<16x1xi32> to vector<16xi32>
      %gather3A_2219 = tpu.dynamic_gather %max3A_2213[%gather3A_2218] in [0] : vector<16xf32>, vector<16xi32> -> vector<16xf32>
      %max3A_2220 = arith.maximumf %max3A_2213, %gather3A_2219 : vector<16xf32>
      %broadcast_in_dim3A_2221 = arith.constant 4 : i32
      %broadcast_in_dim3A_2222 = vector.broadcast %broadcast_in_dim3A_2221 : i32 to vector<16xi32>
      %xor3A_2223 = arith.xori %iota3A, %broadcast_in_dim3A_2222 : vector<16xi32>
      %broadcast_in_dim3A_2224 = vector.shape_cast %xor3A_2223 : vector<16xi32> to vector<16x1xi32>
      %gather3A_2225 = vector.shape_cast %broadcast_in_dim3A_2224 : vector<16x1xi32> to vector<16xi32>
      %gather3A_2226 = tpu.dynamic_gather %max3A_2220[%gather3A_2225] in [0] : vector<16xf32>, vector<16xi32> -> vector<16xf32>
      %max3A_2227 = arith.maximumf %max3A_2220, %gather3A_2226 : vector<16xf32>
      %broadcast_in_dim3A_2228 = arith.constant 8 : i32
      %broadcast_in_dim3A_2229 = vector.broadcast %broadcast_in_dim3A_2228 : i32 to vector<16xi32>
      %xor3A_2230 = arith.xori %iota3A, %broadcast_in_dim3A_2229 : vector<16xi32>
      %broadcast_in_dim3A_2231 = vector.shape_cast %xor3A_2230 : vector<16xi32> to vector<16x1xi32>
      %gather3A_2232 = vector.shape_cast %broadcast_in_dim3A_2231 : vector<16x1xi32> to vector<16xi32>
      %gather3A_2233 = tpu.dynamic_gather %max3A_2227[%gather3A_2232] in [0] : vector<16xf32>, vector<16xi32> -> vector<16xf32>
      %max3A_2234 = arith.maximumf %max3A_2227, %gather3A_2233 : vector<16xf32>
      %eq3A_2235 = arith.cmpf oeq, %select_n3A_2206, %max3A_2234 : vector<16xf32>
      %broadcast_in_dim3A_2236 = arith.constant 16 : i32
      %broadcast_in_dim3A_2237 = vector.broadcast %broadcast_in_dim3A_2236 : i32 to vector<16xi32>
      %select_n3A_2238 = arith.select %eq3A_2235, %iota3A, %broadcast_in_dim3A_2237 : vector<16xi1>, vector<16xi32>
      %broadcast_in_dim3A_2239 = arith.constant 1 : i32
      %broadcast_in_dim3A_2240 = vector.broadcast %broadcast_in_dim3A_2239 : i32 to vector<16xi32>
      %xor3A_2241 = arith.xori %iota3A, %broadcast_in_dim3A_2240 : vector<16xi32>
      %broadcast_in_dim3A_2242 = vector.shape_cast %xor3A_2241 : vector<16xi32> to vector<16x1xi32>
      %gather3A_2243 = vector.shape_cast %broadcast_in_dim3A_2242 : vector<16x1xi32> to vector<16xi32>
      %gather3A_2244 = tpu.dynamic_gather %select_n3A_2238[%gather3A_2243] in [0] : vector<16xi32>, vector<16xi32> -> vector<16xi32>
      %min3A_2245 = arith.minsi %select_n3A_2238, %gather3A_2244 : vector<16xi32>
      %broadcast_in_dim3A_2246 = arith.constant 2 : i32
      %broadcast_in_dim3A_2247 = vector.broadcast %broadcast_in_dim3A_2246 : i32 to vector<16xi32>
      %xor3A_2248 = arith.xori %iota3A, %broadcast_in_dim3A_2247 : vector<16xi32>
      %broadcast_in_dim3A_2249 = vector.shape_cast %xor3A_2248 : vector<16xi32> to vector<16x1xi32>
      %gather3A_2250 = vector.shape_cast %broadcast_in_dim3A_2249 : vector<16x1xi32> to vector<16xi32>
      %gather3A_2251 = tpu.dynamic_gather %min3A_2245[%gather3A_2250] in [0] : vector<16xi32>, vector<16xi32> -> vector<16xi32>
      %min3A_2252 = arith.minsi %min3A_2245, %gather3A_2251 : vector<16xi32>
      %broadcast_in_dim3A_2253 = arith.constant 4 : i32
      %broadcast_in_dim3A_2254 = vector.broadcast %broadcast_in_dim3A_2253 : i32 to vector<16xi32>
      %xor3A_2255 = arith.xori %iota3A, %broadcast_in_dim3A_2254 : vector<16xi32>
      %broadcast_in_dim3A_2256 = vector.shape_cast %xor3A_2255 : vector<16xi32> to vector<16x1xi32>
      %gather3A_2257 = vector.shape_cast %broadcast_in_dim3A_2256 : vector<16x1xi32> to vector<16xi32>
      %gather3A_2258 = tpu.dynamic_gather %min3A_2252[%gather3A_2257] in [0] : vector<16xi32>, vector<16xi32> -> vector<16xi32>
      %min3A_2259 = arith.minsi %min3A_2252, %gather3A_2258 : vector<16xi32>
      %broadcast_in_dim3A_2260 = arith.constant 8 : i32
      %broadcast_in_dim3A_2261 = vector.broadcast %broadcast_in_dim3A_2260 : i32 to vector<16xi32>
      %xor3A_2262 = arith.xori %iota3A, %broadcast_in_dim3A_2261 : vector<16xi32>
      %broadcast_in_dim3A_2263 = vector.shape_cast %xor3A_2262 : vector<16xi32> to vector<16x1xi32>
      %gather3A_2264 = vector.shape_cast %broadcast_in_dim3A_2263 : vector<16x1xi32> to vector<16xi32>
      %gather3A_2265 = tpu.dynamic_gather %min3A_2259[%gather3A_2264] in [0] : vector<16xi32>, vector<16xi32> -> vector<16xi32>
      %min3A_2266 = arith.minsi %min3A_2259, %gather3A_2265 : vector<16xi32>
      %eq3A_2267 = arith.cmpi eq, %iota3A, %min3A_2266 : vector<16xi32>
      %broadcast_in_dim3A_2268 = arith.constant 1 : i32
      %broadcast_in_dim3A_2269 = vector.broadcast %broadcast_in_dim3A_2268 : i32 to vector<16xi32>
      %broadcast_in_dim3A_2270 = arith.constant 0 : i32
      %broadcast_in_dim3A_2271 = vector.broadcast %broadcast_in_dim3A_2270 : i32 to vector<16xi32>
      %select_n3A_2272 = arith.select %eq3A_2267, %broadcast_in_dim3A_2269, %broadcast_in_dim3A_2271 : vector<16xi1>, vector<16xi32>
      %add3A_2273 = arith.addi %add3A_2203, %select_n3A_2272 : vector<16xi32>
      %broadcast_in_dim3A_2274 = arith.constant 0xFF800000 : f32
      %broadcast_in_dim3A_2275 = vector.broadcast %broadcast_in_dim3A_2274 : f32 to vector<16xf32>
      %select_n3A_2276 = arith.select %eq3A_2267, %broadcast_in_dim3A_2275, %select_n3A_2206 : vector<16xi1>, vector<16xf32>
      %swap3A = arith.constant 0 : index
      %swap3A_2277 = tpu.vector_load %arg8[%swap3A] {strides = array<i32>} : memref<16xi32, #tpu.memory_space<vmem>>, vector<16xi32>,
      %swap3A_2278 = vector.shape_cast %swap3A_2277 : vector<16xi32> to vector<16xi32>
      %swap3A_2279 = vector.shape_cast %add3A_2273 : vector<16xi32> to vector<16xi32>
      tpu.vector_store %arg8[%swap3A], %swap3A_2279 {strides = array<i32>} : memref<16xi32, #tpu.memory_space<vmem>>, vector<16xi32>,
      "tpu.region"() ({
        %run_scoped3A = tpu.sem_alloc : memref<!tpu.dma_semaphore, #tpu.memory_space<semaphore_mem>>
        %dma_start3A = arith.constant 0 : i32
        %dma_start3A_2285 = tpu.memref_slice %arg4[%arg1, %dma_start3A] : memref<16x16xi32, #tpu.memory_space<hbm>> -> memref<1x16xi32, #tpu.memory_space<hbm>>
        %dma_start3A_2286 = tpu.memref_squeeze %dma_start3A_2285 : memref<1x16xi32, #tpu.memory_space<hbm>> -> memref<16xi32, #tpu.memory_space<hbm>>
        %dma_start3A_2287 = arith.constant 0 : i32
        %dma_start3A_2288 = tpu.memref_slice %arg4[%arg1, %dma_start3A_2287] : memref<16x16xi32, #tpu.memory_space<hbm>> -> memref<1x16xi32, #tpu.memory_space<hbm>>
        %dma_start3A_2289 = tpu.memref_squeeze %dma_start3A_2288 : memref<1x16xi32, #tpu.memory_space<hbm>> -> memref<16xi32, #tpu.memory_space<hbm>>
        tpu.enqueue_dma source(%arg8 : memref<16xi32, #tpu.memory_space<vmem>>) target(%dma_start3A_2289 : memref<16xi32, #tpu.memory_space<hbm>>) target_semaphore(%run_scoped3A : memref<!tpu.dma_semaphore, #tpu.memory_space<semaphore_mem>>)
        %dma_wait3A = arith.constant 0 : i32
        %dma_wait3A_2290 = tpu.memref_slice %arg4[%arg1, %dma_wait3A] : memref<16x16xi32, #tpu.memory_space<hbm>> -> memref<1x16xi32, #tpu.memory_space<hbm>>
        %dma_wait3A_2291 = tpu.memref_squeeze %dma_wait3A_2290 : memref<1x16xi32, #tpu.memory_space<hbm>> -> memref<16xi32, #tpu.memory_space<hbm>>
        %dma_wait3A_2292 = arith.constant 0 : i32
        %dma_wait3A_2293 = tpu.memref_slice %arg4[%arg1, %dma_wait3A_2292] : memref<16x16xi32, #tpu.memory_space<hbm>> -> memref<1x16xi32, #tpu.memory_space<hbm>>
        %dma_wait3A_2294 = tpu.memref_squeeze %dma_wait3A_2293 : memref<1x16xi32, #tpu.memory_space<hbm>> -> memref<16xi32, #tpu.memory_space<hbm>>
        tpu.wait_dma2 semaphore(%run_scoped3A : memref<!tpu.dma_semaphore, #tpu.memory_space<semaphore_mem>>) src(%arg8 : memref<16xi32, #tpu.memory_space<vmem>>) dst(%dma_wait3A_2294 : memref<16xi32, #tpu.memory_space<hbm>>)
        tpu.yield
      }) : () -> ()
      %barrier3A = arith.constant 0 : index
      tpu.barrier barrier_id(%barrier3A)
      %eq3A_2280 = arith.constant 0 : i32
      %eq3A_2281 = arith.cmpi eq, %arg1, %eq3A_2280 : i32
      %convert_element_type3A_2282 = arith.extui %eq3A_2281 : i1 to i32
      %cond3A_2283 = arith.constant 0 : i32
      %cond3A_2284 = arith.cmpi ne, %convert_element_type3A_2282, %cond3A_2283 : i32
      scf.if %cond3A_2284 {
        "tpu.region"() ({
          %run_scoped3A = tpu.sem_alloc : memref<!tpu.dma_semaphore, #tpu.memory_space<semaphore_mem>>
          tpu.enqueue_dma source(%arg4 : memref<16x16xi32, #tpu.memory_space<hbm>>) target(%arg9 : memref<16x16xi32, #tpu.memory_space<vmem>>) target_semaphore(%run_scoped3A : memref<!tpu.dma_semaphore, #tpu.memory_space<semaphore_mem>>)
          tpu.wait_dma2 semaphore(%run_scoped3A : memref<!tpu.dma_semaphore, #tpu.memory_space<semaphore_mem>>) src(%arg4 : memref<16x16xi32, #tpu.memory_space<hbm>>) dst(%arg9 : memref<16x16xi32, #tpu.memory_space<vmem>>)
          tpu.yield
        }) : () -> ()
        %broadcast_in_dim3A_2285 = arith.constant 0 : i32
        %broadcast_in_dim3A_2286 = vector.broadcast %broadcast_in_dim3A_2285 : i32 to vector<16xi32>
        %get3A_2287 = arith.constant 0 : i32
        %get3A_2288 = arith.index_cast %get3A_2287 : i32 to index
        %get3A_2289 = arith.constant 0 : index
        %get3A_2290 = tpu.vector_load %arg9[%get3A_2288, %get3A_2289] {strides = array<i32>} : memref<16x16xi32, #tpu.memory_space<vmem>>, vector<1x16xi32>,
        %get3A_2291 = vector.shape_cast %get3A_2290 : vector<1x16xi32> to vector<16xi32>
        %add3A_2292 = arith.addi %broadcast_in_dim3A_2286, %get3A_2291 : vector<16xi32>
        %get3A_2293 = arith.constant 1 : i32
        %get3A_2294 = arith.index_cast %get3A_2293 : i32 to index
        %get3A_2295 = arith.constant 0 : index
        %get3A_2296 = tpu.vector_load %arg9[%get3A_2294, %get3A_2295] {strides = array<i32>} : memref<16x16xi32, #tpu.memory_space<vmem>>, vector<1x16xi32>,
        %get3A_2297 = vector.shape_cast %get3A_2296 : vector<1x16xi32> to vector<16xi32>
        %add3A_2298 = arith.addi %add3A_2292, %get3A_2297 : vector<16xi32>
        %get3A_2299 = arith.constant 2 : i32
        %get3A_2300 = arith.index_cast %get3A_2299 : i32 to index
        %get3A_2301 = arith.constant 0 : index
        %get3A_2302 = tpu.vector_load %arg9[%get3A_2300, %get3A_2301] {strides = array<i32>} : memref<16x16xi32, #tpu.memory_space<vmem>>, vector<1x16xi32>,
        %get3A_2303 = vector.shape_cast %get3A_2302 : vector<1x16xi32> to vector<16xi32>
        %add3A_2304 = arith.addi %add3A_2298, %get3A_2303 : vector<16xi32>
        %get3A_2305 = arith.constant 3 : i32
        %get3A_2306 = arith.index_cast %get3A_2305 : i32 to index
        %get3A_2307 = arith.constant 0 : index
        %get3A_2308 = tpu.vector_load %arg9[%get3A_2306, %get3A_2307] {strides = array<i32>} : memref<16x16xi32, #tpu.memory_space<vmem>>, vector<1x16xi32>,
        %get3A_2309 = vector.shape_cast %get3A_2308 : vector<1x16xi32> to vector<16xi32>
        %add3A_2310 = arith.addi %add3A_2304, %get3A_2309 : vector<16xi32>
        %get3A_2311 = arith.constant 4 : i32
        %get3A_2312 = arith.index_cast %get3A_2311 : i32 to index
        %get3A_2313 = arith.constant 0 : index
        %get3A_2314 = tpu.vector_load %arg9[%get3A_2312, %get3A_2313] {strides = array<i32>} : memref<16x16xi32, #tpu.memory_space<vmem>>, vector<1x16xi32>,
        %get3A_2315 = vector.shape_cast %get3A_2314 : vector<1x16xi32> to vector<16xi32>
        %add3A_2316 = arith.addi %add3A_2310, %get3A_2315 : vector<16xi32>
        %get3A_2317 = arith.constant 5 : i32
        %get3A_2318 = arith.index_cast %get3A_2317 : i32 to index
        %get3A_2319 = arith.constant 0 : index
        %get3A_2320 = tpu.vector_load %arg9[%get3A_2318, %get3A_2319] {strides = array<i32>} : memref<16x16xi32, #tpu.memory_space<vmem>>, vector<1x16xi32>,
        %get3A_2321 = vector.shape_cast %get3A_2320 : vector<1x16xi32> to vector<16xi32>
        %add3A_2322 = arith.addi %add3A_2316, %get3A_2321 : vector<16xi32>
        %get3A_2323 = arith.constant 6 : i32
        %get3A_2324 = arith.index_cast %get3A_2323 : i32 to index
        %get3A_2325 = arith.constant 0 : index
        %get3A_2326 = tpu.vector_load %arg9[%get3A_2324, %get3A_2325] {strides = array<i32>} : memref<16x16xi32, #tpu.memory_space<vmem>>, vector<1x16xi32>,
        %get3A_2327 = vector.shape_cast %get3A_2326 : vector<1x16xi32> to vector<16xi32>
        %add3A_2328 = arith.addi %add3A_2322, %get3A_2327 : vector<16xi32>
        %get3A_2329 = arith.constant 7 : i32
        %get3A_2330 = arith.index_cast %get3A_2329 : i32 to index
        %get3A_2331 = arith.constant 0 : index
        %get3A_2332 = tpu.vector_load %arg9[%get3A_2330, %get3A_2331] {strides = array<i32>} : memref<16x16xi32, #tpu.memory_space<vmem>>, vector<1x16xi32>,
        %get3A_2333 = vector.shape_cast %get3A_2332 : vector<1x16xi32> to vector<16xi32>
        %add3A_2334 = arith.addi %add3A_2328, %get3A_2333 : vector<16xi32>
        %get3A_2335 = arith.constant 8 : i32
        %get3A_2336 = arith.index_cast %get3A_2335 : i32 to index
        %get3A_2337 = arith.constant 0 : index
        %get3A_2338 = tpu.vector_load %arg9[%get3A_2336, %get3A_2337] {strides = array<i32>} : memref<16x16xi32, #tpu.memory_space<vmem>>, vector<1x16xi32>,
        %get3A_2339 = vector.shape_cast %get3A_2338 : vector<1x16xi32> to vector<16xi32>
        %add3A_2340 = arith.addi %add3A_2334, %get3A_2339 : vector<16xi32>
        %get3A_2341 = arith.constant 9 : i32
        %get3A_2342 = arith.index_cast %get3A_2341 : i32 to index
        %get3A_2343 = arith.constant 0 : index
        %get3A_2344 = tpu.vector_load %arg9[%get3A_2342, %get3A_2343] {strides = array<i32>} : memref<16x16xi32, #tpu.memory_space<vmem>>, vector<1x16xi32>,
        %get3A_2345 = vector.shape_cast %get3A_2344 : vector<1x16xi32> to vector<16xi32>
        %add3A_2346 = arith.addi %add3A_2340, %get3A_2345 : vector<16xi32>
        %get3A_2347 = arith.constant 10 : i32
        %get3A_2348 = arith.index_cast %get3A_2347 : i32 to index
        %get3A_2349 = arith.constant 0 : index
        %get3A_2350 = tpu.vector_load %arg9[%get3A_2348, %get3A_2349] {strides = array<i32>} : memref<16x16xi32, #tpu.memory_space<vmem>>, vector<1x16xi32>,
        %get3A_2351 = vector.shape_cast %get3A_2350 : vector<1x16xi32> to vector<16xi32>
        %add3A_2352 = arith.addi %add3A_2346, %get3A_2351 : vector<16xi32>
        %get3A_2353 = arith.constant 11 : i32
        %get3A_2354 = arith.index_cast %get3A_2353 : i32 to index
        %get3A_2355 = arith.constant 0 : index
        %get3A_2356 = tpu.vector_load %arg9[%get3A_2354, %get3A_2355] {strides = array<i32>} : memref<16x16xi32, #tpu.memory_space<vmem>>, vector<1x16xi32>,
        %get3A_2357 = vector.shape_cast %get3A_2356 : vector<1x16xi32> to vector<16xi32>
        %add3A_2358 = arith.addi %add3A_2352, %get3A_2357 : vector<16xi32>
        %get3A_2359 = arith.constant 12 : i32
        %get3A_2360 = arith.index_cast %get3A_2359 : i32 to index
        %get3A_2361 = arith.constant 0 : index
        %get3A_2362 = tpu.vector_load %arg9[%get3A_2360, %get3A_2361] {strides = array<i32>} : memref<16x16xi32, #tpu.memory_space<vmem>>, vector<1x16xi32>,
        %get3A_2363 = vector.shape_cast %get3A_2362 : vector<1x16xi32> to vector<16xi32>
        %add3A_2364 = arith.addi %add3A_2358, %get3A_2363 : vector<16xi32>
        %get3A_2365 = arith.constant 13 : i32
        %get3A_2366 = arith.index_cast %get3A_2365 : i32 to index
        %get3A_2367 = arith.constant 0 : index
        %get3A_2368 = tpu.vector_load %arg9[%get3A_2366, %get3A_2367] {strides = array<i32>} : memref<16x16xi32, #tpu.memory_space<vmem>>, vector<1x16xi32>,
        %get3A_2369 = vector.shape_cast %get3A_2368 : vector<1x16xi32> to vector<16xi32>
        %add3A_2370 = arith.addi %add3A_2364, %get3A_2369 : vector<16xi32>
        %get3A_2371 = arith.constant 14 : i32
        %get3A_2372 = arith.index_cast %get3A_2371 : i32 to index
        %get3A_2373 = arith.constant 0 : index
        %get3A_2374 = tpu.vector_load %arg9[%get3A_2372, %get3A_2373] {strides = array<i32>} : memref<16x16xi32, #tpu.memory_space<vmem>>, vector<1x16xi32>,
        %get3A_2375 = vector.shape_cast %get3A_2374 : vector<1x16xi32> to vector<16xi32>
        %add3A_2376 = arith.addi %add3A_2370, %get3A_2375 : vector<16xi32>
        %get3A_2377 = arith.constant 15 : i32
        %get3A_2378 = arith.index_cast %get3A_2377 : i32 to index
        %get3A_2379 = arith.constant 0 : index
        %get3A_2380 = tpu.vector_load %arg9[%get3A_2378, %get3A_2379] {strides = array<i32>} : memref<16x16xi32, #tpu.memory_space<vmem>>, vector<1x16xi32>,
        %get3A_2381 = vector.shape_cast %get3A_2380 : vector<1x16xi32> to vector<16xi32>
        %add3A_2382 = arith.addi %add3A_2376, %get3A_2381 : vector<16xi32>
        %mul3A_2383 = arith.constant 16 : i32
        %mul3A_2384 = vector.broadcast %mul3A_2383 : i32 to vector<16xi32>
        %mul3A_2385 = arith.muli %add3A_2382, %mul3A_2384 : vector<16xi32>
        %broadcast_in_dim3A_2386 = arith.constant 15 : i32
        %broadcast_in_dim3A_2387 = vector.broadcast %broadcast_in_dim3A_2386 : i32 to vector<16xi32>
        %sub3A = arith.subi %broadcast_in_dim3A_2387, %iota3A : vector<16xi32>
        %add3A_2388 = arith.addi %mul3A_2385, %sub3A : vector<16xi32>
        %broadcast_in_dim3A_2389 = arith.constant 10 : i32
        %broadcast_in_dim3A_2390 = vector.broadcast %broadcast_in_dim3A_2389 : i32 to vector<16xi32>
        %lt3A = arith.cmpi slt, %iota3A, %broadcast_in_dim3A_2390 : vector<16xi32>
        %broadcast_in_dim3A_2391 = arith.constant -1 : i32
        %broadcast_in_dim3A_2392 = vector.broadcast %broadcast_in_dim3A_2391 : i32 to vector<16xi32>
        %select_n3A_2393 = arith.select %lt3A, %add3A_2388, %broadcast_in_dim3A_2392 : vector<16xi1>, vector<16xi32>
        %broadcast_in_dim3A_2394 = arith.constant 0 : i32
        %broadcast_in_dim3A_2395 = vector.broadcast %broadcast_in_dim3A_2394 : i32 to vector<16xi32>
        %broadcast_in_dim3A_2396 = arith.constant 0 : i32
        %broadcast_in_dim3A_2397 = vector.broadcast %broadcast_in_dim3A_2396 : i32 to vector<16xi32>
        %lt3A_2398 = arith.cmpi slt, %iota3A, %broadcast_in_dim3A_2397 : vector<16xi32>
        %broadcast_in_dim3A_2399 = arith.constant 1 : i32
        %broadcast_in_dim3A_2400 = vector.broadcast %broadcast_in_dim3A_2399 : i32 to vector<16xi32>
        %xor3A_2401 = arith.xori %iota3A, %broadcast_in_dim3A_2400 : vector<16xi32>
        %broadcast_in_dim3A_2402 = vector.shape_cast %xor3A_2401 : vector<16xi32> to vector<16x1xi32>
        %gather3A_2403 = vector.shape_cast %broadcast_in_dim3A_2402 : vector<16x1xi32> to vector<16xi32>
        %gather3A_2404 = tpu.dynamic_gather %select_n3A_2393[%gather3A_2403] in [0] : vector<16xi32>, vector<16xi32> -> vector<16xi32>
        %max3A_2405 = arith.maxsi %select_n3A_2393, %gather3A_2404 : vector<16xi32>
        %broadcast_in_dim3A_2406 = arith.constant 2 : i32
        %broadcast_in_dim3A_2407 = vector.broadcast %broadcast_in_dim3A_2406 : i32 to vector<16xi32>
        %xor3A_2408 = arith.xori %iota3A, %broadcast_in_dim3A_2407 : vector<16xi32>
        %broadcast_in_dim3A_2409 = vector.shape_cast %xor3A_2408 : vector<16xi32> to vector<16x1xi32>
        %gather3A_2410 = vector.shape_cast %broadcast_in_dim3A_2409 : vector<16x1xi32> to vector<16xi32>
        %gather3A_2411 = tpu.dynamic_gather %max3A_2405[%gather3A_2410] in [0] : vector<16xi32>, vector<16xi32> -> vector<16xi32>
        %max3A_2412 = arith.maxsi %max3A_2405, %gather3A_2411 : vector<16xi32>
        %broadcast_in_dim3A_2413 = arith.constant 4 : i32
        %broadcast_in_dim3A_2414 = vector.broadcast %broadcast_in_dim3A_2413 : i32 to vector<16xi32>
        %xor3A_2415 = arith.xori %iota3A, %broadcast_in_dim3A_2414 : vector<16xi32>
        %broadcast_in_dim3A_2416 = vector.shape_cast %xor3A_2415 : vector<16xi32> to vector<16x1xi32>
        %gather3A_2417 = vector.shape_cast %broadcast_in_dim3A_2416 : vector<16x1xi32> to vector<16xi32>
        %gather3A_2418 = tpu.dynamic_gather %max3A_2412[%gather3A_2417] in [0] : vector<16xi32>, vector<16xi32> -> vector<16xi32>
        %max3A_2419 = arith.maxsi %max3A_2412, %gather3A_2418 : vector<16xi32>
        %broadcast_in_dim3A_2420 = arith.constant 8 : i32
        %broadcast_in_dim3A_2421 = vector.broadcast %broadcast_in_dim3A_2420 : i32 to vector<16xi32>
        %xor3A_2422 = arith.xori %iota3A, %broadcast_in_dim3A_2421 : vector<16xi32>
        %broadcast_in_dim3A_2423 = vector.shape_cast %xor3A_2422 : vector<16xi32> to vector<16x1xi32>
        %gather3A_2424 = vector.shape_cast %broadcast_in_dim3A_2423 : vector<16x1xi32> to vector<16xi32>
        %gather3A_2425 = tpu.dynamic_gather %max3A_2419[%gather3A_2424] in [0] : vector<16xi32>, vector<16xi32> -> vector<16xi32>
        %max3A_2426 = arith.maxsi %max3A_2419, %gather3A_2425 : vector<16xi32>
        %eq3A_2427 = arith.cmpi eq, %select_n3A_2393, %max3A_2426 : vector<16xi32>
        %broadcast_in_dim3A_2428 = arith.constant 16 : i32
        %broadcast_in_dim3A_2429 = vector.broadcast %broadcast_in_dim3A_2428 : i32 to vector<16xi32>
        %select_n3A_2430 = arith.select %eq3A_2427, %iota3A, %broadcast_in_dim3A_2429 : vector<16xi1>, vector<16xi32>
        %broadcast_in_dim3A_2431 = arith.constant 1 : i32
        %broadcast_in_dim3A_2432 = vector.broadcast %broadcast_in_dim3A_2431 : i32 to vector<16xi32>
        %xor3A_2433 = arith.xori %iota3A, %broadcast_in_dim3A_2432 : vector<16xi32>
        %broadcast_in_dim3A_2434 = vector.shape_cast %xor3A_2433 : vector<16xi32> to vector<16x1xi32>
        %gather3A_2435 = vector.shape_cast %broadcast_in_dim3A_2434 : vector<16x1xi32> to vector<16xi32>
        %gather3A_2436 = tpu.dynamic_gather %select_n3A_2430[%gather3A_2435] in [0] : vector<16xi32>, vector<16xi32> -> vector<16xi32>
        %min3A_2437 = arith.minsi %select_n3A_2430, %gather3A_2436 : vector<16xi32>
        %broadcast_in_dim3A_2438 = arith.constant 2 : i32
        %broadcast_in_dim3A_2439 = vector.broadcast %broadcast_in_dim3A_2438 : i32 to vector<16xi32>
        %xor3A_2440 = arith.xori %iota3A, %broadcast_in_dim3A_2439 : vector<16xi32>
        %broadcast_in_dim3A_2441 = vector.shape_cast %xor3A_2440 : vector<16xi32> to vector<16x1xi32>
        %gather3A_2442 = vector.shape_cast %broadcast_in_dim3A_2441 : vector<16x1xi32> to vector<16xi32>
        %gather3A_2443 = tpu.dynamic_gather %min3A_2437[%gather3A_2442] in [0] : vector<16xi32>, vector<16xi32> -> vector<16xi32>
        %min3A_2444 = arith.minsi %min3A_2437, %gather3A_2443 : vector<16xi32>
        %broadcast_in_dim3A_2445 = arith.constant 4 : i32
        %broadcast_in_dim3A_2446 = vector.broadcast %broadcast_in_dim3A_2445 : i32 to vector<16xi32>
        %xor3A_2447 = arith.xori %iota3A, %broadcast_in_dim3A_2446 : vector<16xi32>
        %broadcast_in_dim3A_2448 = vector.shape_cast %xor3A_2447 : vector<16xi32> to vector<16x1xi32>
        %gather3A_2449 = vector.shape_cast %broadcast_in_dim3A_2448 : vector<16x1xi32> to vector<16xi32>
        %gather3A_2450 = tpu.dynamic_gather %min3A_2444[%gather3A_2449] in [0] : vector<16xi32>, vector<16xi32> -> vector<16xi32>
        %min3A_2451 = arith.minsi %min3A_2444, %gather3A_2450 : vector<16xi32>
        %broadcast_in_dim3A_2452 = arith.constant 8 : i32
        %broadcast_in_dim3A_2453 = vector.broadcast %broadcast_in_dim3A_2452 : i32 to vector<16xi32>
        %xor3A_2454 = arith.xori %iota3A, %broadcast_in_dim3A_2453 : vector<16xi32>
        %broadcast_in_dim3A_2455 = vector.shape_cast %xor3A_2454 : vector<16xi32> to vector<16x1xi32>
        %gather3A_2456 = vector.shape_cast %broadcast_in_dim3A_2455 : vector<16x1xi32> to vector<16xi32>
        %gather3A_2457 = tpu.dynamic_gather %min3A_2451[%gather3A_2456] in [0] : vector<16xi32>, vector<16xi32> -> vector<16xi32>
        %min3A_2458 = arith.minsi %min3A_2451, %gather3A_2457 : vector<16xi32>
        %eq3A_2459 = arith.cmpi eq, %iota3A, %min3A_2458 : vector<16xi32>
        %broadcast_in_dim3A_2460 = arith.constant 0 : i32
        %broadcast_in_dim3A_2461 = vector.broadcast %broadcast_in_dim3A_2460 : i32 to vector<16xi32>
        %eq3A_2462 = arith.cmpi eq, %iota3A, %broadcast_in_dim3A_2461 : vector<16xi32>
        %select_n3A_2463 = arith.select %eq3A_2462, %min3A_2458, %broadcast_in_dim3A_2395 : vector<16xi1>, vector<16xi32>
        %or3A = arith.ori %lt3A_2398, %eq3A_2459 : vector<16xi1>
        %broadcast_in_dim3A_2464 = arith.constant -1000 : i32
        %broadcast_in_dim3A_2465 = vector.broadcast %broadcast_in_dim3A_2464 : i32 to vector<16xi32>
        %select_n3A_2466 = arith.select %eq3A_2459, %broadcast_in_dim3A_2465, %select_n3A_2393 : vector<16xi1>, vector<16xi32>
        %broadcast_in_dim3A_2467 = arith.constant 1 : i32
        %broadcast_in_dim3A_2468 = vector.broadcast %broadcast_in_dim3A_2467 : i32 to vector<16xi32>
        %xor3A_2469 = arith.xori %iota3A, %broadcast_in_dim3A_2468 : vector<16xi32>
        %broadcast_in_dim3A_2470 = vector.shape_cast %xor3A_2469 : vector<16xi32> to vector<16x1xi32>
        %gather3A_2471 = vector.shape_cast %broadcast_in_dim3A_2470 : vector<16x1xi32> to vector<16xi32>
        %gather3A_2472 = tpu.dynamic_gather %select_n3A_2466[%gather3A_2471] in [0] : vector<16xi32>, vector<16xi32> -> vector<16xi32>
        %max3A_2473 = arith.maxsi %select_n3A_2466, %gather3A_2472 : vector<16xi32>
        %broadcast_in_dim3A_2474 = arith.constant 2 : i32
        %broadcast_in_dim3A_2475 = vector.broadcast %broadcast_in_dim3A_2474 : i32 to vector<16xi32>
        %xor3A_2476 = arith.xori %iota3A, %broadcast_in_dim3A_2475 : vector<16xi32>
        %broadcast_in_dim3A_2477 = vector.shape_cast %xor3A_2476 : vector<16xi32> to vector<16x1xi32>
        %gather3A_2478 = vector.shape_cast %broadcast_in_dim3A_2477 : vector<16x1xi32> to vector<16xi32>
        %gather3A_2479 = tpu.dynamic_gather %max3A_2473[%gather3A_2478] in [0] : vector<16xi32>, vector<16xi32> -> vector<16xi32>
        %max3A_2480 = arith.maxsi %max3A_2473, %gather3A_2479 : vector<16xi32>
        %broadcast_in_dim3A_2481 = arith.constant 4 : i32
        %broadcast_in_dim3A_2482 = vector.broadcast %broadcast_in_dim3A_2481 : i32 to vector<16xi32>
        %xor3A_2483 = arith.xori %iota3A, %broadcast_in_dim3A_2482 : vector<16xi32>
        %broadcast_in_dim3A_2484 = vector.shape_cast %xor3A_2483 : vector<16xi32> to vector<16x1xi32>
        %gather3A_2485 = vector.shape_cast %broadcast_in_dim3A_2484 : vector<16x1xi32> to vector<16xi32>
        %gather3A_2486 = tpu.dynamic_gather %max3A_2480[%gather3A_2485] in [0] : vector<16xi32>, vector<16xi32> -> vector<16xi32>
        %max3A_2487 = arith.maxsi %max3A_2480, %gather3A_2486 : vector<16xi32>
        %broadcast_in_dim3A_2488 = arith.constant 8 : i32
        %broadcast_in_dim3A_2489 = vector.broadcast %broadcast_in_dim3A_2488 : i32 to vector<16xi32>
        %xor3A_2490 = arith.xori %iota3A, %broadcast_in_dim3A_2489 : vector<16xi32>
        %broadcast_in_dim3A_2491 = vector.shape_cast %xor3A_2490 : vector<16xi32> to vector<16x1xi32>
        %gather3A_2492 = vector.shape_cast %broadcast_in_dim3A_2491 : vector<16x1xi32> to vector<16xi32>
        %gather3A_2493 = tpu.dynamic_gather %max3A_2487[%gather3A_2492] in [0] : vector<16xi32>, vector<16xi32> -> vector<16xi32>
        %max3A_2494 = arith.maxsi %max3A_2487, %gather3A_2493 : vector<16xi32>
        %eq3A_2495 = arith.cmpi eq, %select_n3A_2466, %max3A_2494 : vector<16xi32>
        %broadcast_in_dim3A_2496 = arith.constant 16 : i32
        %broadcast_in_dim3A_2497 = vector.broadcast %broadcast_in_dim3A_2496 : i32 to vector<16xi32>
        %select_n3A_2498 = arith.select %eq3A_2495, %iota3A, %broadcast_in_dim3A_2497 : vector<16xi1>, vector<16xi32>
        %broadcast_in_dim3A_2499 = arith.constant 1 : i32
        %broadcast_in_dim3A_2500 = vector.broadcast %broadcast_in_dim3A_2499 : i32 to vector<16xi32>
        %xor3A_2501 = arith.xori %iota3A, %broadcast_in_dim3A_2500 : vector<16xi32>
        %broadcast_in_dim3A_2502 = vector.shape_cast %xor3A_2501 : vector<16xi32> to vector<16x1xi32>
        %gather3A_2503 = vector.shape_cast %broadcast_in_dim3A_2502 : vector<16x1xi32> to vector<16xi32>
        %gather3A_2504 = tpu.dynamic_gather %select_n3A_2498[%gather3A_2503] in [0] : vector<16xi32>, vector<16xi32> -> vector<16xi32>
        %min3A_2505 = arith.minsi %select_n3A_2498, %gather3A_2504 : vector<16xi32>
        %broadcast_in_dim3A_2506 = arith.constant 2 : i32
        %broadcast_in_dim3A_2507 = vector.broadcast %broadcast_in_dim3A_2506 : i32 to vector<16xi32>
        %xor3A_2508 = arith.xori %iota3A, %broadcast_in_dim3A_2507 : vector<16xi32>
        %broadcast_in_dim3A_2509 = vector.shape_cast %xor3A_2508 : vector<16xi32> to vector<16x1xi32>
        %gather3A_2510 = vector.shape_cast %broadcast_in_dim3A_2509 : vector<16x1xi32> to vector<16xi32>
        %gather3A_2511 = tpu.dynamic_gather %min3A_2505[%gather3A_2510] in [0] : vector<16xi32>, vector<16xi32> -> vector<16xi32>
        %min3A_2512 = arith.minsi %min3A_2505, %gather3A_2511 : vector<16xi32>
        %broadcast_in_dim3A_2513 = arith.constant 4 : i32
        %broadcast_in_dim3A_2514 = vector.broadcast %broadcast_in_dim3A_2513 : i32 to vector<16xi32>
        %xor3A_2515 = arith.xori %iota3A, %broadcast_in_dim3A_2514 : vector<16xi32>
        %broadcast_in_dim3A_2516 = vector.shape_cast %xor3A_2515 : vector<16xi32> to vector<16x1xi32>
        %gather3A_2517 = vector.shape_cast %broadcast_in_dim3A_2516 : vector<16x1xi32> to vector<16xi32>
        %gather3A_2518 = tpu.dynamic_gather %min3A_2512[%gather3A_2517] in [0] : vector<16xi32>, vector<16xi32> -> vector<16xi32>
        %min3A_2519 = arith.minsi %min3A_2512, %gather3A_2518 : vector<16xi32>
        %broadcast_in_dim3A_2520 = arith.constant 8 : i32
        %broadcast_in_dim3A_2521 = vector.broadcast %broadcast_in_dim3A_2520 : i32 to vector<16xi32>
        %xor3A_2522 = arith.xori %iota3A, %broadcast_in_dim3A_2521 : vector<16xi32>
        %broadcast_in_dim3A_2523 = vector.shape_cast %xor3A_2522 : vector<16xi32> to vector<16x1xi32>
        %gather3A_2524 = vector.shape_cast %broadcast_in_dim3A_2523 : vector<16x1xi32> to vector<16xi32>
        %gather3A_2525 = tpu.dynamic_gather %min3A_2519[%gather3A_2524] in [0] : vector<16xi32>, vector<16xi32> -> vector<16xi32>
        %min3A_2526 = arith.minsi %min3A_2519, %gather3A_2525 : vector<16xi32>
        %eq3A_2527 = arith.cmpi eq, %iota3A, %min3A_2526 : vector<16xi32>
        %broadcast_in_dim3A_2528 = arith.constant 1 : i32
        %broadcast_in_dim3A_2529 = vector.broadcast %broadcast_in_dim3A_2528 : i32 to vector<16xi32>
        %eq3A_2530 = arith.cmpi eq, %iota3A, %broadcast_in_dim3A_2529 : vector<16xi32>
        %select_n3A_2531 = arith.select %eq3A_2530, %min3A_2526, %select_n3A_2463 : vector<16xi1>, vector<16xi32>
        %or3A_2532 = arith.ori %or3A, %eq3A_2527 : vector<16xi1>
        %broadcast_in_dim3A_2533 = arith.constant -1000 : i32
        %broadcast_in_dim3A_2534 = vector.broadcast %broadcast_in_dim3A_2533 : i32 to vector<16xi32>
        %select_n3A_2535 = arith.select %eq3A_2527, %broadcast_in_dim3A_2534, %select_n3A_2466 : vector<16xi1>, vector<16xi32>
        %broadcast_in_dim3A_2536 = arith.constant 1 : i32
        %broadcast_in_dim3A_2537 = vector.broadcast %broadcast_in_dim3A_2536 : i32 to vector<16xi32>
        %xor3A_2538 = arith.xori %iota3A, %broadcast_in_dim3A_2537 : vector<16xi32>
        %broadcast_in_dim3A_2539 = vector.shape_cast %xor3A_2538 : vector<16xi32> to vector<16x1xi32>
        %gather3A_2540 = vector.shape_cast %broadcast_in_dim3A_2539 : vector<16x1xi32> to vector<16xi32>
        %gather3A_2541 = tpu.dynamic_gather %select_n3A_2535[%gather3A_2540] in [0] : vector<16xi32>, vector<16xi32> -> vector<16xi32>
        %max3A_2542 = arith.maxsi %select_n3A_2535, %gather3A_2541 : vector<16xi32>
        %broadcast_in_dim3A_2543 = arith.constant 2 : i32
        %broadcast_in_dim3A_2544 = vector.broadcast %broadcast_in_dim3A_2543 : i32 to vector<16xi32>
        %xor3A_2545 = arith.xori %iota3A, %broadcast_in_dim3A_2544 : vector<16xi32>
        %broadcast_in_dim3A_2546 = vector.shape_cast %xor3A_2545 : vector<16xi32> to vector<16x1xi32>
        %gather3A_2547 = vector.shape_cast %broadcast_in_dim3A_2546 : vector<16x1xi32> to vector<16xi32>
        %gather3A_2548 = tpu.dynamic_gather %max3A_2542[%gather3A_2547] in [0] : vector<16xi32>, vector<16xi32> -> vector<16xi32>
        %max3A_2549 = arith.maxsi %max3A_2542, %gather3A_2548 : vector<16xi32>
        %broadcast_in_dim3A_2550 = arith.constant 4 : i32
        %broadcast_in_dim3A_2551 = vector.broadcast %broadcast_in_dim3A_2550 : i32 to vector<16xi32>
        %xor3A_2552 = arith.xori %iota3A, %broadcast_in_dim3A_2551 : vector<16xi32>
        %broadcast_in_dim3A_2553 = vector.shape_cast %xor3A_2552 : vector<16xi32> to vector<16x1xi32>
        %gather3A_2554 = vector.shape_cast %broadcast_in_dim3A_2553 : vector<16x1xi32> to vector<16xi32>
        %gather3A_2555 = tpu.dynamic_gather %max3A_2549[%gather3A_2554] in [0] : vector<16xi32>, vector<16xi32> -> vector<16xi32>
        %max3A_2556 = arith.maxsi %max3A_2549, %gather3A_2555 : vector<16xi32>
        %broadcast_in_dim3A_2557 = arith.constant 8 : i32
        %broadcast_in_dim3A_2558 = vector.broadcast %broadcast_in_dim3A_2557 : i32 to vector<16xi32>
        %xor3A_2559 = arith.xori %iota3A, %broadcast_in_dim3A_2558 : vector<16xi32>
        %broadcast_in_dim3A_2560 = vector.shape_cast %xor3A_2559 : vector<16xi32> to vector<16x1xi32>
        %gather3A_2561 = vector.shape_cast %broadcast_in_dim3A_2560 : vector<16x1xi32> to vector<16xi32>
        %gather3A_2562 = tpu.dynamic_gather %max3A_2556[%gather3A_2561] in [0] : vector<16xi32>, vector<16xi32> -> vector<16xi32>
        %max3A_2563 = arith.maxsi %max3A_2556, %gather3A_2562 : vector<16xi32>
        %eq3A_2564 = arith.cmpi eq, %select_n3A_2535, %max3A_2563 : vector<16xi32>
        %broadcast_in_dim3A_2565 = arith.constant 16 : i32
        %broadcast_in_dim3A_2566 = vector.broadcast %broadcast_in_dim3A_2565 : i32 to vector<16xi32>
        %select_n3A_2567 = arith.select %eq3A_2564, %iota3A, %broadcast_in_dim3A_2566 : vector<16xi1>, vector<16xi32>
        %broadcast_in_dim3A_2568 = arith.constant 1 : i32
        %broadcast_in_dim3A_2569 = vector.broadcast %broadcast_in_dim3A_2568 : i32 to vector<16xi32>
        %xor3A_2570 = arith.xori %iota3A, %broadcast_in_dim3A_2569 : vector<16xi32>
        %broadcast_in_dim3A_2571 = vector.shape_cast %xor3A_2570 : vector<16xi32> to vector<16x1xi32>
        %gather3A_2572 = vector.shape_cast %broadcast_in_dim3A_2571 : vector<16x1xi32> to vector<16xi32>
        %gather3A_2573 = tpu.dynamic_gather %select_n3A_2567[%gather3A_2572] in [0] : vector<16xi32>, vector<16xi32> -> vector<16xi32>
        %min3A_2574 = arith.minsi %select_n3A_2567, %gather3A_2573 : vector<16xi32>
        %broadcast_in_dim3A_2575 = arith.constant 2 : i32
        %broadcast_in_dim3A_2576 = vector.broadcast %broadcast_in_dim3A_2575 : i32 to vector<16xi32>
        %xor3A_2577 = arith.xori %iota3A, %broadcast_in_dim3A_2576 : vector<16xi32>
        %broadcast_in_dim3A_2578 = vector.shape_cast %xor3A_2577 : vector<16xi32> to vector<16x1xi32>
        %gather3A_2579 = vector.shape_cast %broadcast_in_dim3A_2578 : vector<16x1xi32> to vector<16xi32>
        %gather3A_2580 = tpu.dynamic_gather %min3A_2574[%gather3A_2579] in [0] : vector<16xi32>, vector<16xi32> -> vector<16xi32>
        %min3A_2581 = arith.minsi %min3A_2574, %gather3A_2580 : vector<16xi32>
        %broadcast_in_dim3A_2582 = arith.constant 4 : i32
        %broadcast_in_dim3A_2583 = vector.broadcast %broadcast_in_dim3A_2582 : i32 to vector<16xi32>
        %xor3A_2584 = arith.xori %iota3A, %broadcast_in_dim3A_2583 : vector<16xi32>
        %broadcast_in_dim3A_2585 = vector.shape_cast %xor3A_2584 : vector<16xi32> to vector<16x1xi32>
        %gather3A_2586 = vector.shape_cast %broadcast_in_dim3A_2585 : vector<16x1xi32> to vector<16xi32>
        %gather3A_2587 = tpu.dynamic_gather %min3A_2581[%gather3A_2586] in [0] : vector<16xi32>, vector<16xi32> -> vector<16xi32>
        %min3A_2588 = arith.minsi %min3A_2581, %gather3A_2587 : vector<16xi32>
        %broadcast_in_dim3A_2589 = arith.constant 8 : i32
        %broadcast_in_dim3A_2590 = vector.broadcast %broadcast_in_dim3A_2589 : i32 to vector<16xi32>
        %xor3A_2591 = arith.xori %iota3A, %broadcast_in_dim3A_2590 : vector<16xi32>
        %broadcast_in_dim3A_2592 = vector.shape_cast %xor3A_2591 : vector<16xi32> to vector<16x1xi32>
        %gather3A_2593 = vector.shape_cast %broadcast_in_dim3A_2592 : vector<16x1xi32> to vector<16xi32>
        %gather3A_2594 = tpu.dynamic_gather %min3A_2588[%gather3A_2593] in [0] : vector<16xi32>, vector<16xi32> -> vector<16xi32>
        %min3A_2595 = arith.minsi %min3A_2588, %gather3A_2594 : vector<16xi32>
        %eq3A_2596 = arith.cmpi eq, %iota3A, %min3A_2595 : vector<16xi32>
        %broadcast_in_dim3A_2597 = arith.constant 2 : i32
        %broadcast_in_dim3A_2598 = vector.broadcast %broadcast_in_dim3A_2597 : i32 to vector<16xi32>
        %eq3A_2599 = arith.cmpi eq, %iota3A, %broadcast_in_dim3A_2598 : vector<16xi32>
        %select_n3A_2600 = arith.select %eq3A_2599, %min3A_2595, %select_n3A_2531 : vector<16xi1>, vector<16xi32>
        %or3A_2601 = arith.ori %or3A_2532, %eq3A_2596 : vector<16xi1>
        %broadcast_in_dim3A_2602 = arith.constant -1000 : i32
        %broadcast_in_dim3A_2603 = vector.broadcast %broadcast_in_dim3A_2602 : i32 to vector<16xi32>
        %select_n3A_2604 = arith.select %eq3A_2596, %broadcast_in_dim3A_2603, %select_n3A_2535 : vector<16xi1>, vector<16xi32>
        %broadcast_in_dim3A_2605 = arith.constant 1 : i32
        %broadcast_in_dim3A_2606 = vector.broadcast %broadcast_in_dim3A_2605 : i32 to vector<16xi32>
        %xor3A_2607 = arith.xori %iota3A, %broadcast_in_dim3A_2606 : vector<16xi32>
        %broadcast_in_dim3A_2608 = vector.shape_cast %xor3A_2607 : vector<16xi32> to vector<16x1xi32>
        %gather3A_2609 = vector.shape_cast %broadcast_in_dim3A_2608 : vector<16x1xi32> to vector<16xi32>
        %gather3A_2610 = tpu.dynamic_gather %select_n3A_2604[%gather3A_2609] in [0] : vector<16xi32>, vector<16xi32> -> vector<16xi32>
        %max3A_2611 = arith.maxsi %select_n3A_2604, %gather3A_2610 : vector<16xi32>
        %broadcast_in_dim3A_2612 = arith.constant 2 : i32
        %broadcast_in_dim3A_2613 = vector.broadcast %broadcast_in_dim3A_2612 : i32 to vector<16xi32>
        %xor3A_2614 = arith.xori %iota3A, %broadcast_in_dim3A_2613 : vector<16xi32>
        %broadcast_in_dim3A_2615 = vector.shape_cast %xor3A_2614 : vector<16xi32> to vector<16x1xi32>
        %gather3A_2616 = vector.shape_cast %broadcast_in_dim3A_2615 : vector<16x1xi32> to vector<16xi32>
        %gather3A_2617 = tpu.dynamic_gather %max3A_2611[%gather3A_2616] in [0] : vector<16xi32>, vector<16xi32> -> vector<16xi32>
        %max3A_2618 = arith.maxsi %max3A_2611, %gather3A_2617 : vector<16xi32>
        %broadcast_in_dim3A_2619 = arith.constant 4 : i32
        %broadcast_in_dim3A_2620 = vector.broadcast %broadcast_in_dim3A_2619 : i32 to vector<16xi32>
        %xor3A_2621 = arith.xori %iota3A, %broadcast_in_dim3A_2620 : vector<16xi32>
        %broadcast_in_dim3A_2622 = vector.shape_cast %xor3A_2621 : vector<16xi32> to vector<16x1xi32>
        %gather3A_2623 = vector.shape_cast %broadcast_in_dim3A_2622 : vector<16x1xi32> to vector<16xi32>
        %gather3A_2624 = tpu.dynamic_gather %max3A_2618[%gather3A_2623] in [0] : vector<16xi32>, vector<16xi32> -> vector<16xi32>
        %max3A_2625 = arith.maxsi %max3A_2618, %gather3A_2624 : vector<16xi32>
        %broadcast_in_dim3A_2626 = arith.constant 8 : i32
        %broadcast_in_dim3A_2627 = vector.broadcast %broadcast_in_dim3A_2626 : i32 to vector<16xi32>
        %xor3A_2628 = arith.xori %iota3A, %broadcast_in_dim3A_2627 : vector<16xi32>
        %broadcast_in_dim3A_2629 = vector.shape_cast %xor3A_2628 : vector<16xi32> to vector<16x1xi32>
        %gather3A_2630 = vector.shape_cast %broadcast_in_dim3A_2629 : vector<16x1xi32> to vector<16xi32>
        %gather3A_2631 = tpu.dynamic_gather %max3A_2625[%gather3A_2630] in [0] : vector<16xi32>, vector<16xi32> -> vector<16xi32>
        %max3A_2632 = arith.maxsi %max3A_2625, %gather3A_2631 : vector<16xi32>
        %eq3A_2633 = arith.cmpi eq, %select_n3A_2604, %max3A_2632 : vector<16xi32>
        %broadcast_in_dim3A_2634 = arith.constant 16 : i32
        %broadcast_in_dim3A_2635 = vector.broadcast %broadcast_in_dim3A_2634 : i32 to vector<16xi32>
        %select_n3A_2636 = arith.select %eq3A_2633, %iota3A, %broadcast_in_dim3A_2635 : vector<16xi1>, vector<16xi32>
        %broadcast_in_dim3A_2637 = arith.constant 1 : i32
        %broadcast_in_dim3A_2638 = vector.broadcast %broadcast_in_dim3A_2637 : i32 to vector<16xi32>
        %xor3A_2639 = arith.xori %iota3A, %broadcast_in_dim3A_2638 : vector<16xi32>
        %broadcast_in_dim3A_2640 = vector.shape_cast %xor3A_2639 : vector<16xi32> to vector<16x1xi32>
        %gather3A_2641 = vector.shape_cast %broadcast_in_dim3A_2640 : vector<16x1xi32> to vector<16xi32>
        %gather3A_2642 = tpu.dynamic_gather %select_n3A_2636[%gather3A_2641] in [0] : vector<16xi32>, vector<16xi32> -> vector<16xi32>
        %min3A_2643 = arith.minsi %select_n3A_2636, %gather3A_2642 : vector<16xi32>
        %broadcast_in_dim3A_2644 = arith.constant 2 : i32
        %broadcast_in_dim3A_2645 = vector.broadcast %broadcast_in_dim3A_2644 : i32 to vector<16xi32>
        %xor3A_2646 = arith.xori %iota3A, %broadcast_in_dim3A_2645 : vector<16xi32>
        %broadcast_in_dim3A_2647 = vector.shape_cast %xor3A_2646 : vector<16xi32> to vector<16x1xi32>
        %gather3A_2648 = vector.shape_cast %broadcast_in_dim3A_2647 : vector<16x1xi32> to vector<16xi32>
        %gather3A_2649 = tpu.dynamic_gather %min3A_2643[%gather3A_2648] in [0] : vector<16xi32>, vector<16xi32> -> vector<16xi32>
        %min3A_2650 = arith.minsi %min3A_2643, %gather3A_2649 : vector<16xi32>
        %broadcast_in_dim3A_2651 = arith.constant 4 : i32
        %broadcast_in_dim3A_2652 = vector.broadcast %broadcast_in_dim3A_2651 : i32 to vector<16xi32>
        %xor3A_2653 = arith.xori %iota3A, %broadcast_in_dim3A_2652 : vector<16xi32>
        %broadcast_in_dim3A_2654 = vector.shape_cast %xor3A_2653 : vector<16xi32> to vector<16x1xi32>
        %gather3A_2655 = vector.shape_cast %broadcast_in_dim3A_2654 : vector<16x1xi32> to vector<16xi32>
        %gather3A_2656 = tpu.dynamic_gather %min3A_2650[%gather3A_2655] in [0] : vector<16xi32>, vector<16xi32> -> vector<16xi32>
        %min3A_2657 = arith.minsi %min3A_2650, %gather3A_2656 : vector<16xi32>
        %broadcast_in_dim3A_2658 = arith.constant 8 : i32
        %broadcast_in_dim3A_2659 = vector.broadcast %broadcast_in_dim3A_2658 : i32 to vector<16xi32>
        %xor3A_2660 = arith.xori %iota3A, %broadcast_in_dim3A_2659 : vector<16xi32>
        %broadcast_in_dim3A_2661 = vector.shape_cast %xor3A_2660 : vector<16xi32> to vector<16x1xi32>
        %gather3A_2662 = vector.shape_cast %broadcast_in_dim3A_2661 : vector<16x1xi32> to vector<16xi32>
        %gather3A_2663 = tpu.dynamic_gather %min3A_2657[%gather3A_2662] in [0] : vector<16xi32>, vector<16xi32> -> vector<16xi32>
        %min3A_2664 = arith.minsi %min3A_2657, %gather3A_2663 : vector<16xi32>
        %eq3A_2665 = arith.cmpi eq, %iota3A, %min3A_2664 : vector<16xi32>
        %broadcast_in_dim3A_2666 = arith.constant 3 : i32
        %broadcast_in_dim3A_2667 = vector.broadcast %broadcast_in_dim3A_2666 : i32 to vector<16xi32>
        %eq3A_2668 = arith.cmpi eq, %iota3A, %broadcast_in_dim3A_2667 : vector<16xi32>
        %select_n3A_2669 = arith.select %eq3A_2668, %min3A_2664, %select_n3A_2600 : vector<16xi1>, vector<16xi32>
        %or3A_2670 = arith.ori %or3A_2601, %eq3A_2665 : vector<16xi1>
        %broadcast_in_dim3A_2671 = arith.constant -1000 : i32
        %broadcast_in_dim3A_2672 = vector.broadcast %broadcast_in_dim3A_2671 : i32 to vector<16xi32>
        %select_n3A_2673 = arith.select %eq3A_2665, %broadcast_in_dim3A_2672, %select_n3A_2604 : vector<16xi1>, vector<16xi32>
        %swap3A_2674 = arith.constant 0 : index
        %swap3A_2675 = tpu.vector_load %arg11[%swap3A_2674] {strides = array<i32>} : memref<16xi32, #tpu.memory_space<vmem>>, vector<16xi32>,
        %swap3A_2676 = vector.shape_cast %swap3A_2675 : vector<16xi32> to vector<16xi32>
        %swap3A_2677 = vector.shape_cast %select_n3A_2669 : vector<16xi32> to vector<16xi32>
        tpu.vector_store %arg11[%swap3A_2674], %swap3A_2677 {strides = array<i32>} : memref<16xi32, #tpu.memory_space<vmem>>, vector<16xi32>,
        "tpu.region"() ({
          %run_scoped3A = tpu.sem_alloc : memref<!tpu.dma_semaphore, #tpu.memory_space<semaphore_mem>>
          tpu.enqueue_dma source(%arg11 : memref<16xi32, #tpu.memory_space<vmem>>) target(%arg5 : memref<16xi32, #tpu.memory_space<hbm>>) target_semaphore(%run_scoped3A : memref<!tpu.dma_semaphore, #tpu.memory_space<semaphore_mem>>)
          tpu.wait_dma2 semaphore(%run_scoped3A : memref<!tpu.dma_semaphore, #tpu.memory_space<semaphore_mem>>) src(%arg11 : memref<16xi32, #tpu.memory_space<vmem>>) dst(%arg5 : memref<16xi32, #tpu.memory_space<hbm>>)
          tpu.yield
        }) : () -> ()
        "tpu.region"() ({
          %run_scoped3A = tpu.sem_alloc : memref<!tpu.dma_semaphore, #tpu.memory_space<semaphore_mem>>
          tpu.enqueue_dma source(%arg3 : memref<16xf32, #tpu.memory_space<hbm>>) target(%arg10 : memref<16xf32, #tpu.memory_space<vmem>>) target_semaphore(%run_scoped3A : memref<!tpu.dma_semaphore, #tpu.memory_space<semaphore_mem>>)
          tpu.wait_dma2 semaphore(%run_scoped3A : memref<!tpu.dma_semaphore, #tpu.memory_space<semaphore_mem>>) src(%arg3 : memref<16xf32, #tpu.memory_space<hbm>>) dst(%arg10 : memref<16xf32, #tpu.memory_space<vmem>>)
          tpu.yield
        }) : () -> ()
        %get3A_2678 = arith.constant 0 : index
        %get3A_2679 = tpu.vector_load %arg10[%get3A_2678] {strides = array<i32>} : memref<16xf32, #tpu.memory_space<vmem>>, vector<16xf32>,
        %get3A_2680 = vector.shape_cast %get3A_2679 : vector<16xf32> to vector<16xf32>
        %broadcast_in_dim3A_2681 = arith.constant 0.000000e+00 : f32
        %broadcast_in_dim3A_2682 = vector.broadcast %broadcast_in_dim3A_2681 : f32 to vector<16xf32>
        %select_n3A_2683 = arith.select %or3A_2670, %get3A_2680, %broadcast_in_dim3A_2682 : vector<16xi1>, vector<16xf32>
        %broadcast_in_dim3A_2684 = arith.constant 1 : i32
        %broadcast_in_dim3A_2685 = vector.broadcast %broadcast_in_dim3A_2684 : i32 to vector<16xi32>
        %xor3A_2686 = arith.xori %iota3A, %broadcast_in_dim3A_2685 : vector<16xi32>
        %broadcast_in_dim3A_2687 = vector.shape_cast %xor3A_2686 : vector<16xi32> to vector<16x1xi32>
        %gather3A_2688 = vector.shape_cast %broadcast_in_dim3A_2687 : vector<16x1xi32> to vector<16xi32>
        %gather3A_2689 = tpu.dynamic_gather %select_n3A_2683[%gather3A_2688] in [0] : vector<16xf32>, vector<16xi32> -> vector<16xf32>
        %add3A_2690 = arith.addf %select_n3A_2683, %gather3A_2689 : vector<16xf32>
        %broadcast_in_dim3A_2691 = arith.constant 2 : i32
        %broadcast_in_dim3A_2692 = vector.broadcast %broadcast_in_dim3A_2691 : i32 to vector<16xi32>
        %xor3A_2693 = arith.xori %iota3A, %broadcast_in_dim3A_2692 : vector<16xi32>
        %broadcast_in_dim3A_2694 = vector.shape_cast %xor3A_2693 : vector<16xi32> to vector<16x1xi32>
        %gather3A_2695 = vector.shape_cast %broadcast_in_dim3A_2694 : vector<16x1xi32> to vector<16xi32>
        %gather3A_2696 = tpu.dynamic_gather %add3A_2690[%gather3A_2695] in [0] : vector<16xf32>, vector<16xi32> -> vector<16xf32>
        %add3A_2697 = arith.addf %add3A_2690, %gather3A_2696 : vector<16xf32>
        %broadcast_in_dim3A_2698 = arith.constant 4 : i32
        %broadcast_in_dim3A_2699 = vector.broadcast %broadcast_in_dim3A_2698 : i32 to vector<16xi32>
        %xor3A_2700 = arith.xori %iota3A, %broadcast_in_dim3A_2699 : vector<16xi32>
        %broadcast_in_dim3A_2701 = vector.shape_cast %xor3A_2700 : vector<16xi32> to vector<16x1xi32>
        %gather3A_2702 = vector.shape_cast %broadcast_in_dim3A_2701 : vector<16x1xi32> to vector<16xi32>
        %gather3A_2703 = tpu.dynamic_gather %add3A_2697[%gather3A_2702] in [0] : vector<16xf32>, vector<16xi32> -> vector<16xf32>
        %add3A_2704 = arith.addf %add3A_2697, %gather3A_2703 : vector<16xf32>
        %broadcast_in_dim3A_2705 = arith.constant 8 : i32
        %broadcast_in_dim3A_2706 = vector.broadcast %broadcast_in_dim3A_2705 : i32 to vector<16xi32>
        %xor3A_2707 = arith.xori %iota3A, %broadcast_in_dim3A_2706 : vector<16xi32>
        %broadcast_in_dim3A_2708 = vector.shape_cast %xor3A_2707 : vector<16xi32> to vector<16x1xi32>
        %gather3A_2709 = vector.shape_cast %broadcast_in_dim3A_2708 : vector<16x1xi32> to vector<16xi32>
        %gather3A_2710 = tpu.dynamic_gather %add3A_2704[%gather3A_2709] in [0] : vector<16xf32>, vector<16xi32> -> vector<16xf32>
        %add3A_2711 = arith.addf %add3A_2704, %gather3A_2710 : vector<16xf32>
        %mul3A_2712 = arith.constant 7.812500e-03 : f32
        %mul3A_2713 = vector.broadcast %mul3A_2712 : f32 to vector<16xf32>
        %mul3A_2714 = arith.mulf %add3A_2711, %mul3A_2713 : vector<16xf32>
        %swap3A_2715 = arith.constant 0 : index
        %swap3A_2716 = tpu.vector_load %arg12[%swap3A_2715] {strides = array<i32>} : memref<16xf32, #tpu.memory_space<vmem>>, vector<16xf32>,
        %swap3A_2717 = vector.shape_cast %swap3A_2716 : vector<16xf32> to vector<16xf32>
        %swap3A_2718 = vector.shape_cast %mul3A_2714 : vector<16xf32> to vector<16xf32>
        tpu.vector_store %arg12[%swap3A_2715], %swap3A_2718 {strides = array<i32>} : memref<16xf32, #tpu.memory_space<vmem>>, vector<16xf32>,
        "tpu.region"() ({
          %run_scoped3A = tpu.sem_alloc : memref<!tpu.dma_semaphore, #tpu.memory_space<semaphore_mem>>
          tpu.enqueue_dma source(%arg12 : memref<16xf32, #tpu.memory_space<vmem>>) target(%arg6 : memref<16xf32, #tpu.memory_space<hbm>>) target_semaphore(%run_scoped3A : memref<!tpu.dma_semaphore, #tpu.memory_space<semaphore_mem>>)
          tpu.wait_dma2 semaphore(%run_scoped3A : memref<!tpu.dma_semaphore, #tpu.memory_space<semaphore_mem>>) src(%arg12 : memref<16xf32, #tpu.memory_space<vmem>>) dst(%arg6 : memref<16xf32, #tpu.memory_space<hbm>>)
          tpu.yield
        }) : () -> ()
      } else {
      }
    } else {
    }
    return
  }
}

module attributes {stable_mosaic.version = 14 : i64} {
  func.func @_sim_body(%arg0: memref<128x512xf32, #tpu.memory_space<vmem>>, %arg1: memref<10x512xf32, #tpu.memory_space<vmem>>, %arg2: memref<128x512xf32, #tpu.memory_space<vmem>>, %arg3: memref<10x512xf32, #tpu.memory_space<vmem>>, %arg4: memref<128x10xf32, #tpu.memory_space<vmem>>, %arg5: memref<128x16xf32, #tpu.memory_space<vmem>>, %arg6: memref<1x16xf32, #tpu.memory_space<vmem>>, %arg7: memref<1x512xf32, #tpu.memory_space<vmem>>) attributes {dimension_semantics = [], scalar_prefetch = 0 : i64, scratch_operands = 0 : i64, tpu.core_type = #tpu.core_type<tc>} {
    %get3A = arith.constant 0 : index
    %get3A_0 = arith.constant 0 : index
    %get3A_1 = vector.load %arg0[%get3A, %get3A_0] : memref<128x512xf32, #tpu.memory_space<vmem>>, vector<128x512xf32>
    %get3A_2 = arith.constant 0 : index
    %get3A_3 = arith.constant 0 : index
    %get3A_4 = vector.load %arg1[%get3A_2, %get3A_3] : memref<10x512xf32, #tpu.memory_space<vmem>>, vector<10x512xf32>
    %mul3A = arith.mulf %get3A_1, %get3A_1 : vector<128x512xf32>
    %reduce_sum3A = arith.constant dense<0.000000e+00> : vector<128xf32>
    %reduce_sum3A_5 = vector.multi_reduction <add>, %mul3A, %reduce_sum3A [1] : vector<128x512xf32> to vector<128xf32>
    %broadcast_in_dim3A = vector.shape_cast %reduce_sum3A_5 : vector<128xf32> to vector<128x1xf32>
    %max3A = arith.constant 9.99999996E-13 : f32
    %max3A_6 = vector.broadcast %max3A : f32 to vector<128x1xf32>
    %max3A_7 = arith.maximumf %broadcast_in_dim3A, %max3A_6 : vector<128x1xf32>
    %rsqrt3A = math.rsqrt %max3A_7 : vector<128x1xf32>
    %mul3A_8 = vector.broadcast %rsqrt3A : vector<128x1xf32> to vector<128x512xf32>
    %mul3A_9 = arith.mulf %get3A_1, %mul3A_8 : vector<128x512xf32>
    %mul3A_10 = arith.mulf %get3A_4, %get3A_4 : vector<10x512xf32>
    %reduce_sum3A_11 = arith.constant dense<0.000000e+00> : vector<10xf32>
    %reduce_sum3A_12 = vector.multi_reduction <add>, %mul3A_10, %reduce_sum3A_11 [1] : vector<10x512xf32> to vector<10xf32>
    %broadcast_in_dim3A_13 = vector.shape_cast %reduce_sum3A_12 : vector<10xf32> to vector<10x1xf32>
    %max3A_14 = arith.constant 9.99999996E-13 : f32
    %max3A_15 = vector.broadcast %max3A_14 : f32 to vector<10x1xf32>
    %max3A_16 = arith.maximumf %broadcast_in_dim3A_13, %max3A_15 : vector<10x1xf32>
    %rsqrt3A_17 = math.rsqrt %max3A_16 : vector<10x1xf32>
    %mul3A_18 = vector.broadcast %rsqrt3A_17 : vector<10x1xf32> to vector<10x512xf32>
    %mul3A_19 = arith.mulf %get3A_4, %mul3A_18 : vector<10x512xf32>
    %swap3A = arith.constant 0 : index
    %swap3A_20 = arith.constant 0 : index
    %swap3A_21 = vector.load %arg2[%swap3A, %swap3A_20] : memref<128x512xf32, #tpu.memory_space<vmem>>, vector<128x512xf32>
    tpu.vector_store %arg2[%swap3A, %swap3A_20], %mul3A_9 {strides = array<i32>} : memref<128x512xf32, #tpu.memory_space<vmem>>, vector<128x512xf32>,
    %swap3A_22 = arith.constant 0 : index
    %swap3A_23 = arith.constant 0 : index
    %swap3A_24 = vector.load %arg3[%swap3A_22, %swap3A_23] : memref<10x512xf32, #tpu.memory_space<vmem>>, vector<10x512xf32>
    tpu.vector_store %arg3[%swap3A_22, %swap3A_23], %mul3A_19 {strides = array<i32>} : memref<10x512xf32, #tpu.memory_space<vmem>>, vector<10x512xf32>,
    %dot_general3A = arith.constant dense<0.000000e+00> : vector<128x10xf32>
    %dot_general3A_25 = tpu.matmul %mul3A_9, %mul3A_19, %dot_general3A {dimension_numbers = #tpu.dot_dimension_numbers<[1], [1], [0], [0], [0, 0, 1, 0], [], []>, transpose_lhs_hint = false} : vector<128x512xf32>, vector<10x512xf32>, vector<128x10xf32> -> vector<128x10xf32>
    %swap3A_26 = arith.constant 0 : index
    %swap3A_27 = arith.constant 0 : index
    %swap3A_28 = vector.load %arg4[%swap3A_26, %swap3A_27] : memref<128x10xf32, #tpu.memory_space<vmem>>, vector<128x10xf32>
    tpu.vector_store %arg4[%swap3A_26, %swap3A_27], %dot_general3A_25 {strides = array<i32>} : memref<128x10xf32, #tpu.memory_space<vmem>>, vector<128x10xf32>,
    %broadcast_in_dim3A_29 = arith.constant 0xFF800000 : f32
    %broadcast_in_dim3A_30 = vector.broadcast %broadcast_in_dim3A_29 : f32 to vector<128x6xf32>
    %concatenate3A = tpu.concatenate %dot_general3A_25, %broadcast_in_dim3A_30 in 1 : vector<128x10xf32>, vector<128x6xf32> -> vector<128x16xf32>
    %swap3A_31 = arith.constant 0 : index
    %swap3A_32 = arith.constant 0 : index
    %swap3A_33 = vector.load %arg5[%swap3A_31, %swap3A_32] : memref<128x16xf32, #tpu.memory_space<vmem>>, vector<128x16xf32>
    tpu.vector_store %arg5[%swap3A_31, %swap3A_32], %concatenate3A {strides = array<i32>} : memref<128x16xf32, #tpu.memory_space<vmem>>, vector<128x16xf32>,
    %reduce_sum3A_34 = arith.constant dense<0.000000e+00> : vector<10xf32>
    %reduce_sum3A_35 = vector.multi_reduction <add>, %dot_general3A_25, %reduce_sum3A_34 [0] : vector<128x10xf32> to vector<10xf32>
    %broadcast_in_dim3A_36 = arith.constant 0.000000e+00 : f32
    %broadcast_in_dim3A_37 = vector.broadcast %broadcast_in_dim3A_36 : f32 to vector<6xf32>
    %concatenate3A_38 = tpu.concatenate %reduce_sum3A_35, %broadcast_in_dim3A_37 in 0 : vector<10xf32>, vector<6xf32> -> vector<16xf32>
    %broadcast_in_dim3A_39 = vector.shape_cast %concatenate3A_38 : vector<16xf32> to vector<1x16xf32>
    %swap3A_40 = arith.constant 0 : index
    %swap3A_41 = arith.constant 0 : index
    %swap3A_42 = vector.load %arg6[%swap3A_40, %swap3A_41] : memref<1x16xf32, #tpu.memory_space<vmem>>, vector<1x16xf32>
    tpu.vector_store %arg6[%swap3A_40, %swap3A_41], %broadcast_in_dim3A_39 {strides = array<i32>} : memref<1x16xf32, #tpu.memory_space<vmem>>, vector<1x16xf32>,
    %reduce_sum3A_43 = arith.constant dense<0.000000e+00> : vector<512xf32>
    %reduce_sum3A_44 = vector.multi_reduction <add>, %mul3A_9, %reduce_sum3A_43 [0] : vector<128x512xf32> to vector<512xf32>
    %broadcast_in_dim3A_45 = vector.shape_cast %reduce_sum3A_44 : vector<512xf32> to vector<1x512xf32>
    %swap3A_46 = arith.constant 0 : index
    %swap3A_47 = arith.constant 0 : index
    %swap3A_48 = vector.load %arg7[%swap3A_46, %swap3A_47] : memref<1x512xf32, #tpu.memory_space<vmem>>, vector<1x512xf32>
    tpu.vector_store %arg7[%swap3A_46, %swap3A_47], %broadcast_in_dim3A_45 {strides = array<i32>} : memref<1x512xf32, #tpu.memory_space<vmem>>, vector<1x512xf32>,
    return
  }
}

module attributes {stable_mosaic.version = 14 : i64} {
  func.func @_apply_body(%arg0: i32, %arg1: memref<4xi32, #tpu.memory_space<smem>>, %arg2: memref<10x16x56x56xf32, #tpu.memory_space<vmem>>, %arg3: memref<10x512xf32, #tpu.memory_space<vmem>>, %arg4: memref<1x512xf32, #tpu.memory_space<vmem>>, %arg5: memref<4x56x56x128xf32, #tpu.memory_space<vmem>>, %arg6: memref<4x56x56x128xf32, #tpu.memory_space<vmem>>, %arg7: memref<4x512xf32, #tpu.memory_space<vmem>>, %arg8: memref<1x16xf32, #tpu.memory_space<vmem>>, %arg9: memref<64x56x56xf32, #tpu.memory_space<vmem>>) attributes {dimension_semantics = [#tpu.dimension_semantics<arbitrary>], iteration_bounds = array<i64: 16>, scalar_prefetch = 1 : i64, scratch_operands = 1 : i64, tpu.core_type = #tpu.core_type<tc>, window_params = [{pipeline_mode = #tpu.pipeline_mode<synchronous>, transform_indices = @transform_0, window_bounds = array<i64: 10, 16, 56, 56>}, {pipeline_mode = #tpu.pipeline_mode<synchronous>, transform_indices = @transform_1, window_bounds = array<i64: 10, 512>}, {pipeline_mode = #tpu.pipeline_mode<synchronous>, transform_indices = @transform_2, window_bounds = array<i64: 1, 512>}, {transform_indices = @transform_3, window_bounds = array<i64: 4, 56, 56, 128>}, {transform_indices = @transform_4, window_bounds = array<i64: 4, 56, 56, 128>}, {pipeline_mode = #tpu.pipeline_mode<synchronous>, transform_indices = @transform_5, window_bounds = array<i64: 4, 512>}, {pipeline_mode = #tpu.pipeline_mode<synchronous>, transform_indices = @transform_6, window_bounds = array<i64: 1, 16>}]} {
    %eq3A = arith.constant 0 : i32
    %eq3A_0 = arith.cmpi eq, %arg0, %eq3A : i32
    %convert_element_type3A = arith.extui %eq3A_0 : i1 to i32
    %cond3A = arith.constant 0 : i32
    %cond3A_1 = arith.cmpi ne, %convert_element_type3A, %cond3A : i32
    scf.if %cond3A_1 {
      %get3A_92 = arith.constant 0 : index
      %get3A_93 = memref.load %arg1[%get3A_92] : memref<4xi32, #tpu.memory_space<smem>>
      %get3A_94 = arith.index_cast %get3A_93 : i32 to index
      %get3A_95 = arith.constant 0 : index
      %get3A_96 = arith.constant 0 : index
      %get3A_97 = arith.constant 0 : index
      %get3A_98 = vector.load %arg2[%get3A_94, %get3A_95, %get3A_96, %get3A_97] : memref<10x16x56x56xf32, #tpu.memory_space<vmem>>, vector<1x16x56x56xf32>
      %get3A_99 = vector.shape_cast %get3A_98 : vector<1x16x56x56xf32> to vector<16x56x56xf32>
      %swap3A_100 = arith.constant 0 : index
      %swap3A_101 = arith.constant 0 : index
      %swap3A_102 = arith.constant 0 : index
      %swap3A_103 = vector.load %arg9[%swap3A_100, %swap3A_101, %swap3A_102] : memref<64x56x56xf32, #tpu.memory_space<vmem>>, vector<16x56x56xf32>
      tpu.vector_store %arg9[%swap3A_100, %swap3A_101, %swap3A_102], %get3A_99 {strides = array<i32>} : memref<64x56x56xf32, #tpu.memory_space<vmem>>, vector<16x56x56xf32>,
      %get3A_104 = arith.index_cast %get3A_93 : i32 to index
      %get3A_105 = arith.constant 0 : index
      %get3A_106 = vector.load %arg3[%get3A_104, %get3A_105] : memref<10x512xf32, #tpu.memory_space<vmem>>, vector<1x512xf32>
      %swap3A_107 = arith.constant 0 : index
      %swap3A_108 = arith.constant 0 : index
      %swap3A_109 = vector.load %arg7[%swap3A_107, %swap3A_108] : memref<4x512xf32, #tpu.memory_space<vmem>>, vector<1x512xf32>
      tpu.vector_store %arg7[%swap3A_107, %swap3A_108], %get3A_106 {strides = array<i32>} : memref<4x512xf32, #tpu.memory_space<vmem>>, vector<1x512xf32>,
      %get3A_110 = arith.constant 1 : index
      %get3A_111 = memref.load %arg1[%get3A_110] : memref<4xi32, #tpu.memory_space<smem>>
      %get3A_112 = arith.index_cast %get3A_111 : i32 to index
      %get3A_113 = arith.constant 0 : index
      %get3A_114 = arith.constant 0 : index
      %get3A_115 = arith.constant 0 : index
      %get3A_116 = vector.load %arg2[%get3A_112, %get3A_113, %get3A_114, %get3A_115] : memref<10x16x56x56xf32, #tpu.memory_space<vmem>>, vector<1x16x56x56xf32>
      %get3A_117 = vector.shape_cast %get3A_116 : vector<1x16x56x56xf32> to vector<16x56x56xf32>
      %swap3A_118 = arith.constant 16 : index
      %swap3A_119 = arith.constant 0 : index
      %swap3A_120 = arith.constant 0 : index
      %swap3A_121 = vector.load %arg9[%swap3A_118, %swap3A_119, %swap3A_120] : memref<64x56x56xf32, #tpu.memory_space<vmem>>, vector<16x56x56xf32>
      tpu.vector_store %arg9[%swap3A_118, %swap3A_119, %swap3A_120], %get3A_117 {strides = array<i32>} : memref<64x56x56xf32, #tpu.memory_space<vmem>>, vector<16x56x56xf32>,
      %get3A_122 = arith.index_cast %get3A_111 : i32 to index
      %get3A_123 = arith.constant 0 : index
      %get3A_124 = vector.load %arg3[%get3A_122, %get3A_123] : memref<10x512xf32, #tpu.memory_space<vmem>>, vector<1x512xf32>
      %swap3A_125 = arith.constant 1 : index
      %swap3A_126 = arith.constant 0 : index
      %swap3A_127 = vector.load %arg7[%swap3A_125, %swap3A_126] : memref<4x512xf32, #tpu.memory_space<vmem>>, vector<1x512xf32>
      tpu.vector_store %arg7[%swap3A_125, %swap3A_126], %get3A_124 {strides = array<i32>} : memref<4x512xf32, #tpu.memory_space<vmem>>, vector<1x512xf32>,
      %get3A_128 = arith.constant 2 : index
      %get3A_129 = memref.load %arg1[%get3A_128] : memref<4xi32, #tpu.memory_space<smem>>
      %get3A_130 = arith.index_cast %get3A_129 : i32 to index
      %get3A_131 = arith.constant 0 : index
      %get3A_132 = arith.constant 0 : index
      %get3A_133 = arith.constant 0 : index
      %get3A_134 = vector.load %arg2[%get3A_130, %get3A_131, %get3A_132, %get3A_133] : memref<10x16x56x56xf32, #tpu.memory_space<vmem>>, vector<1x16x56x56xf32>
      %get3A_135 = vector.shape_cast %get3A_134 : vector<1x16x56x56xf32> to vector<16x56x56xf32>
      %swap3A_136 = arith.constant 32 : index
      %swap3A_137 = arith.constant 0 : index
      %swap3A_138 = arith.constant 0 : index
      %swap3A_139 = vector.load %arg9[%swap3A_136, %swap3A_137, %swap3A_138] : memref<64x56x56xf32, #tpu.memory_space<vmem>>, vector<16x56x56xf32>
      tpu.vector_store %arg9[%swap3A_136, %swap3A_137, %swap3A_138], %get3A_135 {strides = array<i32>} : memref<64x56x56xf32, #tpu.memory_space<vmem>>, vector<16x56x56xf32>,
      %get3A_140 = arith.index_cast %get3A_129 : i32 to index
      %get3A_141 = arith.constant 0 : index
      %get3A_142 = vector.load %arg3[%get3A_140, %get3A_141] : memref<10x512xf32, #tpu.memory_space<vmem>>, vector<1x512xf32>
      %swap3A_143 = arith.constant 2 : index
      %swap3A_144 = arith.constant 0 : index
      %swap3A_145 = vector.load %arg7[%swap3A_143, %swap3A_144] : memref<4x512xf32, #tpu.memory_space<vmem>>, vector<1x512xf32>
      tpu.vector_store %arg7[%swap3A_143, %swap3A_144], %get3A_142 {strides = array<i32>} : memref<4x512xf32, #tpu.memory_space<vmem>>, vector<1x512xf32>,
      %get3A_146 = arith.constant 3 : index
      %get3A_147 = memref.load %arg1[%get3A_146] : memref<4xi32, #tpu.memory_space<smem>>
      %get3A_148 = arith.index_cast %get3A_147 : i32 to index
      %get3A_149 = arith.constant 0 : index
      %get3A_150 = arith.constant 0 : index
      %get3A_151 = arith.constant 0 : index
      %get3A_152 = vector.load %arg2[%get3A_148, %get3A_149, %get3A_150, %get3A_151] : memref<10x16x56x56xf32, #tpu.memory_space<vmem>>, vector<1x16x56x56xf32>
      %get3A_153 = vector.shape_cast %get3A_152 : vector<1x16x56x56xf32> to vector<16x56x56xf32>
      %swap3A_154 = arith.constant 48 : index
      %swap3A_155 = arith.constant 0 : index
      %swap3A_156 = arith.constant 0 : index
      %swap3A_157 = vector.load %arg9[%swap3A_154, %swap3A_155, %swap3A_156] : memref<64x56x56xf32, #tpu.memory_space<vmem>>, vector<16x56x56xf32>
      tpu.vector_store %arg9[%swap3A_154, %swap3A_155, %swap3A_156], %get3A_153 {strides = array<i32>} : memref<64x56x56xf32, #tpu.memory_space<vmem>>, vector<16x56x56xf32>,
      %get3A_158 = arith.index_cast %get3A_147 : i32 to index
      %get3A_159 = arith.constant 0 : index
      %get3A_160 = vector.load %arg3[%get3A_158, %get3A_159] : memref<10x512xf32, #tpu.memory_space<vmem>>, vector<1x512xf32>
      %swap3A_161 = arith.constant 3 : index
      %swap3A_162 = arith.constant 0 : index
      %swap3A_163 = vector.load %arg7[%swap3A_161, %swap3A_162] : memref<4x512xf32, #tpu.memory_space<vmem>>, vector<1x512xf32>
      tpu.vector_store %arg7[%swap3A_161, %swap3A_162], %get3A_160 {strides = array<i32>} : memref<4x512xf32, #tpu.memory_space<vmem>>, vector<1x512xf32>,
      %get3A_164 = arith.constant 0 : index
      %get3A_165 = arith.constant 0 : index
      %get3A_166 = arith.constant 0 : index
      %get3A_167 = vector.load %arg9[%get3A_164, %get3A_165, %get3A_166] : memref<64x56x56xf32, #tpu.memory_space<vmem>>, vector<64x56x56xf32>
      %mul3A_168 = arith.mulf %get3A_167, %get3A_167 : vector<64x56x56xf32>
      %reduce_sum3A = arith.constant dense<0.000000e+00> : vector<56x56xf32>
      %reduce_sum3A_169 = vector.multi_reduction <add>, %mul3A_168, %reduce_sum3A [0] : vector<64x56x56xf32> to vector<56x56xf32>
      %broadcast_in_dim3A = vector.shape_cast %reduce_sum3A_169 : vector<56x56xf32> to vector<1x56x56xf32>
      %max3A = arith.constant 9.99999996E-13 : f32
      %max3A_170 = vector.broadcast %max3A : f32 to vector<1x56x56xf32>
      %max3A_171 = arith.maximumf %broadcast_in_dim3A, %max3A_170 : vector<1x56x56xf32>
      %rsqrt3A = math.rsqrt %max3A_171 : vector<1x56x56xf32>
      %mul3A_172 = vector.broadcast %rsqrt3A : vector<1x56x56xf32> to vector<64x56x56xf32>
      %mul3A_173 = arith.mulf %get3A_167, %mul3A_172 : vector<64x56x56xf32>
      %swap3A_174 = arith.constant 0 : index
      %swap3A_175 = arith.constant 0 : index
      %swap3A_176 = arith.constant 0 : index
      %swap3A_177 = vector.load %arg9[%swap3A_174, %swap3A_175, %swap3A_176] : memref<64x56x56xf32, #tpu.memory_space<vmem>>, vector<64x56x56xf32>
      tpu.vector_store %arg9[%swap3A_174, %swap3A_175, %swap3A_176], %mul3A_173 {strides = array<i32>} : memref<64x56x56xf32, #tpu.memory_space<vmem>>, vector<64x56x56xf32>,
      %get3A_178 = arith.constant 0 : index
      %get3A_179 = arith.constant 0 : index
      %get3A_180 = vector.load %arg7[%get3A_178, %get3A_179] : memref<4x512xf32, #tpu.memory_space<vmem>>, vector<4x512xf32>
      %reduce_sum3A_181 = arith.constant dense<0.000000e+00> : vector<512xf32>
      %reduce_sum3A_182 = vector.multi_reduction <add>, %get3A_180, %reduce_sum3A_181 [0] : vector<4x512xf32> to vector<512xf32>
      %broadcast_in_dim3A_183 = vector.shape_cast %reduce_sum3A_182 : vector<512xf32> to vector<1x512xf32>
      %get3A_184 = arith.constant 0 : index
      %get3A_185 = arith.constant 0 : index
      %get3A_186 = vector.load %arg4[%get3A_184, %get3A_185] : memref<1x512xf32, #tpu.memory_space<vmem>>, vector<1x512xf32>
      %mul3A_187 = arith.mulf %get3A_186, %broadcast_in_dim3A_183 : vector<1x512xf32>
      %reduce_sum3A_188 = vector.shape_cast %mul3A_187 : vector<1x512xf32> to vector<1x1x512xf32>
      %reduce_sum3A_189 = arith.constant dense<0.000000e+00> : vector<1xf32>
      %reduce_sum3A_190 = vector.multi_reduction <add>, %reduce_sum3A_188, %reduce_sum3A_189 [1, 2] : vector<1x1x512xf32> to vector<1xf32>
      %reduce_sum3A_191 = vector.shape_cast %reduce_sum3A_190 : vector<1xf32> to vector<1x1x1xf32>
      %reduce_sum3A_192 = vector.extract %reduce_sum3A_191[0, 0, 0] : f32 from vector<1x1x1xf32>
      %mul3A_193 = arith.constant 7.812500e-03 : f32
      %mul3A_194 = arith.mulf %reduce_sum3A_192, %mul3A_193 : f32
      %broadcast_in_dim3A_195 = vector.broadcast %mul3A_194 : f32 to vector<1x16xf32>
      %swap3A_196 = arith.constant 0 : index
      %swap3A_197 = arith.constant 0 : index
      %swap3A_198 = vector.load %arg8[%swap3A_196, %swap3A_197] : memref<1x16xf32, #tpu.memory_space<vmem>>, vector<1x16xf32>
      tpu.vector_store %arg8[%swap3A_196, %swap3A_197], %broadcast_in_dim3A_195 {strides = array<i32>} : memref<1x16xf32, #tpu.memory_space<vmem>>, vector<1x16xf32>,
    } else {
    }
    %mul3A = arith.constant 4 : i32
    %mul3A_2 = arith.muli %arg0, %mul3A : i32
    %add3A = arith.constant 0 : i32
    %add3A_3 = arith.addi %mul3A_2, %add3A : i32
    %get3A = arith.index_cast %add3A_3 : i32 to index
    %get3A_4 = arith.constant 0 : index
    %get3A_5 = arith.constant 0 : index
    %get3A_6 = vector.load %arg9[%get3A, %get3A_4, %get3A_5] : memref<64x56x56xf32, #tpu.memory_space<vmem>>, vector<1x56x56xf32>
    %squeeze3A = vector.shape_cast %get3A_6 : vector<1x56x56xf32> to vector<56x56xf32>
    %get3A_7 = arith.constant 0 : index
    %get3A_8 = arith.constant 0 : index
    %get3A_9 = arith.constant 0 : index
    %get3A_10 = arith.constant 0 : index
    %get3A_11 = vector.load %arg5[%get3A_7, %get3A_8, %get3A_9, %get3A_10] : memref<4x56x56x128xf32, #tpu.memory_space<vmem>>, vector<1x56x56x128xf32>
    %get3A_12 = vector.shape_cast %get3A_11 : vector<1x56x56x128xf32> to vector<56x56x128xf32>
    %dot_general3A = arith.constant dense<0.000000e+00> : vector<56x56x128xf32>
    %dot_general3A_13 = tpu.matmul %squeeze3A, %get3A_12, %dot_general3A {dimension_numbers = #tpu.dot_dimension_numbers<[1], [0], [0], [1, 2], [0, 0, 1, 1, 1, 2], [], []>, precision = #tpu.contract_precision<fp32>, transpose_lhs_hint = false} : vector<56x56xf32>, vector<56x56x128xf32>, vector<56x56x128xf32> -> vector<56x56x128xf32>
    %swap3A = arith.constant 0 : index
    %swap3A_14 = arith.constant 0 : index
    %swap3A_15 = arith.constant 0 : index
    %swap3A_16 = arith.constant 0 : index
    %swap3A_17 = vector.load %arg6[%swap3A, %swap3A_14, %swap3A_15, %swap3A_16] : memref<4x56x56x128xf32, #tpu.memory_space<vmem>>, vector<1x56x56x128xf32>
    %swap3A_18 = vector.shape_cast %swap3A_17 : vector<1x56x56x128xf32> to vector<56x56x128xf32>
    %swap3A_19 = vector.shape_cast %dot_general3A_13 : vector<56x56x128xf32> to vector<1x56x56x128xf32>
    tpu.vector_store %arg6[%swap3A, %swap3A_14, %swap3A_15, %swap3A_16], %swap3A_19 {strides = array<i32>} : memref<4x56x56x128xf32, #tpu.memory_space<vmem>>, vector<1x56x56x128xf32>,
    %mul3A_20 = arith.constant 4 : i32
    %mul3A_21 = arith.muli %arg0, %mul3A_20 : i32
    %add3A_22 = arith.constant 1 : i32
    %add3A_23 = arith.addi %mul3A_21, %add3A_22 : i32
    %get3A_24 = arith.index_cast %add3A_23 : i32 to index
    %get3A_25 = arith.constant 0 : index
    %get3A_26 = arith.constant 0 : index
    %get3A_27 = vector.load %arg9[%get3A_24, %get3A_25, %get3A_26] : memref<64x56x56xf32, #tpu.memory_space<vmem>>, vector<1x56x56xf32>
    %squeeze3A_28 = vector.shape_cast %get3A_27 : vector<1x56x56xf32> to vector<56x56xf32>
    %get3A_29 = arith.constant 1 : index
    %get3A_30 = arith.constant 0 : index
    %get3A_31 = arith.constant 0 : index
    %get3A_32 = arith.constant 0 : index
    %get3A_33 = vector.load %arg5[%get3A_29, %get3A_30, %get3A_31, %get3A_32] : memref<4x56x56x128xf32, #tpu.memory_space<vmem>>, vector<1x56x56x128xf32>
    %get3A_34 = vector.shape_cast %get3A_33 : vector<1x56x56x128xf32> to vector<56x56x128xf32>
    %dot_general3A_35 = arith.constant dense<0.000000e+00> : vector<56x56x128xf32>
    %dot_general3A_36 = tpu.matmul %squeeze3A_28, %get3A_34, %dot_general3A_35 {dimension_numbers = #tpu.dot_dimension_numbers<[1], [0], [0], [1, 2], [0, 0, 1, 1, 1, 2], [], []>, precision = #tpu.contract_precision<fp32>, transpose_lhs_hint = false} : vector<56x56xf32>, vector<56x56x128xf32>, vector<56x56x128xf32> -> vector<56x56x128xf32>
    %swap3A_37 = arith.constant 1 : index
    %swap3A_38 = arith.constant 0 : index
    %swap3A_39 = arith.constant 0 : index
    %swap3A_40 = arith.constant 0 : index
    %swap3A_41 = vector.load %arg6[%swap3A_37, %swap3A_38, %swap3A_39, %swap3A_40] : memref<4x56x56x128xf32, #tpu.memory_space<vmem>>, vector<1x56x56x128xf32>
    %swap3A_42 = vector.shape_cast %swap3A_41 : vector<1x56x56x128xf32> to vector<56x56x128xf32>
    %swap3A_43 = vector.shape_cast %dot_general3A_36 : vector<56x56x128xf32> to vector<1x56x56x128xf32>
    tpu.vector_store %arg6[%swap3A_37, %swap3A_38, %swap3A_39, %swap3A_40], %swap3A_43 {strides = array<i32>} : memref<4x56x56x128xf32, #tpu.memory_space<vmem>>, vector<1x56x56x128xf32>,
    %mul3A_44 = arith.constant 4 : i32
    %mul3A_45 = arith.muli %arg0, %mul3A_44 : i32
    %add3A_46 = arith.constant 2 : i32
    %add3A_47 = arith.addi %mul3A_45, %add3A_46 : i32
    %get3A_48 = arith.index_cast %add3A_47 : i32 to index
    %get3A_49 = arith.constant 0 : index
    %get3A_50 = arith.constant 0 : index
    %get3A_51 = vector.load %arg9[%get3A_48, %get3A_49, %get3A_50] : memref<64x56x56xf32, #tpu.memory_space<vmem>>, vector<1x56x56xf32>
    %squeeze3A_52 = vector.shape_cast %get3A_51 : vector<1x56x56xf32> to vector<56x56xf32>
    %get3A_53 = arith.constant 2 : index
    %get3A_54 = arith.constant 0 : index
    %get3A_55 = arith.constant 0 : index
    %get3A_56 = arith.constant 0 : index
    %get3A_57 = vector.load %arg5[%get3A_53, %get3A_54, %get3A_55, %get3A_56] : memref<4x56x56x128xf32, #tpu.memory_space<vmem>>, vector<1x56x56x128xf32>
    %get3A_58 = vector.shape_cast %get3A_57 : vector<1x56x56x128xf32> to vector<56x56x128xf32>
    %dot_general3A_59 = arith.constant dense<0.000000e+00> : vector<56x56x128xf32>
    %dot_general3A_60 = tpu.matmul %squeeze3A_52, %get3A_58, %dot_general3A_59 {dimension_numbers = #tpu.dot_dimension_numbers<[1], [0], [0], [1, 2], [0, 0, 1, 1, 1, 2], [], []>, precision = #tpu.contract_precision<fp32>, transpose_lhs_hint = false} : vector<56x56xf32>, vector<56x56x128xf32>, vector<56x56x128xf32> -> vector<56x56x128xf32>
    %swap3A_61 = arith.constant 2 : index
    %swap3A_62 = arith.constant 0 : index
    %swap3A_63 = arith.constant 0 : index
    %swap3A_64 = arith.constant 0 : index
    %swap3A_65 = vector.load %arg6[%swap3A_61, %swap3A_62, %swap3A_63, %swap3A_64] : memref<4x56x56x128xf32, #tpu.memory_space<vmem>>, vector<1x56x56x128xf32>
    %swap3A_66 = vector.shape_cast %swap3A_65 : vector<1x56x56x128xf32> to vector<56x56x128xf32>
    %swap3A_67 = vector.shape_cast %dot_general3A_60 : vector<56x56x128xf32> to vector<1x56x56x128xf32>
    tpu.vector_store %arg6[%swap3A_61, %swap3A_62, %swap3A_63, %swap3A_64], %swap3A_67 {strides = array<i32>} : memref<4x56x56x128xf32, #tpu.memory_space<vmem>>, vector<1x56x56x128xf32>,
    %mul3A_68 = arith.constant 4 : i32
    %mul3A_69 = arith.muli %arg0, %mul3A_68 : i32
    %add3A_70 = arith.constant 3 : i32
    %add3A_71 = arith.addi %mul3A_69, %add3A_70 : i32
    %get3A_72 = arith.index_cast %add3A_71 : i32 to index
    %get3A_73 = arith.constant 0 : index
    %get3A_74 = arith.constant 0 : index
    %get3A_75 = vector.load %arg9[%get3A_72, %get3A_73, %get3A_74] : memref<64x56x56xf32, #tpu.memory_space<vmem>>, vector<1x56x56xf32>
    %squeeze3A_76 = vector.shape_cast %get3A_75 : vector<1x56x56xf32> to vector<56x56xf32>
    %get3A_77 = arith.constant 3 : index
    %get3A_78 = arith.constant 0 : index
    %get3A_79 = arith.constant 0 : index
    %get3A_80 = arith.constant 0 : index
    %get3A_81 = vector.load %arg5[%get3A_77, %get3A_78, %get3A_79, %get3A_80] : memref<4x56x56x128xf32, #tpu.memory_space<vmem>>, vector<1x56x56x128xf32>
    %get3A_82 = vector.shape_cast %get3A_81 : vector<1x56x56x128xf32> to vector<56x56x128xf32>
    %dot_general3A_83 = arith.constant dense<0.000000e+00> : vector<56x56x128xf32>
    %dot_general3A_84 = tpu.matmul %squeeze3A_76, %get3A_82, %dot_general3A_83 {dimension_numbers = #tpu.dot_dimension_numbers<[1], [0], [0], [1, 2], [0, 0, 1, 1, 1, 2], [], []>, precision = #tpu.contract_precision<fp32>, transpose_lhs_hint = false} : vector<56x56xf32>, vector<56x56x128xf32>, vector<56x56x128xf32> -> vector<56x56x128xf32>
    %swap3A_85 = arith.constant 3 : index
    %swap3A_86 = arith.constant 0 : index
    %swap3A_87 = arith.constant 0 : index
    %swap3A_88 = arith.constant 0 : index
    %swap3A_89 = vector.load %arg6[%swap3A_85, %swap3A_86, %swap3A_87, %swap3A_88] : memref<4x56x56x128xf32, #tpu.memory_space<vmem>>, vector<1x56x56x128xf32>
    %swap3A_90 = vector.shape_cast %swap3A_89 : vector<1x56x56x128xf32> to vector<56x56x128xf32>
    %swap3A_91 = vector.shape_cast %dot_general3A_84 : vector<56x56x128xf32> to vector<1x56x56x128xf32>
    tpu.vector_store %arg6[%swap3A_85, %swap3A_86, %swap3A_87, %swap3A_88], %swap3A_91 {strides = array<i32>} : memref<4x56x56x128xf32, #tpu.memory_space<vmem>>, vector<1x56x56x128xf32>,
    return
  }
  func.func @transform_0(%arg0: i32, %arg1: memref<4xi32, #tpu.memory_space<smem>>) -> (i32, i32, i32, i32) {
    %c0_i32 = arith.constant 0 : i32
    %c0_i32_0 = arith.constant 0 : i32
    %c0_i32_1 = arith.constant 0 : i32
    %c0_i32_2 = arith.constant 0 : i32
    %c0_i32_3 = arith.constant 0 : i32
    return %c0_i32, %c0_i32_0, %c0_i32_1, %c0_i32_2 : i32, i32, i32, i32
  }
  func.func @transform_1(%arg0: i32, %arg1: memref<4xi32, #tpu.memory_space<smem>>) -> (i32, i32) {
    %c0_i32 = arith.constant 0 : i32
    %c0_i32_0 = arith.constant 0 : i32
    %c0_i32_1 = arith.constant 0 : i32
    return %c0_i32, %c0_i32_0 : i32, i32
  }
  func.func @transform_2(%arg0: i32, %arg1: memref<4xi32, #tpu.memory_space<smem>>) -> (i32, i32) {
    %c0_i32 = arith.constant 0 : i32
    %c0_i32_0 = arith.constant 0 : i32
    %c0_i32_1 = arith.constant 0 : i32
    return %c0_i32, %c0_i32_0 : i32, i32
  }
  func.func @transform_3(%arg0: i32, %arg1: memref<4xi32, #tpu.memory_space<smem>>) -> (i32, i32, i32, i32) {
    %c0_i32 = arith.constant 0 : i32
    %c0_i32_0 = arith.constant 0 : i32
    %c0_i32_1 = arith.constant 0 : i32
    %c0_i32_2 = arith.constant 0 : i32
    return %arg0, %c0_i32, %c0_i32_0, %c0_i32_1 : i32, i32, i32, i32
  }
  func.func @transform_4(%arg0: i32, %arg1: memref<4xi32, #tpu.memory_space<smem>>) -> (i32, i32, i32, i32) {
    %c0_i32 = arith.constant 0 : i32
    %c0_i32_0 = arith.constant 0 : i32
    %c0_i32_1 = arith.constant 0 : i32
    %c0_i32_2 = arith.constant 0 : i32
    return %arg0, %c0_i32, %c0_i32_0, %c0_i32_1 : i32, i32, i32, i32
  }
  func.func @transform_5(%arg0: i32, %arg1: memref<4xi32, #tpu.memory_space<smem>>) -> (i32, i32) {
    %c0_i32 = arith.constant 0 : i32
    %c0_i32_0 = arith.constant 0 : i32
    %c0_i32_1 = arith.constant 0 : i32
    return %c0_i32, %c0_i32_0 : i32, i32
  }
  func.func @transform_6(%arg0: i32, %arg1: memref<4xi32, #tpu.memory_space<smem>>) -> (i32, i32) {
    %c0_i32 = arith.constant 0 : i32
    %c0_i32_0 = arith.constant 0 : i32
    %c0_i32_1 = arith.constant 0 : i32
    return %c0_i32, %c0_i32_0 : i32, i32
  }
}

</mosaic_0001>

<sc_bundles>
// kernel: kernel.5.cloned.1.call-start
scs
__scs_entry_jumppad:
0x0: {  	(pc) =	sbr.rel $0x88, $3  }
0x1: {  	(tag) =	ssettag $0x0;
	lr =	simm.s32 $0x1  }
0x2: {  	[smem:$0x3F9D] =	sst lr;
	_ =	strace $0xD0000000  }
0x3: {  	_ = 	snop  }
0x4: {  	_ = 	snop  }
0x5: {  	_ = 	snop  }
0x6: {  	_ = 	snop  }
0x7: {  	_ = 	snop  }
__scs_overlays_trampoline_lowered:
0x8: {  	[smem:$0x3FAC] =	sst s0  }
0x9: {  	[smem:$0x3FAD] =	sst s1  }
0xa: {  	[smem:$0x3FAE] =	sst s2  }
0xb: {  	[smem:$0x3FAF] =	sst s3  }
0xc: {  	[smem:$0x3FB0] =	sst s4  }
0xd: {  	[smem:$0x3FB1] =	sst s5  }
0xe: {  	[smem:$0x3FB2] =	sst s6  }
0xf: {  	[smem:$0x3FB3] =	sst s7  }
0x10: {  	[smem:$0x3FB4] =	sst s8  }
0x11: {  	[smem:$0x3FB5] =	sst s9;
	s0 =	simm.s32 @!p0 $0x0  }
0x12: {  	s1 =	sld [smem:$0x3F9B];
	s0 =	simm.s32 @p0 $0x1  }
0x13: {  	[smem:$0x3FB6] =	sst s0;
	s0 =	simm.s32 @!p1 $0x0  }
0x14: {  	s2 =	sld [smem:$0x3F9A];
	s0 =	simm.s32 @p1 $0x1  }
0x15: {  	[smem:$0x3FB7] =	sst s0;
	s0 =	simm.s32 @!p2 $0x0  }
0x16: {  	s3 =	sld [smem:$0x3FDB];
	s0 =	simm.s32 @p2 $0x1  }
0x17: {  	s4 =	simm.s32 $0x1BF5;
	[smem:$0x3FB9] =	sst s0  }
0x18: {  	s0 =	sld [smem:$0x3F9C];
	_ =	swait.ge [sflag:s4], $0x0  }
0x19: {  	s7 =	sld [smem:$0x3F9D]  }
0x1a: {  	s8 =	sadd.s32 $0xFFFFE003, lr  }
0x1b: {  	s9 =	sadd.s32 $0xFFFFFEF7, lr;
	s5 =	simm.s32 $0xFFFFFFFF;
	p2 =	slt.u32 s8, $0xFFFFF086  }
0x1c: {  	p1 =	slt.u32 s9, $0xF7A;
	s5 =	simm.s32 @!p2 $0x0  }
0x1d: {  	s5 =	simm.s32 @p1 $0x1;
	p0 =	seq.s32 s7, s2  }
0x1e: {  	s7 =	smul.u32 @!p0 $0xF7A, s2;
	p2 =	seq.s32 @!p0 s5, $0x0  }
0x1f: {  	s9 =	smul.u32 $0xF7A, s1;
	s8 =	simm.s32 @!p0 $0x1BF5;
	p2 =	por !p2, p0  }
0x20: {  	[sflag:s8] =	ssyncset.s32 @!p0 $0xFFFFF086;
	s6 =	sadd.s32 @!p0 s3, s7;
	s7 =	simm.s32 @!p0 $0x108  }
0x21: {  	s3 =	sadd.s32 s3, s9;
	s6 =	sadd.s32 @!p0 $0x88, s6;
	s7 =	simm.s32 @p2 $0x1082  }
0x22: {  	[simem:s7], [sflag:s8] =	dma.local @!p0 [hbm:s6], $0xF7A  }
0x23: {  	s9 =	sor.u32 $0xD0000000, s2;
	s6 =	simm.s32 $0x108;
	_ =	swait.ge @!p0 [sflag:s8], $0x0  }
0x24: {  	s3 =	sadd.s32 $0x88, s3;
	s6 =	simm.s32 @!p1 $0x1082;
	[sflag:s4] =	ssyncset.s32 $0xFFFFF086  }
0x25: {  	[simem:s6], [sflag:s4] =	dma.local [hbm:s3], $0xF7A  }
0x26: {  	[smem:$0x3F9D] =	sst s1;
	(tag) =	ssettag s2;
	_ =	strace s9  }
0x27: {  	s1 =	sld [smem:$0x3FAD]  }
0x28: {  	s2 =	sld [smem:$0x3FAE]  }
0x29: {  	s4 =	sld [smem:$0x3FB0]  }
0x2a: {  	p0 =	seq.s32 s5, $0x0;
	s5 =	sld [smem:$0x3FB1]  }
0x2b: {  	s6 =	sld [smem:$0x3FB2]  }
0x2c: {  	s7 =	sld [smem:$0x3FB3]  }
0x2d: {  	s3 =	simm.s32 $0x108;
	s8 =	sld [smem:$0x3FB4]  }
0x2e: {  	s3 =	simm.s32 @!p0 $0x1082;
	s9 =	sld [smem:$0x3FB5]  }
0x2f: {  	lr =	sadd.s32 s0, s3;
	s0 =	sld [smem:$0x3FAC]  }
0x30: {  	s3 =	sld [smem:$0x3FAF]  }
0x31: {  	[smem:$0x3FB8] =	sst s10  }
0x32: {  	s10 =	sld [smem:$0x3FB6];
	_ =	sdelay $0x3  }
0x33: {  	p0 =	seq.s32 s10, $0x1;
	s10 =	sld [smem:$0x3FB8];
	_ =	sdelay $0x3  }
0x34: {  	[smem:$0x3FB8] =	sst s10  }
0x35: {  	s10 =	sld [smem:$0x3FB7];
	_ =	sdelay $0x3  }
0x36: {  	p1 =	seq.s32 s10, $0x1;
	s10 =	sld [smem:$0x3FB8];
	_ =	sdelay $0x3  }
0x37: {  	[smem:$0x3FB8] =	sst s10  }
0x38: {  	s10 =	sld [smem:$0x3FB9]  }
0x39: {  	_ = 	snop;
	(pc) =	sbr.ind lr, $3  }
0x3a: {  	_ = 	snop  }
0x3b: {  	_ = 	snop  }
0x3c: {  	p2 =	seq.s32 s10, $0x1;
	s10 =	sld [smem:$0x3FB8]  }
0x3d: {  	_ =	shalt  }
0x3e: {  	_ =	shalt  }
0x3f: {  	_ =	shalt  }
0x40: {  	_ =	shalt  }
0x41: {  	_ =	shalt  }
0x42: {  	_ =	shalt  }
0x43: {  	_ =	shalt  }
0x44: {  	_ =	shalt  }
0x45: {  	_ =	shalt  }
0x46: {  	_ =	shalt  }
0x47: {  	_ =	shalt  }
0x48: {  	_ =	shalt  }
0x49: {  	_ =	shalt  }
0x4a: {  	_ =	shalt  }
0x4b: {  	_ =	shalt  }
0x4c: {  	_ =	shalt  }
0x4d: {  	_ =	shalt  }
0x4e: {  	_ =	shalt  }
0x4f: {  	_ =	shalt  }
0x50: {  	_ =	shalt  }
0x51: {  	_ =	shalt  }
0x52: {  	_ =	shalt  }
0x53: {  	_ =	shalt  }
0x54: {  	_ =	shalt  }
0x55: {  	_ =	shalt  }
0x56: {  	_ =	shalt  }
0x57: {  	_ =	shalt  }
0x58: {  	_ =	shalt  }
0x59: {  	_ =	shalt  }
0x5a: {  	_ =	shalt  }
0x5b: {  	_ =	shalt  }
0x5c: {  	_ =	shalt  }
0x5d: {  	_ =	shalt  }
0x5e: {  	_ =	shalt  }
0x5f: {  	_ =	shalt  }
0x60: {  	_ =	shalt  }
0x61: {  	_ =	shalt  }
0x62: {  	_ =	shalt  }
0x63: {  	_ =	shalt  }
0x64: {  	_ =	shalt  }
0x65: {  	_ =	shalt  }
0x66: {  	_ =	shalt  }
0x67: {  	_ =	shalt  }
0x68: {  	_ =	shalt  }
0x69: {  	_ =	shalt  }
0x6a: {  	_ =	shalt  }
0x6b: {  	_ =	shalt  }
0x6c: {  	_ =	shalt  }
0x6d: {  	_ =	shalt  }
0x6e: {  	_ =	shalt  }
0x6f: {  	_ =	shalt  }
0x70: {  	_ =	shalt  }
0x71: {  	_ =	shalt  }
0x72: {  	_ =	shalt  }
0x73: {  	_ =	shalt  }
0x74: {  	_ =	shalt  }
0x75: {  	_ =	shalt  }
0x76: {  	_ =	shalt  }
0x77: {  	_ =	shalt  }
0x78: {  	_ =	shalt  }
0x79: {  	_ =	shalt  }
0x7a: {  	_ =	shalt  }
0x7b: {  	_ =	shalt  }
0x7c: {  	_ =	shalt  }
0x7d: {  	_ =	shalt  }
0x7e: {  	_ =	shalt  }
0x7f: {  	_ =	shalt  }
0x80: {  	_ =	shalt  }
0x81: {  	_ =	shalt  }
0x82: {  	_ =	shalt  }
0x83: {  	_ =	shalt  }
0x84: {  	_ =	shalt  }
0x85: {  	_ =	shalt  }
0x86: {  	_ =	shalt  }
0x87: {  	_ =	shalt  }
.Lfunc_end0:
.L_simem_size_0:
called_computation_lowered:
.L_overlay_start_0:
0x88: {  	s2 =	sld [smem:$0x3FD9]  }
0x89: {  	s3 =	sld [smem:$0x3FFE];
	_ =	sdelay $0x1  }
0x8a: {  	s1 =	srdreg.scid  }
0x8b: {  	s0 =	sand.u32 $0x1, s1  }
0x8c: {  	s15 =	sshll.u32 s0, $0xA;
	s2 =	sadd.s32 s3, s2  }
0x8d: {  	s2 =	sadd.s32 s2, s15  }
0x8e: {  	[smem:$0x3FC4] =	sst s2  }
0x8f: {  	_ = 	snop  }
0x90: {  	s2 =	sld [smem:$0x3FD0];
	_ =	sdelay $0x2  }
0x91: {  	s16 =	simm.s32 $0xA;
	s4 =	simm.s32 $0x10  }
0x92: {  	[smem:s4], [sflag:s16] =	dma.local [hbm:s2], $0x1  }
0x93: {  	_ =	swait.eq [sflag:s16], $0x1  }
0x94: {  	s17 =	sld [smem:$0x10]  }
0x95: {  	s18 =	sld [smem:$0x12]  }
0x96: {  	s5 =	sld [smem:$0x13];
	[sflag:s16] =	ssyncset.done $0x0  }
0x97: {  	s6 =	sld [smem:$0x14];
	[sflag:s16] =	ssyncadd.s32 $0xFFFFFFFF  }
0x98: {  	s19 =	sld [smem:$0x16];
	(tm) =	ssettm $0x1  }
0x99: {  	s7 =	sld [smem:$0x3FFB];
	_ =	sdelay $0x3  }
0x9a: {  	_ =	strace s7  }
0x9b: {  	s7 =	sld [smem:$0x3FFC];
	_ =	sdelay $0x3  }
0x9c: {  	_ =	strace s7  }
0x9d: {  	s7 =	sld [smem:$0x3FFD];
	_ =	sdelay $0x3  }
0x9e: {  	_ =	strace s7  }
0x9f: {  	_ =	strace $0x8FFFFFFF  }
0xa0: {  	s20 =	sld [smem:$0x3FDB];
	_ =	sdelay $0x1  }
0xa1: {  	s8 =	simm.s32 $_scs_section_size  }
0xa2: {  	s9 =	simm.s32 $_size__tile_overlayer_lowered;
	s10 =	simm.s32 $_tile_overlayer_lowered  }
0xa3: {  	s23 =	simm.s32 $0x1BFF;
	s22 =	sshll.u32 s10, $0x1;
	s7 =	sadd.s32 s8, s20  }
0xa4: {  	s11 =	simm.s32 $0x0;
	s21 =	sshll.u32 s9, $0x1;
	s9 =	sadd.s32 s22, s7  }
0xa5: {  	[timem:s11], [sflag:s23] =	dma.local [hbm:s9], s21  }
0xa6: {  	_ =	swait.ge [sflag:s23], s21  }
0xa7: {  	s8 =	ssub.s32 $0x0, s21;
	[sflag:s23] =	ssyncset.done $0x0  }
0xa8: {  	[sflag:s23] =	ssyncadd.s32 s8;
	_ =	sdelay $0x1  }
0xa9: {  	s24 =	simm.s32 $0x1B8B  }
0xaa: {  	_ =	swait.ge [sflag:s24], $0x1  }
0xab: {  	[sflag:s24] =	ssyncset.done $0x0  }
0xac: {  	s25 =	simm.s32 $0x1B8E;
	[sflag:s24] =	ssyncadd.s32 $0xFFFFFFFF  }
0xad: {  	s26 =	simm.s32 $execute0_lowered;
	[smem:$0x3FD2] =	sst s25  }
0xae: {  	s8 =	sshll.u32 s26, $0x1;
	_ =	strace $0x80000046;
	[dreg:$0x1] =	wrdreg $0xFFFFFFFF  }
0xaf: {  	s28 =	simm.s32 $_size_execute0_lowered;
	s7 =	sadd.s32 s7, s8;
	[dreg:$0x0] =	wrdreg $0x0  }
0xb0: {  	s8 =	sshll.u32 s28, $0x1;
	[dreg:$0x2] =	wrdreg s7  }
0xb1: {  	[dreg:$0x3] =	wrdreg s8  }
0xb2: {  	[dreg:$0x4] =	wrdreg $0xC0  }
0xb3: {  	_ =	task [dreg:s11], $0x5FFFF  }
0xb4: {  	[dreg:$0x1] =	wrdreg $0xFFFFFFFF  }
0xb5: {  	[dreg:$0x0] =	wrdreg $0x60  }
0xb6: {  	[dreg:$0x2] =	wrdreg s6  }
0xb7: {  	[dreg:$0x3] =	wrdreg s19  }
0xb8: {  	[dreg:$0x4] =	wrdreg s18  }
0xb9: {  	[dreg:$0x5] =	wrdreg s5  }
0xba: {  	[dreg:$0x6] =	wrdreg s17  }
0xbb: {  	[dreg:$0x7] =	wrdreg $0x9  }
0xbc: {  	_ =	task.clear_ibuf [dreg:s11], $0x8FFFF;
	_ =	strace $0x90000046  }
0xbd: {  	s29 =	simm.s32 $0x9;
	_ =	strace $0x80000048  }
0xbe: {  	_ =	swait.ge [sflag:s29], $0x1  }
0xbf: {  	[sflag:s29] =	ssyncadd.s32 $0xFFFFFFFF  }
0xc0: {  	_ =	strace $0x90000048  }
0xc1: {  	_ =	sfence  }
0xc2: {  	s30 =	sld [smem:$0x0];
	_ =	sdelay $0x2  }
0xc3: {  	s31 =	sshll.u32 s1, $0xD;
	s1 =	sshrl.u32 s1, $0x2  }
0xc4: {  	s3 =	sand.u32 $0x4000, s31;
	s1 =	sadd.s32 s1, s30  }
0xc5: {  	s0 =	sor.u32 s3, s0;
	s1 =	sshll.u32 s1, $0x11  }
0xc6: {  	s0 =	sor.u32 s1, s0  }
0xc7: {  	s0 =	sadd.s32 $0x8F2B, s0  }
0xc8: {  	[sflag:s0] =	ssyncadd.remote.s32 $0x1  }
0xc9: {  	_ =	sfence.sel $0xFFFF  }
0xca: {  	[dreg:$0x0] =	wrdreg $0xFFFFFFFF;
	(pc) =	sbr.abs _section_cstart, $3  }
0xcb: {  	[dreg:$0x1] =	wrdreg $0xFFFFFFFF  }
0xcc: {  	_ =	task.clear_ibuf [dreg:s11], $0x2FFFF;
	_ =	strace $0x9FFFFFFF  }
0xcd: {  	(tm) =	ssettm $0x7FFFFFFF  }
tec
execute0_lowered:
.L_overlay_start_1:
0x0: {  	(tag) =	ssettag $0x1  }
0x1: {  	s7 =	rddreg [dreg:$0x0]  }
0x2: {  	s4 =	rddreg [dreg:$0x1]  }
0x3: {  	s6 =	rddreg [dreg:$0x2]  }
0x4: {  	s5 =	rddreg [dreg:$0x3]  }
0x5: {  	s2 =	rddreg [dreg:$0x4];
	s1 =	srdreg.scid  }
0x6: {  	s0 =	rddreg [dreg:$0x5];
	s8 =	sand.u32 $0x1, s1  }
0x7: {  	s3 =	simm.s32 $0x0;
	s1 =	stileid.u32;
	p0 =	seq.s32 s8, $0x1  }
0x8: {  	[smem:$0x7FF] =	sst s3;
	s8 =	sshll.u32 @!p0 s1, $0x7  }
0x9: {  	_ =	strace $0x80000047;
	v0 =	vimm.s32 @!p0 $0xEFCDAB89;
	v1 =	vimm.s32 @!p0 $0x67452301;
	s7 =	sadd.s32 @!p0 s7, s8;
	s8 =	simm.s32 @!p0 $0x0  }
0xa: {  	v0 =	vunpack.c.l.s4.s8 @!p0 v0;
	v1 =	vunpack.c.l.s4.s8 @!p0 v1;
	[tilespmem:s8], [sflag:$0x1] =	stream.linear.gather @!p0 [hbm4b:s7+s8], $0x400, $0x38;
	[tilespmem:$0xE00] =	vst v63  }
0xb: {  	s7 =	simm.s32 @!p0 $0x1  }
0xc: {  	_ =	swait.ge @!p0 [sflag:s7], $0x400;
	v0 =	vunpack.c.0.s8.s32 @!p0 v0;
	v1 =	vunpack.c.0.s8.s32 @!p0 v1  }
0xd: {  	[sflag:s7] =	ssyncset.done @!p0 $0x0  }
0xe: {  	[sflag:s7] =	ssyncadd.s32 @!p0 $0xFFFFFC00;
	v0 =	vcombine.low @!p0 v1, v0  }
0xf: {  	v2 =	vimm.s32 @!p0 $0x54761032;
	v1 =	vimm.s32 @!p0 $0xDCFE98BA;
	v5 =	vld @!p0 [tilespmem:$0x0]  }
0x10: {  	v1 =	vunpack.c.l.s4.s8 @!p0 v1;
	v3 =	vand.u32 @!p0 $0xF, v0;
	v0 =	vunpack.c.l.s4.s8 @!p0 v2  }
0x11: {  	v4 =	vimm.s32 @!p0 $0xBA98FEDC  }
0x12: {  	v6 =	vimm.s32 @!p0 $0x32107654;
	v1 =	vunpack.c.0.s8.s32 @!p0 v1;
	v0 =	vunpack.c.0.s8.s32 @!p0 v0  }
0x13: {  	v4 =	vunpack.c.l.s4.s8 @!p0 v4;
	v6 =	vunpack.c.l.s4.s8 @!p0 v6  }
0x14: {  	v7 =	vimm.s32 @!p0 $0xFEDCBA98;
	v2 =	vperm.xlane @!p0 v5, v3;
	v0 =	vcombine.low @!p0 v0, v1  }
0x15: {  	v7 =	vunpack.c.l.s4.s8 @!p0 v7;
	v6 =	vunpack.c.0.s8.s32 @!p0 v6;
	v1 =	vunpack.c.0.s8.s32 @!p0 v4  }
0x16: {  	v2 =	vmax.f32 @!p0 v5, v2;
	v4 =	vand.u32 @!p0 $0xF, v0;
	v0 =	vimm.s32 @!p0 $0x76543210  }
0x17: {  	v1 =	vcombine.low @!p0 v6, v1;
	v8 =	vperm.xlane @!p0 v2, v4;
	v0 =	vunpack.c.l.s4.s8 @!p0 v0  }
0x18: {  	v6 =	vunpack.c.0.s8.s32 @!p0 v7  }
0x19: {  	v7 =	vmax.f32 @!p0 v2, v8;
	v2 =	vand.u32 @!p0 $0xF, v1;
	v0 =	vunpack.c.0.s8.s32 @!p0 v0  }
0x1a: {  	v1 =	vand.u32 @!p0 $0xF, v6;
	v8 =	vperm.xlane @!p0 v7, v2  }
0x1b: {  	v1 =	vcombine.low @!p0 v1, v0  }
0x1c: {  	v0 =	vmax.f32 @!p0 v7, v8  }
0x1d: {  	v6 =	vperm.xlane @!p0 v0, v1;
	_ =	sdelay $0x1  }
0x1e: {  	v0 =	vmax.f32 @!p0 v0, v6  }
0x1f: {  	vm0 =	veq.f32 @!p0 v5, v0;
	v0 =	vlaneseq.u32 @!p0  }
0x20: {  	v6 =	vnsel @!p0 vm0, $0x10, v0  }
0x21: {  	v7 =	vperm.xlane @!p0 v6, v3;
	_ =	sdelay $0x1  }
0x22: {  	vm0 =	vlt.s32 @!p0 v6, v7  }
0x23: {  	v6 =	vsel @!p0 vm0, v6, v7  }
0x24: {  	v7 =	vperm.xlane @!p0 v6, v4;
	_ =	sdelay $0x1  }
0x25: {  	vm0 =	vlt.s32 @!p0 v6, v7  }
0x26: {  	v6 =	vsel @!p0 vm0, v6, v7  }
0x27: {  	v7 =	vperm.xlane @!p0 v6, v2;
	_ =	sdelay $0x1  }
0x28: {  	vm0 =	vlt.s32 @!p0 v6, v7  }
0x29: {  	v6 =	vsel @!p0 vm0, v6, v7  }
0x2a: {  	v7 =	vperm.xlane @!p0 v6, v1;
	_ =	sdelay $0x1  }
0x2b: {  	vm0 =	vlt.s32 @!p0 v6, v7  }
0x2c: {  	v6 =	vsel @!p0 vm0, v6, v7  }
0x2d: {  	vm3 =	veq.s32 @!p0 v6, v0  }
0x2e: {  	v5 =	vsel @!p0 vm3, $0xFF800000, v5  }
0x2f: {  	v7 =	vld @!p0 [tilespmem:$0x80];
	v6 =	vperm.xlane @!p0 v5, v3;
	_ =	sdelay $0x1  }
0x30: {  	v6 =	vmax.f32 @!p0 v5, v6  }
0x31: {  	v8 =	vperm.xlane @!p0 v6, v4;
	_ =	sdelay $0x1  }
0x32: {  	v6 =	vmax.f32 @!p0 v6, v8;
	v8 =	vperm.xlane @!p0 v7, v3  }
0x33: {  	v9 =	vperm.xlane @!p0 v6, v2  }
0x34: {  	v8 =	vmax.f32 @!p0 v7, v8  }
0x35: {  	v6 =	vmax.f32 @!p0 v6, v9;
	v9 =	vperm.xlane @!p0 v8, v4  }
0x36: {  	v10 =	vperm.xlane @!p0 v6, v1  }
0x37: {  	v8 =	vmax.f32 @!p0 v8, v9  }
0x38: {  	v6 =	vmax.f32 @!p0 v6, v10;
	v9 =	vperm.xlane @!p0 v8, v2  }
0x39: {  	vm0 =	veq.f32 @!p0 v5, v6  }
0x3a: {  	v6 =	vnsel @!p0 vm0, $0x10, v0;
	v8 =	vmax.f32 @!p0 v8, v9  }
0x3b: {  	v9 =	vperm.xlane @!p0 v6, v3;
	v10 =	vperm.xlane @!p0 v8, v1;
	_ =	sdelay $0x1  }
0x3c: {  	vm0 =	vlt.s32 @!p0 v6, v9;
	v8 =	vmax.f32 @!p0 v8, v10  }
0x3d: {  	v6 =	vsel @!p0 vm0, v6, v9;
	vm0 =	veq.f32 @!p0 v7, v8  }
0x3e: {  	v8 =	vperm.xlane @!p0 v6, v4;
	v9 =	vnsel @!p0 vm0, $0x10, v0  }
0x3f: {  	v10 =	vperm.xlane @!p0 v9, v3  }
0x40: {  	vm0 =	vlt.s32 @!p0 v6, v8  }
0x41: {  	v6 =	vsel @!p0 vm0, v6, v8;
	vm0 =	vlt.s32 @!p0 v9, v10  }
0x42: {  	v8 =	vperm.xlane @!p0 v6, v2;
	v9 =	vsel @!p0 vm0, v9, v10;
	v10 =	vld @!p0 [tilespmem:$0x100]  }
0x43: {  	v11 =	vperm.xlane @!p0 v9, v4  }
0x44: {  	vm0 =	vlt.s32 @!p0 v6, v8  }
0x45: {  	v6 =	vsel @!p0 vm0, v6, v8;
	vm0 =	vlt.s32 @!p0 v9, v11  }
0x46: {  	v8 =	vperm.xlane @!p0 v6, v1;
	v9 =	vsel @!p0 vm0, v9, v11  }
0x47: {  	v11 =	vperm.xlane @!p0 v9, v2;
	v12 =	vperm.xlane @!p0 v10, v3  }
0x48: {  	vm0 =	vlt.s32 @!p0 v6, v8  }
0x49: {  	v6 =	vsel @!p0 vm0, v6, v8;
	vm0 =	vlt.s32 @!p0 v9, v11;
	v8 =	vmax.f32 @!p0 v10, v12  }
0x4a: {  	vm5 =	veq.s32 @!p0 v6, v0;
	v6 =	vsel @!p0 vm0, v9, v11;
	v9 =	vperm.xlane @!p0 v8, v4  }
0x4b: {  	v5 =	vsel @!p0 vm5, $0xFF800000, v5;
	v11 =	vperm.xlane @!p0 v6, v1  }
0x4c: {  	v12 =	vperm.xlane @!p0 v5, v3;
	v8 =	vmax.f32 @!p0 v8, v9  }
0x4d: {  	vm0 =	vlt.s32 @!p0 v6, v11;
	v9 =	vperm.xlane @!p0 v8, v2  }
0x4e: {  	v12 =	vmax.f32 @!p0 v5, v12;
	v6 =	vsel @!p0 vm0, v6, v11  }
0x4f: {  	v11 =	vperm.xlane @!p0 v12, v4;
	vm0 =	veq.s32 @!p0 v6, v0;
	v6 =	vmax.f32 @!p0 v8, v9  }
0x50: {  	v7 =	vsel @!p0 vm0, $0xFF800000, v7;
	v8 =	vperm.xlane @!p0 v6, v1  }
0x51: {  	v9 =	vmax.f32 @!p0 v12, v11;
	v11 =	vperm.xlane @!p0 v7, v3  }
0x52: {  	v12 =	vperm.xlane @!p0 v9, v2;
	v6 =	vmax.f32 @!p0 v6, v8  }
0x53: {  	v8 =	vmax.f32 @!p0 v7, v11;
	vm1 =	veq.f32 @!p0 v10, v6  }
0x54: {  	v6 =	vmax.f32 @!p0 v9, v12;
	v9 =	vperm.xlane @!p0 v8, v4;
	v11 =	vnsel @!p0 vm1, $0x10, v0  }
0x55: {  	v12 =	vperm.xlane @!p0 v6, v1;
	v13 =	vperm.xlane @!p0 v11, v3  }
0x56: {  	v8 =	vmax.f32 @!p0 v8, v9  }
0x57: {  	v6 =	vmax.f32 @!p0 v6, v12;
	v9 =	vperm.xlane @!p0 v8, v2;
	vm1 =	vlt.s32 @!p0 v11, v13  }
0x58: {  	vm2 =	veq.f32 @!p0 v5, v6;
	v6 =	vsel @!p0 vm1, v11, v13  }
0x59: {  	v11 =	vnsel @!p0 vm2, $0x10, v0;
	v8 =	vmax.f32 @!p0 v8, v9;
	v9 =	vperm.xlane @!p0 v6, v4  }
0x5a: {  	v12 =	vperm.xlane @!p0 v11, v3;
	v13 =	vperm.xlane @!p0 v8, v1  }
0x5b: {  	vm1 =	vlt.s32 @!p0 v6, v9  }
0x5c: {  	vm2 =	vlt.s32 @!p0 v11, v12;
	v8 =	vmax.f32 @!p0 v8, v13;
	v6 =	vsel @!p0 vm1, v6, v9  }
0x5d: {  	v9 =	vsel @!p0 vm2, v11, v12;
	vm1 =	veq.f32 @!p0 v7, v8;
	v8 =	vperm.xlane @!p0 v6, v2  }
0x5e: {  	v11 =	vperm.xlane @!p0 v9, v4;
	v12 =	vnsel @!p0 vm1, $0x10, v0  }
0x5f: {  	v13 =	vperm.xlane @!p0 v12, v3;
	vm1 =	vlt.s32 @!p0 v6, v8  }
0x60: {  	vm2 =	vlt.s32 @!p0 v9, v11;
	v6 =	vsel @!p0 vm1, v6, v8  }
0x61: {  	v8 =	vsel @!p0 vm2, v9, v11;
	vm1 =	vlt.s32 @!p0 v12, v13;
	v9 =	vperm.xlane @!p0 v6, v1  }
0x62: {  	v11 =	vperm.xlane @!p0 v8, v2;
	v12 =	vsel @!p0 vm1, v12, v13  }
0x63: {  	v14 =	vld @!p0 [tilespmem:$0x180];
	v13 =	vperm.xlane @!p0 v12, v4;
	vm1 =	vlt.s32 @!p0 v6, v9  }
0x64: {  	vm2 =	vlt.s32 @!p0 v8, v11;
	v6 =	vsel @!p0 vm1, v6, v9  }
0x65: {  	v8 =	vsel @!p0 vm2, v8, v11;
	vm2 =	vlt.s32 @!p0 v12, v13;
	vm1 =	veq.s32 @!p0 v6, v0  }
0x66: {  	v6 =	vperm.xlane @!p0 v8, v1;
	v9 =	vsel @!p0 vm2, v12, v13;
	v10 =	vsel @!p0 vm1, $0xFF800000, v10  }
0x67: {  	v11 =	vperm.xlane @!p0 v9, v2;
	v12 =	vperm.xlane @!p0 v10, v3  }
0x68: {  	v13 =	vperm.xlane @!p0 v14, v3  }
0x69: {  	vm2 =	vlt.s32 @!p0 v8, v6;
	vm4 =	vlt.s32 @!p0 v9, v11;
	v12 =	vmax.f32 @!p0 v10, v12  }
0x6a: {  	v13 =	vmax.f32 @!p0 v14, v13;
	v9 =	vsel @!p0 vm4, v9, v11;
	v11 =	vperm.xlane @!p0 v12, v4  }
0x6b: {  	v6 =	vsel @!p0 vm2, v8, v6;
	v15 =	vperm.xlane @!p0 v13, v4;
	v8 =	vperm.xlane @!p0 v9, v1  }
0x6c: {  	vm7 =	veq.s32 @!p0 v6, v0;
	v6 =	vmax.f32 @!p0 v12, v11  }
0x6d: {  	v12 =	vmax.f32 @!p0 v13, v15;
	vm2 =	vlt.s32 @!p0 v9, v8;
	v11 =	vperm.xlane @!p0 v6, v2  }
0x6e: {  	v5 =	vsel @!p0 vm7, $0xFF800000, v5;
	v8 =	vsel @!p0 vm2, v9, v8;
	v9 =	vperm.xlane @!p0 v12, v2  }
0x6f: {  	v13 =	vperm.xlane @!p0 v5, v3;
	vm4 =	veq.s32 @!p0 v8, v0;
	v6 =	vmax.f32 @!p0 v6, v11  }
0x70: {  	v7 =	vsel @!p0 vm4, $0xFF800000, v7;
	v8 =	vperm.xlane @!p0 v6, v1;
	v9 =	vmax.f32 @!p0 v12, v9  }
0x71: {  	v11 =	vperm.xlane @!p0 v7, v3;
	v12 =	vperm.xlane @!p0 v9, v1  }
0x72: {  	v13 =	vmax.f32 @!p0 v5, v13;
	v6 =	vmax.f32 @!p0 v6, v8  }
0x73: {  	v8 =	vmax.f32 @!p0 v7, v11;
	vm2 =	veq.f32 @!p0 v10, v6;
	v6 =	vmax.f32 @!p0 v9, v12  }
0x74: {  	v9 =	vperm.xlane @!p0 v8, v4;
	v11 =	vnsel @!p0 vm2, $0x10, v0;
	vm2 =	veq.f32 @!p0 v14, v6  }
0x75: {  	v6 =	vperm.xlane @!p0 v13, v4;
	v12 =	vperm.xlane @!p0 v11, v3;
	v15 =	vnsel @!p0 vm2, $0x10, v0  }
0x76: {  	v8 =	vmax.f32 @!p0 v8, v9;
	v9 =	vperm.xlane @!p0 v15, v3  }
0x77: {  	v6 =	vmax.f32 @!p0 v13, v6;
	v13 =	vperm.xlane @!p0 v8, v2;
	vm2 =	vlt.s32 @!p0 v11, v12  }
0x78: {  	v16 =	vperm.xlane @!p0 v6, v2;
	v11 =	vsel @!p0 vm2, v11, v12;
	vm2 =	vlt.s32 @!p0 v15, v9  }
0x79: {  	v8 =	vmax.f32 @!p0 v8, v13;
	v12 =	vperm.xlane @!p0 v11, v4;
	v9 =	vsel @!p0 vm2, v15, v9  }
0x7a: {  	v6 =	vmax.f32 @!p0 v6, v16;
	v13 =	vperm.xlane @!p0 v8, v1;
	v15 =	vperm.xlane @!p0 v9, v4  }
0x7b: {  	v16 =	vperm.xlane @!p0 v6, v1;
	vm2 =	vlt.s32 @!p0 v11, v12  }
0x7c: {  	v8 =	vmax.f32 @!p0 v8, v13;
	v11 =	vsel @!p0 vm2, v11, v12;
	vm2 =	vlt.s32 @!p0 v9, v15  }
0x7d: {  	vm6 =	veq.f32 @!p0 v7, v8;
	v8 =	vperm.xlane @!p0 v11, v2;
	v9 =	vsel @!p0 vm2, v9, v15  }
0x7e: {  	v6 =	vmax.f32 @!p0 v6, v16;
	v12 =	vnsel @!p0 vm6, $0x10, v0;
	v13 =	vperm.xlane @!p0 v9, v2  }
0x7f: {  	vm2 =	veq.f32 @!p0 v5, v6;
	v5 =	vperm.xlane @!p0 v12, v3;
	vm6 =	vlt.s32 @!p0 v11, v8  }
0x80: {  	v6 =	vnsel @!p0 vm2, $0x10, v0;
	v8 =	vsel @!p0 vm6, v11, v8;
	vm2 =	vlt.s32 @!p0 v9, v13  }
0x81: {  	vm6 =	vlt.s32 @!p0 v12, v5;
	v11 =	vperm.xlane @!p0 v8, v1;
	v9 =	vsel @!p0 vm2, v9, v13  }
0x82: {  	v13 =	vperm.xlane @!p0 v6, v3;
	v5 =	vsel @!p0 vm6, v12, v5;
	v12 =	vperm.xlane @!p0 v9, v1  }
0x83: {  	v15 =	vperm.xlane @!p0 v5, v4;
	vm2 =	vlt.s32 @!p0 v8, v11  }
0x84: {  	vm8 =	vlt.s32 @!p0 v6, v13;
	v8 =	vsel @!p0 vm2, v8, v11;
	vm2 =	vlt.s32 @!p0 v9, v12  }
0x85: {  	vm9 =	vlt.s32 @!p0 v5, v15;
	vm6 =	veq.s32 @!p0 v8, v0;
	v8 =	vsel @!p0 vm2, v9, v12  }
0x86: {  	v5 =	vsel @!p0 vm9, v5, v15;
	v9 =	vsel @!p0 vm6, $0xFF800000, v10;
	vm2 =	veq.s32 @!p0 v8, v0  }
0x87: {  	v8 =	vperm.xlane @!p0 v5, v2;
	v10 =	vperm.xlane @!p0 v9, v3;
	v11 =	vsel @!p0 vm2, $0xFF800000, v14  }
0x88: {  	v12 =	vsel @!p0 vm8, v6, v13;
	v6 =	vperm.xlane @!p0 v11, v3  }
0x89: {  	v13 =	vperm.xlane @!p0 v12, v4;
	vm8 =	vlt.s32 @!p0 v5, v8;
	v10 =	vmax.f32 @!p0 v9, v10  }
0x8a: {  	v8 =	vsel @!p0 vm8, v5, v8;
	v14 =	vperm.xlane @!p0 v10, v4;
	v15 =	vmax.f32 @!p0 v11, v6  }
0x8b: {  	v5 =	vimm.s32 @!p0 $0x0;
	v16 =	vperm.xlane @!p0 v8, v1;
	v17 =	vperm.xlane @!p0 v15, v4  }
0x8c: {  	v6 =	vsel @!p0 vm3, $0x1, v5;
	vm3 =	vlt.s32 @!p0 v12, v13;
	v10 =	vmax.f32 @!p0 v10, v14  }
0x8d: {  	vm8 =	vlt.s32 @!p0 v8, v16;
	v14 =	vperm.xlane @!p0 v10, v2;
	v15 =	vmax.f32 @!p0 v15, v17  }
0x8e: {  	v12 =	vsel @!p0 vm3, v12, v13;
	v8 =	vsel @!p0 vm8, v8, v16;
	v13 =	vperm.xlane @!p0 v15, v2  }
0x8f: {  	v16 =	vperm.xlane @!p0 v12, v2;
	vm3 =	veq.s32 @!p0 v8, v0;
	v10 =	vmax.f32 @!p0 v10, v14  }
0x90: {  	v14 =	vsel @!p0 vm3, $0xFF800000, v7;
	v17 =	vperm.xlane @!p0 v10, v1;
	v13 =	vmax.f32 @!p0 v15, v13  }
0x91: {  	v19 =	vld @!p0 [tilespmem:$0x200];
	v8 =	vsel @!p0 vm5, $0x1, v5;
	v15 =	vperm.xlane @!p0 v14, v3;
	v18 =	vperm.xlane @!p0 v13, v1  }
0x92: {  	v7 =	vsel @!p0 vm7, $0x1, v5;
	vm5 =	vlt.s32 @!p0 v12, v16;
	v10 =	vmax.f32 @!p0 v10, v17  }
0x93: {  	v15 =	vmax.f32 @!p0 v14, v15;
	vm7 =	veq.f32 @!p0 v9, v10;
	v10 =	vmax.f32 @!p0 v13, v18  }
0x94: {  	v13 =	vperm.xlane @!p0 v15, v4;
	v17 =	vnsel @!p0 vm7, $0x10, v0;
	vm7 =	veq.f32 @!p0 v11, v10  }
0x95: {  	v10 =	vsel @!p0 vm5, v12, v16;
	v12 =	vperm.xlane @!p0 v17, v3;
	v16 =	vnsel @!p0 vm7, $0x10, v0  }
0x96: {  	v18 =	vperm.xlane @!p0 v19, v3;
	v13 =	vmax.f32 @!p0 v15, v13;
	v15 =	vperm.xlane @!p0 v16, v3  }
0x97: {  	v21 =	vperm.xlane @!p0 v13, v2;
	vm5 =	vlt.s32 @!p0 v17, v12  }
0x98: {  	v12 =	vsel @!p0 vm5, v17, v12;
	vm5 =	vlt.s32 @!p0 v16, v15;
	v17 =	vmax.f32 @!p0 v19, v18  }
0x99: {  	v18 =	vperm.xlane @!p0 v12, v4;
	v15 =	vsel @!p0 vm5, v16, v15;
	v16 =	vperm.xlane @!p0 v17, v4  }
0x9a: {  	v6 =	vadd.s32 @!p0 v6, v8;
	v13 =	vmax.f32 @!p0 v13, v21;
	v21 =	vperm.xlane @!p0 v15, v4  }
0x9b: {  	v22 =	vperm.xlane @!p0 v13, v1;
	vm5 =	vlt.s32 @!p0 v12, v18;
	v16 =	vmax.f32 @!p0 v17, v16  }
0x9c: {  	v12 =	vsel @!p0 vm5, v12, v18;
	vm5 =	vlt.s32 @!p0 v15, v21;
	v17 =	vperm.xlane @!p0 v16, v2  }
0x9d: {  	v13 =	vmax.f32 @!p0 v13, v22;
	v18 =	vperm.xlane @!p0 v12, v2;
	v15 =	vsel @!p0 vm5, v15, v21  }
0x9e: {  	vm5 =	veq.f32 @!p0 v14, v13;
	v13 =	vperm.xlane @!p0 v15, v2;
	v14 =	vmax.f32 @!p0 v16, v17  }
0x9f: {  	v16 =	vnsel @!p0 vm5, $0x10, v0;
	vm5 =	vlt.s32 @!p0 v12, v18;
	v17 =	vperm.xlane @!p0 v14, v1  }
0xa0: {  	v21 =	vperm.xlane @!p0 v16, v3;
	v12 =	vsel @!p0 vm5, v12, v18;
	vm5 =	vlt.s32 @!p0 v15, v13  }
0xa1: {  	v20 =	vperm.xlane @!p0 v10, v1;
	v18 =	vperm.xlane @!p0 v12, v1;
	v13 =	vsel @!p0 vm5, v15, v13  }
0xa2: {  	v14 =	vmax.f32 @!p0 v14, v17;
	vm5 =	vlt.s32 @!p0 v16, v21;
	v15 =	vperm.xlane @!p0 v13, v1  }
0xa3: {  	vm7 =	veq.f32 @!p0 v19, v14;
	v14 =	vsel @!p0 vm5, v16, v21;
	vm5 =	vlt.s32 @!p0 v12, v18  }
0xa4: {  	vm8 =	vlt.s32 @!p0 v10, v20;
	v16 =	vnsel @!p0 vm7, $0x10, v0;
	v12 =	vsel @!p0 vm5, v12, v18  }
0xa5: {  	vm5 =	vlt.s32 @!p0 v13, v15;
	v17 =	vperm.xlane @!p0 v16, v3;
	vm7 =	veq.s32 @!p0 v12, v0  }
0xa6: {  	v18 =	vperm.xlane @!p0 v14, v4;
	v12 =	vsel @!p0 vm5, v13, v15;
	v13 =	vsel @!p0 vm7, $0xFF800000, v9  }
0xa7: {  	vm5 =	veq.s32 @!p0 v12, v0;
	vm9 =	vlt.s32 @!p0 v16, v17;
	v9 =	vperm.xlane @!p0 v13, v3  }
0xa8: {  	v21 =	vsel @!p0 vm5, $0xFF800000, v11;
	v11 =	vsel @!p0 vm9, v16, v17;
	vm9 =	vlt.s32 @!p0 v14, v18  }
0xa9: {  	v12 =	vperm.xlane @!p0 v21, v3;
	v15 =	vperm.xlane @!p0 v11, v4;
	v14 =	vsel @!p0 vm9, v14, v18  }
0xaa: {  	v10 =	vsel @!p0 vm8, v10, v20;
	v9 =	vmax.f32 @!p0 v13, v9;
	v17 =	vperm.xlane @!p0 v14, v2  }
0xab: {  	v16 =	vperm.xlane @!p0 v9, v4;
	v12 =	vmax.f32 @!p0 v21, v12;
	vm8 =	vlt.s32 @!p0 v11, v15  }
0xac: {  	v18 =	vperm.xlane @!p0 v12, v4;
	v11 =	vsel @!p0 vm8, v11, v15;
	vm8 =	veq.s32 @!p0 v10, v0  }
0xad: {  	vm9 =	vlt.s32 @!p0 v14, v17;
	v9 =	vmax.f32 @!p0 v9, v16;
	v10 =	vperm.xlane @!p0 v11, v2  }
0xae: {  	v6 =	vadd.s32 @!p0 v7, v6;
	v14 =	vsel @!p0 vm9, v14, v17;
	v15 =	vperm.xlane @!p0 v9, v2  }
0xaf: {  	v12 =	vmax.f32 @!p0 v12, v18;
	v17 =	vperm.xlane @!p0 v14, v1;
	vm9 =	vlt.s32 @!p0 v11, v10  }
0xb0: {  	v16 =	vperm.xlane @!p0 v12, v2;
	v15 =	vmax.f32 @!p0 v9, v15;
	v11 =	vsel @!p0 vm9, v11, v10  }
0xb1: {  	v9 =	vsel @!p0 vm8, $0x1, v5;
	v10 =	vsel @!p0 vm0, $0x1, v5;
	vm8 =	vlt.s32 @!p0 v14, v17  }
0xb2: {  	v18 =	vperm.xlane @!p0 v15, v1;
	v12 =	vmax.f32 @!p0 v12, v16;
	v16 =	vperm.xlane @!p0 v11, v1  }
0xb3: {  	v14 =	vsel @!p0 vm8, v14, v17;
	v6 =	vadd.s32 @!p0 v10, v6;
	v20 =	vperm.xlane @!p0 v12, v1  }
0xb4: {  	v6 =	vadd.s32 @!p0 v9, v6;
	v15 =	vmax.f32 @!p0 v15, v18;
	vm0 =	vlt.s32 @!p0 v11, v16  }
0xb5: {  	v18 =	vld @!p0 [tilespmem:$0x280];
	vm9 =	veq.f32 @!p0 v13, v15;
	v12 =	vmax.f32 @!p0 v12, v20;
	v11 =	vsel @!p0 vm0, v11, v16  }
0xb6: {  	v13 =	vsel @!p0 vm4, $0x1, v5;
	v15 =	vnsel @!p0 vm9, $0x10, v0;
	vm0 =	veq.s32 @!p0 v11, v0  }
0xb7: {  	vm9 =	veq.f32 @!p0 v21, v12;
	v11 =	vsel @!p0 vm3, $0x1, v5;
	v19 =	vsel @!p0 vm0, $0xFF800000, v19  }
0xb8: {  	v16 =	vperm.xlane @!p0 v15, v3;
	v12 =	vnsel @!p0 vm9, $0x10, v0;
	v20 =	vperm.xlane @!p0 v19, v3  }
0xb9: {  	vm3 =	veq.s32 @!p0 v14, v0;
	v6 =	vadd.s32 @!p0 v13, v6;
	v17 =	vperm.xlane @!p0 v12, v3  }
0xba: {  	vm4 =	vlt.s32 @!p0 v15, v16;
	v22 =	vperm.xlane @!p0 v18, v3;
	v14 =	vmax.f32 @!p0 v19, v20  }
0xbb: {  	vm8 =	vlt.s32 @!p0 v12, v17;
	v15 =	vsel @!p0 vm4, v15, v16;
	v20 =	vperm.xlane @!p0 v14, v4  }
0xbc: {  	v17 =	vsel @!p0 vm8, v12, v17;
	v23 =	vperm.xlane @!p0 v15, v4;
	v22 =	vmax.f32 @!p0 v18, v22  }
0xbd: {  	v16 =	vperm.xlane @!p0 v17, v4;
	v25 =	vperm.xlane @!p0 v22, v4;
	v20 =	vmax.f32 @!p0 v14, v20  }
0xbe: {  	v12 =	vsel @!p0 vm3, $0x1, v5;
	v14 =	vsel @!p0 vm1, $0x1, v5;
	v24 =	vperm.xlane @!p0 v20, v2  }
0xbf: {  	vm1 =	vlt.s32 @!p0 v15, v23;
	vm3 =	vlt.s32 @!p0 v17, v16;
	v22 =	vmax.f32 @!p0 v22, v25  }
0xc0: {  	v17 =	vsel @!p0 vm3, v17, v16;
	v25 =	vperm.xlane @!p0 v22, v2;
	v20 =	vmax.f32 @!p0 v20, v24  }
0xc1: {  	v23 =	vsel @!p0 vm1, v15, v23;
	v26 =	vperm.xlane @!p0 v17, v2;
	v24 =	vperm.xlane @!p0 v20, v1  }
0xc2: {  	v15 =	vsel @!p0 vm7, $0x1, v5;
	v16 =	vsel @!p0 vm6, $0x1, v5;
	v27 =	vperm.xlane @!p0 v23, v2  }
0xc3: {  	v22 =	vmax.f32 @!p0 v22, v25;
	vm1 =	vlt.s32 @!p0 v17, v26;
	v20 =	vmax.f32 @!p0 v20, v24  }
0xc4: {  	v17 =	vsel @!p0 vm1, v17, v26;
	vm1 =	veq.f32 @!p0 v19, v20;
	v20 =	vperm.xlane @!p0 v22, v1  }
0xc5: {  	vm3 =	vlt.s32 @!p0 v23, v27;
	v26 =	vld @!p0 [tilespmem:$0x300];
	v24 =	vperm.xlane @!p0 v17, v1;
	v25 =	vnsel @!p0 vm1, $0x10, v0  }
0xc6: {  	v23 =	vsel @!p0 vm3, v23, v27;
	v27 =	vperm.xlane @!p0 v25, v3;
	v20 =	vmax.f32 @!p0 v22, v20  }
0xc7: {  	v22 =	vperm.xlane @!p0 v23, v1;
	vm1 =	vlt.s32 @!p0 v17, v24;
	vm3 =	veq.f32 @!p0 v18, v20  }
0xc8: {  	v17 =	vsel @!p0 vm1, v17, v24;
	vm1 =	vlt.s32 @!p0 v25, v27;
	v20 =	vnsel @!p0 vm3, $0x10, v0  }
0xc9: {  	vm6 =	veq.s32 @!p0 v17, v0;
	v17 =	vsel @!p0 vm1, v25, v27;
	v24 =	vperm.xlane @!p0 v20, v3  }
0xca: {  	v21 =	vsel @!p0 vm6, $0xFF800000, v21;
	v27 =	vperm.xlane @!p0 v26, v3;
	v25 =	vperm.xlane @!p0 v17, v4  }
0xcb: {  	vm1 =	vlt.s32 @!p0 v23, v22;
	v28 =	vperm.xlane @!p0 v21, v3;
	vm3 =	vlt.s32 @!p0 v20, v24  }
0xcc: {  	vm4 =	vlt.s32 @!p0 v17, v25;
	v20 =	vsel @!p0 vm3, v20, v24;
	v24 =	vmax.f32 @!p0 v26, v27  }
0xcd: {  	v17 =	vsel @!p0 vm4, v17, v25;
	v25 =	vperm.xlane @!p0 v20, v4;
	v27 =	vperm.xlane @!p0 v24, v4  }
0xce: {  	v29 =	vld @!p0 [tilespmem:$0x380];
	v22 =	vsel @!p0 vm1, v23, v22;
	v23 =	vmax.f32 @!p0 v21, v28;
	v28 =	vperm.xlane @!p0 v17, v2  }
0xcf: {  	v30 =	vperm.xlane @!p0 v23, v4;
	vm1 =	vlt.s32 @!p0 v20, v25;
	v24 =	vmax.f32 @!p0 v24, v27  }
0xd0: {  	vm4 =	vlt.s32 @!p0 v17, v28;
	v20 =	vsel @!p0 vm1, v20, v25;
	v25 =	vperm.xlane @!p0 v24, v2  }
0xd1: {  	vm3 =	veq.s32 @!p0 v22, v0;
	v17 =	vsel @!p0 vm4, v17, v28;
	v22 =	vperm.xlane @!p0 v20, v2  }
0xd2: {  	v23 =	vmax.f32 @!p0 v23, v30;
	v27 =	vperm.xlane @!p0 v17, v1;
	v24 =	vmax.f32 @!p0 v24, v25  }
0xd3: {  	v28 =	vperm.xlane @!p0 v29, v3;
	vm1 =	vlt.s32 @!p0 v20, v22;
	v25 =	vperm.xlane @!p0 v24, v1  }
0xd4: {  	v30 =	vperm.xlane @!p0 v23, v2;
	vm4 =	vlt.s32 @!p0 v17, v27;
	v20 =	vsel @!p0 vm1, v20, v22  }
0xd5: {  	v22 =	vperm.xlane @!p0 v20, v1;
	v24 =	vmax.f32 @!p0 v24, v25;
	v25 =	vmax.f32 @!p0 v29, v28  }
0xd6: {  	v17 =	vsel @!p0 vm4, v17, v27;
	vm1 =	veq.f32 @!p0 v26, v24;
	v24 =	vperm.xlane @!p0 v25, v4  }
0xd7: {  	vm4 =	veq.s32 @!p0 v17, v0;
	vm7 =	vlt.s32 @!p0 v20, v22;
	v17 =	vnsel @!p0 vm1, $0x10, v0  }
0xd8: {  	v22 =	vsel @!p0 vm7, v20, v22;
	v27 =	vperm.xlane @!p0 v17, v3;
	v24 =	vmax.f32 @!p0 v25, v24  }
0xd9: {  	v20 =	vsel @!p0 vm4, $0xFF800000, v19;
	vm1 =	veq.s32 @!p0 v22, v0;
	v19 =	vperm.xlane @!p0 v24, v2  }
0xda: {  	v22 =	vperm.xlane @!p0 v20, v3;
	v25 =	vsel @!p0 vm1, $0xFF800000, v18;
	vm7 =	vlt.s32 @!p0 v17, v27  }
0xdb: {  	v28 =	vperm.xlane @!p0 v25, v3;
	v27 =	vsel @!p0 vm7, v17, v27;
	v19 =	vmax.f32 @!p0 v24, v19  }
0xdc: {  	v23 =	vmax.f32 @!p0 v23, v30;
	v24 =	vperm.xlane @!p0 v27, v4;
	v31 =	vperm.xlane @!p0 v19, v1  }
0xdd: {  	v32 =	vperm.xlane @!p0 v23, v1;
	v18 =	vsel @!p0 vm2, $0x1, v5;
	v22 =	vmax.f32 @!p0 v20, v22  }
0xde: {  	v28 =	vmax.f32 @!p0 v25, v28;
	vm2 =	vlt.s32 @!p0 v27, v24;
	v19 =	vmax.f32 @!p0 v19, v31  }
0xdf: {  	v30 =	vperm.xlane @!p0 v28, v4;
	v24 =	vsel @!p0 vm2, v27, v24;
	vm2 =	veq.f32 @!p0 v29, v19  }
0xe0: {  	v19 =	vperm.xlane @!p0 v22, v4;
	v27 =	vperm.xlane @!p0 v24, v2;
	v31 =	vnsel @!p0 vm2, $0x10, v0  }
0xe1: {  	v23 =	vmax.f32 @!p0 v23, v32;
	v28 =	vmax.f32 @!p0 v28, v30;
	v30 =	vperm.xlane @!p0 v31, v3  }
0xe2: {  	v19 =	vmax.f32 @!p0 v22, v19;
	v22 =	vperm.xlane @!p0 v28, v2;
	vm2 =	vlt.s32 @!p0 v24, v27  }
0xe3: {  	v33 =	vperm.xlane @!p0 v19, v2;
	v24 =	vsel @!p0 vm2, v24, v27;
	vm2 =	vlt.s32 @!p0 v31, v30  }
0xe4: {  	v22 =	vmax.f32 @!p0 v28, v22;
	v27 =	vperm.xlane @!p0 v24, v1;
	v28 =	vsel @!p0 vm2, v31, v30  }
0xe5: {  	v19 =	vmax.f32 @!p0 v19, v33;
	v30 =	vperm.xlane @!p0 v22, v1;
	v31 =	vperm.xlane @!p0 v28, v4  }
0xe6: {  	v17 =	vsel @!p0 vm3, $0x1, v5;
	v32 =	vperm.xlane @!p0 v19, v1;
	vm2 =	vlt.s32 @!p0 v24, v27  }
0xe7: {  	v22 =	vmax.f32 @!p0 v22, v30;
	v24 =	vsel @!p0 vm2, v24, v27;
	vm3 =	vlt.s32 @!p0 v28, v31  }
0xe8: {  	vm7 =	veq.f32 @!p0 v25, v22;
	vm2 =	veq.s32 @!p0 v24, v0;
	v22 =	vsel @!p0 vm3, v28, v31  }
0xe9: {  	v24 =	vnsel @!p0 vm7, $0x10, v0;
	v26 =	vsel @!p0 vm2, $0xFF800000, v26;
	v27 =	vperm.xlane @!p0 v22, v2  }
0xea: {  	v19 =	vmax.f32 @!p0 v19, v32;
	v28 =	vperm.xlane @!p0 v24, v3;
	v30 =	vperm.xlane @!p0 v26, v3  }
0xeb: {  	vm3 =	veq.f32 @!p0 v21, v23;
	vm7 =	veq.f32 @!p0 v20, v19;
	vm8 =	vlt.s32 @!p0 v22, v27  }
0xec: {  	vm9 =	vlt.s32 @!p0 v24, v28;
	v19 =	vmax.f32 @!p0 v26, v30;
	v21 =	vsel @!p0 vm8, v22, v27  }
0xed: {  	v22 =	vsel @!p0 vm9, v24, v28;
	v23 =	vperm.xlane @!p0 v19, v4;
	v24 =	vperm.xlane @!p0 v21, v1  }
0xee: {  	v27 =	vnsel @!p0 vm3, $0x10, v0;
	v28 =	vnsel @!p0 vm7, $0x10, v0;
	v30 =	vperm.xlane @!p0 v22, v4  }
0xef: {  	v31 =	vperm.xlane @!p0 v28, v3;
	v19 =	vmax.f32 @!p0 v19, v23;
	vm3 =	vlt.s32 @!p0 v21, v24  }
0xf0: {  	vm7 =	vlt.s32 @!p0 v22, v30;
	v23 =	vperm.xlane @!p0 v19, v2;
	v21 =	vsel @!p0 vm3, v21, v24  }
0xf1: {  	vm8 =	vlt.s32 @!p0 v28, v31;
	v22 =	vsel @!p0 vm7, v22, v30;
	vm3 =	veq.s32 @!p0 v21, v0  }
0xf2: {  	v21 =	vperm.xlane @!p0 v22, v2;
	v23 =	vmax.f32 @!p0 v19, v23;
	v24 =	vsel @!p0 vm3, $0xFF800000, v29  }
0xf3: {  	v28 =	vsel @!p0 vm8, v28, v31;
	v29 =	vperm.xlane @!p0 v23, v1;
	v30 =	vperm.xlane @!p0 v24, v3  }
0xf4: {  	v31 =	vperm.xlane @!p0 v27, v3;
	v32 =	vperm.xlane @!p0 v28, v4;
	v19 =	vsel @!p0 vm5, $0x1, v5  }
0xf5: {  	vm5 =	vlt.s32 @!p0 v22, v21;
	v23 =	vmax.f32 @!p0 v23, v29;
	v29 =	vmax.f32 @!p0 v24, v30  }
0xf6: {  	v21 =	vsel @!p0 vm5, v22, v21;
	vm5 =	veq.f32 @!p0 v26, v23;
	v22 =	vperm.xlane @!p0 v29, v4  }
0xf7: {  	vm7 =	vlt.s32 @!p0 v28, v32;
	v23 =	vperm.xlane @!p0 v21, v1;
	v30 =	vnsel @!p0 vm5, $0x10, v0  }
0xf8: {  	v28 =	vsel @!p0 vm7, v28, v32;
	v32 =	vperm.xlane @!p0 v30, v3;
	v22 =	vmax.f32 @!p0 v29, v22  }
0xf9: {  	v29 =	vperm.xlane @!p0 v28, v2;
	vm5 =	vlt.s32 @!p0 v21, v23;
	v33 =	vperm.xlane @!p0 v22, v2  }
0xfa: {  	vm8 =	vlt.s32 @!p0 v27, v31;
	v21 =	vsel @!p0 vm5, v21, v23;
	vm5 =	vlt.s32 @!p0 v30, v32  }
0xfb: {  	vm9 =	vlt.s32 @!p0 v28, v29;
	v23 =	vsel @!p0 vm5, v30, v32;
	v22 =	vmax.f32 @!p0 v22, v33  }
0xfc: {  	vm7 =	veq.s32 @!p0 v21, v0;
	v21 =	vperm.xlane @!p0 v23, v4;
	v30 =	vperm.xlane @!p0 v22, v1  }
0xfd: {  	v27 =	vsel @!p0 vm8, v27, v31;
	v28 =	vsel @!p0 vm9, v28, v29;
	v25 =	vsel @!p0 vm7, $0xFF800000, v25  }
0xfe: {  	v29 =	vperm.xlane @!p0 v25, v3;
	vm5 =	vlt.s32 @!p0 v23, v21;
	v22 =	vmax.f32 @!p0 v22, v30  }
0xff: {  	v30 =	vperm.xlane @!p0 v28, v1;
	v21 =	vsel @!p0 vm5, v23, v21;
	vm5 =	veq.f32 @!p0 v24, v22  }
0x100: {  	v22 =	vmax.f32 @!p0 v25, v29;
	v23 =	vperm.xlane @!p0 v21, v2;
	v29 =	vnsel @!p0 vm5, $0x10, v0  }
0x101: {  	vm5 =	vlt.s32 @!p0 v28, v30;
	v31 =	vperm.xlane @!p0 v22, v4;
	v32 =	vperm.xlane @!p0 v29, v3  }
0x102: {  	v33 =	vperm.xlane @!p0 v27, v4;
	v28 =	vsel @!p0 vm5, v28, v30;
	vm5 =	vlt.s32 @!p0 v21, v23  }
0x103: {  	v22 =	vmax.f32 @!p0 v22, v31;
	v21 =	vsel @!p0 vm5, v21, v23;
	vm5 =	vlt.s32 @!p0 v29, v32  }
0x104: {  	v23 =	vperm.xlane @!p0 v22, v2;
	v30 =	vperm.xlane @!p0 v21, v1;
	v29 =	vsel @!p0 vm5, v29, v32  }
0x105: {  	vm9 =	vlt.s32 @!p0 v27, v33;
	vm8 =	veq.s32 @!p0 v28, v0;
	v28 =	vperm.xlane @!p0 v29, v4  }
0x106: {  	v31 =	vsel @!p0 vm8, $0xFF800000, v20;
	v20 =	vmax.f32 @!p0 v22, v23;
	vm5 =	vlt.s32 @!p0 v21, v30  }
0x107: {  	v22 =	vperm.xlane @!p0 v20, v1;
	v21 =	vsel @!p0 vm5, v21, v30;
	vm10 =	vlt.s32 @!p0 v29, v28  }
0x108: {  	v23 =	vperm.xlane @!p0 v31, v3;
	vm5 =	veq.s32 @!p0 v21, v0;
	v21 =	vsel @!p0 vm10, v29, v28  }
0x109: {  	v20 =	vmax.f32 @!p0 v20, v22;
	v22 =	vsel @!p0 vm5, $0xFF800000, v26;
	v26 =	vperm.xlane @!p0 v21, v2  }
0x10a: {  	v23 =	vmax.f32 @!p0 v31, v23;
	vm10 =	veq.f32 @!p0 v25, v20;
	v20 =	vperm.xlane @!p0 v22, v3  }
0x10b: {  	v28 =	vperm.xlane @!p0 v23, v4;
	v29 =	vnsel @!p0 vm10, $0x10, v0;
	vm10 =	vlt.s32 @!p0 v21, v26  }
0x10c: {  	v21 =	vsel @!p0 vm10, v21, v26;
	v26 =	vperm.xlane @!p0 v29, v3;
	v30 =	vmax.f32 @!p0 v22, v20  }
0x10d: {  	v23 =	vmax.f32 @!p0 v23, v28;
	v28 =	vperm.xlane @!p0 v30, v4;
	v32 =	vperm.xlane @!p0 v21, v1  }
0x10e: {  	v27 =	vsel @!p0 vm9, v27, v33;
	v33 =	vperm.xlane @!p0 v23, v2;
	v20 =	vsel @!p0 vm6, $0x1, v5  }
0x10f: {  	vm6 =	vlt.s32 @!p0 v29, v26;
	v28 =	vmax.f32 @!p0 v30, v28;
	vm9 =	vlt.s32 @!p0 v21, v32  }
0x110: {  	v26 =	vsel @!p0 vm6, v29, v26;
	v29 =	vperm.xlane @!p0 v28, v2;
	v21 =	vsel @!p0 vm9, v21, v32  }
0x111: {  	v30 =	vperm.xlane @!p0 v27, v2;
	v32 =	vperm.xlane @!p0 v26, v4;
	vm6 =	veq.s32 @!p0 v21, v0  }
0x112: {  	v21 =	vmax.f32 @!p0 v23, v33;
	v23 =	vmax.f32 @!p0 v28, v29;
	v24 =	vsel @!p0 vm6, $0xFF800000, v24  }
0x113: {  	vm9 =	vlt.s32 @!p0 v26, v32;
	v28 =	vperm.xlane @!p0 v23, v1;
	v29 =	vperm.xlane @!p0 v24, v3  }
0x114: {  	v26 =	vsel @!p0 vm9, v26, v32;
	vm9 =	vlt.s32 @!p0 v27, v30;
	v32 =	vperm.xlane @!p0 v21, v1  }
0x115: {  	v23 =	vmax.f32 @!p0 v23, v28;
	v28 =	vperm.xlane @!p0 v26, v2;
	v29 =	vmax.f32 @!p0 v24, v29  }
0x116: {  	v27 =	vsel @!p0 vm9, v27, v30;
	vm9 =	veq.f32 @!p0 v22, v23;
	v23 =	vperm.xlane @!p0 v29, v4  }
0x117: {  	v21 =	vmax.f32 @!p0 v21, v32;
	vm10 =	vlt.s32 @!p0 v26, v28;
	v30 =	vnsel @!p0 vm9, $0x10, v0  }
0x118: {  	v26 =	vsel @!p0 vm10, v26, v28;
	v28 =	vperm.xlane @!p0 v30, v3;
	v23 =	vmax.f32 @!p0 v29, v23  }
0x119: {  	vm9 =	veq.f32 @!p0 v31, v21;
	v21 =	vperm.xlane @!p0 v26, v1;
	v29 =	vperm.xlane @!p0 v23, v2  }
0x11a: {  	v31 =	vperm.xlane @!p0 v27, v1;
	v32 =	vnsel @!p0 vm9, $0x10, v0;
	vm9 =	vlt.s32 @!p0 v30, v28  }
0x11b: {  	v28 =	vsel @!p0 vm9, v30, v28;
	vm9 =	vlt.s32 @!p0 v26, v21;
	v23 =	vmax.f32 @!p0 v23, v29  }
0x11c: {  	v21 =	vsel @!p0 vm9, v26, v21;
	v26 =	vperm.xlane @!p0 v28, v4;
	v29 =	vperm.xlane @!p0 v23, v1  }
0x11d: {  	vm10 =	vlt.s32 @!p0 v27, v31;
	v30 =	vperm.xlane @!p0 v32, v3;
	vm9 =	veq.s32 @!p0 v21, v0  }
0x11e: {  	v21 =	vsel @!p0 vm9, $0xFF800000, v25;
	v23 =	vmax.f32 @!p0 v23, v29;
	vm11 =	vlt.s32 @!p0 v28, v26  }
0x11f: {  	v25 =	vsel @!p0 vm11, v28, v26;
	v26 =	vperm.xlane @!p0 v21, v3;
	vm11 =	veq.f32 @!p0 v24, v23  }
0x120: {  	v23 =	vsel @!p0 vm10, v27, v31;
	v27 =	vperm.xlane @!p0 v25, v2;
	v28 =	vnsel @!p0 vm11, $0x10, v0  }
0x121: {  	vm10 =	vlt.s32 @!p0 v32, v30;
	v26 =	vmax.f32 @!p0 v21, v26;
	v29 =	vperm.xlane @!p0 v28, v3  }
0x122: {  	v30 =	vsel @!p0 vm10, v32, v30;
	v31 =	vperm.xlane @!p0 v26, v4;
	vm10 =	vlt.s32 @!p0 v25, v27  }
0x123: {  	v25 =	vsel @!p0 vm10, v25, v27;
	v27 =	vperm.xlane @!p0 v30, v4;
	vm10 =	vlt.s32 @!p0 v28, v29  }
0x124: {  	vm11 =	veq.s32 @!p0 v23, v0;
	v23 =	vmax.f32 @!p0 v26, v31;
	v26 =	vsel @!p0 vm10, v28, v29  }
0x125: {  	vm10 =	vlt.s32 @!p0 v30, v27;
	v28 =	vperm.xlane @!p0 v23, v2;
	v29 =	vperm.xlane @!p0 v26, v4  }
0x126: {  	v31 =	vsel @!p0 vm11, $0x1, v5;
	v27 =	vsel @!p0 vm10, v30, v27;
	v30 =	vperm.xlane @!p0 v25, v1  }
0x127: {  	v32 =	vperm.xlane @!p0 v27, v2;
	v23 =	vmax.f32 @!p0 v23, v28;
	vm10 =	vlt.s32 @!p0 v26, v29  }
0x128: {  	v28 =	vsel @!p0 vm0, $0x1, v5;
	v26 =	vsel @!p0 vm10, v26, v29;
	vm0 =	vlt.s32 @!p0 v25, v30  }
0x129: {  	vm10 =	vlt.s32 @!p0 v27, v32;
	v25 =	vsel @!p0 vm0, v25, v30;
	v29 =	vperm.xlane @!p0 v26, v2  }
0x12a: {  	v30 =	vperm.xlane @!p0 v23, v1;
	v27 =	vsel @!p0 vm10, v27, v32;
	vm0 =	veq.s32 @!p0 v25, v0  }
0x12b: {  	v25 =	vperm.xlane @!p0 v27, v1;
	v22 =	vsel @!p0 vm0, $0xFF800000, v22;
	vm10 =	vlt.s32 @!p0 v26, v29  }
0x12c: {  	v23 =	vmax.f32 @!p0 v23, v30;
	v30 =	vperm.xlane @!p0 v22, v3;
	v26 =	vsel @!p0 vm10, v26, v29  }
0x12d: {  	vm11 =	veq.f32 @!p0 v21, v23;
	vm10 =	vlt.s32 @!p0 v27, v25;
	v21 =	vperm.xlane @!p0 v26, v1  }
0x12e: {  	v23 =	vsel @!p0 vm10, v27, v25;
	v25 =	vnsel @!p0 vm11, $0x10, v0;
	v27 =	vmax.f32 @!p0 v22, v30  }
0x12f: {  	v29 =	vperm.xlane @!p0 v25, v3;
	v30 =	vperm.xlane @!p0 v27, v4;
	vm10 =	vlt.s32 @!p0 v26, v21  }
0x130: {  	v32 =	vsel @!p0 vm8, $0x1, v5;
	v21 =	vsel @!p0 vm10, v26, v21;
	v26 =	vsel @!p0 vm4, $0x1, v5  }
0x131: {  	vm8 =	vlt.s32 @!p0 v25, v29;
	v27 =	vmax.f32 @!p0 v27, v30;
	vm4 =	veq.s32 @!p0 v21, v0  }
0x132: {  	v21 =	vsel @!p0 vm8, v25, v29;
	v25 =	vperm.xlane @!p0 v27, v2;
	v24 =	vsel @!p0 vm4, $0xFF800000, v24  }
0x133: {  	vm8 =	veq.s32 @!p0 v23, v0;
	v23 =	vperm.xlane @!p0 v21, v4;
	v29 =	vperm.xlane @!p0 v24, v3  }
0x134: {  	v6 =	vadd.s32 @!p0 v11, v6;
	v8 =	vsel @!p0 vm8, $0x1, v5  }
0x135: {  	v25 =	vmax.f32 @!p0 v27, v25;
	vm8 =	vlt.s32 @!p0 v21, v23;
	v29 =	vmax.f32 @!p0 v24, v29  }
0x136: {  	v27 =	vperm.xlane @!p0 v25, v1;
	v21 =	vsel @!p0 vm8, v21, v23;
	v7 =	vperm.xlane @!p0 v29, v4  }
0x137: {  	v6 =	vadd.s32 @!p0 v14, v6;
	v10 =	vperm.xlane @!p0 v21, v2  }
0x138: {  	v6 =	vadd.s32 @!p0 v12, v6;
	v23 =	vmax.f32 @!p0 v25, v27;
	v7 =	vmax.f32 @!p0 v29, v7  }
0x139: {  	v25 =	vsel @!p0 vm1, $0x1, v5;
	vm1 =	vlt.s32 @!p0 v21, v10;
	v9 =	vperm.xlane @!p0 v7, v2  }
0x13a: {  	v6 =	vadd.s32 @!p0 v16, v6;
	v10 =	vsel @!p0 vm1, v21, v10;
	vm1 =	veq.f32 @!p0 v22, v23  }
0x13b: {  	v6 =	vadd.s32 @!p0 v15, v6;
	v11 =	vnsel @!p0 vm1, $0x10, v0;
	v7 =	vmax.f32 @!p0 v7, v9  }
0x13c: {  	v6 =	vadd.s32 @!p0 v18, v6;
	v9 =	vperm.xlane @!p0 v11, v3;
	v13 =	vperm.xlane @!p0 v7, v1  }
0x13d: {  	v6 =	vadd.s32 @!p0 v17, v6  }
0x13e: {  	v6 =	vadd.s32 @!p0 v19, v6;
	vm1 =	vlt.s32 @!p0 v11, v9;
	v7 =	vmax.f32 @!p0 v7, v13  }
0x13f: {  	v6 =	vadd.s32 @!p0 v20, v6;
	v9 =	vsel @!p0 vm1, v11, v9;
	vm1 =	veq.f32 @!p0 v24, v7  }
0x140: {  	v6 =	vadd.s32 @!p0 v28, v6;
	v7 =	vnsel @!p0 vm1, $0x10, v0  }
0x141: {  	v6 =	vadd.s32 @!p0 v31, v6;
	v14 =	vperm.xlane @!p0 v10, v1;
	v3 =	vperm.xlane @!p0 v7, v3  }
0x142: {  	v12 =	vsel @!p0 vm7, $0x1, v5;
	v6 =	vadd.s32 @!p0 v26, v6;
	v11 =	vperm.xlane @!p0 v9, v4  }
0x143: {  	v6 =	vadd.s32 @!p0 v32, v6;
	vm1 =	vlt.s32 @!p0 v10, v14;
	vm7 =	vlt.s32 @!p0 v7, v3  }
0x144: {  	v10 =	vsel @!p0 vm1, v10, v14;
	vm1 =	vlt.s32 @!p0 v9, v11;
	v3 =	vsel @!p0 vm7, v7, v3  }
0x145: {  	v6 =	vadd.s32 @!p0 v25, v6;
	v9 =	vsel @!p0 vm1, v9, v11;
	v4 =	vperm.xlane @!p0 v3, v4  }
0x146: {  	v13 =	vsel @!p0 vm9, $0x1, v5;
	vm1 =	veq.s32 @!p0 v10, v0;
	v10 =	vperm.xlane @!p0 v9, v2  }
0x147: {  	v11 =	vsel @!p0 vm2, $0x1, v5;
	v7 =	vsel @!p0 vm1, $0x1, v5;
	vm1 =	vlt.s32 @!p0 v3, v4  }
0x148: {  	v3 =	vsel @!p0 vm1, v3, v4;
	vm1 =	vlt.s32 @!p0 v9, v10;
	v4 =	vadd.s32 @!p0 v8, v6  }
0x149: {  	v6 =	vsel @!p0 vm1, v9, v10;
	v2 =	vperm.xlane @!p0 v3, v2;
	v4 =	vadd.s32 @!p0 v12, v4  }
0x14a: {  	v8 =	vsel @!p0 vm5, $0x1, v5;
	v9 =	vperm.xlane @!p0 v6, v1;
	v4 =	vadd.s32 @!p0 v13, v4  }
0x14b: {  	v10 =	vsel @!p0 vm0, $0x1, v5;
	vm0 =	vlt.s32 @!p0 v3, v2;
	v4 =	vadd.s32 @!p0 v11, v4  }
0x14c: {  	v2 =	vsel @!p0 vm0, v3, v2;
	vm0 =	vlt.s32 @!p0 v6, v9;
	v3 =	vadd.s32 @!p0 v7, v4  }
0x14d: {  	v4 =	vsel @!p0 vm0, v6, v9;
	v1 =	vperm.xlane @!p0 v2, v1;
	v3 =	vadd.s32 @!p0 v8, v3  }
0x14e: {  	v6 =	vsel @!p0 vm3, $0x1, v5;
	vm0 =	veq.s32 @!p0 v4, v0;
	v3 =	vadd.s32 @!p0 v10, v3  }
0x14f: {  	v4 =	vsel @!p0 vm0, $0x1, v5;
	vm0 =	vlt.s32 @!p0 v2, v1;
	v3 =	vadd.s32 @!p0 v6, v3  }
0x150: {  	v6 =	vsel @!p0 vm6, $0x1, v5;
	v1 =	vsel @!p0 vm0, v2, v1;
	v2 =	vadd.s32 @!p0 v4, v3  }
0x151: {  	v3 =	vsel @!p0 vm4, $0x1, v5;
	vm0 =	veq.s32 @!p0 v1, v0;
	v0 =	vadd.s32 @!p0 v6, v2  }
0x152: {  	v1 =	vsel @!p0 vm0, $0x1, v5;
	v0 =	vadd.s32 @!p0 v3, v0  }
0x153: {  	s9 =	sshll.u32 @!p0 s1, $0x4;
	p1 =	sne.s32 @!p0 s1, $0x0;
	v0 =	vadd.s32 @!p0 v1, v0  }
0x154: {  	s10 =	simm.s32 @!p0 $0x400;
	s9 =	sadd.s32 @!p0 s6, s9;
	p1 =	por p0, p1;
	[tilespmem:$0x400] =	vst @!p0 v0  }
0x155: {  	[hbm4b:s9+s8] =	stream.linear.scatter @!p0 [tilespmem:s10], [sflag:$0x1], $0x80, $0x38;
	[tilespmem:$0xE00] =	vst v63  }
.Ltmp0:
0x156: {  	_ =	swait.ge @!p0 [sflag:s7], $0x80;
	(pc) =	sbr.rel @p1 .LBB2_2-.Ltmp0, $3  }
0x157: {  	[sflag:s7] =	ssyncset.done @!p0 $0x0  }
0x158: {  	[sflag:s7] =	ssyncadd.s32 @!p0 $0xFFFFFF80  }
0x159: {  	[bflag:$0x0] =	sbarrier.arrive @!p0 $0xFFFF;
	_ =	sdelay $0x1  }
0x15a: {  	s7 =	simm.s32 $0x480;
	s28 =	simm.s32 $0x1  }
0x15b: {  	[tilespmem:s7], [sflag:$0x1] =	stream.linear.gather [hbm4b:s6+s3], $0x800, $0x38;
	[tilespmem:$0xE00] =	vst v63  }
0x15c: {  	_ =	swait.ge [sflag:s28], $0x800  }
0x15d: {  	[sflag:s28] =	ssyncset.done $0x0  }
0x15e: {  	[sflag:s28] =	ssyncadd.s32 $0xFFFFF800  }
0x15f: {  	v0 =	vld [tilespmem:$0x480]  }
0x160: {  	v1 =	vld [tilespmem:$0x500]  }
0x161: {  	v2 =	vld [tilespmem:$0x580]  }
0x162: {  	v3 =	vld [tilespmem:$0x600]  }
0x163: {  	v4 =	vld [tilespmem:$0x680]  }
0x164: {  	v5 =	vld [tilespmem:$0x700]  }
0x165: {  	v24 =	vld [tilespmem:$0x780];
	v0 =	vadd.s32 v0, v1  }
0x166: {  	v25 =	vld [tilespmem:$0x800];
	v0 =	vadd.s32 v2, v0  }
0x167: {  	v26 =	vld [tilespmem:$0x880];
	v0 =	vadd.s32 v3, v0  }
0x168: {  	v27 =	vld [tilespmem:$0x900];
	v0 =	vadd.s32 v4, v0  }
0x169: {  	v28 =	vld [tilespmem:$0x980];
	v0 =	vadd.s32 v5, v0  }
0x16a: {  	v29 =	vld [tilespmem:$0xA00];
	v0 =	vadd.s32 v24, v0  }
0x16b: {  	v30 =	vld [tilespmem:$0xA80];
	v0 =	vadd.s32 v25, v0  }
0x16c: {  	v31 =	vld [tilespmem:$0xB00];
	v0 =	vadd.s32 v26, v0  }
0x16d: {  	v34 =	vimm.s32 $0xEFCDAB89;
	v32 =	vld [tilespmem:$0xB80];
	v0 =	vadd.s32 v27, v0  }
0x16e: {  	v35 =	vimm.s32 $0x67452301;
	v36 =	vlaneseq.u32;
	v33 =	vld [tilespmem:$0xC00];
	v0 =	vadd.s32 v28, v0  }
0x16f: {  	vm0 =	vmmov $0x3ff;
	v41 =	vimm.s32 $0xDCFE98BA;
	v0 =	vadd.s32 v29, v0  }
0x170: {  	v3 =	vunpack.c.l.s4.s8 v34;
	v5 =	vunpack.c.l.s4.s8 v35;
	v0 =	vadd.s32 v30, v0  }
0x171: {  	v42 =	vimm.s32 $0x54761032;
	v37 =	vmul.u32 $0xFFFFFFFF, v36;
	v2 =	vadd.s32 v31, v0  }
0x172: {  	v38 =	vunpack.c.0.s8.s32 v3;
	v39 =	vunpack.c.0.s8.s32 v5;
	v2 =	vadd.s32 v32, v2  }
0x173: {  	v44 =	vunpack.c.l.s4.s8 v41;
	v45 =	vunpack.c.l.s4.s8 v42;
	v1 =	vadd.s32 v33, v2  }
0x174: {  	v4 =	vadd.s32 $0xF, v37;
	v2 =	vcombine.low v39, v38;
	v1 =	vshll.u32 v1, $0x4  }
0x175: {  	v7 =	vimm.s32 $0x32107654;
	v3 =	vunpack.c.0.s8.s32 v45;
	v1 =	vor.u32 v4, v1  }
0x176: {  	v43 =	vand.u32 $0xF, v2;
	v2 =	vunpack.c.0.s8.s32 v44;
	v40 =	vnsel vm0, $0xFFFFFFFF, v1  }
0x177: {  	v6 =	vimm.s32 $0xBA98FEDC;
	v48 =	vunpack.c.l.s4.s8 v7;
	v46 =	vperm.xlane v40, v43  }
0x178: {  	v47 =	vunpack.c.l.s4.s8 v6;
	v2 =	vcombine.low v3, v2  }
0x179: {  	v6 =	vunpack.c.0.s8.s32 v48;
	vm0 =	vgt.s32 v40, v46  }
0x17a: {  	v3 =	vunpack.c.0.s8.s32 v47;
	v2 =	vand.u32 $0xF, v2;
	v4 =	vsel vm0, v40, v46  }
0x17b: {  	v8 =	vimm.s32 $0xFEDCBA98;
	v49 =	vperm.xlane v4, v2  }
0x17c: {  	v50 =	vimm.s32 $0x76543210;
	v8 =	vunpack.c.l.s4.s8 v8;
	v3 =	vcombine.low v6, v3  }
0x17d: {  	v6 =	vunpack.c.l.s4.s8 v50;
	vm0 =	vgt.s32 v4, v49  }
0x17e: {  	v51 =	vunpack.c.0.s8.s32 v8;
	v3 =	vand.u32 $0xF, v3;
	v7 =	vsel vm0, v4, v49  }
0x17f: {  	v6 =	vunpack.c.0.s8.s32 v6;
	v52 =	vperm.xlane v7, v3  }
0x180: {  	v4 =	vand.u32 $0xF, v51  }
0x181: {  	v4 =	vcombine.low v4, v6;
	vm0 =	vgt.s32 v7, v52  }
0x182: {  	v53 =	vsel vm0, v7, v52  }
0x183: {  	v7 =	vperm.xlane v53, v4;
	_ =	sdelay $0x1  }
0x184: {  	vm0 =	vgt.s32 v53, v7  }
0x185: {  	v6 =	vsel vm0, v53, v7  }
0x186: {  	vm0 =	veq.s32 v40, v6  }
0x187: {  	v6 =	vnsel vm0, $0x10, v36  }
0x188: {  	v54 =	vperm.xlane v6, v43;
	_ =	sdelay $0x1  }
0x189: {  	vm0 =	vlt.s32 v6, v54  }
0x18a: {  	v6 =	vsel vm0, v6, v54  }
0x18b: {  	v7 =	vperm.xlane v6, v2;
	_ =	sdelay $0x1  }
0x18c: {  	vm0 =	vlt.s32 v6, v7  }
0x18d: {  	v6 =	vsel vm0, v6, v7  }
0x18e: {  	v7 =	vperm.xlane v6, v3;
	_ =	sdelay $0x1  }
0x18f: {  	vm0 =	vlt.s32 v6, v7  }
0x190: {  	v6 =	vsel vm0, v6, v7  }
0x191: {  	v7 =	vperm.xlane v6, v4;
	_ =	sdelay $0x1  }
0x192: {  	vm0 =	vlt.s32 v6, v7  }
0x193: {  	v6 =	vsel vm0, v6, v7  }
0x194: {  	vm0 =	veq.s32 v6, v36  }
0x195: {  	v5 =	vsel vm0, $0xFFFFFC18, v40  }
0x196: {  	v55 =	vperm.xlane v5, v43;
	_ =	sdelay $0x1  }
0x197: {  	vm1 =	vgt.s32 v5, v55  }
0x198: {  	v7 =	vsel vm1, v5, v55  }
0x199: {  	v56 =	vperm.xlane v7, v2;
	_ =	sdelay $0x1  }
0x19a: {  	vm1 =	vgt.s32 v7, v56  }
0x19b: {  	v7 =	vsel vm1, v7, v56  }
0x19c: {  	v8 =	vperm.xlane v7, v3;
	_ =	sdelay $0x1  }
0x19d: {  	vm1 =	vgt.s32 v7, v8  }
0x19e: {  	v7 =	vsel vm1, v7, v8  }
0x19f: {  	v8 =	vperm.xlane v7, v4;
	_ =	sdelay $0x1  }
0x1a0: {  	vm1 =	vgt.s32 v7, v8  }
0x1a1: {  	v7 =	vsel vm1, v7, v8  }
0x1a2: {  	vm1 =	veq.s32 v5, v7  }
0x1a3: {  	v7 =	vnsel vm1, $0x10, v36  }
0x1a4: {  	v57 =	vperm.xlane v7, v43;
	_ =	sdelay $0x1  }
0x1a5: {  	vm1 =	vlt.s32 v7, v57  }
0x1a6: {  	v7 =	vsel vm1, v7, v57  }
0x1a7: {  	v8 =	vperm.xlane v7, v2;
	_ =	sdelay $0x1  }
0x1a8: {  	vm1 =	vlt.s32 v7, v8  }
0x1a9: {  	v7 =	vsel vm1, v7, v8  }
0x1aa: {  	v8 =	vperm.xlane v7, v3;
	_ =	sdelay $0x1  }
0x1ab: {  	vm1 =	vlt.s32 v7, v8  }
0x1ac: {  	v7 =	vsel vm1, v7, v8  }
0x1ad: {  	v8 =	vperm.xlane v7, v4;
	_ =	sdelay $0x1  }
0x1ae: {  	vm1 =	vlt.s32 v7, v8  }
0x1af: {  	v7 =	vsel vm1, v7, v8  }
0x1b0: {  	vm1 =	veq.s32 v7, v36  }
0x1b1: {  	v5 =	vsel vm1, $0xFFFFFC18, v5  }
0x1b2: {  	v58 =	vperm.xlane v5, v43;
	_ =	sdelay $0x1  }
0x1b3: {  	vm2 =	vgt.s32 v5, v58  }
0x1b4: {  	v8 =	vsel vm2, v5, v58  }
0x1b5: {  	v9 =	vperm.xlane v8, v2;
	_ =	sdelay $0x1  }
0x1b6: {  	vm2 =	vgt.s32 v8, v9  }
0x1b7: {  	v8 =	vsel vm2, v8, v9  }
0x1b8: {  	v9 =	vperm.xlane v8, v3;
	_ =	sdelay $0x1  }
0x1b9: {  	vm2 =	vgt.s32 v8, v9  }
0x1ba: {  	v8 =	vsel vm2, v8, v9  }
0x1bb: {  	v9 =	vperm.xlane v8, v4;
	_ =	sdelay $0x1  }
0x1bc: {  	vm2 =	vgt.s32 v8, v9  }
0x1bd: {  	v8 =	vsel vm2, v8, v9  }
0x1be: {  	vm2 =	veq.s32 v5, v8  }
0x1bf: {  	v8 =	vnsel vm2, $0x10, v36  }
0x1c0: {  	v59 =	vperm.xlane v8, v43;
	_ =	sdelay $0x1  }
0x1c1: {  	vm2 =	vlt.s32 v8, v59  }
0x1c2: {  	v8 =	vsel vm2, v8, v59  }
0x1c3: {  	v9 =	vperm.xlane v8, v2;
	_ =	sdelay $0x1  }
0x1c4: {  	vm2 =	vlt.s32 v8, v9  }
0x1c5: {  	v8 =	vsel vm2, v8, v9  }
0x1c6: {  	v9 =	vperm.xlane v8, v3;
	_ =	sdelay $0x1  }
0x1c7: {  	vm2 =	vlt.s32 v8, v9  }
0x1c8: {  	v8 =	vsel vm2, v8, v9  }
0x1c9: {  	v9 =	vperm.xlane v8, v4;
	_ =	sdelay $0x1  }
0x1ca: {  	vm2 =	vlt.s32 v8, v9  }
0x1cb: {  	v8 =	vsel vm2, v8, v9  }
0x1cc: {  	vm2 =	veq.s32 v8, v36  }
0x1cd: {  	v5 =	vsel vm2, $0xFFFFFC18, v5  }
0x1ce: {  	v60 =	vperm.xlane v5, v43;
	_ =	sdelay $0x1  }
0x1cf: {  	vm3 =	vgt.s32 v5, v60  }
0x1d0: {  	v9 =	vsel vm3, v5, v60  }
0x1d1: {  	v10 =	vperm.xlane v9, v2;
	_ =	sdelay $0x1  }
0x1d2: {  	vm3 =	vgt.s32 v9, v10  }
0x1d3: {  	v9 =	vsel vm3, v9, v10  }
0x1d4: {  	v10 =	vperm.xlane v9, v3;
	_ =	sdelay $0x1  }
0x1d5: {  	vm3 =	vgt.s32 v9, v10  }
0x1d6: {  	v9 =	vsel vm3, v9, v10  }
0x1d7: {  	v10 =	vperm.xlane v9, v4;
	_ =	sdelay $0x1  }
0x1d8: {  	vm3 =	vgt.s32 v9, v10  }
0x1d9: {  	v9 =	vsel vm3, v9, v10  }
0x1da: {  	vm3 =	veq.s32 v5, v9  }
0x1db: {  	v5 =	vnsel vm3, $0x10, v36  }
0x1dc: {  	v61 =	vperm.xlane v5, v43;
	_ =	sdelay $0x1  }
0x1dd: {  	vm3 =	vlt.s32 v5, v61  }
0x1de: {  	v5 =	vsel vm3, v5, v61  }
0x1df: {  	v9 =	vperm.xlane v5, v2;
	_ =	sdelay $0x1  }
0x1e0: {  	vm3 =	vlt.s32 v5, v9  }
0x1e1: {  	v5 =	vsel vm3, v5, v9  }
0x1e2: {  	v9 =	vperm.xlane v5, v3;
	_ =	sdelay $0x1  }
0x1e3: {  	vm3 =	vlt.s32 v5, v9  }
0x1e4: {  	v5 =	vsel vm3, v5, v9  }
0x1e5: {  	vm11 =	vmmov $0x1;
	v9 =	vperm.xlane v5, v4  }
0x1e6: {  	vm12 =	vcmask $0x310;
	v6 =	vnsel vm11, $0x0, v6  }
0x1e7: {  	vm13 =	vcmask $0x710;
	v6 =	vsel vm12, v6, v7;
	vm4 =	vlt.s32 v5, v9  }
0x1e8: {  	vm14 =	vcmask $0xB10;
	v6 =	vsel vm13, v6, v8;
	v5 =	vsel vm4, v5, v9  }
0x1e9: {  	v6 =	vsel vm14, v6, v5  }
0x1ea: {  	s29 =	simm.s32 $0xD00;
	[tilespmem:$0xD00] =	vst v6  }
0x1eb: {  	[hbm4b:s5+s3] =	stream.linear.scatter [tilespmem:s29], [sflag:$0x1], $0x80, $0x38;
	[tilespmem:$0xE00] =	vst v63  }
0x1ec: {  	_ =	swait.ge [sflag:s28], $0x80  }
0x1ed: {  	[sflag:s28] =	ssyncset.done $0x0  }
0x1ee: {  	s30 =	simm.s32 $0xC80;
	[sflag:s28] =	ssyncadd.s32 $0xFFFFFF80  }
0x1ef: {  	[tilespmem:s30], [sflag:$0x1] =	stream.linear.gather [hbm4b:s4+s3], $0x80, $0x38;
	[tilespmem:$0xE00] =	vst v63  }
0x1f0: {  	_ =	swait.ge [sflag:s28], $0x80  }
0x1f1: {  	[sflag:s28] =	ssyncset.done $0x0  }
0x1f2: {  	[sflag:s28] =	ssyncadd.s32 $0xFFFFFF80  }
0x1f3: {  	v62 =	vld [tilespmem:$0xC80]  }
0x1f4: {  	vm15 =	veq.s32 v5, v36  }
0x1f5: {  	vm1 =	vmor vm1, vm15  }
0x1f6: {  	vm0 =	vmor vm0, vm1  }
0x1f7: {  	vm0 =	vmor vm2, vm0  }
0x1f8: {  	v63 =	vnsel vm0, $0x0, v62  }
0x1f9: {  	v1 =	vperm.xlane v63, v43;
	_ =	sdelay $0x1  }
0x1fa: {  	v0 =	vadd.f32 v63, v1;
	_ =	sdelay $0x1  }
0x1fb: {  	v1 =	vperm.xlane v0, v2;
	_ =	sdelay $0x1  }
0x1fc: {  	v0 =	vadd.f32 v0, v1;
	_ =	sdelay $0x1  }
0x1fd: {  	v1 =	vperm.xlane v0, v3;
	_ =	sdelay $0x1  }
0x1fe: {  	v0 =	vadd.f32 v0, v1;
	_ =	sdelay $0x1  }
0x1ff: {  	v1 =	vperm.xlane v0, v4;
	_ =	sdelay $0x1  }
0x200: {  	v0 =	vadd.f32 v0, v1;
	_ =	sdelay $0x1  }
0x201: {  	v0 =	vmul.f32 $7.812500000e-03, v0;
	_ =	sdelay $0x1  }
0x202: {  	s31 =	simm.s32 $0xD80;
	[tilespmem:$0xD80] =	vst v0  }
0x203: {  	[hbm4b:s2+s3] =	stream.linear.scatter [tilespmem:s31], [sflag:$0x1], $0x80, $0x38;
	[tilespmem:$0xE00] =	vst v63  }
0x204: {  	_ =	swait.ge [sflag:s28], $0x80  }
0x205: {  	[sflag:s28] =	ssyncset.done $0x0  }
0x206: {  	[sflag:s28] =	ssyncadd.s32 $0xFFFFFF80  }
.LBB2_2:
0x207: {  	_ =	sfence.sel $0x180000  }
0x208: {  	[bflag:$0x0] =	sbarrier.arrive $0xFFFF  }
0x209: {  	p0 =	sne.s32 s1, $0x0;
	_ =	strace $0x90000047  }
0x20a: {  	s0 =	sadd.s32 @!p0 $0x100000, s0;
	[bflag:$0x2] =	sbarrier.arrive $0xFFFF  }
0x20b: {  	[sflag:s0] =	ssyncadd.tile.s32 @!p0 $0x1;
	_ =	shalt  }
.Lfunc_end2:
_tile_overlayer_lowered:
.L_overlay_start_2:
0x20c: {  	(tag) =	ssettag $0x2  }
0x20d: {  	s0 =	rddreg [dreg:$0x0];
	s2 =	stileid.u32  }
0x20e: {  	s1 =	rddreg [dreg:$0x1];
	p0 =	sne.s32 s2, $0x0  }
0x20f: {  	s3 =	rddreg [dreg:$0x2];
	[bflag:$0x3] =	sbarrier.arrive $0xFFFF;
	s2 =	simm.s32 @!p0 $0x1C01  }
0x210: {  	[timem:s3], [sflag:s2] =	dma.local @!p0 [hbm:s0], s1  }
0x211: {  	s0 =	simm.s32 @!p0 $0x1  }
0x212: {  	_ =	swait.ge @!p0 [sflag:s0], s1  }
0x213: {  	s1 =	ssub.s32 @!p0 $0x0, s1;
	[sflag:s0] =	ssyncset.done @!p0 $0x0  }
0x214: {  	[sflag:s0] =	ssyncadd.s32 @!p0 s1  }
0x215: {  	[bflag:$0x3] =	sbarrier.arrive $0xFFFF  }
0x216: {  	_ =	shalt  }

</sc_bundles>
